<compile_context>
chip_gen: v7x
topology: tpu7x:2x2x1
jax: 0.10.2.dev20260603
libtpu: 0.0.44.dev20260713+nightly
codegen_flags: <defaults>
</compile_context>

<pallas_src>
import functools

import jax
import jax.numpy as jnp
import numpy as np
from jax import lax
from jax.experimental import pallas as pl
from jax.experimental.pallas import tpu as pltpu
from jax.experimental.pallas import tpu_sc as plsc

N = 10000
NP = 10240
E = 320000
D = 128
H = 8
C = 16

NC = 2
NS = 16
NW = NC * NS
EPW = E // NW
CH = 80
NCHUNK = EPW // CH
G = 25
NG = NCHUNK // G
ROWS_PER_TILE = NP // NS
ZROWS = 128


def _sc_edge_pass(src, dst, adst_tab, haug):
    mesh = plsc.VectorSubcoreMesh(core_axis_name="c", subcore_axis_name="s",
                                  num_cores=NC, num_subcores=NS)

    @functools.partial(
        pl.kernel,
        out_type=jax.ShapeDtypeStruct((NC, NP, D + 16), jnp.float32),
        mesh=mesh,
        scratch_types=[
            pltpu.VMEM_SHARED((NP, D + 16), jnp.float32),
            pltpu.VMEM((G, CH), jnp.int32),
            pltpu.VMEM((G, CH), jnp.int32),
            [pltpu.VMEM((CH, 16), jnp.float32) for _ in range(2)],
            [pltpu.VMEM((CH, D + 16), jnp.float32) for _ in range(2)],
            [pltpu.VMEM((CH,), jnp.int32) for _ in range(2)],
            [pltpu.SemaphoreType.DMA for _ in range(2)],
            [pltpu.SemaphoreType.DMA for _ in range(2)],
        ],
        compiler_params=pltpu.CompilerParams(use_tc_tiling_on_sc=False),
    )
    def kern(src_hbm, dst_hbm, adst_hbm, haug_hbm, nd_out,
             nd_sh, sbuf, dbuf, brows, hrows, dscat,
             gsem, ssem):
        ci = lax.axis_index("c")
        si = lax.axis_index("s")
        wid = si * NC + ci

        zero16 = jnp.zeros((16,), jnp.float32)

        def zfill(r, _):
            for l in range((D + 16) // 16):
                hrows[0][r, pl.ds(l * 16, 16)] = zero16
            return 0

        lax.fori_loop(0, CH, zfill, 0)
        for b in range(ROWS_PER_TILE // CH):
            base = si * ROWS_PER_TILE + b * CH
            pltpu.sync_copy(hrows[0], nd_sh.at[pl.ds(base, CH), :])
        plsc.subcore_barrier()

        lane = lax.broadcasted_iota(jnp.int32, (16,), 0)
        lmask = lane < 8

        def load_group(gi):
            pltpu.sync_copy(src_hbm.at[wid, gi], sbuf)
            pltpu.sync_copy(dst_hbm.at[wid, gi], dbuf)

        def issue_gathers(c, b):
            r = lax.rem(c, G)
            pltpu.async_copy(adst_hbm.at[dbuf.at[r]], brows[b], gsem[b])
            pltpu.async_copy(haug_hbm.at[sbuf.at[r]], hrows[b], gsem[b])

        def wait_gathers(b):
            pltpu.make_async_copy(adst_hbm.at[dbuf.at[0]], brows[b], gsem[b]).wait()
            pltpu.make_async_copy(haug_hbm.at[sbuf.at[0]], hrows[b], gsem[b]).wait()

        def save_dst(c, b):
            r = lax.rem(c, G)
            for l in range(CH // 16):
                dscat[b][pl.ds(l * 16, 16)] = dbuf[r, pl.ds(l * 16, 16)]

        def issue_scatters(b):
            pltpu.async_copy(hrows[b], nd_sh.at[dscat[b]], ssem[b], add=True)

        def wait_scatters(b):
            pltpu.make_async_copy(hrows[b], nd_sh.at[dscat[b]], ssem[b]).wait()

        def compute(b):
            def edge_body(e, _):
                s = hrows[b][e, pl.ds(D, 16)] + brows[b][e]
                alpha = jnp.where(s >= 0.0, s, 0.2 * s)
                exv = jnp.where(lmask, jnp.exp(alpha), 0.0)
                hrows[b][e, pl.ds(D, 16)] = exv
                for hh in range(H):
                    wsc = exv[hh]
                    seg = hrows[b][e, pl.ds(hh * 16, 16)]
                    hrows[b][e, pl.ds(hh * 16, 16)] = seg * wsc
                return 0

            lax.fori_loop(0, CH, edge_body, 0)

        load_group(0)
        issue_gathers(0, 0)

        def pair_body(g, _):
            for b in range(2):
                c = 2 * g + b
                wait_gathers(b)
                save_dst(c, b)

                nxt = c + 1

                @pl.when(lax.rem(nxt, G) == 0)
                def _():
                    load_group(nxt // G)

                @pl.when(c >= 1)
                def _():
                    wait_scatters(1 - b)

                issue_gathers(nxt, 1 - b)
                compute(b)
                issue_scatters(b)
            return 0

        lax.fori_loop(0, (NCHUNK - 1) // 2, pair_body, 0)
        wait_gathers(0)
        save_dst(NCHUNK - 1, 0)
        compute(0)
        issue_scatters(0)
        wait_scatters(0)
        wait_scatters(1)
        plsc.subcore_barrier()

        base = si * ROWS_PER_TILE
        pltpu.sync_copy(nd_sh.at[pl.ds(base, ROWS_PER_TILE), :],
                        nd_out.at[ci, pl.ds(base, ROWS_PER_TILE), :])

    return kern(src.reshape(NW, NG, G, CH), dst.reshape(NW, NG, G, CH),
                adst_tab, haug)


_BLK = 1024
_GRID = NP // _BLK


def _tc_head(x, W, Ms, Md):

    def body(x_ref, w_ref, ms_ref, md_ref, ha_ref, ad_ref):
        h = jnp.dot(x_ref[...], w_ref[...], preferred_element_type=jnp.float32)
        ha_ref[:, :D] = h
        ha_ref[:, D:] = jnp.dot(h, ms_ref[...], preferred_element_type=jnp.float32)
        ad_ref[...] = jnp.dot(h, md_ref[...], preferred_element_type=jnp.float32)

    return pl.pallas_call(
        body,
        grid=(_GRID,),
        in_specs=[
            pl.BlockSpec((_BLK, D), lambda i: (i, 0)),
            pl.BlockSpec((D, D), lambda i: (0, 0)),
            pl.BlockSpec((D, 16), lambda i: (0, 0)),
            pl.BlockSpec((D, 16), lambda i: (0, 0)),
        ],
        out_specs=[
            pl.BlockSpec((_BLK, D + 16), lambda i: (i, 0)),
            pl.BlockSpec((_BLK, 16), lambda i: (i, 0)),
        ],
        out_shape=[
            jax.ShapeDtypeStruct((NP, D + 16), jnp.float32),
            jax.ShapeDtypeStruct((NP, 16), jnp.float32),
        ],
    )(x, W, Ms, Md)


def _tc_combine_head(nd, bias, Rm, W, Ms, Md):

    def body(nd_ref, b_ref, r_ref, w_ref, ms_ref, md_ref, ha_ref, ad_ref):
        ns = nd_ref[0, :, :D] + nd_ref[1, :, :D]
        dsum = nd_ref[0, :, D:] + nd_ref[1, :, D:]
        db = jnp.dot(dsum, r_ref[...], preferred_element_type=jnp.float32)
        y = jnp.maximum(ns / (db + 1e-16) + b_ref[...], 0.0)
        h = jnp.dot(y, w_ref[...], preferred_element_type=jnp.float32)
        ha_ref[:, :D] = h
        ha_ref[:, D:] = jnp.dot(h, ms_ref[...], preferred_element_type=jnp.float32)
        ad_ref[...] = jnp.dot(h, md_ref[...], preferred_element_type=jnp.float32)

    return pl.pallas_call(
        body,
        grid=(_GRID,),
        in_specs=[
            pl.BlockSpec((NC, _BLK, D + 16), lambda i: (0, i, 0)),
            pl.BlockSpec((1, D), lambda i: (0, 0)),
            pl.BlockSpec((16, D), lambda i: (0, 0)),
            pl.BlockSpec((D, D), lambda i: (0, 0)),
            pl.BlockSpec((D, 16), lambda i: (0, 0)),
            pl.BlockSpec((D, 16), lambda i: (0, 0)),
        ],
        out_specs=[
            pl.BlockSpec((_BLK, D + 16), lambda i: (i, 0)),
            pl.BlockSpec((_BLK, 16), lambda i: (i, 0)),
        ],
        out_shape=[
            jax.ShapeDtypeStruct((NP, D + 16), jnp.float32),
            jax.ShapeDtypeStruct((NP, 16), jnp.float32),
        ],
    )(nd, bias, Rm, W, Ms, Md)


def _tc_finish(nd, bias, Rm):

    def body(nd_ref, b_ref, r_ref, o_ref):
        ns = nd_ref[0, :, :D] + nd_ref[1, :, :D]
        dsum = nd_ref[0, :, D:] + nd_ref[1, :, D:]
        db = jnp.dot(dsum, r_ref[...], preferred_element_type=jnp.float32)
        o_ref[...] = ns / (db + 1e-16) + b_ref[...]

    return pl.pallas_call(
        body,
        grid=(_GRID,),
        in_specs=[
            pl.BlockSpec((NC, _BLK, D + 16), lambda i: (0, i, 0)),
            pl.BlockSpec((1, D), lambda i: (0, 0)),
            pl.BlockSpec((16, D), lambda i: (0, 0)),
        ],
        out_specs=pl.BlockSpec((_BLK, D), lambda i: (i, 0)),
        out_shape=jax.ShapeDtypeStruct((NP, D), jnp.float32),
    )(nd, bias, Rm)


def _build_proj(a):
    mask = np.zeros((D, 16), np.float32)
    for hh in range(H):
        mask[hh * 16:(hh + 1) * 16, hh] = 1.0
    mask = jnp.asarray(mask)
    vals = a.reshape(D)[:, None]
    return mask * vals


_RM = None


def _head_bcast_mat():
    global _RM
    if _RM is None:
        r = np.zeros((16, D), np.float32)
        for hh in range(H):
            r[hh, hh * 16:(hh + 1) * 16] = 1.0
        _RM = jnp.asarray(r)
    return _RM


def kernel(x, edge_index, edge_type, edge_emb, W1, a_src1, a_dst1, b1,
           W2, a_src2, a_dst2, b2):
    src = edge_index[0]
    dst = edge_index[1]
    Rm = _head_bcast_mat()

    Ms1 = _build_proj(a_src1)
    Md1 = _build_proj(a_dst1)
    Ms2 = _build_proj(a_src2)
    Md2 = _build_proj(a_dst2)

    ha1, ad1 = _tc_head(x, W1, Ms1, Md1)
    nd1 = _sc_edge_pass(src, dst, ad1, ha1)
    ha2, ad2 = _tc_combine_head(nd1, b1.reshape(1, D), Rm, W2, Ms2, Md2)
    nd2 = _sc_edge_pass(src, dst, ad2, ha2)
    out = _tc_finish(nd2, b2.reshape(1, D), Rm)
    return out[:N, None, :]

# --- scband reference (transcript-rebuilt; emitter-appended) ---
"""Pipeline reference for scband-gat-23768349016467 (READ-ONLY COPY).

The authoritative reference and input builder live on the scoring server;
editing this copy changes nothing except your own understanding.
"""

import jax, jax.numpy as jnp
import numpy as np

N = 10000
E = 320000
D = 128
H = 8
C = 16
NUM_EDGE_TYPES = 16
EDGE_EMB_DIM = 16


def setup_inputs(seed: int = 0) -> dict:
    key = jax.random.key(seed)
    ks = jax.random.split(key, 12)
    x = jax.random.normal(ks[0], (N, D), dtype=jnp.float32)
    edge_index = jax.random.randint(ks[1], (2, E), 0, N, dtype=jnp.int32)
    edge_type = jax.random.randint(ks[2], (E,), 0, NUM_EDGE_TYPES, dtype=jnp.int32)
    edge_emb = jax.random.normal(ks[3], (NUM_EDGE_TYPES, EDGE_EMB_DIM), dtype=jnp.float32)
    s = 1.0 / np.sqrt(D)
    W1 = jax.random.normal(ks[4], (D, H * C), dtype=jnp.float32) * s
    a_src1 = jax.random.normal(ks[5], (H, C), dtype=jnp.float32) * s
    a_dst1 = jax.random.normal(ks[6], (H, C), dtype=jnp.float32) * s
    b1 = jnp.zeros((H * C,), dtype=jnp.float32)
    W2 = jax.random.normal(ks[7], (H * C, H * C), dtype=jnp.float32) * s
    a_src2 = jax.random.normal(ks[8], (H, C), dtype=jnp.float32) * s
    a_dst2 = jax.random.normal(ks[9], (H, C), dtype=jnp.float32) * s
    b2 = jnp.zeros((H * C,), dtype=jnp.float32)
    return {"x": x, "edge_index": edge_index, "edge_type": edge_type,
            "edge_emb": edge_emb, "W1": W1, "a_src1": a_src1, "a_dst1": a_dst1, "b1": b1,
            "W2": W2, "a_src2": a_src2, "a_dst2": a_dst2, "b2": b2}


def _gat_conv(x, edge_index, W, a_src, a_dst, b):
    src = edge_index[0]
    dst = edge_index[1]
    h = (x @ W).reshape(-1, H, C)
    al_src = jnp.sum(h * a_src[None, :, :], axis=-1)  # [N, H]
    al_dst = jnp.sum(h * a_dst[None, :, :], axis=-1)  # [N, H]
    alpha = jax.nn.leaky_relu(al_src[src] + al_dst[dst], negative_slope=0.2)  # [E, H]
    amax = jax.ops.segment_max(alpha, dst, num_segments=N)
    amax = jnp.where(jnp.isfinite(amax), amax, 0.0)
    ex = jnp.exp(alpha - amax[dst])
    den = jax.ops.segment_sum(ex, dst, num_segments=N)
    w = ex / (den[dst] + 1e-16)
    out = jax.ops.segment_sum(h[src] * w[:, :, None], dst, num_segments=N)  # [N, H, C]
    return out.reshape(-1, H * C) + b


def reference(x, edge_index, edge_type, edge_emb, W1, a_src1, a_dst1, b1, W2, a_src2, a_dst2, b2):
    # sequence of length 1 (single graph snapshot)
    edge_attr = jnp.take(edge_emb, edge_type, axis=0)
    # Faithful to PyG GATConv constructed without edge_dim: lin_edge is None,
    # so edge_attr is looked up (Embedding forward) but ignored by attention.
    _ = edge_attr
    h1 = _gat_conv(x, edge_index, W1, a_src1, a_dst1, b1)
    h1 = jax.nn.relu(h1)
    # F.dropout(training=False) -> identity in eval mode
    h2 = _gat_conv(h1, edge_index, W2, a_src2, a_dst2, b2)
    out = jnp.transpose(jnp.stack([h2], axis=0), (1, 0, 2))  # [N, T=1, 128]
    return out

if __name__ == "__main__":
    import jax
    _d = setup_inputs()
    print(jax.jit(kernel)(*tuple(_d.values())))

</pallas_src>

<mosaic_0001>
#map = affine_map<(d0, d1) -> (0, 0, 0, 0)>
#map1 = affine_map<(d0, d1) -> (0, 0)>
#map2 = affine_map<(d0, d1) -> (0, 0, 0)>
module attributes {stable_mosaic.version = 14 : i64} {
  func.func @kern(%arg0: i32, %arg1: i32, %arg2: memref<32x5x25x80xi32, #tpu.memory_space<hbm>>, %arg3: memref<32x5x25x80xi32, #tpu.memory_space<hbm>>, %arg4: memref<10240x16xf32, #tpu.memory_space<hbm>>, %arg5: memref<10240x144xf32, #tpu.memory_space<hbm>>, %arg6: memref<2x10240x144xf32, #tpu.memory_space<hbm>>, %arg7: memref<10240x144xf32, #tpu.memory_space<vmem_shared>>, %arg8: memref<25x80xi32, #tpu.memory_space<vmem>>, %arg9: memref<25x80xi32, #tpu.memory_space<vmem>>, %arg10: memref<80x16xf32, #tpu.memory_space<vmem>>, %arg11: memref<80x16xf32, #tpu.memory_space<vmem>>, %arg12: memref<80x144xf32, #tpu.memory_space<vmem>>, %arg13: memref<80x144xf32, #tpu.memory_space<vmem>>, %arg14: memref<80xi32, #tpu.memory_space<vmem>>, %arg15: memref<80xi32, #tpu.memory_space<vmem>>, %arg16: memref<!tpu.dma_semaphore, #tpu.memory_space<semaphore_mem>>, %arg17: memref<!tpu.dma_semaphore, #tpu.memory_space<semaphore_mem>>, %arg18: memref<!tpu.dma_semaphore, #tpu.memory_space<semaphore_mem>>, %arg19: memref<!tpu.dma_semaphore, #tpu.memory_space<semaphore_mem>>) attributes {dimension_semantics = [#tpu.dimension_semantics<core_parallel>, #tpu.dimension_semantics<subcore_parallel>], iteration_bounds = array<i64: 2, 16>, scalar_prefetch = 0 : i64, scratch_operands = 13 : i64, tpu.core_type = #tpu.core_type<sc_vector_subcore>, window_params = [{transform_indices = #map}, {transform_indices = #map}, {transform_indices = #map1}, {transform_indices = #map1}, {transform_indices = #map2}]} {
    %mul3A = arith.constant 2 : i32
    %mul3A_0 = arith.muli %arg1, %mul3A : i32
    %add3A = arith.addi %mul3A_0, %arg0 : i32
    %broadcast_in_dim3A = arith.constant 0.000000e+00 : f32
    %broadcast_in_dim3A_1 = vector.broadcast %broadcast_in_dim3A : f32 to vector<16xf32>
    %scan3A = arith.constant 0 : i32
    %scan3A_2 = arith.constant 0 : i32
    %scan3A_3 = arith.constant 80 : i32
    %scan3A_4 = arith.addi %scan3A_2, %scan3A_3 : i32
    %scan3A_5 = arith.constant 1 : i32
    %scan3A_6 = scf.for %scan3A_136 = %scan3A_2 to %scan3A_4 step %scan3A_5 iter_args(%scan3A_137 = %scan3A) -> (i32)  : i32 {
      %swap3A_138 = arith.index_cast %scan3A_136 : i32 to index
      %swap3A_139 = arith.constant 0 : index
      %swap3A_140 = tpu.vector_load %arg12[%swap3A_138, %swap3A_139] {strides = array<i32>} : memref<80x144xf32, #tpu.memory_space<vmem>>, vector<1x16xf32>,
      %swap3A_141 = vector.shape_cast %swap3A_140 : vector<1x16xf32> to vector<16xf32>
      %swap3A_142 = vector.shape_cast %broadcast_in_dim3A_1 : vector<16xf32> to vector<1x16xf32>
      tpu.vector_store %arg12[%swap3A_138, %swap3A_139], %swap3A_142 {strides = array<i32>} : memref<80x144xf32, #tpu.memory_space<vmem>>, vector<1x16xf32>,
      %swap3A_143 = arith.index_cast %scan3A_136 : i32 to index
      %swap3A_144 = arith.constant 16 : index
      %swap3A_145 = tpu.vector_load %arg12[%swap3A_143, %swap3A_144] {strides = array<i32>} : memref<80x144xf32, #tpu.memory_space<vmem>>, vector<1x16xf32>,
      %swap3A_146 = vector.shape_cast %swap3A_145 : vector<1x16xf32> to vector<16xf32>
      %swap3A_147 = vector.shape_cast %broadcast_in_dim3A_1 : vector<16xf32> to vector<1x16xf32>
      tpu.vector_store %arg12[%swap3A_143, %swap3A_144], %swap3A_147 {strides = array<i32>} : memref<80x144xf32, #tpu.memory_space<vmem>>, vector<1x16xf32>,
      %swap3A_148 = arith.index_cast %scan3A_136 : i32 to index
      %swap3A_149 = arith.constant 32 : index
      %swap3A_150 = tpu.vector_load %arg12[%swap3A_148, %swap3A_149] {strides = array<i32>} : memref<80x144xf32, #tpu.memory_space<vmem>>, vector<1x16xf32>,
      %swap3A_151 = vector.shape_cast %swap3A_150 : vector<1x16xf32> to vector<16xf32>
      %swap3A_152 = vector.shape_cast %broadcast_in_dim3A_1 : vector<16xf32> to vector<1x16xf32>
      tpu.vector_store %arg12[%swap3A_148, %swap3A_149], %swap3A_152 {strides = array<i32>} : memref<80x144xf32, #tpu.memory_space<vmem>>, vector<1x16xf32>,
      %swap3A_153 = arith.index_cast %scan3A_136 : i32 to index
      %swap3A_154 = arith.constant 48 : index
      %swap3A_155 = tpu.vector_load %arg12[%swap3A_153, %swap3A_154] {strides = array<i32>} : memref<80x144xf32, #tpu.memory_space<vmem>>, vector<1x16xf32>,
      %swap3A_156 = vector.shape_cast %swap3A_155 : vector<1x16xf32> to vector<16xf32>
      %swap3A_157 = vector.shape_cast %broadcast_in_dim3A_1 : vector<16xf32> to vector<1x16xf32>
      tpu.vector_store %arg12[%swap3A_153, %swap3A_154], %swap3A_157 {strides = array<i32>} : memref<80x144xf32, #tpu.memory_space<vmem>>, vector<1x16xf32>,
      %swap3A_158 = arith.index_cast %scan3A_136 : i32 to index
      %swap3A_159 = arith.constant 64 : index
      %swap3A_160 = tpu.vector_load %arg12[%swap3A_158, %swap3A_159] {strides = array<i32>} : memref<80x144xf32, #tpu.memory_space<vmem>>, vector<1x16xf32>,
      %swap3A_161 = vector.shape_cast %swap3A_160 : vector<1x16xf32> to vector<16xf32>
      %swap3A_162 = vector.shape_cast %broadcast_in_dim3A_1 : vector<16xf32> to vector<1x16xf32>
      tpu.vector_store %arg12[%swap3A_158, %swap3A_159], %swap3A_162 {strides = array<i32>} : memref<80x144xf32, #tpu.memory_space<vmem>>, vector<1x16xf32>,
      %swap3A_163 = arith.index_cast %scan3A_136 : i32 to index
      %swap3A_164 = arith.constant 80 : index
      %swap3A_165 = tpu.vector_load %arg12[%swap3A_163, %swap3A_164] {strides = array<i32>} : memref<80x144xf32, #tpu.memory_space<vmem>>, vector<1x16xf32>,
      %swap3A_166 = vector.shape_cast %swap3A_165 : vector<1x16xf32> to vector<16xf32>
      %swap3A_167 = vector.shape_cast %broadcast_in_dim3A_1 : vector<16xf32> to vector<1x16xf32>
      tpu.vector_store %arg12[%swap3A_163, %swap3A_164], %swap3A_167 {strides = array<i32>} : memref<80x144xf32, #tpu.memory_space<vmem>>, vector<1x16xf32>,
      %swap3A_168 = arith.index_cast %scan3A_136 : i32 to index
      %swap3A_169 = arith.constant 96 : index
      %swap3A_170 = tpu.vector_load %arg12[%swap3A_168, %swap3A_169] {strides = array<i32>} : memref<80x144xf32, #tpu.memory_space<vmem>>, vector<1x16xf32>,
      %swap3A_171 = vector.shape_cast %swap3A_170 : vector<1x16xf32> to vector<16xf32>
      %swap3A_172 = vector.shape_cast %broadcast_in_dim3A_1 : vector<16xf32> to vector<1x16xf32>
      tpu.vector_store %arg12[%swap3A_168, %swap3A_169], %swap3A_172 {strides = array<i32>} : memref<80x144xf32, #tpu.memory_space<vmem>>, vector<1x16xf32>,
      %swap3A_173 = arith.index_cast %scan3A_136 : i32 to index
      %swap3A_174 = arith.constant 112 : index
      %swap3A_175 = tpu.vector_load %arg12[%swap3A_173, %swap3A_174] {strides = array<i32>} : memref<80x144xf32, #tpu.memory_space<vmem>>, vector<1x16xf32>,
      %swap3A_176 = vector.shape_cast %swap3A_175 : vector<1x16xf32> to vector<16xf32>
      %swap3A_177 = vector.shape_cast %broadcast_in_dim3A_1 : vector<16xf32> to vector<1x16xf32>
      tpu.vector_store %arg12[%swap3A_173, %swap3A_174], %swap3A_177 {strides = array<i32>} : memref<80x144xf32, #tpu.memory_space<vmem>>, vector<1x16xf32>,
      %swap3A_178 = arith.index_cast %scan3A_136 : i32 to index
      %swap3A_179 = arith.constant 128 : index
      %swap3A_180 = tpu.vector_load %arg12[%swap3A_178, %swap3A_179] {strides = array<i32>} : memref<80x144xf32, #tpu.memory_space<vmem>>, vector<1x16xf32>,
      %swap3A_181 = vector.shape_cast %swap3A_180 : vector<1x16xf32> to vector<16xf32>
      %swap3A_182 = vector.shape_cast %broadcast_in_dim3A_1 : vector<16xf32> to vector<1x16xf32>
      tpu.vector_store %arg12[%swap3A_178, %swap3A_179], %swap3A_182 {strides = array<i32>} : memref<80x144xf32, #tpu.memory_space<vmem>>, vector<1x16xf32>,
      %scan3A_183 = arith.constant 0 : i32
      scf.yield %scan3A_183 : i32
    }
    %scan3A_7 = arith.constant 80 : i32
    %mul3A_8 = arith.constant 640 : i32
    %mul3A_9 = arith.muli %arg1, %mul3A_8 : i32
    %add3A_10 = arith.constant 0 : i32
    %add3A_11 = arith.addi %mul3A_9, %add3A_10 : i32
    "tpu.region"() ({
      %run_scoped3A_136 = tpu.sem_alloc : memref<!tpu.dma_semaphore, #tpu.memory_space<semaphore_mem>>
      %dma_start3A_137 = arith.constant 0 : i32
      %dma_start3A_138 = tpu.memref_slice %arg7[%add3A_11, %dma_start3A_137] : memref<10240x144xf32, #tpu.memory_space<vmem_shared>> -> memref<80x144xf32, #tpu.memory_space<vmem_shared>>
      %dma_start3A_139 = arith.constant 0 : i32
      %dma_start3A_140 = tpu.memref_slice %arg7[%add3A_11, %dma_start3A_139] : memref<10240x144xf32, #tpu.memory_space<vmem_shared>> -> memref<80x144xf32, #tpu.memory_space<vmem_shared>>
      tpu.enqueue_dma source(%arg12 : memref<80x144xf32, #tpu.memory_space<vmem>>) target(%dma_start3A_140 : memref<80x144xf32, #tpu.memory_space<vmem_shared>>) target_semaphore(%run_scoped3A_136 : memref<!tpu.dma_semaphore, #tpu.memory_space<semaphore_mem>>)
      %dma_wait3A_141 = arith.constant 0 : i32
      %dma_wait3A_142 = tpu.memref_slice %arg7[%add3A_11, %dma_wait3A_141] : memref<10240x144xf32, #tpu.memory_space<vmem_shared>> -> memref<80x144xf32, #tpu.memory_space<vmem_shared>>
      %dma_wait3A_143 = arith.constant 0 : i32
      %dma_wait3A_144 = tpu.memref_slice %arg7[%add3A_11, %dma_wait3A_143] : memref<10240x144xf32, #tpu.memory_space<vmem_shared>> -> memref<80x144xf32, #tpu.memory_space<vmem_shared>>
      tpu.wait_dma2 semaphore(%run_scoped3A_136 : memref<!tpu.dma_semaphore, #tpu.memory_space<semaphore_mem>>) src(%arg12 : memref<80x144xf32, #tpu.memory_space<vmem>>) dst(%dma_wait3A_144 : memref<80x144xf32, #tpu.memory_space<vmem_shared>>)
      tpu.yield
    }) : () -> ()
    %mul3A_12 = arith.constant 640 : i32
    %mul3A_13 = arith.muli %arg1, %mul3A_12 : i32
    %add3A_14 = arith.constant 80 : i32
    %add3A_15 = arith.addi %mul3A_13, %add3A_14 : i32
    "tpu.region"() ({
      %run_scoped3A_136 = tpu.sem_alloc : memref<!tpu.dma_semaphore, #tpu.memory_space<semaphore_mem>>
      %dma_start3A_137 = arith.constant 0 : i32
      %dma_start3A_138 = tpu.memref_slice %arg7[%add3A_15, %dma_start3A_137] : memref<10240x144xf32, #tpu.memory_space<vmem_shared>> -> memref<80x144xf32, #tpu.memory_space<vmem_shared>>
      %dma_start3A_139 = arith.constant 0 : i32
      %dma_start3A_140 = tpu.memref_slice %arg7[%add3A_15, %dma_start3A_139] : memref<10240x144xf32, #tpu.memory_space<vmem_shared>> -> memref<80x144xf32, #tpu.memory_space<vmem_shared>>
      tpu.enqueue_dma source(%arg12 : memref<80x144xf32, #tpu.memory_space<vmem>>) target(%dma_start3A_140 : memref<80x144xf32, #tpu.memory_space<vmem_shared>>) target_semaphore(%run_scoped3A_136 : memref<!tpu.dma_semaphore, #tpu.memory_space<semaphore_mem>>)
      %dma_wait3A_141 = arith.constant 0 : i32
      %dma_wait3A_142 = tpu.memref_slice %arg7[%add3A_15, %dma_wait3A_141] : memref<10240x144xf32, #tpu.memory_space<vmem_shared>> -> memref<80x144xf32, #tpu.memory_space<vmem_shared>>
      %dma_wait3A_143 = arith.constant 0 : i32
      %dma_wait3A_144 = tpu.memref_slice %arg7[%add3A_15, %dma_wait3A_143] : memref<10240x144xf32, #tpu.memory_space<vmem_shared>> -> memref<80x144xf32, #tpu.memory_space<vmem_shared>>
      tpu.wait_dma2 semaphore(%run_scoped3A_136 : memref<!tpu.dma_semaphore, #tpu.memory_space<semaphore_mem>>) src(%arg12 : memref<80x144xf32, #tpu.memory_space<vmem>>) dst(%dma_wait3A_144 : memref<80x144xf32, #tpu.memory_space<vmem_shared>>)
      tpu.yield
    }) : () -> ()
    %mul3A_16 = arith.constant 640 : i32
    %mul3A_17 = arith.muli %arg1, %mul3A_16 : i32
    %add3A_18 = arith.constant 160 : i32
    %add3A_19 = arith.addi %mul3A_17, %add3A_18 : i32
    "tpu.region"() ({
      %run_scoped3A_136 = tpu.sem_alloc : memref<!tpu.dma_semaphore, #tpu.memory_space<semaphore_mem>>
      %dma_start3A_137 = arith.constant 0 : i32
      %dma_start3A_138 = tpu.memref_slice %arg7[%add3A_19, %dma_start3A_137] : memref<10240x144xf32, #tpu.memory_space<vmem_shared>> -> memref<80x144xf32, #tpu.memory_space<vmem_shared>>
      %dma_start3A_139 = arith.constant 0 : i32
      %dma_start3A_140 = tpu.memref_slice %arg7[%add3A_19, %dma_start3A_139] : memref<10240x144xf32, #tpu.memory_space<vmem_shared>> -> memref<80x144xf32, #tpu.memory_space<vmem_shared>>
      tpu.enqueue_dma source(%arg12 : memref<80x144xf32, #tpu.memory_space<vmem>>) target(%dma_start3A_140 : memref<80x144xf32, #tpu.memory_space<vmem_shared>>) target_semaphore(%run_scoped3A_136 : memref<!tpu.dma_semaphore, #tpu.memory_space<semaphore_mem>>)
      %dma_wait3A_141 = arith.constant 0 : i32
      %dma_wait3A_142 = tpu.memref_slice %arg7[%add3A_19, %dma_wait3A_141] : memref<10240x144xf32, #tpu.memory_space<vmem_shared>> -> memref<80x144xf32, #tpu.memory_space<vmem_shared>>
      %dma_wait3A_143 = arith.constant 0 : i32
      %dma_wait3A_144 = tpu.memref_slice %arg7[%add3A_19, %dma_wait3A_143] : memref<10240x144xf32, #tpu.memory_space<vmem_shared>> -> memref<80x144xf32, #tpu.memory_space<vmem_shared>>
      tpu.wait_dma2 semaphore(%run_scoped3A_136 : memref<!tpu.dma_semaphore, #tpu.memory_space<semaphore_mem>>) src(%arg12 : memref<80x144xf32, #tpu.memory_space<vmem>>) dst(%dma_wait3A_144 : memref<80x144xf32, #tpu.memory_space<vmem_shared>>)
      tpu.yield
    }) : () -> ()
    %mul3A_20 = arith.constant 640 : i32
    %mul3A_21 = arith.muli %arg1, %mul3A_20 : i32
    %add3A_22 = arith.constant 240 : i32
    %add3A_23 = arith.addi %mul3A_21, %add3A_22 : i32
    "tpu.region"() ({
      %run_scoped3A_136 = tpu.sem_alloc : memref<!tpu.dma_semaphore, #tpu.memory_space<semaphore_mem>>
      %dma_start3A_137 = arith.constant 0 : i32
      %dma_start3A_138 = tpu.memref_slice %arg7[%add3A_23, %dma_start3A_137] : memref<10240x144xf32, #tpu.memory_space<vmem_shared>> -> memref<80x144xf32, #tpu.memory_space<vmem_shared>>
      %dma_start3A_139 = arith.constant 0 : i32
      %dma_start3A_140 = tpu.memref_slice %arg7[%add3A_23, %dma_start3A_139] : memref<10240x144xf32, #tpu.memory_space<vmem_shared>> -> memref<80x144xf32, #tpu.memory_space<vmem_shared>>
      tpu.enqueue_dma source(%arg12 : memref<80x144xf32, #tpu.memory_space<vmem>>) target(%dma_start3A_140 : memref<80x144xf32, #tpu.memory_space<vmem_shared>>) target_semaphore(%run_scoped3A_136 : memref<!tpu.dma_semaphore, #tpu.memory_space<semaphore_mem>>)
      %dma_wait3A_141 = arith.constant 0 : i32
      %dma_wait3A_142 = tpu.memref_slice %arg7[%add3A_23, %dma_wait3A_141] : memref<10240x144xf32, #tpu.memory_space<vmem_shared>> -> memref<80x144xf32, #tpu.memory_space<vmem_shared>>
      %dma_wait3A_143 = arith.constant 0 : i32
      %dma_wait3A_144 = tpu.memref_slice %arg7[%add3A_23, %dma_wait3A_143] : memref<10240x144xf32, #tpu.memory_space<vmem_shared>> -> memref<80x144xf32, #tpu.memory_space<vmem_shared>>
      tpu.wait_dma2 semaphore(%run_scoped3A_136 : memref<!tpu.dma_semaphore, #tpu.memory_space<semaphore_mem>>) src(%arg12 : memref<80x144xf32, #tpu.memory_space<vmem>>) dst(%dma_wait3A_144 : memref<80x144xf32, #tpu.memory_space<vmem_shared>>)
      tpu.yield
    }) : () -> ()
    %mul3A_24 = arith.constant 640 : i32
    %mul3A_25 = arith.muli %arg1, %mul3A_24 : i32
    %add3A_26 = arith.constant 320 : i32
    %add3A_27 = arith.addi %mul3A_25, %add3A_26 : i32
    "tpu.region"() ({
      %run_scoped3A_136 = tpu.sem_alloc : memref<!tpu.dma_semaphore, #tpu.memory_space<semaphore_mem>>
      %dma_start3A_137 = arith.constant 0 : i32
      %dma_start3A_138 = tpu.memref_slice %arg7[%add3A_27, %dma_start3A_137] : memref<10240x144xf32, #tpu.memory_space<vmem_shared>> -> memref<80x144xf32, #tpu.memory_space<vmem_shared>>
      %dma_start3A_139 = arith.constant 0 : i32
      %dma_start3A_140 = tpu.memref_slice %arg7[%add3A_27, %dma_start3A_139] : memref<10240x144xf32, #tpu.memory_space<vmem_shared>> -> memref<80x144xf32, #tpu.memory_space<vmem_shared>>
      tpu.enqueue_dma source(%arg12 : memref<80x144xf32, #tpu.memory_space<vmem>>) target(%dma_start3A_140 : memref<80x144xf32, #tpu.memory_space<vmem_shared>>) target_semaphore(%run_scoped3A_136 : memref<!tpu.dma_semaphore, #tpu.memory_space<semaphore_mem>>)
      %dma_wait3A_141 = arith.constant 0 : i32
      %dma_wait3A_142 = tpu.memref_slice %arg7[%add3A_27, %dma_wait3A_141] : memref<10240x144xf32, #tpu.memory_space<vmem_shared>> -> memref<80x144xf32, #tpu.memory_space<vmem_shared>>
      %dma_wait3A_143 = arith.constant 0 : i32
      %dma_wait3A_144 = tpu.memref_slice %arg7[%add3A_27, %dma_wait3A_143] : memref<10240x144xf32, #tpu.memory_space<vmem_shared>> -> memref<80x144xf32, #tpu.memory_space<vmem_shared>>
      tpu.wait_dma2 semaphore(%run_scoped3A_136 : memref<!tpu.dma_semaphore, #tpu.memory_space<semaphore_mem>>) src(%arg12 : memref<80x144xf32, #tpu.memory_space<vmem>>) dst(%dma_wait3A_144 : memref<80x144xf32, #tpu.memory_space<vmem_shared>>)
      tpu.yield
    }) : () -> ()
    %mul3A_28 = arith.constant 640 : i32
    %mul3A_29 = arith.muli %arg1, %mul3A_28 : i32
    %add3A_30 = arith.constant 400 : i32
    %add3A_31 = arith.addi %mul3A_29, %add3A_30 : i32
    "tpu.region"() ({
      %run_scoped3A_136 = tpu.sem_alloc : memref<!tpu.dma_semaphore, #tpu.memory_space<semaphore_mem>>
      %dma_start3A_137 = arith.constant 0 : i32
      %dma_start3A_138 = tpu.memref_slice %arg7[%add3A_31, %dma_start3A_137] : memref<10240x144xf32, #tpu.memory_space<vmem_shared>> -> memref<80x144xf32, #tpu.memory_space<vmem_shared>>
      %dma_start3A_139 = arith.constant 0 : i32
      %dma_start3A_140 = tpu.memref_slice %arg7[%add3A_31, %dma_start3A_139] : memref<10240x144xf32, #tpu.memory_space<vmem_shared>> -> memref<80x144xf32, #tpu.memory_space<vmem_shared>>
      tpu.enqueue_dma source(%arg12 : memref<80x144xf32, #tpu.memory_space<vmem>>) target(%dma_start3A_140 : memref<80x144xf32, #tpu.memory_space<vmem_shared>>) target_semaphore(%run_scoped3A_136 : memref<!tpu.dma_semaphore, #tpu.memory_space<semaphore_mem>>)
      %dma_wait3A_141 = arith.constant 0 : i32
      %dma_wait3A_142 = tpu.memref_slice %arg7[%add3A_31, %dma_wait3A_141] : memref<10240x144xf32, #tpu.memory_space<vmem_shared>> -> memref<80x144xf32, #tpu.memory_space<vmem_shared>>
      %dma_wait3A_143 = arith.constant 0 : i32
      %dma_wait3A_144 = tpu.memref_slice %arg7[%add3A_31, %dma_wait3A_143] : memref<10240x144xf32, #tpu.memory_space<vmem_shared>> -> memref<80x144xf32, #tpu.memory_space<vmem_shared>>
      tpu.wait_dma2 semaphore(%run_scoped3A_136 : memref<!tpu.dma_semaphore, #tpu.memory_space<semaphore_mem>>) src(%arg12 : memref<80x144xf32, #tpu.memory_space<vmem>>) dst(%dma_wait3A_144 : memref<80x144xf32, #tpu.memory_space<vmem_shared>>)
      tpu.yield
    }) : () -> ()
    %mul3A_32 = arith.constant 640 : i32
    %mul3A_33 = arith.muli %arg1, %mul3A_32 : i32
    %add3A_34 = arith.constant 480 : i32
    %add3A_35 = arith.addi %mul3A_33, %add3A_34 : i32
    "tpu.region"() ({
      %run_scoped3A_136 = tpu.sem_alloc : memref<!tpu.dma_semaphore, #tpu.memory_space<semaphore_mem>>
      %dma_start3A_137 = arith.constant 0 : i32
      %dma_start3A_138 = tpu.memref_slice %arg7[%add3A_35, %dma_start3A_137] : memref<10240x144xf32, #tpu.memory_space<vmem_shared>> -> memref<80x144xf32, #tpu.memory_space<vmem_shared>>
      %dma_start3A_139 = arith.constant 0 : i32
      %dma_start3A_140 = tpu.memref_slice %arg7[%add3A_35, %dma_start3A_139] : memref<10240x144xf32, #tpu.memory_space<vmem_shared>> -> memref<80x144xf32, #tpu.memory_space<vmem_shared>>
      tpu.enqueue_dma source(%arg12 : memref<80x144xf32, #tpu.memory_space<vmem>>) target(%dma_start3A_140 : memref<80x144xf32, #tpu.memory_space<vmem_shared>>) target_semaphore(%run_scoped3A_136 : memref<!tpu.dma_semaphore, #tpu.memory_space<semaphore_mem>>)
      %dma_wait3A_141 = arith.constant 0 : i32
      %dma_wait3A_142 = tpu.memref_slice %arg7[%add3A_35, %dma_wait3A_141] : memref<10240x144xf32, #tpu.memory_space<vmem_shared>> -> memref<80x144xf32, #tpu.memory_space<vmem_shared>>
      %dma_wait3A_143 = arith.constant 0 : i32
      %dma_wait3A_144 = tpu.memref_slice %arg7[%add3A_35, %dma_wait3A_143] : memref<10240x144xf32, #tpu.memory_space<vmem_shared>> -> memref<80x144xf32, #tpu.memory_space<vmem_shared>>
      tpu.wait_dma2 semaphore(%run_scoped3A_136 : memref<!tpu.dma_semaphore, #tpu.memory_space<semaphore_mem>>) src(%arg12 : memref<80x144xf32, #tpu.memory_space<vmem>>) dst(%dma_wait3A_144 : memref<80x144xf32, #tpu.memory_space<vmem_shared>>)
      tpu.yield
    }) : () -> ()
    %mul3A_36 = arith.constant 640 : i32
    %mul3A_37 = arith.muli %arg1, %mul3A_36 : i32
    %add3A_38 = arith.constant 560 : i32
    %add3A_39 = arith.addi %mul3A_37, %add3A_38 : i32
    "tpu.region"() ({
      %run_scoped3A_136 = tpu.sem_alloc : memref<!tpu.dma_semaphore, #tpu.memory_space<semaphore_mem>>
      %dma_start3A_137 = arith.constant 0 : i32
      %dma_start3A_138 = tpu.memref_slice %arg7[%add3A_39, %dma_start3A_137] : memref<10240x144xf32, #tpu.memory_space<vmem_shared>> -> memref<80x144xf32, #tpu.memory_space<vmem_shared>>
      %dma_start3A_139 = arith.constant 0 : i32
      %dma_start3A_140 = tpu.memref_slice %arg7[%add3A_39, %dma_start3A_139] : memref<10240x144xf32, #tpu.memory_space<vmem_shared>> -> memref<80x144xf32, #tpu.memory_space<vmem_shared>>
      tpu.enqueue_dma source(%arg12 : memref<80x144xf32, #tpu.memory_space<vmem>>) target(%dma_start3A_140 : memref<80x144xf32, #tpu.memory_space<vmem_shared>>) target_semaphore(%run_scoped3A_136 : memref<!tpu.dma_semaphore, #tpu.memory_space<semaphore_mem>>)
      %dma_wait3A_141 = arith.constant 0 : i32
      %dma_wait3A_142 = tpu.memref_slice %arg7[%add3A_39, %dma_wait3A_141] : memref<10240x144xf32, #tpu.memory_space<vmem_shared>> -> memref<80x144xf32, #tpu.memory_space<vmem_shared>>
      %dma_wait3A_143 = arith.constant 0 : i32
      %dma_wait3A_144 = tpu.memref_slice %arg7[%add3A_39, %dma_wait3A_143] : memref<10240x144xf32, #tpu.memory_space<vmem_shared>> -> memref<80x144xf32, #tpu.memory_space<vmem_shared>>
      tpu.wait_dma2 semaphore(%run_scoped3A_136 : memref<!tpu.dma_semaphore, #tpu.memory_space<semaphore_mem>>) src(%arg12 : memref<80x144xf32, #tpu.memory_space<vmem>>) dst(%dma_wait3A_144 : memref<80x144xf32, #tpu.memory_space<vmem_shared>>)
      tpu.yield
    }) : () -> ()
    %barrier3A = arith.constant 0 : index
    tpu.barrier barrier_id(%barrier3A)
    %iota3A = tpu.iota {dimensions = array<i32: 0>} : vector<16xi32>
    %lt3A = arith.constant 8 : i32
    %lt3A_40 = vector.broadcast %lt3A : i32 to vector<16xi32>
    %lt3A_41 = arith.cmpi slt, %iota3A, %lt3A_40 : vector<16xi32>
    %run_scoped3A = arith.constant 0 : i32
    "tpu.region"() ({
      %run_scoped3A_136 = tpu.sem_alloc : memref<!tpu.dma_semaphore, #tpu.memory_space<semaphore_mem>>
      %dma_start3A_137 = arith.constant 0 : i32
      %dma_start3A_138 = arith.constant 0 : i32
      %dma_start3A_139 = tpu.memref_slice %arg2[%add3A, %run_scoped3A, %dma_start3A_137, %dma_start3A_138] : memref<32x5x25x80xi32, #tpu.memory_space<hbm>> -> memref<1x1x25x80xi32, #tpu.memory_space<hbm>>
      %dma_start3A_140 = tpu.memref_squeeze %dma_start3A_139 : memref<1x1x25x80xi32, #tpu.memory_space<hbm>> -> memref<25x80xi32, #tpu.memory_space<hbm>>
      %dma_start3A_141 = arith.constant 0 : i32
      %dma_start3A_142 = arith.constant 0 : i32
      %dma_start3A_143 = tpu.memref_slice %arg2[%add3A, %run_scoped3A, %dma_start3A_141, %dma_start3A_142] : memref<32x5x25x80xi32, #tpu.memory_space<hbm>> -> memref<1x1x25x80xi32, #tpu.memory_space<hbm>>
      %dma_start3A_144 = tpu.memref_squeeze %dma_start3A_143 : memref<1x1x25x80xi32, #tpu.memory_space<hbm>> -> memref<25x80xi32, #tpu.memory_space<hbm>>
      tpu.enqueue_dma source(%dma_start3A_144 : memref<25x80xi32, #tpu.memory_space<hbm>>) target(%arg8 : memref<25x80xi32, #tpu.memory_space<vmem>>) target_semaphore(%run_scoped3A_136 : memref<!tpu.dma_semaphore, #tpu.memory_space<semaphore_mem>>)
      %dma_wait3A_145 = arith.constant 0 : i32
      %dma_wait3A_146 = arith.constant 0 : i32
      %dma_wait3A_147 = tpu.memref_slice %arg2[%add3A, %run_scoped3A, %dma_wait3A_145, %dma_wait3A_146] : memref<32x5x25x80xi32, #tpu.memory_space<hbm>> -> memref<1x1x25x80xi32, #tpu.memory_space<hbm>>
      %dma_wait3A_148 = tpu.memref_squeeze %dma_wait3A_147 : memref<1x1x25x80xi32, #tpu.memory_space<hbm>> -> memref<25x80xi32, #tpu.memory_space<hbm>>
      %dma_wait3A_149 = arith.constant 0 : i32
      %dma_wait3A_150 = arith.constant 0 : i32
      %dma_wait3A_151 = tpu.memref_slice %arg2[%add3A, %run_scoped3A, %dma_wait3A_149, %dma_wait3A_150] : memref<32x5x25x80xi32, #tpu.memory_space<hbm>> -> memref<1x1x25x80xi32, #tpu.memory_space<hbm>>
      %dma_wait3A_152 = tpu.memref_squeeze %dma_wait3A_151 : memref<1x1x25x80xi32, #tpu.memory_space<hbm>> -> memref<25x80xi32, #tpu.memory_space<hbm>>
      tpu.wait_dma2 semaphore(%run_scoped3A_136 : memref<!tpu.dma_semaphore, #tpu.memory_space<semaphore_mem>>) src(%dma_wait3A_152 : memref<25x80xi32, #tpu.memory_space<hbm>>) dst(%arg8 : memref<25x80xi32, #tpu.memory_space<vmem>>)
      tpu.yield
    }) : () -> ()
    %run_scoped3A_42 = arith.constant 0 : i32
    "tpu.region"() ({
      %run_scoped3A_136 = tpu.sem_alloc : memref<!tpu.dma_semaphore, #tpu.memory_space<semaphore_mem>>
      %dma_start3A_137 = arith.constant 0 : i32
      %dma_start3A_138 = arith.constant 0 : i32
      %dma_start3A_139 = tpu.memref_slice %arg3[%add3A, %run_scoped3A_42, %dma_start3A_137, %dma_start3A_138] : memref<32x5x25x80xi32, #tpu.memory_space<hbm>> -> memref<1x1x25x80xi32, #tpu.memory_space<hbm>>
      %dma_start3A_140 = tpu.memref_squeeze %dma_start3A_139 : memref<1x1x25x80xi32, #tpu.memory_space<hbm>> -> memref<25x80xi32, #tpu.memory_space<hbm>>
      %dma_start3A_141 = arith.constant 0 : i32
      %dma_start3A_142 = arith.constant 0 : i32
      %dma_start3A_143 = tpu.memref_slice %arg3[%add3A, %run_scoped3A_42, %dma_start3A_141, %dma_start3A_142] : memref<32x5x25x80xi32, #tpu.memory_space<hbm>> -> memref<1x1x25x80xi32, #tpu.memory_space<hbm>>
      %dma_start3A_144 = tpu.memref_squeeze %dma_start3A_143 : memref<1x1x25x80xi32, #tpu.memory_space<hbm>> -> memref<25x80xi32, #tpu.memory_space<hbm>>
      tpu.enqueue_dma source(%dma_start3A_144 : memref<25x80xi32, #tpu.memory_space<hbm>>) target(%arg9 : memref<25x80xi32, #tpu.memory_space<vmem>>) target_semaphore(%run_scoped3A_136 : memref<!tpu.dma_semaphore, #tpu.memory_space<semaphore_mem>>)
      %dma_wait3A_145 = arith.constant 0 : i32
      %dma_wait3A_146 = arith.constant 0 : i32
      %dma_wait3A_147 = tpu.memref_slice %arg3[%add3A, %run_scoped3A_42, %dma_wait3A_145, %dma_wait3A_146] : memref<32x5x25x80xi32, #tpu.memory_space<hbm>> -> memref<1x1x25x80xi32, #tpu.memory_space<hbm>>
      %dma_wait3A_148 = tpu.memref_squeeze %dma_wait3A_147 : memref<1x1x25x80xi32, #tpu.memory_space<hbm>> -> memref<25x80xi32, #tpu.memory_space<hbm>>
      %dma_wait3A_149 = arith.constant 0 : i32
      %dma_wait3A_150 = arith.constant 0 : i32
      %dma_wait3A_151 = tpu.memref_slice %arg3[%add3A, %run_scoped3A_42, %dma_wait3A_149, %dma_wait3A_150] : memref<32x5x25x80xi32, #tpu.memory_space<hbm>> -> memref<1x1x25x80xi32, #tpu.memory_space<hbm>>
      %dma_wait3A_152 = tpu.memref_squeeze %dma_wait3A_151 : memref<1x1x25x80xi32, #tpu.memory_space<hbm>> -> memref<25x80xi32, #tpu.memory_space<hbm>>
      tpu.wait_dma2 semaphore(%run_scoped3A_136 : memref<!tpu.dma_semaphore, #tpu.memory_space<semaphore_mem>>) src(%dma_wait3A_152 : memref<25x80xi32, #tpu.memory_space<hbm>>) dst(%arg9 : memref<25x80xi32, #tpu.memory_space<vmem>>)
      tpu.yield
    }) : () -> ()
    %rem3A = arith.constant 0 : i32
    %rem3A_43 = arith.constant 25 : i32
    %rem3A_44 = arith.remsi %rem3A, %rem3A_43 : i32
    %dma_start3A = arith.constant 0 : i32
    %dma_start3A_45 = tpu.memref_slice %arg9[%rem3A_44, %dma_start3A] : memref<25x80xi32, #tpu.memory_space<vmem>> -> memref<1x80xi32, #tpu.memory_space<vmem>>
    %dma_start3A_46 = tpu.memref_squeeze %dma_start3A_45 : memref<1x80xi32, #tpu.memory_space<vmem>> -> memref<80xi32, #tpu.memory_space<vmem>>
    %dma_start3A_47 = arith.constant 0 : i32
    %dma_start3A_48 = arith.constant 0 : i32
    %dma_start3A_49 = tpu.memref_slice %arg4[%dma_start3A_47, %dma_start3A_48] : memref<10240x16xf32, #tpu.memory_space<hbm>> -> memref<10240x16xf32, #tpu.memory_space<hbm>>
    tpu.enqueue_indirect_dma source(%dma_start3A_49 : memref<10240x16xf32, #tpu.memory_space<hbm>>) target(%arg10 : memref<80x16xf32, #tpu.memory_space<vmem>>) offsets(%dma_start3A_46 : memref<80xi32, #tpu.memory_space<vmem>>) semaphore(%arg16 : memref<!tpu.dma_semaphore, #tpu.memory_space<semaphore_mem>>)
    %dma_start3A_50 = arith.constant 0 : i32
    %dma_start3A_51 = tpu.memref_slice %arg8[%rem3A_44, %dma_start3A_50] : memref<25x80xi32, #tpu.memory_space<vmem>> -> memref<1x80xi32, #tpu.memory_space<vmem>>
    %dma_start3A_52 = tpu.memref_squeeze %dma_start3A_51 : memref<1x80xi32, #tpu.memory_space<vmem>> -> memref<80xi32, #tpu.memory_space<vmem>>
    %dma_start3A_53 = arith.constant 0 : i32
    %dma_start3A_54 = arith.constant 0 : i32
    %dma_start3A_55 = tpu.memref_slice %arg5[%dma_start3A_53, %dma_start3A_54] : memref<10240x144xf32, #tpu.memory_space<hbm>> -> memref<10240x144xf32, #tpu.memory_space<hbm>>
    tpu.enqueue_indirect_dma source(%dma_start3A_55 : memref<10240x144xf32, #tpu.memory_space<hbm>>) target(%arg12 : memref<80x144xf32, #tpu.memory_space<vmem>>) offsets(%dma_start3A_52 : memref<80xi32, #tpu.memory_space<vmem>>) semaphore(%arg16 : memref<!tpu.dma_semaphore, #tpu.memory_space<semaphore_mem>>)
    %scan3A_56 = arith.constant 0 : i32
    %scan3A_57 = arith.constant 0 : i32
    %scan3A_58 = arith.constant 62 : i32
    %scan3A_59 = arith.addi %scan3A_57, %scan3A_58 : i32
    %scan3A_60 = arith.constant 1 : i32
    %scan3A_61 = scf.for %scan3A_136 = %scan3A_57 to %scan3A_59 step %scan3A_60 iter_args(%scan3A_137 = %scan3A_56) -> (i32)  : i32 {
      %mul3A_138 = arith.constant 2 : i32
      %mul3A_139 = arith.muli %mul3A_138, %scan3A_136 : i32
      %add3A_140 = arith.constant 0 : i32
      %add3A_141 = arith.addi %mul3A_139, %add3A_140 : i32
      %dma_wait3A_142 = arith.constant 0 : i32
      %dma_wait3A_143 = arith.constant 0 : i32
      %dma_wait3A_144 = tpu.memref_slice %arg9[%dma_wait3A_142, %dma_wait3A_143] : memref<25x80xi32, #tpu.memory_space<vmem>> -> memref<1x80xi32, #tpu.memory_space<vmem>>
      %dma_wait3A_145 = tpu.memref_squeeze %dma_wait3A_144 : memref<1x80xi32, #tpu.memory_space<vmem>> -> memref<80xi32, #tpu.memory_space<vmem>>
      %dma_wait3A_146 = arith.constant 0 : i32
      %dma_wait3A_147 = arith.constant 0 : i32
      %dma_wait3A_148 = tpu.memref_slice %arg4[%dma_wait3A_146, %dma_wait3A_147] : memref<10240x16xf32, #tpu.memory_space<hbm>> -> memref<10240x16xf32, #tpu.memory_space<hbm>>
      tpu.wait_indirect_dma semaphore(%arg16 : memref<!tpu.dma_semaphore, #tpu.memory_space<semaphore_mem>>) src(%dma_wait3A_148 : memref<10240x16xf32, #tpu.memory_space<hbm>>) dst(%arg10 : memref<80x16xf32, #tpu.memory_space<vmem>>)
      %dma_wait3A_149 = arith.constant 0 : i32
      %dma_wait3A_150 = arith.constant 0 : i32
      %dma_wait3A_151 = tpu.memref_slice %arg8[%dma_wait3A_149, %dma_wait3A_150] : memref<25x80xi32, #tpu.memory_space<vmem>> -> memref<1x80xi32, #tpu.memory_space<vmem>>
      %dma_wait3A_152 = tpu.memref_squeeze %dma_wait3A_151 : memref<1x80xi32, #tpu.memory_space<vmem>> -> memref<80xi32, #tpu.memory_space<vmem>>
      %dma_wait3A_153 = arith.constant 0 : i32
      %dma_wait3A_154 = arith.constant 0 : i32
      %dma_wait3A_155 = tpu.memref_slice %arg5[%dma_wait3A_153, %dma_wait3A_154] : memref<10240x144xf32, #tpu.memory_space<hbm>> -> memref<10240x144xf32, #tpu.memory_space<hbm>>
      tpu.wait_indirect_dma semaphore(%arg16 : memref<!tpu.dma_semaphore, #tpu.memory_space<semaphore_mem>>) src(%dma_wait3A_155 : memref<10240x144xf32, #tpu.memory_space<hbm>>) dst(%arg12 : memref<80x144xf32, #tpu.memory_space<vmem>>)
      %rem3A_156 = arith.constant 25 : i32
      %rem3A_157 = arith.remsi %add3A_141, %rem3A_156 : i32
      %get3A_158 = arith.index_cast %rem3A_157 : i32 to index
      %get3A_159 = arith.constant 0 : index
      %get3A_160 = tpu.vector_load %arg9[%get3A_158, %get3A_159] {strides = array<i32>} : memref<25x80xi32, #tpu.memory_space<vmem>>, vector<1x16xi32>,
      %get3A_161 = vector.shape_cast %get3A_160 : vector<1x16xi32> to vector<16xi32>
      %swap3A_162 = arith.constant 0 : index
      %swap3A_163 = tpu.vector_load %arg14[%swap3A_162] {strides = array<i32>} : memref<80xi32, #tpu.memory_space<vmem>>, vector<16xi32>,
      %swap3A_164 = vector.shape_cast %swap3A_163 : vector<16xi32> to vector<16xi32>
      %swap3A_165 = vector.shape_cast %get3A_161 : vector<16xi32> to vector<16xi32>
      tpu.vector_store %arg14[%swap3A_162], %swap3A_165 {strides = array<i32>} : memref<80xi32, #tpu.memory_space<vmem>>, vector<16xi32>,
      %get3A_166 = arith.index_cast %rem3A_157 : i32 to index
      %get3A_167 = arith.constant 16 : index
      %get3A_168 = tpu.vector_load %arg9[%get3A_166, %get3A_167] {strides = array<i32>} : memref<25x80xi32, #tpu.memory_space<vmem>>, vector<1x16xi32>,
      %get3A_169 = vector.shape_cast %get3A_168 : vector<1x16xi32> to vector<16xi32>
      %swap3A_170 = arith.constant 16 : index
      %swap3A_171 = tpu.vector_load %arg14[%swap3A_170] {strides = array<i32>} : memref<80xi32, #tpu.memory_space<vmem>>, vector<16xi32>,
      %swap3A_172 = vector.shape_cast %swap3A_171 : vector<16xi32> to vector<16xi32>
      %swap3A_173 = vector.shape_cast %get3A_169 : vector<16xi32> to vector<16xi32>
      tpu.vector_store %arg14[%swap3A_170], %swap3A_173 {strides = array<i32>} : memref<80xi32, #tpu.memory_space<vmem>>, vector<16xi32>,
      %get3A_174 = arith.index_cast %rem3A_157 : i32 to index
      %get3A_175 = arith.constant 32 : index
      %get3A_176 = tpu.vector_load %arg9[%get3A_174, %get3A_175] {strides = array<i32>} : memref<25x80xi32, #tpu.memory_space<vmem>>, vector<1x16xi32>,
      %get3A_177 = vector.shape_cast %get3A_176 : vector<1x16xi32> to vector<16xi32>
      %swap3A_178 = arith.constant 32 : index
      %swap3A_179 = tpu.vector_load %arg14[%swap3A_178] {strides = array<i32>} : memref<80xi32, #tpu.memory_space<vmem>>, vector<16xi32>,
      %swap3A_180 = vector.shape_cast %swap3A_179 : vector<16xi32> to vector<16xi32>
      %swap3A_181 = vector.shape_cast %get3A_177 : vector<16xi32> to vector<16xi32>
      tpu.vector_store %arg14[%swap3A_178], %swap3A_181 {strides = array<i32>} : memref<80xi32, #tpu.memory_space<vmem>>, vector<16xi32>,
      %get3A_182 = arith.index_cast %rem3A_157 : i32 to index
      %get3A_183 = arith.constant 48 : index
      %get3A_184 = tpu.vector_load %arg9[%get3A_182, %get3A_183] {strides = array<i32>} : memref<25x80xi32, #tpu.memory_space<vmem>>, vector<1x16xi32>,
      %get3A_185 = vector.shape_cast %get3A_184 : vector<1x16xi32> to vector<16xi32>
      %swap3A_186 = arith.constant 48 : index
      %swap3A_187 = tpu.vector_load %arg14[%swap3A_186] {strides = array<i32>} : memref<80xi32, #tpu.memory_space<vmem>>, vector<16xi32>,
      %swap3A_188 = vector.shape_cast %swap3A_187 : vector<16xi32> to vector<16xi32>
      %swap3A_189 = vector.shape_cast %get3A_185 : vector<16xi32> to vector<16xi32>
      tpu.vector_store %arg14[%swap3A_186], %swap3A_189 {strides = array<i32>} : memref<80xi32, #tpu.memory_space<vmem>>, vector<16xi32>,
      %get3A_190 = arith.index_cast %rem3A_157 : i32 to index
      %get3A_191 = arith.constant 64 : index
      %get3A_192 = tpu.vector_load %arg9[%get3A_190, %get3A_191] {strides = array<i32>} : memref<25x80xi32, #tpu.memory_space<vmem>>, vector<1x16xi32>,
      %get3A_193 = vector.shape_cast %get3A_192 : vector<1x16xi32> to vector<16xi32>
      %swap3A_194 = arith.constant 64 : index
      %swap3A_195 = tpu.vector_load %arg14[%swap3A_194] {strides = array<i32>} : memref<80xi32, #tpu.memory_space<vmem>>, vector<16xi32>,
      %swap3A_196 = vector.shape_cast %swap3A_195 : vector<16xi32> to vector<16xi32>
      %swap3A_197 = vector.shape_cast %get3A_193 : vector<16xi32> to vector<16xi32>
      tpu.vector_store %arg14[%swap3A_194], %swap3A_197 {strides = array<i32>} : memref<80xi32, #tpu.memory_space<vmem>>, vector<16xi32>,
      %add3A_198 = arith.constant 1 : i32
      %add3A_199 = arith.addi %add3A_141, %add3A_198 : i32
      %rem3A_200 = arith.constant 25 : i32
      %rem3A_201 = arith.remsi %add3A_199, %rem3A_200 : i32
      %eq3A = arith.constant 0 : i32
      %eq3A_202 = arith.cmpi eq, %rem3A_201, %eq3A : i32
      %convert_element_type3A = arith.extui %eq3A_202 : i1 to i32
      %cond3A = arith.constant 0 : i32
      %cond3A_203 = arith.cmpi ne, %convert_element_type3A, %cond3A : i32
      scf.if %cond3A_203 {
        %jit3A = arith.constant 25 : i32
        %div3A = arith.divsi %add3A_199, %jit3A : i32
        %sign3A = arith.constant 0 : i32
        %sign3A_331 = arith.cmpi sgt, %add3A_199, %sign3A : i32
        %sign3A_332 = arith.extui %sign3A_331 : i1 to i32
        %sign3A_333 = arith.constant 0 : i32
        %sign3A_334 = arith.cmpi slt, %add3A_199, %sign3A_333 : i32
        %sign3A_335 = arith.extui %sign3A_334 : i1 to i32
        %sign3A_336 = arith.subi %sign3A_332, %sign3A_335 : i32
        %sign3A_337 = arith.constant 0 : i32
        %sign3A_338 = arith.cmpi sgt, %jit3A, %sign3A_337 : i32
        %sign3A_339 = arith.extui %sign3A_338 : i1 to i32
        %sign3A_340 = arith.constant 0 : i32
        %sign3A_341 = arith.cmpi slt, %jit3A, %sign3A_340 : i32
        %sign3A_342 = arith.extui %sign3A_341 : i1 to i32
        %sign3A_343 = arith.subi %sign3A_339, %sign3A_342 : i32
        %ne3A = arith.cmpi ne, %sign3A_336, %sign3A_343 : i32
        %rem3A_344 = arith.remsi %add3A_199, %jit3A : i32
        %ne3A_345 = arith.constant 0 : i32
        %ne3A_346 = arith.cmpi ne, %rem3A_344, %ne3A_345 : i32
        %and3A = arith.andi %ne3A, %ne3A_346 : i1
        %sub3A = arith.constant 1 : i32
        %sub3A_347 = arith.subi %div3A, %sub3A : i32
        %select_n3A = arith.select %and3A, %sub3A_347, %div3A : i32
        "tpu.region"() ({
          %run_scoped3A_348 = tpu.sem_alloc : memref<!tpu.dma_semaphore, #tpu.memory_space<semaphore_mem>>
          %dma_start3A_349 = arith.constant 0 : i32
          %dma_start3A_350 = arith.constant 0 : i32
          %dma_start3A_351 = tpu.memref_slice %arg2[%add3A, %select_n3A, %dma_start3A_349, %dma_start3A_350] : memref<32x5x25x80xi32, #tpu.memory_space<hbm>> -> memref<1x1x25x80xi32, #tpu.memory_space<hbm>>
          %dma_start3A_352 = tpu.memref_squeeze %dma_start3A_351 : memref<1x1x25x80xi32, #tpu.memory_space<hbm>> -> memref<25x80xi32, #tpu.memory_space<hbm>>
          %dma_start3A_353 = arith.constant 0 : i32
          %dma_start3A_354 = arith.constant 0 : i32
          %dma_start3A_355 = tpu.memref_slice %arg2[%add3A, %select_n3A, %dma_start3A_353, %dma_start3A_354] : memref<32x5x25x80xi32, #tpu.memory_space<hbm>> -> memref<1x1x25x80xi32, #tpu.memory_space<hbm>>
          %dma_start3A_356 = tpu.memref_squeeze %dma_start3A_355 : memref<1x1x25x80xi32, #tpu.memory_space<hbm>> -> memref<25x80xi32, #tpu.memory_space<hbm>>
          tpu.enqueue_dma source(%dma_start3A_356 : memref<25x80xi32, #tpu.memory_space<hbm>>) target(%arg8 : memref<25x80xi32, #tpu.memory_space<vmem>>) target_semaphore(%run_scoped3A_348 : memref<!tpu.dma_semaphore, #tpu.memory_space<semaphore_mem>>)
          %dma_wait3A_357 = arith.constant 0 : i32
          %dma_wait3A_358 = arith.constant 0 : i32
          %dma_wait3A_359 = tpu.memref_slice %arg2[%add3A, %select_n3A, %dma_wait3A_357, %dma_wait3A_358] : memref<32x5x25x80xi32, #tpu.memory_space<hbm>> -> memref<1x1x25x80xi32, #tpu.memory_space<hbm>>
          %dma_wait3A_360 = tpu.memref_squeeze %dma_wait3A_359 : memref<1x1x25x80xi32, #tpu.memory_space<hbm>> -> memref<25x80xi32, #tpu.memory_space<hbm>>
          %dma_wait3A_361 = arith.constant 0 : i32
          %dma_wait3A_362 = arith.constant 0 : i32
          %dma_wait3A_363 = tpu.memref_slice %arg2[%add3A, %select_n3A, %dma_wait3A_361, %dma_wait3A_362] : memref<32x5x25x80xi32, #tpu.memory_space<hbm>> -> memref<1x1x25x80xi32, #tpu.memory_space<hbm>>
          %dma_wait3A_364 = tpu.memref_squeeze %dma_wait3A_363 : memref<1x1x25x80xi32, #tpu.memory_space<hbm>> -> memref<25x80xi32, #tpu.memory_space<hbm>>
          tpu.wait_dma2 semaphore(%run_scoped3A_348 : memref<!tpu.dma_semaphore, #tpu.memory_space<semaphore_mem>>) src(%dma_wait3A_364 : memref<25x80xi32, #tpu.memory_space<hbm>>) dst(%arg8 : memref<25x80xi32, #tpu.memory_space<vmem>>)
          tpu.yield
        }) : () -> ()
        "tpu.region"() ({
          %run_scoped3A_348 = tpu.sem_alloc : memref<!tpu.dma_semaphore, #tpu.memory_space<semaphore_mem>>
          %dma_start3A_349 = arith.constant 0 : i32
          %dma_start3A_350 = arith.constant 0 : i32
          %dma_start3A_351 = tpu.memref_slice %arg3[%add3A, %select_n3A, %dma_start3A_349, %dma_start3A_350] : memref<32x5x25x80xi32, #tpu.memory_space<hbm>> -> memref<1x1x25x80xi32, #tpu.memory_space<hbm>>
          %dma_start3A_352 = tpu.memref_squeeze %dma_start3A_351 : memref<1x1x25x80xi32, #tpu.memory_space<hbm>> -> memref<25x80xi32, #tpu.memory_space<hbm>>
          %dma_start3A_353 = arith.constant 0 : i32
          %dma_start3A_354 = arith.constant 0 : i32
          %dma_start3A_355 = tpu.memref_slice %arg3[%add3A, %select_n3A, %dma_start3A_353, %dma_start3A_354] : memref<32x5x25x80xi32, #tpu.memory_space<hbm>> -> memref<1x1x25x80xi32, #tpu.memory_space<hbm>>
          %dma_start3A_356 = tpu.memref_squeeze %dma_start3A_355 : memref<1x1x25x80xi32, #tpu.memory_space<hbm>> -> memref<25x80xi32, #tpu.memory_space<hbm>>
          tpu.enqueue_dma source(%dma_start3A_356 : memref<25x80xi32, #tpu.memory_space<hbm>>) target(%arg9 : memref<25x80xi32, #tpu.memory_space<vmem>>) target_semaphore(%run_scoped3A_348 : memref<!tpu.dma_semaphore, #tpu.memory_space<semaphore_mem>>)
          %dma_wait3A_357 = arith.constant 0 : i32
          %dma_wait3A_358 = arith.constant 0 : i32
          %dma_wait3A_359 = tpu.memref_slice %arg3[%add3A, %select_n3A, %dma_wait3A_357, %dma_wait3A_358] : memref<32x5x25x80xi32, #tpu.memory_space<hbm>> -> memref<1x1x25x80xi32, #tpu.memory_space<hbm>>
          %dma_wait3A_360 = tpu.memref_squeeze %dma_wait3A_359 : memref<1x1x25x80xi32, #tpu.memory_space<hbm>> -> memref<25x80xi32, #tpu.memory_space<hbm>>
          %dma_wait3A_361 = arith.constant 0 : i32
          %dma_wait3A_362 = arith.constant 0 : i32
          %dma_wait3A_363 = tpu.memref_slice %arg3[%add3A, %select_n3A, %dma_wait3A_361, %dma_wait3A_362] : memref<32x5x25x80xi32, #tpu.memory_space<hbm>> -> memref<1x1x25x80xi32, #tpu.memory_space<hbm>>
          %dma_wait3A_364 = tpu.memref_squeeze %dma_wait3A_363 : memref<1x1x25x80xi32, #tpu.memory_space<hbm>> -> memref<25x80xi32, #tpu.memory_space<hbm>>
          tpu.wait_dma2 semaphore(%run_scoped3A_348 : memref<!tpu.dma_semaphore, #tpu.memory_space<semaphore_mem>>) src(%dma_wait3A_364 : memref<25x80xi32, #tpu.memory_space<hbm>>) dst(%arg9 : memref<25x80xi32, #tpu.memory_space<vmem>>)
          tpu.yield
        }) : () -> ()
      } else {
      }
      %ge3A = arith.constant 1 : i32
      %ge3A_204 = arith.cmpi sge, %add3A_141, %ge3A : i32
      %convert_element_type3A_205 = arith.extui %ge3A_204 : i1 to i32
      %cond3A_206 = arith.constant 0 : i32
      %cond3A_207 = arith.cmpi ne, %convert_element_type3A_205, %cond3A_206 : i32
      scf.if %cond3A_207 {
        %dma_wait3A_331 = arith.constant 0 : i32
        %dma_wait3A_332 = arith.constant 0 : i32
        %dma_wait3A_333 = tpu.memref_slice %arg7[%dma_wait3A_331, %dma_wait3A_332] : memref<10240x144xf32, #tpu.memory_space<vmem_shared>> -> memref<10240x144xf32, #tpu.memory_space<vmem_shared>>
        tpu.wait_indirect_dma semaphore(%arg19 : memref<!tpu.dma_semaphore, #tpu.memory_space<semaphore_mem>>) src(%arg13 : memref<80x144xf32, #tpu.memory_space<vmem>>) dst(%dma_wait3A_333 : memref<10240x144xf32, #tpu.memory_space<vmem_shared>>)
      } else {
      }
      %rem3A_208 = arith.constant 25 : i32
      %rem3A_209 = arith.remsi %add3A_199, %rem3A_208 : i32
      %dma_start3A_210 = arith.constant 0 : i32
      %dma_start3A_211 = tpu.memref_slice %arg9[%rem3A_209, %dma_start3A_210] : memref<25x80xi32, #tpu.memory_space<vmem>> -> memref<1x80xi32, #tpu.memory_space<vmem>>
      %dma_start3A_212 = tpu.memref_squeeze %dma_start3A_211 : memref<1x80xi32, #tpu.memory_space<vmem>> -> memref<80xi32, #tpu.memory_space<vmem>>
      %dma_start3A_213 = arith.constant 0 : i32
      %dma_start3A_214 = arith.constant 0 : i32
      %dma_start3A_215 = tpu.memref_slice %arg4[%dma_start3A_213, %dma_start3A_214] : memref<10240x16xf32, #tpu.memory_space<hbm>> -> memref<10240x16xf32, #tpu.memory_space<hbm>>
      tpu.enqueue_indirect_dma source(%dma_start3A_215 : memref<10240x16xf32, #tpu.memory_space<hbm>>) target(%arg11 : memref<80x16xf32, #tpu.memory_space<vmem>>) offsets(%dma_start3A_212 : memref<80xi32, #tpu.memory_space<vmem>>) semaphore(%arg17 : memref<!tpu.dma_semaphore, #tpu.memory_space<semaphore_mem>>)
      %dma_start3A_216 = arith.constant 0 : i32
      %dma_start3A_217 = tpu.memref_slice %arg8[%rem3A_209, %dma_start3A_216] : memref<25x80xi32, #tpu.memory_space<vmem>> -> memref<1x80xi32, #tpu.memory_space<vmem>>
      %dma_start3A_218 = tpu.memref_squeeze %dma_start3A_217 : memref<1x80xi32, #tpu.memory_space<vmem>> -> memref<80xi32, #tpu.memory_space<vmem>>
      %dma_start3A_219 = arith.constant 0 : i32
      %dma_start3A_220 = arith.constant 0 : i32
      %dma_start3A_221 = tpu.memref_slice %arg5[%dma_start3A_219, %dma_start3A_220] : memref<10240x144xf32, #tpu.memory_space<hbm>> -> memref<10240x144xf32, #tpu.memory_space<hbm>>
      tpu.enqueue_indirect_dma source(%dma_start3A_221 : memref<10240x144xf32, #tpu.memory_space<hbm>>) target(%arg13 : memref<80x144xf32, #tpu.memory_space<vmem>>) offsets(%dma_start3A_218 : memref<80xi32, #tpu.memory_space<vmem>>) semaphore(%arg17 : memref<!tpu.dma_semaphore, #tpu.memory_space<semaphore_mem>>)
      %scan3A_222 = arith.constant 0 : i32
      %scan3A_223 = arith.constant 0 : i32
      %scan3A_224 = arith.constant 80 : i32
      %scan3A_225 = arith.addi %scan3A_223, %scan3A_224 : i32
      %scan3A_226 = arith.constant 1 : i32
      %scan3A_227 = scf.for %scan3A_331 = %scan3A_223 to %scan3A_225 step %scan3A_226 iter_args(%scan3A_332 = %scan3A_222) -> (i32)  : i32 {
        %get3A_333 = arith.index_cast %scan3A_331 : i32 to index
        %get3A_334 = arith.constant 128 : index
        %get3A_335 = tpu.vector_load %arg12[%get3A_333, %get3A_334] {strides = array<i32>} : memref<80x144xf32, #tpu.memory_space<vmem>>, vector<1x16xf32>,
        %get3A_336 = vector.shape_cast %get3A_335 : vector<1x16xf32> to vector<16xf32>
        %get3A_337 = arith.index_cast %scan3A_331 : i32 to index
        %get3A_338 = arith.constant 0 : index
        %get3A_339 = tpu.vector_load %arg10[%get3A_337, %get3A_338] {strides = array<i32>} : memref<80x16xf32, #tpu.memory_space<vmem>>, vector<1x16xf32>,
        %get3A_340 = vector.shape_cast %get3A_339 : vector<1x16xf32> to vector<16xf32>
        %add3A_341 = arith.addf %get3A_336, %get3A_340 : vector<16xf32>
        %ge3A_342 = arith.constant 0.000000e+00 : f32
        %ge3A_343 = vector.broadcast %ge3A_342 : f32 to vector<16xf32>
        %ge3A_344 = arith.cmpf oge, %add3A_341, %ge3A_343 : vector<16xf32>
        %mul3A_345 = arith.constant 2.000000e-01 : f32
        %mul3A_346 = vector.broadcast %mul3A_345 : f32 to vector<16xf32>
        %mul3A_347 = arith.mulf %mul3A_346, %add3A_341 : vector<16xf32>
        %select_n3A = arith.select %ge3A_344, %add3A_341, %mul3A_347 : vector<16xi1>, vector<16xf32>
        %exp3A = math.exp %select_n3A : vector<16xf32>
        %jit3A = arith.constant 0.000000e+00 : f32
        %broadcast_in_dim3A_348 = vector.broadcast %jit3A : f32 to vector<16xf32>
        %select_n3A_349 = arith.select %lt3A_41, %exp3A, %broadcast_in_dim3A_348 : vector<16xi1>, vector<16xf32>
        %swap3A_350 = arith.index_cast %scan3A_331 : i32 to index
        %swap3A_351 = arith.constant 128 : index
        %swap3A_352 = tpu.vector_load %arg12[%swap3A_350, %swap3A_351] {strides = array<i32>} : memref<80x144xf32, #tpu.memory_space<vmem>>, vector<1x16xf32>,
        %swap3A_353 = vector.shape_cast %swap3A_352 : vector<1x16xf32> to vector<16xf32>
        %swap3A_354 = vector.shape_cast %select_n3A_349 : vector<16xf32> to vector<1x16xf32>
        tpu.vector_store %arg12[%swap3A_350, %swap3A_351], %swap3A_354 {strides = array<i32>} : memref<80x144xf32, #tpu.memory_space<vmem>>, vector<1x16xf32>,
        %slice3A = vector.extract_strided_slice %select_n3A_349 {offsets = [0], sizes = [1], strides = [1]} : vector<16xf32> to vector<1xf32>
        %squeeze3A = vector.extract %slice3A[0] : f32 from vector<1xf32>
        %get3A_355 = arith.index_cast %scan3A_331 : i32 to index
        %get3A_356 = arith.constant 0 : index
        %get3A_357 = tpu.vector_load %arg12[%get3A_355, %get3A_356] {strides = array<i32>} : memref<80x144xf32, #tpu.memory_space<vmem>>, vector<1x16xf32>,
        %get3A_358 = vector.shape_cast %get3A_357 : vector<1x16xf32> to vector<16xf32>
        %mul3A_359 = vector.broadcast %squeeze3A : f32 to vector<16xf32>
        %mul3A_360 = arith.mulf %get3A_358, %mul3A_359 : vector<16xf32>
        %swap3A_361 = arith.index_cast %scan3A_331 : i32 to index
        %swap3A_362 = arith.constant 0 : index
        %swap3A_363 = tpu.vector_load %arg12[%swap3A_361, %swap3A_362] {strides = array<i32>} : memref<80x144xf32, #tpu.memory_space<vmem>>, vector<1x16xf32>,
        %swap3A_364 = vector.shape_cast %swap3A_363 : vector<1x16xf32> to vector<16xf32>
        %swap3A_365 = vector.shape_cast %mul3A_360 : vector<16xf32> to vector<1x16xf32>
        tpu.vector_store %arg12[%swap3A_361, %swap3A_362], %swap3A_365 {strides = array<i32>} : memref<80x144xf32, #tpu.memory_space<vmem>>, vector<1x16xf32>,
        %slice3A_366 = vector.extract_strided_slice %select_n3A_349 {offsets = [1], sizes = [1], strides = [1]} : vector<16xf32> to vector<1xf32>
        %squeeze3A_367 = vector.extract %slice3A_366[0] : f32 from vector<1xf32>
        %get3A_368 = arith.index_cast %scan3A_331 : i32 to index
        %get3A_369 = arith.constant 16 : index
        %get3A_370 = tpu.vector_load %arg12[%get3A_368, %get3A_369] {strides = array<i32>} : memref<80x144xf32, #tpu.memory_space<vmem>>, vector<1x16xf32>,
        %get3A_371 = vector.shape_cast %get3A_370 : vector<1x16xf32> to vector<16xf32>
        %mul3A_372 = vector.broadcast %squeeze3A_367 : f32 to vector<16xf32>
        %mul3A_373 = arith.mulf %get3A_371, %mul3A_372 : vector<16xf32>
        %swap3A_374 = arith.index_cast %scan3A_331 : i32 to index
        %swap3A_375 = arith.constant 16 : index
        %swap3A_376 = tpu.vector_load %arg12[%swap3A_374, %swap3A_375] {strides = array<i32>} : memref<80x144xf32, #tpu.memory_space<vmem>>, vector<1x16xf32>,
        %swap3A_377 = vector.shape_cast %swap3A_376 : vector<1x16xf32> to vector<16xf32>
        %swap3A_378 = vector.shape_cast %mul3A_373 : vector<16xf32> to vector<1x16xf32>
        tpu.vector_store %arg12[%swap3A_374, %swap3A_375], %swap3A_378 {strides = array<i32>} : memref<80x144xf32, #tpu.memory_space<vmem>>, vector<1x16xf32>,
        %slice3A_379 = vector.extract_strided_slice %select_n3A_349 {offsets = [2], sizes = [1], strides = [1]} : vector<16xf32> to vector<1xf32>
        %squeeze3A_380 = vector.extract %slice3A_379[0] : f32 from vector<1xf32>
        %get3A_381 = arith.index_cast %scan3A_331 : i32 to index
        %get3A_382 = arith.constant 32 : index
        %get3A_383 = tpu.vector_load %arg12[%get3A_381, %get3A_382] {strides = array<i32>} : memref<80x144xf32, #tpu.memory_space<vmem>>, vector<1x16xf32>,
        %get3A_384 = vector.shape_cast %get3A_383 : vector<1x16xf32> to vector<16xf32>
        %mul3A_385 = vector.broadcast %squeeze3A_380 : f32 to vector<16xf32>
        %mul3A_386 = arith.mulf %get3A_384, %mul3A_385 : vector<16xf32>
        %swap3A_387 = arith.index_cast %scan3A_331 : i32 to index
        %swap3A_388 = arith.constant 32 : index
        %swap3A_389 = tpu.vector_load %arg12[%swap3A_387, %swap3A_388] {strides = array<i32>} : memref<80x144xf32, #tpu.memory_space<vmem>>, vector<1x16xf32>,
        %swap3A_390 = vector.shape_cast %swap3A_389 : vector<1x16xf32> to vector<16xf32>
        %swap3A_391 = vector.shape_cast %mul3A_386 : vector<16xf32> to vector<1x16xf32>
        tpu.vector_store %arg12[%swap3A_387, %swap3A_388], %swap3A_391 {strides = array<i32>} : memref<80x144xf32, #tpu.memory_space<vmem>>, vector<1x16xf32>,
        %slice3A_392 = vector.extract_strided_slice %select_n3A_349 {offsets = [3], sizes = [1], strides = [1]} : vector<16xf32> to vector<1xf32>
        %squeeze3A_393 = vector.extract %slice3A_392[0] : f32 from vector<1xf32>
        %get3A_394 = arith.index_cast %scan3A_331 : i32 to index
        %get3A_395 = arith.constant 48 : index
        %get3A_396 = tpu.vector_load %arg12[%get3A_394, %get3A_395] {strides = array<i32>} : memref<80x144xf32, #tpu.memory_space<vmem>>, vector<1x16xf32>,
        %get3A_397 = vector.shape_cast %get3A_396 : vector<1x16xf32> to vector<16xf32>
        %mul3A_398 = vector.broadcast %squeeze3A_393 : f32 to vector<16xf32>
        %mul3A_399 = arith.mulf %get3A_397, %mul3A_398 : vector<16xf32>
        %swap3A_400 = arith.index_cast %scan3A_331 : i32 to index
        %swap3A_401 = arith.constant 48 : index
        %swap3A_402 = tpu.vector_load %arg12[%swap3A_400, %swap3A_401] {strides = array<i32>} : memref<80x144xf32, #tpu.memory_space<vmem>>, vector<1x16xf32>,
        %swap3A_403 = vector.shape_cast %swap3A_402 : vector<1x16xf32> to vector<16xf32>
        %swap3A_404 = vector.shape_cast %mul3A_399 : vector<16xf32> to vector<1x16xf32>
        tpu.vector_store %arg12[%swap3A_400, %swap3A_401], %swap3A_404 {strides = array<i32>} : memref<80x144xf32, #tpu.memory_space<vmem>>, vector<1x16xf32>,
        %slice3A_405 = vector.extract_strided_slice %select_n3A_349 {offsets = [4], sizes = [1], strides = [1]} : vector<16xf32> to vector<1xf32>
        %squeeze3A_406 = vector.extract %slice3A_405[0] : f32 from vector<1xf32>
        %get3A_407 = arith.index_cast %scan3A_331 : i32 to index
        %get3A_408 = arith.constant 64 : index
        %get3A_409 = tpu.vector_load %arg12[%get3A_407, %get3A_408] {strides = array<i32>} : memref<80x144xf32, #tpu.memory_space<vmem>>, vector<1x16xf32>,
        %get3A_410 = vector.shape_cast %get3A_409 : vector<1x16xf32> to vector<16xf32>
        %mul3A_411 = vector.broadcast %squeeze3A_406 : f32 to vector<16xf32>
        %mul3A_412 = arith.mulf %get3A_410, %mul3A_411 : vector<16xf32>
        %swap3A_413 = arith.index_cast %scan3A_331 : i32 to index
        %swap3A_414 = arith.constant 64 : index
        %swap3A_415 = tpu.vector_load %arg12[%swap3A_413, %swap3A_414] {strides = array<i32>} : memref<80x144xf32, #tpu.memory_space<vmem>>, vector<1x16xf32>,
        %swap3A_416 = vector.shape_cast %swap3A_415 : vector<1x16xf32> to vector<16xf32>
        %swap3A_417 = vector.shape_cast %mul3A_412 : vector<16xf32> to vector<1x16xf32>
        tpu.vector_store %arg12[%swap3A_413, %swap3A_414], %swap3A_417 {strides = array<i32>} : memref<80x144xf32, #tpu.memory_space<vmem>>, vector<1x16xf32>,
        %slice3A_418 = vector.extract_strided_slice %select_n3A_349 {offsets = [5], sizes = [1], strides = [1]} : vector<16xf32> to vector<1xf32>
        %squeeze3A_419 = vector.extract %slice3A_418[0] : f32 from vector<1xf32>
        %get3A_420 = arith.index_cast %scan3A_331 : i32 to index
        %get3A_421 = arith.constant 80 : index
        %get3A_422 = tpu.vector_load %arg12[%get3A_420, %get3A_421] {strides = array<i32>} : memref<80x144xf32, #tpu.memory_space<vmem>>, vector<1x16xf32>,
        %get3A_423 = vector.shape_cast %get3A_422 : vector<1x16xf32> to vector<16xf32>
        %mul3A_424 = vector.broadcast %squeeze3A_419 : f32 to vector<16xf32>
        %mul3A_425 = arith.mulf %get3A_423, %mul3A_424 : vector<16xf32>
        %swap3A_426 = arith.index_cast %scan3A_331 : i32 to index
        %swap3A_427 = arith.constant 80 : index
        %swap3A_428 = tpu.vector_load %arg12[%swap3A_426, %swap3A_427] {strides = array<i32>} : memref<80x144xf32, #tpu.memory_space<vmem>>, vector<1x16xf32>,
        %swap3A_429 = vector.shape_cast %swap3A_428 : vector<1x16xf32> to vector<16xf32>
        %swap3A_430 = vector.shape_cast %mul3A_425 : vector<16xf32> to vector<1x16xf32>
        tpu.vector_store %arg12[%swap3A_426, %swap3A_427], %swap3A_430 {strides = array<i32>} : memref<80x144xf32, #tpu.memory_space<vmem>>, vector<1x16xf32>,
        %slice3A_431 = vector.extract_strided_slice %select_n3A_349 {offsets = [6], sizes = [1], strides = [1]} : vector<16xf32> to vector<1xf32>
        %squeeze3A_432 = vector.extract %slice3A_431[0] : f32 from vector<1xf32>
        %get3A_433 = arith.index_cast %scan3A_331 : i32 to index
        %get3A_434 = arith.constant 96 : index
        %get3A_435 = tpu.vector_load %arg12[%get3A_433, %get3A_434] {strides = array<i32>} : memref<80x144xf32, #tpu.memory_space<vmem>>, vector<1x16xf32>,
        %get3A_436 = vector.shape_cast %get3A_435 : vector<1x16xf32> to vector<16xf32>
        %mul3A_437 = vector.broadcast %squeeze3A_432 : f32 to vector<16xf32>
        %mul3A_438 = arith.mulf %get3A_436, %mul3A_437 : vector<16xf32>
        %swap3A_439 = arith.index_cast %scan3A_331 : i32 to index
        %swap3A_440 = arith.constant 96 : index
        %swap3A_441 = tpu.vector_load %arg12[%swap3A_439, %swap3A_440] {strides = array<i32>} : memref<80x144xf32, #tpu.memory_space<vmem>>, vector<1x16xf32>,
        %swap3A_442 = vector.shape_cast %swap3A_441 : vector<1x16xf32> to vector<16xf32>
        %swap3A_443 = vector.shape_cast %mul3A_438 : vector<16xf32> to vector<1x16xf32>
        tpu.vector_store %arg12[%swap3A_439, %swap3A_440], %swap3A_443 {strides = array<i32>} : memref<80x144xf32, #tpu.memory_space<vmem>>, vector<1x16xf32>,
        %slice3A_444 = vector.extract_strided_slice %select_n3A_349 {offsets = [7], sizes = [1], strides = [1]} : vector<16xf32> to vector<1xf32>
        %squeeze3A_445 = vector.extract %slice3A_444[0] : f32 from vector<1xf32>
        %get3A_446 = arith.index_cast %scan3A_331 : i32 to index
        %get3A_447 = arith.constant 112 : index
        %get3A_448 = tpu.vector_load %arg12[%get3A_446, %get3A_447] {strides = array<i32>} : memref<80x144xf32, #tpu.memory_space<vmem>>, vector<1x16xf32>,
        %get3A_449 = vector.shape_cast %get3A_448 : vector<1x16xf32> to vector<16xf32>
        %mul3A_450 = vector.broadcast %squeeze3A_445 : f32 to vector<16xf32>
        %mul3A_451 = arith.mulf %get3A_449, %mul3A_450 : vector<16xf32>
        %swap3A_452 = arith.index_cast %scan3A_331 : i32 to index
        %swap3A_453 = arith.constant 112 : index
        %swap3A_454 = tpu.vector_load %arg12[%swap3A_452, %swap3A_453] {strides = array<i32>} : memref<80x144xf32, #tpu.memory_space<vmem>>, vector<1x16xf32>,
        %swap3A_455 = vector.shape_cast %swap3A_454 : vector<1x16xf32> to vector<16xf32>
        %swap3A_456 = vector.shape_cast %mul3A_451 : vector<16xf32> to vector<1x16xf32>
        tpu.vector_store %arg12[%swap3A_452, %swap3A_453], %swap3A_456 {strides = array<i32>} : memref<80x144xf32, #tpu.memory_space<vmem>>, vector<1x16xf32>,
        %scan3A_457 = arith.constant 0 : i32
        scf.yield %scan3A_457 : i32
      }
      %scan3A_228 = arith.constant 80 : i32
      %dma_start3A_229 = arith.constant 0 : i32
      %dma_start3A_230 = arith.constant 0 : i32
      %dma_start3A_231 = tpu.memref_slice %arg7[%dma_start3A_229, %dma_start3A_230] : memref<10240x144xf32, #tpu.memory_space<vmem_shared>> -> memref<10240x144xf32, #tpu.memory_space<vmem_shared>>
      tpu.enqueue_indirect_dma source(%arg12 : memref<80x144xf32, #tpu.memory_space<vmem>>) target(%dma_start3A_231 : memref<10240x144xf32, #tpu.memory_space<vmem_shared>>) offsets(%arg14 : memref<80xi32, #tpu.memory_space<vmem>>) semaphore(%arg18 : memref<!tpu.dma_semaphore, #tpu.memory_space<semaphore_mem>>) {add = true}
      %mul3A_232 = arith.constant 2 : i32
      %mul3A_233 = arith.muli %mul3A_232, %scan3A_136 : i32
      %add3A_234 = arith.constant 1 : i32
      %add3A_235 = arith.addi %mul3A_233, %add3A_234 : i32
      %dma_wait3A_236 = arith.constant 0 : i32
      %dma_wait3A_237 = arith.constant 0 : i32
      %dma_wait3A_238 = tpu.memref_slice %arg9[%dma_wait3A_236, %dma_wait3A_237] : memref<25x80xi32, #tpu.memory_space<vmem>> -> memref<1x80xi32, #tpu.memory_space<vmem>>
      %dma_wait3A_239 = tpu.memref_squeeze %dma_wait3A_238 : memref<1x80xi32, #tpu.memory_space<vmem>> -> memref<80xi32, #tpu.memory_space<vmem>>
      %dma_wait3A_240 = arith.constant 0 : i32
      %dma_wait3A_241 = arith.constant 0 : i32
      %dma_wait3A_242 = tpu.memref_slice %arg4[%dma_wait3A_240, %dma_wait3A_241] : memref<10240x16xf32, #tpu.memory_space<hbm>> -> memref<10240x16xf32, #tpu.memory_space<hbm>>
      tpu.wait_indirect_dma semaphore(%arg17 : memref<!tpu.dma_semaphore, #tpu.memory_space<semaphore_mem>>) src(%dma_wait3A_242 : memref<10240x16xf32, #tpu.memory_space<hbm>>) dst(%arg11 : memref<80x16xf32, #tpu.memory_space<vmem>>)
      %dma_wait3A_243 = arith.constant 0 : i32
      %dma_wait3A_244 = arith.constant 0 : i32
      %dma_wait3A_245 = tpu.memref_slice %arg8[%dma_wait3A_243, %dma_wait3A_244] : memref<25x80xi32, #tpu.memory_space<vmem>> -> memref<1x80xi32, #tpu.memory_space<vmem>>
      %dma_wait3A_246 = tpu.memref_squeeze %dma_wait3A_245 : memref<1x80xi32, #tpu.memory_space<vmem>> -> memref<80xi32, #tpu.memory_space<vmem>>
      %dma_wait3A_247 = arith.constant 0 : i32
      %dma_wait3A_248 = arith.constant 0 : i32
      %dma_wait3A_249 = tpu.memref_slice %arg5[%dma_wait3A_247, %dma_wait3A_248] : memref<10240x144xf32, #tpu.memory_space<hbm>> -> memref<10240x144xf32, #tpu.memory_space<hbm>>
      tpu.wait_indirect_dma semaphore(%arg17 : memref<!tpu.dma_semaphore, #tpu.memory_space<semaphore_mem>>) src(%dma_wait3A_249 : memref<10240x144xf32, #tpu.memory_space<hbm>>) dst(%arg13 : memref<80x144xf32, #tpu.memory_space<vmem>>)
      %rem3A_250 = arith.constant 25 : i32
      %rem3A_251 = arith.remsi %add3A_235, %rem3A_250 : i32
      %get3A_252 = arith.index_cast %rem3A_251 : i32 to index
      %get3A_253 = arith.constant 0 : index
      %get3A_254 = tpu.vector_load %arg9[%get3A_252, %get3A_253] {strides = array<i32>} : memref<25x80xi32, #tpu.memory_space<vmem>>, vector<1x16xi32>,
      %get3A_255 = vector.shape_cast %get3A_254 : vector<1x16xi32> to vector<16xi32>
      %swap3A_256 = arith.constant 0 : index
      %swap3A_257 = tpu.vector_load %arg15[%swap3A_256] {strides = array<i32>} : memref<80xi32, #tpu.memory_space<vmem>>, vector<16xi32>,
      %swap3A_258 = vector.shape_cast %swap3A_257 : vector<16xi32> to vector<16xi32>
      %swap3A_259 = vector.shape_cast %get3A_255 : vector<16xi32> to vector<16xi32>
      tpu.vector_store %arg15[%swap3A_256], %swap3A_259 {strides = array<i32>} : memref<80xi32, #tpu.memory_space<vmem>>, vector<16xi32>,
      %get3A_260 = arith.index_cast %rem3A_251 : i32 to index
      %get3A_261 = arith.constant 16 : index
      %get3A_262 = tpu.vector_load %arg9[%get3A_260, %get3A_261] {strides = array<i32>} : memref<25x80xi32, #tpu.memory_space<vmem>>, vector<1x16xi32>,
      %get3A_263 = vector.shape_cast %get3A_262 : vector<1x16xi32> to vector<16xi32>
      %swap3A_264 = arith.constant 16 : index
      %swap3A_265 = tpu.vector_load %arg15[%swap3A_264] {strides = array<i32>} : memref<80xi32, #tpu.memory_space<vmem>>, vector<16xi32>,
      %swap3A_266 = vector.shape_cast %swap3A_265 : vector<16xi32> to vector<16xi32>
      %swap3A_267 = vector.shape_cast %get3A_263 : vector<16xi32> to vector<16xi32>
      tpu.vector_store %arg15[%swap3A_264], %swap3A_267 {strides = array<i32>} : memref<80xi32, #tpu.memory_space<vmem>>, vector<16xi32>,
      %get3A_268 = arith.index_cast %rem3A_251 : i32 to index
      %get3A_269 = arith.constant 32 : index
      %get3A_270 = tpu.vector_load %arg9[%get3A_268, %get3A_269] {strides = array<i32>} : memref<25x80xi32, #tpu.memory_space<vmem>>, vector<1x16xi32>,
      %get3A_271 = vector.shape_cast %get3A_270 : vector<1x16xi32> to vector<16xi32>
      %swap3A_272 = arith.constant 32 : index
      %swap3A_273 = tpu.vector_load %arg15[%swap3A_272] {strides = array<i32>} : memref<80xi32, #tpu.memory_space<vmem>>, vector<16xi32>,
      %swap3A_274 = vector.shape_cast %swap3A_273 : vector<16xi32> to vector<16xi32>
      %swap3A_275 = vector.shape_cast %get3A_271 : vector<16xi32> to vector<16xi32>
      tpu.vector_store %arg15[%swap3A_272], %swap3A_275 {strides = array<i32>} : memref<80xi32, #tpu.memory_space<vmem>>, vector<16xi32>,
      %get3A_276 = arith.index_cast %rem3A_251 : i32 to index
      %get3A_277 = arith.constant 48 : index
      %get3A_278 = tpu.vector_load %arg9[%get3A_276, %get3A_277] {strides = array<i32>} : memref<25x80xi32, #tpu.memory_space<vmem>>, vector<1x16xi32>,
      %get3A_279 = vector.shape_cast %get3A_278 : vector<1x16xi32> to vector<16xi32>
      %swap3A_280 = arith.constant 48 : index
      %swap3A_281 = tpu.vector_load %arg15[%swap3A_280] {strides = array<i32>} : memref<80xi32, #tpu.memory_space<vmem>>, vector<16xi32>,
      %swap3A_282 = vector.shape_cast %swap3A_281 : vector<16xi32> to vector<16xi32>
      %swap3A_283 = vector.shape_cast %get3A_279 : vector<16xi32> to vector<16xi32>
      tpu.vector_store %arg15[%swap3A_280], %swap3A_283 {strides = array<i32>} : memref<80xi32, #tpu.memory_space<vmem>>, vector<16xi32>,
      %get3A_284 = arith.index_cast %rem3A_251 : i32 to index
      %get3A_285 = arith.constant 64 : index
      %get3A_286 = tpu.vector_load %arg9[%get3A_284, %get3A_285] {strides = array<i32>} : memref<25x80xi32, #tpu.memory_space<vmem>>, vector<1x16xi32>,
      %get3A_287 = vector.shape_cast %get3A_286 : vector<1x16xi32> to vector<16xi32>
      %swap3A_288 = arith.constant 64 : index
      %swap3A_289 = tpu.vector_load %arg15[%swap3A_288] {strides = array<i32>} : memref<80xi32, #tpu.memory_space<vmem>>, vector<16xi32>,
      %swap3A_290 = vector.shape_cast %swap3A_289 : vector<16xi32> to vector<16xi32>
      %swap3A_291 = vector.shape_cast %get3A_287 : vector<16xi32> to vector<16xi32>
      tpu.vector_store %arg15[%swap3A_288], %swap3A_291 {strides = array<i32>} : memref<80xi32, #tpu.memory_space<vmem>>, vector<16xi32>,
      %add3A_292 = arith.constant 1 : i32
      %add3A_293 = arith.addi %add3A_235, %add3A_292 : i32
      %rem3A_294 = arith.constant 25 : i32
      %rem3A_295 = arith.remsi %add3A_293, %rem3A_294 : i32
      %eq3A_296 = arith.constant 0 : i32
      %eq3A_297 = arith.cmpi eq, %rem3A_295, %eq3A_296 : i32
      %convert_element_type3A_298 = arith.extui %eq3A_297 : i1 to i32
      %cond3A_299 = arith.constant 0 : i32
      %cond3A_300 = arith.cmpi ne, %convert_element_type3A_298, %cond3A_299 : i32
      scf.if %cond3A_300 {
        %jit3A = arith.constant 25 : i32
        %div3A = arith.divsi %add3A_293, %jit3A : i32
        %sign3A = arith.constant 0 : i32
        %sign3A_331 = arith.cmpi sgt, %add3A_293, %sign3A : i32
        %sign3A_332 = arith.extui %sign3A_331 : i1 to i32
        %sign3A_333 = arith.constant 0 : i32
        %sign3A_334 = arith.cmpi slt, %add3A_293, %sign3A_333 : i32
        %sign3A_335 = arith.extui %sign3A_334 : i1 to i32
        %sign3A_336 = arith.subi %sign3A_332, %sign3A_335 : i32
        %sign3A_337 = arith.constant 0 : i32
        %sign3A_338 = arith.cmpi sgt, %jit3A, %sign3A_337 : i32
        %sign3A_339 = arith.extui %sign3A_338 : i1 to i32
        %sign3A_340 = arith.constant 0 : i32
        %sign3A_341 = arith.cmpi slt, %jit3A, %sign3A_340 : i32
        %sign3A_342 = arith.extui %sign3A_341 : i1 to i32
        %sign3A_343 = arith.subi %sign3A_339, %sign3A_342 : i32
        %ne3A = arith.cmpi ne, %sign3A_336, %sign3A_343 : i32
        %rem3A_344 = arith.remsi %add3A_293, %jit3A : i32
        %ne3A_345 = arith.constant 0 : i32
        %ne3A_346 = arith.cmpi ne, %rem3A_344, %ne3A_345 : i32
        %and3A = arith.andi %ne3A, %ne3A_346 : i1
        %sub3A = arith.constant 1 : i32
        %sub3A_347 = arith.subi %div3A, %sub3A : i32
        %select_n3A = arith.select %and3A, %sub3A_347, %div3A : i32
        "tpu.region"() ({
          %run_scoped3A_348 = tpu.sem_alloc : memref<!tpu.dma_semaphore, #tpu.memory_space<semaphore_mem>>
          %dma_start3A_349 = arith.constant 0 : i32
          %dma_start3A_350 = arith.constant 0 : i32
          %dma_start3A_351 = tpu.memref_slice %arg2[%add3A, %select_n3A, %dma_start3A_349, %dma_start3A_350] : memref<32x5x25x80xi32, #tpu.memory_space<hbm>> -> memref<1x1x25x80xi32, #tpu.memory_space<hbm>>
          %dma_start3A_352 = tpu.memref_squeeze %dma_start3A_351 : memref<1x1x25x80xi32, #tpu.memory_space<hbm>> -> memref<25x80xi32, #tpu.memory_space<hbm>>
          %dma_start3A_353 = arith.constant 0 : i32
          %dma_start3A_354 = arith.constant 0 : i32
          %dma_start3A_355 = tpu.memref_slice %arg2[%add3A, %select_n3A, %dma_start3A_353, %dma_start3A_354] : memref<32x5x25x80xi32, #tpu.memory_space<hbm>> -> memref<1x1x25x80xi32, #tpu.memory_space<hbm>>
          %dma_start3A_356 = tpu.memref_squeeze %dma_start3A_355 : memref<1x1x25x80xi32, #tpu.memory_space<hbm>> -> memref<25x80xi32, #tpu.memory_space<hbm>>
          tpu.enqueue_dma source(%dma_start3A_356 : memref<25x80xi32, #tpu.memory_space<hbm>>) target(%arg8 : memref<25x80xi32, #tpu.memory_space<vmem>>) target_semaphore(%run_scoped3A_348 : memref<!tpu.dma_semaphore, #tpu.memory_space<semaphore_mem>>)
          %dma_wait3A_357 = arith.constant 0 : i32
          %dma_wait3A_358 = arith.constant 0 : i32
          %dma_wait3A_359 = tpu.memref_slice %arg2[%add3A, %select_n3A, %dma_wait3A_357, %dma_wait3A_358] : memref<32x5x25x80xi32, #tpu.memory_space<hbm>> -> memref<1x1x25x80xi32, #tpu.memory_space<hbm>>
          %dma_wait3A_360 = tpu.memref_squeeze %dma_wait3A_359 : memref<1x1x25x80xi32, #tpu.memory_space<hbm>> -> memref<25x80xi32, #tpu.memory_space<hbm>>
          %dma_wait3A_361 = arith.constant 0 : i32
          %dma_wait3A_362 = arith.constant 0 : i32
          %dma_wait3A_363 = tpu.memref_slice %arg2[%add3A, %select_n3A, %dma_wait3A_361, %dma_wait3A_362] : memref<32x5x25x80xi32, #tpu.memory_space<hbm>> -> memref<1x1x25x80xi32, #tpu.memory_space<hbm>>
          %dma_wait3A_364 = tpu.memref_squeeze %dma_wait3A_363 : memref<1x1x25x80xi32, #tpu.memory_space<hbm>> -> memref<25x80xi32, #tpu.memory_space<hbm>>
          tpu.wait_dma2 semaphore(%run_scoped3A_348 : memref<!tpu.dma_semaphore, #tpu.memory_space<semaphore_mem>>) src(%dma_wait3A_364 : memref<25x80xi32, #tpu.memory_space<hbm>>) dst(%arg8 : memref<25x80xi32, #tpu.memory_space<vmem>>)
          tpu.yield
        }) : () -> ()
        "tpu.region"() ({
          %run_scoped3A_348 = tpu.sem_alloc : memref<!tpu.dma_semaphore, #tpu.memory_space<semaphore_mem>>
          %dma_start3A_349 = arith.constant 0 : i32
          %dma_start3A_350 = arith.constant 0 : i32
          %dma_start3A_351 = tpu.memref_slice %arg3[%add3A, %select_n3A, %dma_start3A_349, %dma_start3A_350] : memref<32x5x25x80xi32, #tpu.memory_space<hbm>> -> memref<1x1x25x80xi32, #tpu.memory_space<hbm>>
          %dma_start3A_352 = tpu.memref_squeeze %dma_start3A_351 : memref<1x1x25x80xi32, #tpu.memory_space<hbm>> -> memref<25x80xi32, #tpu.memory_space<hbm>>
          %dma_start3A_353 = arith.constant 0 : i32
          %dma_start3A_354 = arith.constant 0 : i32
          %dma_start3A_355 = tpu.memref_slice %arg3[%add3A, %select_n3A, %dma_start3A_353, %dma_start3A_354] : memref<32x5x25x80xi32, #tpu.memory_space<hbm>> -> memref<1x1x25x80xi32, #tpu.memory_space<hbm>>
          %dma_start3A_356 = tpu.memref_squeeze %dma_start3A_355 : memref<1x1x25x80xi32, #tpu.memory_space<hbm>> -> memref<25x80xi32, #tpu.memory_space<hbm>>
          tpu.enqueue_dma source(%dma_start3A_356 : memref<25x80xi32, #tpu.memory_space<hbm>>) target(%arg9 : memref<25x80xi32, #tpu.memory_space<vmem>>) target_semaphore(%run_scoped3A_348 : memref<!tpu.dma_semaphore, #tpu.memory_space<semaphore_mem>>)
          %dma_wait3A_357 = arith.constant 0 : i32
          %dma_wait3A_358 = arith.constant 0 : i32
          %dma_wait3A_359 = tpu.memref_slice %arg3[%add3A, %select_n3A, %dma_wait3A_357, %dma_wait3A_358] : memref<32x5x25x80xi32, #tpu.memory_space<hbm>> -> memref<1x1x25x80xi32, #tpu.memory_space<hbm>>
          %dma_wait3A_360 = tpu.memref_squeeze %dma_wait3A_359 : memref<1x1x25x80xi32, #tpu.memory_space<hbm>> -> memref<25x80xi32, #tpu.memory_space<hbm>>
          %dma_wait3A_361 = arith.constant 0 : i32
          %dma_wait3A_362 = arith.constant 0 : i32
          %dma_wait3A_363 = tpu.memref_slice %arg3[%add3A, %select_n3A, %dma_wait3A_361, %dma_wait3A_362] : memref<32x5x25x80xi32, #tpu.memory_space<hbm>> -> memref<1x1x25x80xi32, #tpu.memory_space<hbm>>
          %dma_wait3A_364 = tpu.memref_squeeze %dma_wait3A_363 : memref<1x1x25x80xi32, #tpu.memory_space<hbm>> -> memref<25x80xi32, #tpu.memory_space<hbm>>
          tpu.wait_dma2 semaphore(%run_scoped3A_348 : memref<!tpu.dma_semaphore, #tpu.memory_space<semaphore_mem>>) src(%dma_wait3A_364 : memref<25x80xi32, #tpu.memory_space<hbm>>) dst(%arg9 : memref<25x80xi32, #tpu.memory_space<vmem>>)
          tpu.yield
        }) : () -> ()
      } else {
      }
      %ge3A_301 = arith.constant 1 : i32
      %ge3A_302 = arith.cmpi sge, %add3A_235, %ge3A_301 : i32
      %convert_element_type3A_303 = arith.extui %ge3A_302 : i1 to i32
      %cond3A_304 = arith.constant 0 : i32
      %cond3A_305 = arith.cmpi ne, %convert_element_type3A_303, %cond3A_304 : i32
      scf.if %cond3A_305 {
        %dma_wait3A_331 = arith.constant 0 : i32
        %dma_wait3A_332 = arith.constant 0 : i32
        %dma_wait3A_333 = tpu.memref_slice %arg7[%dma_wait3A_331, %dma_wait3A_332] : memref<10240x144xf32, #tpu.memory_space<vmem_shared>> -> memref<10240x144xf32, #tpu.memory_space<vmem_shared>>
        tpu.wait_indirect_dma semaphore(%arg18 : memref<!tpu.dma_semaphore, #tpu.memory_space<semaphore_mem>>) src(%arg12 : memref<80x144xf32, #tpu.memory_space<vmem>>) dst(%dma_wait3A_333 : memref<10240x144xf32, #tpu.memory_space<vmem_shared>>)
      } else {
      }
      %rem3A_306 = arith.constant 25 : i32
      %rem3A_307 = arith.remsi %add3A_293, %rem3A_306 : i32
      %dma_start3A_308 = arith.constant 0 : i32
      %dma_start3A_309 = tpu.memref_slice %arg9[%rem3A_307, %dma_start3A_308] : memref<25x80xi32, #tpu.memory_space<vmem>> -> memref<1x80xi32, #tpu.memory_space<vmem>>
      %dma_start3A_310 = tpu.memref_squeeze %dma_start3A_309 : memref<1x80xi32, #tpu.memory_space<vmem>> -> memref<80xi32, #tpu.memory_space<vmem>>
      %dma_start3A_311 = arith.constant 0 : i32
      %dma_start3A_312 = arith.constant 0 : i32
      %dma_start3A_313 = tpu.memref_slice %arg4[%dma_start3A_311, %dma_start3A_312] : memref<10240x16xf32, #tpu.memory_space<hbm>> -> memref<10240x16xf32, #tpu.memory_space<hbm>>
      tpu.enqueue_indirect_dma source(%dma_start3A_313 : memref<10240x16xf32, #tpu.memory_space<hbm>>) target(%arg10 : memref<80x16xf32, #tpu.memory_space<vmem>>) offsets(%dma_start3A_310 : memref<80xi32, #tpu.memory_space<vmem>>) semaphore(%arg16 : memref<!tpu.dma_semaphore, #tpu.memory_space<semaphore_mem>>)
      %dma_start3A_314 = arith.constant 0 : i32
      %dma_start3A_315 = tpu.memref_slice %arg8[%rem3A_307, %dma_start3A_314] : memref<25x80xi32, #tpu.memory_space<vmem>> -> memref<1x80xi32, #tpu.memory_space<vmem>>
      %dma_start3A_316 = tpu.memref_squeeze %dma_start3A_315 : memref<1x80xi32, #tpu.memory_space<vmem>> -> memref<80xi32, #tpu.memory_space<vmem>>
      %dma_start3A_317 = arith.constant 0 : i32
      %dma_start3A_318 = arith.constant 0 : i32
      %dma_start3A_319 = tpu.memref_slice %arg5[%dma_start3A_317, %dma_start3A_318] : memref<10240x144xf32, #tpu.memory_space<hbm>> -> memref<10240x144xf32, #tpu.memory_space<hbm>>
      tpu.enqueue_indirect_dma source(%dma_start3A_319 : memref<10240x144xf32, #tpu.memory_space<hbm>>) target(%arg12 : memref<80x144xf32, #tpu.memory_space<vmem>>) offsets(%dma_start3A_316 : memref<80xi32, #tpu.memory_space<vmem>>) semaphore(%arg16 : memref<!tpu.dma_semaphore, #tpu.memory_space<semaphore_mem>>)
      %scan3A_320 = arith.constant 0 : i32
      %scan3A_321 = arith.constant 0 : i32
      %scan3A_322 = arith.constant 80 : i32
      %scan3A_323 = arith.addi %scan3A_321, %scan3A_322 : i32
      %scan3A_324 = arith.constant 1 : i32
      %scan3A_325 = scf.for %scan3A_331 = %scan3A_321 to %scan3A_323 step %scan3A_324 iter_args(%scan3A_332 = %scan3A_320) -> (i32)  : i32 {
        %get3A_333 = arith.index_cast %scan3A_331 : i32 to index
        %get3A_334 = arith.constant 128 : index
        %get3A_335 = tpu.vector_load %arg13[%get3A_333, %get3A_334] {strides = array<i32>} : memref<80x144xf32, #tpu.memory_space<vmem>>, vector<1x16xf32>,
        %get3A_336 = vector.shape_cast %get3A_335 : vector<1x16xf32> to vector<16xf32>
        %get3A_337 = arith.index_cast %scan3A_331 : i32 to index
        %get3A_338 = arith.constant 0 : index
        %get3A_339 = tpu.vector_load %arg11[%get3A_337, %get3A_338] {strides = array<i32>} : memref<80x16xf32, #tpu.memory_space<vmem>>, vector<1x16xf32>,
        %get3A_340 = vector.shape_cast %get3A_339 : vector<1x16xf32> to vector<16xf32>
        %add3A_341 = arith.addf %get3A_336, %get3A_340 : vector<16xf32>
        %ge3A_342 = arith.constant 0.000000e+00 : f32
        %ge3A_343 = vector.broadcast %ge3A_342 : f32 to vector<16xf32>
        %ge3A_344 = arith.cmpf oge, %add3A_341, %ge3A_343 : vector<16xf32>
        %mul3A_345 = arith.constant 2.000000e-01 : f32
        %mul3A_346 = vector.broadcast %mul3A_345 : f32 to vector<16xf32>
        %mul3A_347 = arith.mulf %mul3A_346, %add3A_341 : vector<16xf32>
        %select_n3A = arith.select %ge3A_344, %add3A_341, %mul3A_347 : vector<16xi1>, vector<16xf32>
        %exp3A = math.exp %select_n3A : vector<16xf32>
        %jit3A = arith.constant 0.000000e+00 : f32
        %broadcast_in_dim3A_348 = vector.broadcast %jit3A : f32 to vector<16xf32>
        %select_n3A_349 = arith.select %lt3A_41, %exp3A, %broadcast_in_dim3A_348 : vector<16xi1>, vector<16xf32>
        %swap3A_350 = arith.index_cast %scan3A_331 : i32 to index
        %swap3A_351 = arith.constant 128 : index
        %swap3A_352 = tpu.vector_load %arg13[%swap3A_350, %swap3A_351] {strides = array<i32>} : memref<80x144xf32, #tpu.memory_space<vmem>>, vector<1x16xf32>,
        %swap3A_353 = vector.shape_cast %swap3A_352 : vector<1x16xf32> to vector<16xf32>
        %swap3A_354 = vector.shape_cast %select_n3A_349 : vector<16xf32> to vector<1x16xf32>
        tpu.vector_store %arg13[%swap3A_350, %swap3A_351], %swap3A_354 {strides = array<i32>} : memref<80x144xf32, #tpu.memory_space<vmem>>, vector<1x16xf32>,
        %slice3A = vector.extract_strided_slice %select_n3A_349 {offsets = [0], sizes = [1], strides = [1]} : vector<16xf32> to vector<1xf32>
        %squeeze3A = vector.extract %slice3A[0] : f32 from vector<1xf32>
        %get3A_355 = arith.index_cast %scan3A_331 : i32 to index
        %get3A_356 = arith.constant 0 : index
        %get3A_357 = tpu.vector_load %arg13[%get3A_355, %get3A_356] {strides = array<i32>} : memref<80x144xf32, #tpu.memory_space<vmem>>, vector<1x16xf32>,
        %get3A_358 = vector.shape_cast %get3A_357 : vector<1x16xf32> to vector<16xf32>
        %mul3A_359 = vector.broadcast %squeeze3A : f32 to vector<16xf32>
        %mul3A_360 = arith.mulf %get3A_358, %mul3A_359 : vector<16xf32>
        %swap3A_361 = arith.index_cast %scan3A_331 : i32 to index
        %swap3A_362 = arith.constant 0 : index
        %swap3A_363 = tpu.vector_load %arg13[%swap3A_361, %swap3A_362] {strides = array<i32>} : memref<80x144xf32, #tpu.memory_space<vmem>>, vector<1x16xf32>,
        %swap3A_364 = vector.shape_cast %swap3A_363 : vector<1x16xf32> to vector<16xf32>
        %swap3A_365 = vector.shape_cast %mul3A_360 : vector<16xf32> to vector<1x16xf32>
        tpu.vector_store %arg13[%swap3A_361, %swap3A_362], %swap3A_365 {strides = array<i32>} : memref<80x144xf32, #tpu.memory_space<vmem>>, vector<1x16xf32>,
        %slice3A_366 = vector.extract_strided_slice %select_n3A_349 {offsets = [1], sizes = [1], strides = [1]} : vector<16xf32> to vector<1xf32>
        %squeeze3A_367 = vector.extract %slice3A_366[0] : f32 from vector<1xf32>
        %get3A_368 = arith.index_cast %scan3A_331 : i32 to index
        %get3A_369 = arith.constant 16 : index
        %get3A_370 = tpu.vector_load %arg13[%get3A_368, %get3A_369] {strides = array<i32>} : memref<80x144xf32, #tpu.memory_space<vmem>>, vector<1x16xf32>,
        %get3A_371 = vector.shape_cast %get3A_370 : vector<1x16xf32> to vector<16xf32>
        %mul3A_372 = vector.broadcast %squeeze3A_367 : f32 to vector<16xf32>
        %mul3A_373 = arith.mulf %get3A_371, %mul3A_372 : vector<16xf32>
        %swap3A_374 = arith.index_cast %scan3A_331 : i32 to index
        %swap3A_375 = arith.constant 16 : index
        %swap3A_376 = tpu.vector_load %arg13[%swap3A_374, %swap3A_375] {strides = array<i32>} : memref<80x144xf32, #tpu.memory_space<vmem>>, vector<1x16xf32>,
        %swap3A_377 = vector.shape_cast %swap3A_376 : vector<1x16xf32> to vector<16xf32>
        %swap3A_378 = vector.shape_cast %mul3A_373 : vector<16xf32> to vector<1x16xf32>
        tpu.vector_store %arg13[%swap3A_374, %swap3A_375], %swap3A_378 {strides = array<i32>} : memref<80x144xf32, #tpu.memory_space<vmem>>, vector<1x16xf32>,
        %slice3A_379 = vector.extract_strided_slice %select_n3A_349 {offsets = [2], sizes = [1], strides = [1]} : vector<16xf32> to vector<1xf32>
        %squeeze3A_380 = vector.extract %slice3A_379[0] : f32 from vector<1xf32>
        %get3A_381 = arith.index_cast %scan3A_331 : i32 to index
        %get3A_382 = arith.constant 32 : index
        %get3A_383 = tpu.vector_load %arg13[%get3A_381, %get3A_382] {strides = array<i32>} : memref<80x144xf32, #tpu.memory_space<vmem>>, vector<1x16xf32>,
        %get3A_384 = vector.shape_cast %get3A_383 : vector<1x16xf32> to vector<16xf32>
        %mul3A_385 = vector.broadcast %squeeze3A_380 : f32 to vector<16xf32>
        %mul3A_386 = arith.mulf %get3A_384, %mul3A_385 : vector<16xf32>
        %swap3A_387 = arith.index_cast %scan3A_331 : i32 to index
        %swap3A_388 = arith.constant 32 : index
        %swap3A_389 = tpu.vector_load %arg13[%swap3A_387, %swap3A_388] {strides = array<i32>} : memref<80x144xf32, #tpu.memory_space<vmem>>, vector<1x16xf32>,
        %swap3A_390 = vector.shape_cast %swap3A_389 : vector<1x16xf32> to vector<16xf32>
        %swap3A_391 = vector.shape_cast %mul3A_386 : vector<16xf32> to vector<1x16xf32>
        tpu.vector_store %arg13[%swap3A_387, %swap3A_388], %swap3A_391 {strides = array<i32>} : memref<80x144xf32, #tpu.memory_space<vmem>>, vector<1x16xf32>,
        %slice3A_392 = vector.extract_strided_slice %select_n3A_349 {offsets = [3], sizes = [1], strides = [1]} : vector<16xf32> to vector<1xf32>
        %squeeze3A_393 = vector.extract %slice3A_392[0] : f32 from vector<1xf32>
        %get3A_394 = arith.index_cast %scan3A_331 : i32 to index
        %get3A_395 = arith.constant 48 : index
        %get3A_396 = tpu.vector_load %arg13[%get3A_394, %get3A_395] {strides = array<i32>} : memref<80x144xf32, #tpu.memory_space<vmem>>, vector<1x16xf32>,
        %get3A_397 = vector.shape_cast %get3A_396 : vector<1x16xf32> to vector<16xf32>
        %mul3A_398 = vector.broadcast %squeeze3A_393 : f32 to vector<16xf32>
        %mul3A_399 = arith.mulf %get3A_397, %mul3A_398 : vector<16xf32>
        %swap3A_400 = arith.index_cast %scan3A_331 : i32 to index
        %swap3A_401 = arith.constant 48 : index
        %swap3A_402 = tpu.vector_load %arg13[%swap3A_400, %swap3A_401] {strides = array<i32>} : memref<80x144xf32, #tpu.memory_space<vmem>>, vector<1x16xf32>,
        %swap3A_403 = vector.shape_cast %swap3A_402 : vector<1x16xf32> to vector<16xf32>
        %swap3A_404 = vector.shape_cast %mul3A_399 : vector<16xf32> to vector<1x16xf32>
        tpu.vector_store %arg13[%swap3A_400, %swap3A_401], %swap3A_404 {strides = array<i32>} : memref<80x144xf32, #tpu.memory_space<vmem>>, vector<1x16xf32>,
        %slice3A_405 = vector.extract_strided_slice %select_n3A_349 {offsets = [4], sizes = [1], strides = [1]} : vector<16xf32> to vector<1xf32>
        %squeeze3A_406 = vector.extract %slice3A_405[0] : f32 from vector<1xf32>
        %get3A_407 = arith.index_cast %scan3A_331 : i32 to index
        %get3A_408 = arith.constant 64 : index
        %get3A_409 = tpu.vector_load %arg13[%get3A_407, %get3A_408] {strides = array<i32>} : memref<80x144xf32, #tpu.memory_space<vmem>>, vector<1x16xf32>,
        %get3A_410 = vector.shape_cast %get3A_409 : vector<1x16xf32> to vector<16xf32>
        %mul3A_411 = vector.broadcast %squeeze3A_406 : f32 to vector<16xf32>
        %mul3A_412 = arith.mulf %get3A_410, %mul3A_411 : vector<16xf32>
        %swap3A_413 = arith.index_cast %scan3A_331 : i32 to index
        %swap3A_414 = arith.constant 64 : index
        %swap3A_415 = tpu.vector_load %arg13[%swap3A_413, %swap3A_414] {strides = array<i32>} : memref<80x144xf32, #tpu.memory_space<vmem>>, vector<1x16xf32>,
        %swap3A_416 = vector.shape_cast %swap3A_415 : vector<1x16xf32> to vector<16xf32>
        %swap3A_417 = vector.shape_cast %mul3A_412 : vector<16xf32> to vector<1x16xf32>
        tpu.vector_store %arg13[%swap3A_413, %swap3A_414], %swap3A_417 {strides = array<i32>} : memref<80x144xf32, #tpu.memory_space<vmem>>, vector<1x16xf32>,
        %slice3A_418 = vector.extract_strided_slice %select_n3A_349 {offsets = [5], sizes = [1], strides = [1]} : vector<16xf32> to vector<1xf32>
        %squeeze3A_419 = vector.extract %slice3A_418[0] : f32 from vector<1xf32>
        %get3A_420 = arith.index_cast %scan3A_331 : i32 to index
        %get3A_421 = arith.constant 80 : index
        %get3A_422 = tpu.vector_load %arg13[%get3A_420, %get3A_421] {strides = array<i32>} : memref<80x144xf32, #tpu.memory_space<vmem>>, vector<1x16xf32>,
        %get3A_423 = vector.shape_cast %get3A_422 : vector<1x16xf32> to vector<16xf32>
        %mul3A_424 = vector.broadcast %squeeze3A_419 : f32 to vector<16xf32>
        %mul3A_425 = arith.mulf %get3A_423, %mul3A_424 : vector<16xf32>
        %swap3A_426 = arith.index_cast %scan3A_331 : i32 to index
        %swap3A_427 = arith.constant 80 : index
        %swap3A_428 = tpu.vector_load %arg13[%swap3A_426, %swap3A_427] {strides = array<i32>} : memref<80x144xf32, #tpu.memory_space<vmem>>, vector<1x16xf32>,
        %swap3A_429 = vector.shape_cast %swap3A_428 : vector<1x16xf32> to vector<16xf32>
        %swap3A_430 = vector.shape_cast %mul3A_425 : vector<16xf32> to vector<1x16xf32>
        tpu.vector_store %arg13[%swap3A_426, %swap3A_427], %swap3A_430 {strides = array<i32>} : memref<80x144xf32, #tpu.memory_space<vmem>>, vector<1x16xf32>,
        %slice3A_431 = vector.extract_strided_slice %select_n3A_349 {offsets = [6], sizes = [1], strides = [1]} : vector<16xf32> to vector<1xf32>
        %squeeze3A_432 = vector.extract %slice3A_431[0] : f32 from vector<1xf32>
        %get3A_433 = arith.index_cast %scan3A_331 : i32 to index
        %get3A_434 = arith.constant 96 : index
        %get3A_435 = tpu.vector_load %arg13[%get3A_433, %get3A_434] {strides = array<i32>} : memref<80x144xf32, #tpu.memory_space<vmem>>, vector<1x16xf32>,
        %get3A_436 = vector.shape_cast %get3A_435 : vector<1x16xf32> to vector<16xf32>
        %mul3A_437 = vector.broadcast %squeeze3A_432 : f32 to vector<16xf32>
        %mul3A_438 = arith.mulf %get3A_436, %mul3A_437 : vector<16xf32>
        %swap3A_439 = arith.index_cast %scan3A_331 : i32 to index
        %swap3A_440 = arith.constant 96 : index
        %swap3A_441 = tpu.vector_load %arg13[%swap3A_439, %swap3A_440] {strides = array<i32>} : memref<80x144xf32, #tpu.memory_space<vmem>>, vector<1x16xf32>,
        %swap3A_442 = vector.shape_cast %swap3A_441 : vector<1x16xf32> to vector<16xf32>
        %swap3A_443 = vector.shape_cast %mul3A_438 : vector<16xf32> to vector<1x16xf32>
        tpu.vector_store %arg13[%swap3A_439, %swap3A_440], %swap3A_443 {strides = array<i32>} : memref<80x144xf32, #tpu.memory_space<vmem>>, vector<1x16xf32>,
        %slice3A_444 = vector.extract_strided_slice %select_n3A_349 {offsets = [7], sizes = [1], strides = [1]} : vector<16xf32> to vector<1xf32>
        %squeeze3A_445 = vector.extract %slice3A_444[0] : f32 from vector<1xf32>
        %get3A_446 = arith.index_cast %scan3A_331 : i32 to index
        %get3A_447 = arith.constant 112 : index
        %get3A_448 = tpu.vector_load %arg13[%get3A_446, %get3A_447] {strides = array<i32>} : memref<80x144xf32, #tpu.memory_space<vmem>>, vector<1x16xf32>,
        %get3A_449 = vector.shape_cast %get3A_448 : vector<1x16xf32> to vector<16xf32>
        %mul3A_450 = vector.broadcast %squeeze3A_445 : f32 to vector<16xf32>
        %mul3A_451 = arith.mulf %get3A_449, %mul3A_450 : vector<16xf32>
        %swap3A_452 = arith.index_cast %scan3A_331 : i32 to index
        %swap3A_453 = arith.constant 112 : index
        %swap3A_454 = tpu.vector_load %arg13[%swap3A_452, %swap3A_453] {strides = array<i32>} : memref<80x144xf32, #tpu.memory_space<vmem>>, vector<1x16xf32>,
        %swap3A_455 = vector.shape_cast %swap3A_454 : vector<1x16xf32> to vector<16xf32>
        %swap3A_456 = vector.shape_cast %mul3A_451 : vector<16xf32> to vector<1x16xf32>
        tpu.vector_store %arg13[%swap3A_452, %swap3A_453], %swap3A_456 {strides = array<i32>} : memref<80x144xf32, #tpu.memory_space<vmem>>, vector<1x16xf32>,
        %scan3A_457 = arith.constant 0 : i32
        scf.yield %scan3A_457 : i32
      }
      %scan3A_326 = arith.constant 80 : i32
      %dma_start3A_327 = arith.constant 0 : i32
      %dma_start3A_328 = arith.constant 0 : i32
      %dma_start3A_329 = tpu.memref_slice %arg7[%dma_start3A_327, %dma_start3A_328] : memref<10240x144xf32, #tpu.memory_space<vmem_shared>> -> memref<10240x144xf32, #tpu.memory_space<vmem_shared>>
      tpu.enqueue_indirect_dma source(%arg13 : memref<80x144xf32, #tpu.memory_space<vmem>>) target(%dma_start3A_329 : memref<10240x144xf32, #tpu.memory_space<vmem_shared>>) offsets(%arg15 : memref<80xi32, #tpu.memory_space<vmem>>) semaphore(%arg19 : memref<!tpu.dma_semaphore, #tpu.memory_space<semaphore_mem>>) {add = true}
      %scan3A_330 = arith.constant 0 : i32
      scf.yield %scan3A_330 : i32
    }
    %scan3A_62 = arith.constant 62 : i32
    %dma_wait3A = arith.constant 0 : i32
    %dma_wait3A_63 = arith.constant 0 : i32
    %dma_wait3A_64 = tpu.memref_slice %arg9[%dma_wait3A, %dma_wait3A_63] : memref<25x80xi32, #tpu.memory_space<vmem>> -> memref<1x80xi32, #tpu.memory_space<vmem>>
    %dma_wait3A_65 = tpu.memref_squeeze %dma_wait3A_64 : memref<1x80xi32, #tpu.memory_space<vmem>> -> memref<80xi32, #tpu.memory_space<vmem>>
    %dma_wait3A_66 = arith.constant 0 : i32
    %dma_wait3A_67 = arith.constant 0 : i32
    %dma_wait3A_68 = tpu.memref_slice %arg4[%dma_wait3A_66, %dma_wait3A_67] : memref<10240x16xf32, #tpu.memory_space<hbm>> -> memref<10240x16xf32, #tpu.memory_space<hbm>>
    tpu.wait_indirect_dma semaphore(%arg16 : memref<!tpu.dma_semaphore, #tpu.memory_space<semaphore_mem>>) src(%dma_wait3A_68 : memref<10240x16xf32, #tpu.memory_space<hbm>>) dst(%arg10 : memref<80x16xf32, #tpu.memory_space<vmem>>)
    %dma_wait3A_69 = arith.constant 0 : i32
    %dma_wait3A_70 = arith.constant 0 : i32
    %dma_wait3A_71 = tpu.memref_slice %arg8[%dma_wait3A_69, %dma_wait3A_70] : memref<25x80xi32, #tpu.memory_space<vmem>> -> memref<1x80xi32, #tpu.memory_space<vmem>>
    %dma_wait3A_72 = tpu.memref_squeeze %dma_wait3A_71 : memref<1x80xi32, #tpu.memory_space<vmem>> -> memref<80xi32, #tpu.memory_space<vmem>>
    %dma_wait3A_73 = arith.constant 0 : i32
    %dma_wait3A_74 = arith.constant 0 : i32
    %dma_wait3A_75 = tpu.memref_slice %arg5[%dma_wait3A_73, %dma_wait3A_74] : memref<10240x144xf32, #tpu.memory_space<hbm>> -> memref<10240x144xf32, #tpu.memory_space<hbm>>
    tpu.wait_indirect_dma semaphore(%arg16 : memref<!tpu.dma_semaphore, #tpu.memory_space<semaphore_mem>>) src(%dma_wait3A_75 : memref<10240x144xf32, #tpu.memory_space<hbm>>) dst(%arg12 : memref<80x144xf32, #tpu.memory_space<vmem>>)
    %rem3A_76 = arith.constant 124 : i32
    %rem3A_77 = arith.constant 25 : i32
    %rem3A_78 = arith.remsi %rem3A_76, %rem3A_77 : i32
    %get3A = arith.index_cast %rem3A_78 : i32 to index
    %get3A_79 = arith.constant 0 : index
    %get3A_80 = tpu.vector_load %arg9[%get3A, %get3A_79] {strides = array<i32>} : memref<25x80xi32, #tpu.memory_space<vmem>>, vector<1x16xi32>,
    %get3A_81 = vector.shape_cast %get3A_80 : vector<1x16xi32> to vector<16xi32>
    %swap3A = arith.constant 0 : index
    %swap3A_82 = tpu.vector_load %arg14[%swap3A] {strides = array<i32>} : memref<80xi32, #tpu.memory_space<vmem>>, vector<16xi32>,
    %swap3A_83 = vector.shape_cast %swap3A_82 : vector<16xi32> to vector<16xi32>
    %swap3A_84 = vector.shape_cast %get3A_81 : vector<16xi32> to vector<16xi32>
    tpu.vector_store %arg14[%swap3A], %swap3A_84 {strides = array<i32>} : memref<80xi32, #tpu.memory_space<vmem>>, vector<16xi32>,
    %get3A_85 = arith.index_cast %rem3A_78 : i32 to index
    %get3A_86 = arith.constant 16 : index
    %get3A_87 = tpu.vector_load %arg9[%get3A_85, %get3A_86] {strides = array<i32>} : memref<25x80xi32, #tpu.memory_space<vmem>>, vector<1x16xi32>,
    %get3A_88 = vector.shape_cast %get3A_87 : vector<1x16xi32> to vector<16xi32>
    %swap3A_89 = arith.constant 16 : index
    %swap3A_90 = tpu.vector_load %arg14[%swap3A_89] {strides = array<i32>} : memref<80xi32, #tpu.memory_space<vmem>>, vector<16xi32>,
    %swap3A_91 = vector.shape_cast %swap3A_90 : vector<16xi32> to vector<16xi32>
    %swap3A_92 = vector.shape_cast %get3A_88 : vector<16xi32> to vector<16xi32>
    tpu.vector_store %arg14[%swap3A_89], %swap3A_92 {strides = array<i32>} : memref<80xi32, #tpu.memory_space<vmem>>, vector<16xi32>,
    %get3A_93 = arith.index_cast %rem3A_78 : i32 to index
    %get3A_94 = arith.constant 32 : index
    %get3A_95 = tpu.vector_load %arg9[%get3A_93, %get3A_94] {strides = array<i32>} : memref<25x80xi32, #tpu.memory_space<vmem>>, vector<1x16xi32>,
    %get3A_96 = vector.shape_cast %get3A_95 : vector<1x16xi32> to vector<16xi32>
    %swap3A_97 = arith.constant 32 : index
    %swap3A_98 = tpu.vector_load %arg14[%swap3A_97] {strides = array<i32>} : memref<80xi32, #tpu.memory_space<vmem>>, vector<16xi32>,
    %swap3A_99 = vector.shape_cast %swap3A_98 : vector<16xi32> to vector<16xi32>
    %swap3A_100 = vector.shape_cast %get3A_96 : vector<16xi32> to vector<16xi32>
    tpu.vector_store %arg14[%swap3A_97], %swap3A_100 {strides = array<i32>} : memref<80xi32, #tpu.memory_space<vmem>>, vector<16xi32>,
    %get3A_101 = arith.index_cast %rem3A_78 : i32 to index
    %get3A_102 = arith.constant 48 : index
    %get3A_103 = tpu.vector_load %arg9[%get3A_101, %get3A_102] {strides = array<i32>} : memref<25x80xi32, #tpu.memory_space<vmem>>, vector<1x16xi32>,
    %get3A_104 = vector.shape_cast %get3A_103 : vector<1x16xi32> to vector<16xi32>
    %swap3A_105 = arith.constant 48 : index
    %swap3A_106 = tpu.vector_load %arg14[%swap3A_105] {strides = array<i32>} : memref<80xi32, #tpu.memory_space<vmem>>, vector<16xi32>,
    %swap3A_107 = vector.shape_cast %swap3A_106 : vector<16xi32> to vector<16xi32>
    %swap3A_108 = vector.shape_cast %get3A_104 : vector<16xi32> to vector<16xi32>
    tpu.vector_store %arg14[%swap3A_105], %swap3A_108 {strides = array<i32>} : memref<80xi32, #tpu.memory_space<vmem>>, vector<16xi32>,
    %get3A_109 = arith.index_cast %rem3A_78 : i32 to index
    %get3A_110 = arith.constant 64 : index
    %get3A_111 = tpu.vector_load %arg9[%get3A_109, %get3A_110] {strides = array<i32>} : memref<25x80xi32, #tpu.memory_space<vmem>>, vector<1x16xi32>,
    %get3A_112 = vector.shape_cast %get3A_111 : vector<1x16xi32> to vector<16xi32>
    %swap3A_113 = arith.constant 64 : index
    %swap3A_114 = tpu.vector_load %arg14[%swap3A_113] {strides = array<i32>} : memref<80xi32, #tpu.memory_space<vmem>>, vector<16xi32>,
    %swap3A_115 = vector.shape_cast %swap3A_114 : vector<16xi32> to vector<16xi32>
    %swap3A_116 = vector.shape_cast %get3A_112 : vector<16xi32> to vector<16xi32>
    tpu.vector_store %arg14[%swap3A_113], %swap3A_116 {strides = array<i32>} : memref<80xi32, #tpu.memory_space<vmem>>, vector<16xi32>,
    %scan3A_117 = arith.constant 0 : i32
    %scan3A_118 = arith.constant 0 : i32
    %scan3A_119 = arith.constant 80 : i32
    %scan3A_120 = arith.addi %scan3A_118, %scan3A_119 : i32
    %scan3A_121 = arith.constant 1 : i32
    %scan3A_122 = scf.for %scan3A_136 = %scan3A_118 to %scan3A_120 step %scan3A_121 iter_args(%scan3A_137 = %scan3A_117) -> (i32)  : i32 {
      %get3A_138 = arith.index_cast %scan3A_136 : i32 to index
      %get3A_139 = arith.constant 128 : index
      %get3A_140 = tpu.vector_load %arg12[%get3A_138, %get3A_139] {strides = array<i32>} : memref<80x144xf32, #tpu.memory_space<vmem>>, vector<1x16xf32>,
      %get3A_141 = vector.shape_cast %get3A_140 : vector<1x16xf32> to vector<16xf32>
      %get3A_142 = arith.index_cast %scan3A_136 : i32 to index
      %get3A_143 = arith.constant 0 : index
      %get3A_144 = tpu.vector_load %arg10[%get3A_142, %get3A_143] {strides = array<i32>} : memref<80x16xf32, #tpu.memory_space<vmem>>, vector<1x16xf32>,
      %get3A_145 = vector.shape_cast %get3A_144 : vector<1x16xf32> to vector<16xf32>
      %add3A_146 = arith.addf %get3A_141, %get3A_145 : vector<16xf32>
      %ge3A = arith.constant 0.000000e+00 : f32
      %ge3A_147 = vector.broadcast %ge3A : f32 to vector<16xf32>
      %ge3A_148 = arith.cmpf oge, %add3A_146, %ge3A_147 : vector<16xf32>
      %mul3A_149 = arith.constant 2.000000e-01 : f32
      %mul3A_150 = vector.broadcast %mul3A_149 : f32 to vector<16xf32>
      %mul3A_151 = arith.mulf %mul3A_150, %add3A_146 : vector<16xf32>
      %select_n3A = arith.select %ge3A_148, %add3A_146, %mul3A_151 : vector<16xi1>, vector<16xf32>
      %exp3A = math.exp %select_n3A : vector<16xf32>
      %jit3A = arith.constant 0.000000e+00 : f32
      %broadcast_in_dim3A_152 = vector.broadcast %jit3A : f32 to vector<16xf32>
      %select_n3A_153 = arith.select %lt3A_41, %exp3A, %broadcast_in_dim3A_152 : vector<16xi1>, vector<16xf32>
      %swap3A_154 = arith.index_cast %scan3A_136 : i32 to index
      %swap3A_155 = arith.constant 128 : index
      %swap3A_156 = tpu.vector_load %arg12[%swap3A_154, %swap3A_155] {strides = array<i32>} : memref<80x144xf32, #tpu.memory_space<vmem>>, vector<1x16xf32>,
      %swap3A_157 = vector.shape_cast %swap3A_156 : vector<1x16xf32> to vector<16xf32>
      %swap3A_158 = vector.shape_cast %select_n3A_153 : vector<16xf32> to vector<1x16xf32>
      tpu.vector_store %arg12[%swap3A_154, %swap3A_155], %swap3A_158 {strides = array<i32>} : memref<80x144xf32, #tpu.memory_space<vmem>>, vector<1x16xf32>,
      %slice3A = vector.extract_strided_slice %select_n3A_153 {offsets = [0], sizes = [1], strides = [1]} : vector<16xf32> to vector<1xf32>
      %squeeze3A = vector.extract %slice3A[0] : f32 from vector<1xf32>
      %get3A_159 = arith.index_cast %scan3A_136 : i32 to index
      %get3A_160 = arith.constant 0 : index
      %get3A_161 = tpu.vector_load %arg12[%get3A_159, %get3A_160] {strides = array<i32>} : memref<80x144xf32, #tpu.memory_space<vmem>>, vector<1x16xf32>,
      %get3A_162 = vector.shape_cast %get3A_161 : vector<1x16xf32> to vector<16xf32>
      %mul3A_163 = vector.broadcast %squeeze3A : f32 to vector<16xf32>
      %mul3A_164 = arith.mulf %get3A_162, %mul3A_163 : vector<16xf32>
      %swap3A_165 = arith.index_cast %scan3A_136 : i32 to index
      %swap3A_166 = arith.constant 0 : index
      %swap3A_167 = tpu.vector_load %arg12[%swap3A_165, %swap3A_166] {strides = array<i32>} : memref<80x144xf32, #tpu.memory_space<vmem>>, vector<1x16xf32>,
      %swap3A_168 = vector.shape_cast %swap3A_167 : vector<1x16xf32> to vector<16xf32>
      %swap3A_169 = vector.shape_cast %mul3A_164 : vector<16xf32> to vector<1x16xf32>
      tpu.vector_store %arg12[%swap3A_165, %swap3A_166], %swap3A_169 {strides = array<i32>} : memref<80x144xf32, #tpu.memory_space<vmem>>, vector<1x16xf32>,
      %slice3A_170 = vector.extract_strided_slice %select_n3A_153 {offsets = [1], sizes = [1], strides = [1]} : vector<16xf32> to vector<1xf32>
      %squeeze3A_171 = vector.extract %slice3A_170[0] : f32 from vector<1xf32>
      %get3A_172 = arith.index_cast %scan3A_136 : i32 to index
      %get3A_173 = arith.constant 16 : index
      %get3A_174 = tpu.vector_load %arg12[%get3A_172, %get3A_173] {strides = array<i32>} : memref<80x144xf32, #tpu.memory_space<vmem>>, vector<1x16xf32>,
      %get3A_175 = vector.shape_cast %get3A_174 : vector<1x16xf32> to vector<16xf32>
      %mul3A_176 = vector.broadcast %squeeze3A_171 : f32 to vector<16xf32>
      %mul3A_177 = arith.mulf %get3A_175, %mul3A_176 : vector<16xf32>
      %swap3A_178 = arith.index_cast %scan3A_136 : i32 to index
      %swap3A_179 = arith.constant 16 : index
      %swap3A_180 = tpu.vector_load %arg12[%swap3A_178, %swap3A_179] {strides = array<i32>} : memref<80x144xf32, #tpu.memory_space<vmem>>, vector<1x16xf32>,
      %swap3A_181 = vector.shape_cast %swap3A_180 : vector<1x16xf32> to vector<16xf32>
      %swap3A_182 = vector.shape_cast %mul3A_177 : vector<16xf32> to vector<1x16xf32>
      tpu.vector_store %arg12[%swap3A_178, %swap3A_179], %swap3A_182 {strides = array<i32>} : memref<80x144xf32, #tpu.memory_space<vmem>>, vector<1x16xf32>,
      %slice3A_183 = vector.extract_strided_slice %select_n3A_153 {offsets = [2], sizes = [1], strides = [1]} : vector<16xf32> to vector<1xf32>
      %squeeze3A_184 = vector.extract %slice3A_183[0] : f32 from vector<1xf32>
      %get3A_185 = arith.index_cast %scan3A_136 : i32 to index
      %get3A_186 = arith.constant 32 : index
      %get3A_187 = tpu.vector_load %arg12[%get3A_185, %get3A_186] {strides = array<i32>} : memref<80x144xf32, #tpu.memory_space<vmem>>, vector<1x16xf32>,
      %get3A_188 = vector.shape_cast %get3A_187 : vector<1x16xf32> to vector<16xf32>
      %mul3A_189 = vector.broadcast %squeeze3A_184 : f32 to vector<16xf32>
      %mul3A_190 = arith.mulf %get3A_188, %mul3A_189 : vector<16xf32>
      %swap3A_191 = arith.index_cast %scan3A_136 : i32 to index
      %swap3A_192 = arith.constant 32 : index
      %swap3A_193 = tpu.vector_load %arg12[%swap3A_191, %swap3A_192] {strides = array<i32>} : memref<80x144xf32, #tpu.memory_space<vmem>>, vector<1x16xf32>,
      %swap3A_194 = vector.shape_cast %swap3A_193 : vector<1x16xf32> to vector<16xf32>
      %swap3A_195 = vector.shape_cast %mul3A_190 : vector<16xf32> to vector<1x16xf32>
      tpu.vector_store %arg12[%swap3A_191, %swap3A_192], %swap3A_195 {strides = array<i32>} : memref<80x144xf32, #tpu.memory_space<vmem>>, vector<1x16xf32>,
      %slice3A_196 = vector.extract_strided_slice %select_n3A_153 {offsets = [3], sizes = [1], strides = [1]} : vector<16xf32> to vector<1xf32>
      %squeeze3A_197 = vector.extract %slice3A_196[0] : f32 from vector<1xf32>
      %get3A_198 = arith.index_cast %scan3A_136 : i32 to index
      %get3A_199 = arith.constant 48 : index
      %get3A_200 = tpu.vector_load %arg12[%get3A_198, %get3A_199] {strides = array<i32>} : memref<80x144xf32, #tpu.memory_space<vmem>>, vector<1x16xf32>,
      %get3A_201 = vector.shape_cast %get3A_200 : vector<1x16xf32> to vector<16xf32>
      %mul3A_202 = vector.broadcast %squeeze3A_197 : f32 to vector<16xf32>
      %mul3A_203 = arith.mulf %get3A_201, %mul3A_202 : vector<16xf32>
      %swap3A_204 = arith.index_cast %scan3A_136 : i32 to index
      %swap3A_205 = arith.constant 48 : index
      %swap3A_206 = tpu.vector_load %arg12[%swap3A_204, %swap3A_205] {strides = array<i32>} : memref<80x144xf32, #tpu.memory_space<vmem>>, vector<1x16xf32>,
      %swap3A_207 = vector.shape_cast %swap3A_206 : vector<1x16xf32> to vector<16xf32>
      %swap3A_208 = vector.shape_cast %mul3A_203 : vector<16xf32> to vector<1x16xf32>
      tpu.vector_store %arg12[%swap3A_204, %swap3A_205], %swap3A_208 {strides = array<i32>} : memref<80x144xf32, #tpu.memory_space<vmem>>, vector<1x16xf32>,
      %slice3A_209 = vector.extract_strided_slice %select_n3A_153 {offsets = [4], sizes = [1], strides = [1]} : vector<16xf32> to vector<1xf32>
      %squeeze3A_210 = vector.extract %slice3A_209[0] : f32 from vector<1xf32>
      %get3A_211 = arith.index_cast %scan3A_136 : i32 to index
      %get3A_212 = arith.constant 64 : index
      %get3A_213 = tpu.vector_load %arg12[%get3A_211, %get3A_212] {strides = array<i32>} : memref<80x144xf32, #tpu.memory_space<vmem>>, vector<1x16xf32>,
      %get3A_214 = vector.shape_cast %get3A_213 : vector<1x16xf32> to vector<16xf32>
      %mul3A_215 = vector.broadcast %squeeze3A_210 : f32 to vector<16xf32>
      %mul3A_216 = arith.mulf %get3A_214, %mul3A_215 : vector<16xf32>
      %swap3A_217 = arith.index_cast %scan3A_136 : i32 to index
      %swap3A_218 = arith.constant 64 : index
      %swap3A_219 = tpu.vector_load %arg12[%swap3A_217, %swap3A_218] {strides = array<i32>} : memref<80x144xf32, #tpu.memory_space<vmem>>, vector<1x16xf32>,
      %swap3A_220 = vector.shape_cast %swap3A_219 : vector<1x16xf32> to vector<16xf32>
      %swap3A_221 = vector.shape_cast %mul3A_216 : vector<16xf32> to vector<1x16xf32>
      tpu.vector_store %arg12[%swap3A_217, %swap3A_218], %swap3A_221 {strides = array<i32>} : memref<80x144xf32, #tpu.memory_space<vmem>>, vector<1x16xf32>,
      %slice3A_222 = vector.extract_strided_slice %select_n3A_153 {offsets = [5], sizes = [1], strides = [1]} : vector<16xf32> to vector<1xf32>
      %squeeze3A_223 = vector.extract %slice3A_222[0] : f32 from vector<1xf32>
      %get3A_224 = arith.index_cast %scan3A_136 : i32 to index
      %get3A_225 = arith.constant 80 : index
      %get3A_226 = tpu.vector_load %arg12[%get3A_224, %get3A_225] {strides = array<i32>} : memref<80x144xf32, #tpu.memory_space<vmem>>, vector<1x16xf32>,
      %get3A_227 = vector.shape_cast %get3A_226 : vector<1x16xf32> to vector<16xf32>
      %mul3A_228 = vector.broadcast %squeeze3A_223 : f32 to vector<16xf32>
      %mul3A_229 = arith.mulf %get3A_227, %mul3A_228 : vector<16xf32>
      %swap3A_230 = arith.index_cast %scan3A_136 : i32 to index
      %swap3A_231 = arith.constant 80 : index
      %swap3A_232 = tpu.vector_load %arg12[%swap3A_230, %swap3A_231] {strides = array<i32>} : memref<80x144xf32, #tpu.memory_space<vmem>>, vector<1x16xf32>,
      %swap3A_233 = vector.shape_cast %swap3A_232 : vector<1x16xf32> to vector<16xf32>
      %swap3A_234 = vector.shape_cast %mul3A_229 : vector<16xf32> to vector<1x16xf32>
      tpu.vector_store %arg12[%swap3A_230, %swap3A_231], %swap3A_234 {strides = array<i32>} : memref<80x144xf32, #tpu.memory_space<vmem>>, vector<1x16xf32>,
      %slice3A_235 = vector.extract_strided_slice %select_n3A_153 {offsets = [6], sizes = [1], strides = [1]} : vector<16xf32> to vector<1xf32>
      %squeeze3A_236 = vector.extract %slice3A_235[0] : f32 from vector<1xf32>
      %get3A_237 = arith.index_cast %scan3A_136 : i32 to index
      %get3A_238 = arith.constant 96 : index
      %get3A_239 = tpu.vector_load %arg12[%get3A_237, %get3A_238] {strides = array<i32>} : memref<80x144xf32, #tpu.memory_space<vmem>>, vector<1x16xf32>,
      %get3A_240 = vector.shape_cast %get3A_239 : vector<1x16xf32> to vector<16xf32>
      %mul3A_241 = vector.broadcast %squeeze3A_236 : f32 to vector<16xf32>
      %mul3A_242 = arith.mulf %get3A_240, %mul3A_241 : vector<16xf32>
      %swap3A_243 = arith.index_cast %scan3A_136 : i32 to index
      %swap3A_244 = arith.constant 96 : index
      %swap3A_245 = tpu.vector_load %arg12[%swap3A_243, %swap3A_244] {strides = array<i32>} : memref<80x144xf32, #tpu.memory_space<vmem>>, vector<1x16xf32>,
      %swap3A_246 = vector.shape_cast %swap3A_245 : vector<1x16xf32> to vector<16xf32>
      %swap3A_247 = vector.shape_cast %mul3A_242 : vector<16xf32> to vector<1x16xf32>
      tpu.vector_store %arg12[%swap3A_243, %swap3A_244], %swap3A_247 {strides = array<i32>} : memref<80x144xf32, #tpu.memory_space<vmem>>, vector<1x16xf32>,
      %slice3A_248 = vector.extract_strided_slice %select_n3A_153 {offsets = [7], sizes = [1], strides = [1]} : vector<16xf32> to vector<1xf32>
      %squeeze3A_249 = vector.extract %slice3A_248[0] : f32 from vector<1xf32>
      %get3A_250 = arith.index_cast %scan3A_136 : i32 to index
      %get3A_251 = arith.constant 112 : index
      %get3A_252 = tpu.vector_load %arg12[%get3A_250, %get3A_251] {strides = array<i32>} : memref<80x144xf32, #tpu.memory_space<vmem>>, vector<1x16xf32>,
      %get3A_253 = vector.shape_cast %get3A_252 : vector<1x16xf32> to vector<16xf32>
      %mul3A_254 = vector.broadcast %squeeze3A_249 : f32 to vector<16xf32>
      %mul3A_255 = arith.mulf %get3A_253, %mul3A_254 : vector<16xf32>
      %swap3A_256 = arith.index_cast %scan3A_136 : i32 to index
      %swap3A_257 = arith.constant 112 : index
      %swap3A_258 = tpu.vector_load %arg12[%swap3A_256, %swap3A_257] {strides = array<i32>} : memref<80x144xf32, #tpu.memory_space<vmem>>, vector<1x16xf32>,
      %swap3A_259 = vector.shape_cast %swap3A_258 : vector<1x16xf32> to vector<16xf32>
      %swap3A_260 = vector.shape_cast %mul3A_255 : vector<16xf32> to vector<1x16xf32>
      tpu.vector_store %arg12[%swap3A_256, %swap3A_257], %swap3A_260 {strides = array<i32>} : memref<80x144xf32, #tpu.memory_space<vmem>>, vector<1x16xf32>,
      %scan3A_261 = arith.constant 0 : i32
      scf.yield %scan3A_261 : i32
    }
    %scan3A_123 = arith.constant 80 : i32
    %dma_start3A_124 = arith.constant 0 : i32
    %dma_start3A_125 = arith.constant 0 : i32
    %dma_start3A_126 = tpu.memref_slice %arg7[%dma_start3A_124, %dma_start3A_125] : memref<10240x144xf32, #tpu.memory_space<vmem_shared>> -> memref<10240x144xf32, #tpu.memory_space<vmem_shared>>
    tpu.enqueue_indirect_dma source(%arg12 : memref<80x144xf32, #tpu.memory_space<vmem>>) target(%dma_start3A_126 : memref<10240x144xf32, #tpu.memory_space<vmem_shared>>) offsets(%arg14 : memref<80xi32, #tpu.memory_space<vmem>>) semaphore(%arg18 : memref<!tpu.dma_semaphore, #tpu.memory_space<semaphore_mem>>) {add = true}
    %dma_wait3A_127 = arith.constant 0 : i32
    %dma_wait3A_128 = arith.constant 0 : i32
    %dma_wait3A_129 = tpu.memref_slice %arg7[%dma_wait3A_127, %dma_wait3A_128] : memref<10240x144xf32, #tpu.memory_space<vmem_shared>> -> memref<10240x144xf32, #tpu.memory_space<vmem_shared>>
    tpu.wait_indirect_dma semaphore(%arg18 : memref<!tpu.dma_semaphore, #tpu.memory_space<semaphore_mem>>) src(%arg12 : memref<80x144xf32, #tpu.memory_space<vmem>>) dst(%dma_wait3A_129 : memref<10240x144xf32, #tpu.memory_space<vmem_shared>>)
    %dma_wait3A_130 = arith.constant 0 : i32
    %dma_wait3A_131 = arith.constant 0 : i32
    %dma_wait3A_132 = tpu.memref_slice %arg7[%dma_wait3A_130, %dma_wait3A_131] : memref<10240x144xf32, #tpu.memory_space<vmem_shared>> -> memref<10240x144xf32, #tpu.memory_space<vmem_shared>>
    tpu.wait_indirect_dma semaphore(%arg19 : memref<!tpu.dma_semaphore, #tpu.memory_space<semaphore_mem>>) src(%arg13 : memref<80x144xf32, #tpu.memory_space<vmem>>) dst(%dma_wait3A_132 : memref<10240x144xf32, #tpu.memory_space<vmem_shared>>)
    %barrier3A_133 = arith.constant 0 : index
    tpu.barrier barrier_id(%barrier3A_133)
    %mul3A_134 = arith.constant 640 : i32
    %mul3A_135 = arith.muli %arg1, %mul3A_134 : i32
    "tpu.region"() ({
      %run_scoped3A_136 = tpu.sem_alloc : memref<!tpu.dma_semaphore, #tpu.memory_space<semaphore_mem>>
      %dma_start3A_137 = arith.constant 0 : i32
      %dma_start3A_138 = tpu.memref_slice %arg6[%arg0, %mul3A_135, %dma_start3A_137] : memref<2x10240x144xf32, #tpu.memory_space<hbm>> -> memref<1x640x144xf32, #tpu.memory_space<hbm>>
      %dma_start3A_139 = tpu.memref_squeeze %dma_start3A_138 : memref<1x640x144xf32, #tpu.memory_space<hbm>> -> memref<640x144xf32, #tpu.memory_space<hbm>>
      %dma_start3A_140 = arith.constant 0 : i32
      %dma_start3A_141 = tpu.memref_slice %arg7[%mul3A_135, %dma_start3A_140] : memref<10240x144xf32, #tpu.memory_space<vmem_shared>> -> memref<640x144xf32, #tpu.memory_space<vmem_shared>>
      tpu.enqueue_dma source(%dma_start3A_141 : memref<640x144xf32, #tpu.memory_space<vmem_shared>>) target(%dma_start3A_139 : memref<640x144xf32, #tpu.memory_space<hbm>>) target_semaphore(%run_scoped3A_136 : memref<!tpu.dma_semaphore, #tpu.memory_space<semaphore_mem>>)
      %dma_wait3A_142 = arith.constant 0 : i32
      %dma_wait3A_143 = tpu.memref_slice %arg6[%arg0, %mul3A_135, %dma_wait3A_142] : memref<2x10240x144xf32, #tpu.memory_space<hbm>> -> memref<1x640x144xf32, #tpu.memory_space<hbm>>
      %dma_wait3A_144 = tpu.memref_squeeze %dma_wait3A_143 : memref<1x640x144xf32, #tpu.memory_space<hbm>> -> memref<640x144xf32, #tpu.memory_space<hbm>>
      %dma_wait3A_145 = arith.constant 0 : i32
      %dma_wait3A_146 = tpu.memref_slice %arg7[%mul3A_135, %dma_wait3A_145] : memref<10240x144xf32, #tpu.memory_space<vmem_shared>> -> memref<640x144xf32, #tpu.memory_space<vmem_shared>>
      tpu.wait_dma2 semaphore(%run_scoped3A_136 : memref<!tpu.dma_semaphore, #tpu.memory_space<semaphore_mem>>) src(%dma_wait3A_146 : memref<640x144xf32, #tpu.memory_space<vmem_shared>>) dst(%dma_wait3A_144 : memref<640x144xf32, #tpu.memory_space<hbm>>)
      tpu.yield
    }) : () -> ()
    return
  }
}

#map = affine_map<(d0, d1) -> (0, 0, 0, 0)>
#map1 = affine_map<(d0, d1) -> (0, 0)>
#map2 = affine_map<(d0, d1) -> (0, 0, 0)>
module attributes {stable_mosaic.version = 14 : i64} {
  func.func @kern(%arg0: i32, %arg1: i32, %arg2: memref<32x5x25x80xi32, #tpu.memory_space<hbm>>, %arg3: memref<32x5x25x80xi32, #tpu.memory_space<hbm>>, %arg4: memref<10240x16xf32, #tpu.memory_space<hbm>>, %arg5: memref<10240x144xf32, #tpu.memory_space<hbm>>, %arg6: memref<2x10240x144xf32, #tpu.memory_space<hbm>>, %arg7: memref<10240x144xf32, #tpu.memory_space<vmem_shared>>, %arg8: memref<25x80xi32, #tpu.memory_space<vmem>>, %arg9: memref<25x80xi32, #tpu.memory_space<vmem>>, %arg10: memref<80x16xf32, #tpu.memory_space<vmem>>, %arg11: memref<80x16xf32, #tpu.memory_space<vmem>>, %arg12: memref<80x144xf32, #tpu.memory_space<vmem>>, %arg13: memref<80x144xf32, #tpu.memory_space<vmem>>, %arg14: memref<80xi32, #tpu.memory_space<vmem>>, %arg15: memref<80xi32, #tpu.memory_space<vmem>>, %arg16: memref<!tpu.dma_semaphore, #tpu.memory_space<semaphore_mem>>, %arg17: memref<!tpu.dma_semaphore, #tpu.memory_space<semaphore_mem>>, %arg18: memref<!tpu.dma_semaphore, #tpu.memory_space<semaphore_mem>>, %arg19: memref<!tpu.dma_semaphore, #tpu.memory_space<semaphore_mem>>) attributes {dimension_semantics = [#tpu.dimension_semantics<core_parallel>, #tpu.dimension_semantics<subcore_parallel>], iteration_bounds = array<i64: 2, 16>, scalar_prefetch = 0 : i64, scratch_operands = 13 : i64, tpu.core_type = #tpu.core_type<sc_vector_subcore>, window_params = [{transform_indices = #map}, {transform_indices = #map}, {transform_indices = #map1}, {transform_indices = #map1}, {transform_indices = #map2}]} {
    %mul3A = arith.constant 2 : i32
    %mul3A_0 = arith.muli %arg1, %mul3A : i32
    %add3A = arith.addi %mul3A_0, %arg0 : i32
    %broadcast_in_dim3A = arith.constant 0.000000e+00 : f32
    %broadcast_in_dim3A_1 = vector.broadcast %broadcast_in_dim3A : f32 to vector<16xf32>
    %scan3A = arith.constant 0 : i32
    %scan3A_2 = arith.constant 0 : i32
    %scan3A_3 = arith.constant 80 : i32
    %scan3A_4 = arith.addi %scan3A_2, %scan3A_3 : i32
    %scan3A_5 = arith.constant 1 : i32
    %scan3A_6 = scf.for %scan3A_136 = %scan3A_2 to %scan3A_4 step %scan3A_5 iter_args(%scan3A_137 = %scan3A) -> (i32)  : i32 {
      %swap3A_138 = arith.index_cast %scan3A_136 : i32 to index
      %swap3A_139 = arith.constant 0 : index
      %swap3A_140 = tpu.vector_load %arg12[%swap3A_138, %swap3A_139] {strides = array<i32>} : memref<80x144xf32, #tpu.memory_space<vmem>>, vector<1x16xf32>,
      %swap3A_141 = vector.shape_cast %swap3A_140 : vector<1x16xf32> to vector<16xf32>
      %swap3A_142 = vector.shape_cast %broadcast_in_dim3A_1 : vector<16xf32> to vector<1x16xf32>
      tpu.vector_store %arg12[%swap3A_138, %swap3A_139], %swap3A_142 {strides = array<i32>} : memref<80x144xf32, #tpu.memory_space<vmem>>, vector<1x16xf32>,
      %swap3A_143 = arith.index_cast %scan3A_136 : i32 to index
      %swap3A_144 = arith.constant 16 : index
      %swap3A_145 = tpu.vector_load %arg12[%swap3A_143, %swap3A_144] {strides = array<i32>} : memref<80x144xf32, #tpu.memory_space<vmem>>, vector<1x16xf32>,
      %swap3A_146 = vector.shape_cast %swap3A_145 : vector<1x16xf32> to vector<16xf32>
      %swap3A_147 = vector.shape_cast %broadcast_in_dim3A_1 : vector<16xf32> to vector<1x16xf32>
      tpu.vector_store %arg12[%swap3A_143, %swap3A_144], %swap3A_147 {strides = array<i32>} : memref<80x144xf32, #tpu.memory_space<vmem>>, vector<1x16xf32>,
      %swap3A_148 = arith.index_cast %scan3A_136 : i32 to index
      %swap3A_149 = arith.constant 32 : index
      %swap3A_150 = tpu.vector_load %arg12[%swap3A_148, %swap3A_149] {strides = array<i32>} : memref<80x144xf32, #tpu.memory_space<vmem>>, vector<1x16xf32>,
      %swap3A_151 = vector.shape_cast %swap3A_150 : vector<1x16xf32> to vector<16xf32>
      %swap3A_152 = vector.shape_cast %broadcast_in_dim3A_1 : vector<16xf32> to vector<1x16xf32>
      tpu.vector_store %arg12[%swap3A_148, %swap3A_149], %swap3A_152 {strides = array<i32>} : memref<80x144xf32, #tpu.memory_space<vmem>>, vector<1x16xf32>,
      %swap3A_153 = arith.index_cast %scan3A_136 : i32 to index
      %swap3A_154 = arith.constant 48 : index
      %swap3A_155 = tpu.vector_load %arg12[%swap3A_153, %swap3A_154] {strides = array<i32>} : memref<80x144xf32, #tpu.memory_space<vmem>>, vector<1x16xf32>,
      %swap3A_156 = vector.shape_cast %swap3A_155 : vector<1x16xf32> to vector<16xf32>
      %swap3A_157 = vector.shape_cast %broadcast_in_dim3A_1 : vector<16xf32> to vector<1x16xf32>
      tpu.vector_store %arg12[%swap3A_153, %swap3A_154], %swap3A_157 {strides = array<i32>} : memref<80x144xf32, #tpu.memory_space<vmem>>, vector<1x16xf32>,
      %swap3A_158 = arith.index_cast %scan3A_136 : i32 to index
      %swap3A_159 = arith.constant 64 : index
      %swap3A_160 = tpu.vector_load %arg12[%swap3A_158, %swap3A_159] {strides = array<i32>} : memref<80x144xf32, #tpu.memory_space<vmem>>, vector<1x16xf32>,
      %swap3A_161 = vector.shape_cast %swap3A_160 : vector<1x16xf32> to vector<16xf32>
      %swap3A_162 = vector.shape_cast %broadcast_in_dim3A_1 : vector<16xf32> to vector<1x16xf32>
      tpu.vector_store %arg12[%swap3A_158, %swap3A_159], %swap3A_162 {strides = array<i32>} : memref<80x144xf32, #tpu.memory_space<vmem>>, vector<1x16xf32>,
      %swap3A_163 = arith.index_cast %scan3A_136 : i32 to index
      %swap3A_164 = arith.constant 80 : index
      %swap3A_165 = tpu.vector_load %arg12[%swap3A_163, %swap3A_164] {strides = array<i32>} : memref<80x144xf32, #tpu.memory_space<vmem>>, vector<1x16xf32>,
      %swap3A_166 = vector.shape_cast %swap3A_165 : vector<1x16xf32> to vector<16xf32>
      %swap3A_167 = vector.shape_cast %broadcast_in_dim3A_1 : vector<16xf32> to vector<1x16xf32>
      tpu.vector_store %arg12[%swap3A_163, %swap3A_164], %swap3A_167 {strides = array<i32>} : memref<80x144xf32, #tpu.memory_space<vmem>>, vector<1x16xf32>,
      %swap3A_168 = arith.index_cast %scan3A_136 : i32 to index
      %swap3A_169 = arith.constant 96 : index
      %swap3A_170 = tpu.vector_load %arg12[%swap3A_168, %swap3A_169] {strides = array<i32>} : memref<80x144xf32, #tpu.memory_space<vmem>>, vector<1x16xf32>,
      %swap3A_171 = vector.shape_cast %swap3A_170 : vector<1x16xf32> to vector<16xf32>
      %swap3A_172 = vector.shape_cast %broadcast_in_dim3A_1 : vector<16xf32> to vector<1x16xf32>
      tpu.vector_store %arg12[%swap3A_168, %swap3A_169], %swap3A_172 {strides = array<i32>} : memref<80x144xf32, #tpu.memory_space<vmem>>, vector<1x16xf32>,
      %swap3A_173 = arith.index_cast %scan3A_136 : i32 to index
      %swap3A_174 = arith.constant 112 : index
      %swap3A_175 = tpu.vector_load %arg12[%swap3A_173, %swap3A_174] {strides = array<i32>} : memref<80x144xf32, #tpu.memory_space<vmem>>, vector<1x16xf32>,
      %swap3A_176 = vector.shape_cast %swap3A_175 : vector<1x16xf32> to vector<16xf32>
      %swap3A_177 = vector.shape_cast %broadcast_in_dim3A_1 : vector<16xf32> to vector<1x16xf32>
      tpu.vector_store %arg12[%swap3A_173, %swap3A_174], %swap3A_177 {strides = array<i32>} : memref<80x144xf32, #tpu.memory_space<vmem>>, vector<1x16xf32>,
      %swap3A_178 = arith.index_cast %scan3A_136 : i32 to index
      %swap3A_179 = arith.constant 128 : index
      %swap3A_180 = tpu.vector_load %arg12[%swap3A_178, %swap3A_179] {strides = array<i32>} : memref<80x144xf32, #tpu.memory_space<vmem>>, vector<1x16xf32>,
      %swap3A_181 = vector.shape_cast %swap3A_180 : vector<1x16xf32> to vector<16xf32>
      %swap3A_182 = vector.shape_cast %broadcast_in_dim3A_1 : vector<16xf32> to vector<1x16xf32>
      tpu.vector_store %arg12[%swap3A_178, %swap3A_179], %swap3A_182 {strides = array<i32>} : memref<80x144xf32, #tpu.memory_space<vmem>>, vector<1x16xf32>,
      %scan3A_183 = arith.constant 0 : i32
      scf.yield %scan3A_183 : i32
    }
    %scan3A_7 = arith.constant 80 : i32
    %mul3A_8 = arith.constant 640 : i32
    %mul3A_9 = arith.muli %arg1, %mul3A_8 : i32
    %add3A_10 = arith.constant 0 : i32
    %add3A_11 = arith.addi %mul3A_9, %add3A_10 : i32
    "tpu.region"() ({
      %run_scoped3A_136 = tpu.sem_alloc : memref<!tpu.dma_semaphore, #tpu.memory_space<semaphore_mem>>
      %dma_start3A_137 = arith.constant 0 : i32
      %dma_start3A_138 = tpu.memref_slice %arg7[%add3A_11, %dma_start3A_137] : memref<10240x144xf32, #tpu.memory_space<vmem_shared>> -> memref<80x144xf32, #tpu.memory_space<vmem_shared>>
      %dma_start3A_139 = arith.constant 0 : i32
      %dma_start3A_140 = tpu.memref_slice %arg7[%add3A_11, %dma_start3A_139] : memref<10240x144xf32, #tpu.memory_space<vmem_shared>> -> memref<80x144xf32, #tpu.memory_space<vmem_shared>>
      tpu.enqueue_dma source(%arg12 : memref<80x144xf32, #tpu.memory_space<vmem>>) target(%dma_start3A_140 : memref<80x144xf32, #tpu.memory_space<vmem_shared>>) target_semaphore(%run_scoped3A_136 : memref<!tpu.dma_semaphore, #tpu.memory_space<semaphore_mem>>)
      %dma_wait3A_141 = arith.constant 0 : i32
      %dma_wait3A_142 = tpu.memref_slice %arg7[%add3A_11, %dma_wait3A_141] : memref<10240x144xf32, #tpu.memory_space<vmem_shared>> -> memref<80x144xf32, #tpu.memory_space<vmem_shared>>
      %dma_wait3A_143 = arith.constant 0 : i32
      %dma_wait3A_144 = tpu.memref_slice %arg7[%add3A_11, %dma_wait3A_143] : memref<10240x144xf32, #tpu.memory_space<vmem_shared>> -> memref<80x144xf32, #tpu.memory_space<vmem_shared>>
      tpu.wait_dma2 semaphore(%run_scoped3A_136 : memref<!tpu.dma_semaphore, #tpu.memory_space<semaphore_mem>>) src(%arg12 : memref<80x144xf32, #tpu.memory_space<vmem>>) dst(%dma_wait3A_144 : memref<80x144xf32, #tpu.memory_space<vmem_shared>>)
      tpu.yield
    }) : () -> ()
    %mul3A_12 = arith.constant 640 : i32
    %mul3A_13 = arith.muli %arg1, %mul3A_12 : i32
    %add3A_14 = arith.constant 80 : i32
    %add3A_15 = arith.addi %mul3A_13, %add3A_14 : i32
    "tpu.region"() ({
      %run_scoped3A_136 = tpu.sem_alloc : memref<!tpu.dma_semaphore, #tpu.memory_space<semaphore_mem>>
      %dma_start3A_137 = arith.constant 0 : i32
      %dma_start3A_138 = tpu.memref_slice %arg7[%add3A_15, %dma_start3A_137] : memref<10240x144xf32, #tpu.memory_space<vmem_shared>> -> memref<80x144xf32, #tpu.memory_space<vmem_shared>>
      %dma_start3A_139 = arith.constant 0 : i32
      %dma_start3A_140 = tpu.memref_slice %arg7[%add3A_15, %dma_start3A_139] : memref<10240x144xf32, #tpu.memory_space<vmem_shared>> -> memref<80x144xf32, #tpu.memory_space<vmem_shared>>
      tpu.enqueue_dma source(%arg12 : memref<80x144xf32, #tpu.memory_space<vmem>>) target(%dma_start3A_140 : memref<80x144xf32, #tpu.memory_space<vmem_shared>>) target_semaphore(%run_scoped3A_136 : memref<!tpu.dma_semaphore, #tpu.memory_space<semaphore_mem>>)
      %dma_wait3A_141 = arith.constant 0 : i32
      %dma_wait3A_142 = tpu.memref_slice %arg7[%add3A_15, %dma_wait3A_141] : memref<10240x144xf32, #tpu.memory_space<vmem_shared>> -> memref<80x144xf32, #tpu.memory_space<vmem_shared>>
      %dma_wait3A_143 = arith.constant 0 : i32
      %dma_wait3A_144 = tpu.memref_slice %arg7[%add3A_15, %dma_wait3A_143] : memref<10240x144xf32, #tpu.memory_space<vmem_shared>> -> memref<80x144xf32, #tpu.memory_space<vmem_shared>>
      tpu.wait_dma2 semaphore(%run_scoped3A_136 : memref<!tpu.dma_semaphore, #tpu.memory_space<semaphore_mem>>) src(%arg12 : memref<80x144xf32, #tpu.memory_space<vmem>>) dst(%dma_wait3A_144 : memref<80x144xf32, #tpu.memory_space<vmem_shared>>)
      tpu.yield
    }) : () -> ()
    %mul3A_16 = arith.constant 640 : i32
    %mul3A_17 = arith.muli %arg1, %mul3A_16 : i32
    %add3A_18 = arith.constant 160 : i32
    %add3A_19 = arith.addi %mul3A_17, %add3A_18 : i32
    "tpu.region"() ({
      %run_scoped3A_136 = tpu.sem_alloc : memref<!tpu.dma_semaphore, #tpu.memory_space<semaphore_mem>>
      %dma_start3A_137 = arith.constant 0 : i32
      %dma_start3A_138 = tpu.memref_slice %arg7[%add3A_19, %dma_start3A_137] : memref<10240x144xf32, #tpu.memory_space<vmem_shared>> -> memref<80x144xf32, #tpu.memory_space<vmem_shared>>
      %dma_start3A_139 = arith.constant 0 : i32
      %dma_start3A_140 = tpu.memref_slice %arg7[%add3A_19, %dma_start3A_139] : memref<10240x144xf32, #tpu.memory_space<vmem_shared>> -> memref<80x144xf32, #tpu.memory_space<vmem_shared>>
      tpu.enqueue_dma source(%arg12 : memref<80x144xf32, #tpu.memory_space<vmem>>) target(%dma_start3A_140 : memref<80x144xf32, #tpu.memory_space<vmem_shared>>) target_semaphore(%run_scoped3A_136 : memref<!tpu.dma_semaphore, #tpu.memory_space<semaphore_mem>>)
      %dma_wait3A_141 = arith.constant 0 : i32
      %dma_wait3A_142 = tpu.memref_slice %arg7[%add3A_19, %dma_wait3A_141] : memref<10240x144xf32, #tpu.memory_space<vmem_shared>> -> memref<80x144xf32, #tpu.memory_space<vmem_shared>>
      %dma_wait3A_143 = arith.constant 0 : i32
      %dma_wait3A_144 = tpu.memref_slice %arg7[%add3A_19, %dma_wait3A_143] : memref<10240x144xf32, #tpu.memory_space<vmem_shared>> -> memref<80x144xf32, #tpu.memory_space<vmem_shared>>
      tpu.wait_dma2 semaphore(%run_scoped3A_136 : memref<!tpu.dma_semaphore, #tpu.memory_space<semaphore_mem>>) src(%arg12 : memref<80x144xf32, #tpu.memory_space<vmem>>) dst(%dma_wait3A_144 : memref<80x144xf32, #tpu.memory_space<vmem_shared>>)
      tpu.yield
    }) : () -> ()
    %mul3A_20 = arith.constant 640 : i32
    %mul3A_21 = arith.muli %arg1, %mul3A_20 : i32
    %add3A_22 = arith.constant 240 : i32
    %add3A_23 = arith.addi %mul3A_21, %add3A_22 : i32
    "tpu.region"() ({
      %run_scoped3A_136 = tpu.sem_alloc : memref<!tpu.dma_semaphore, #tpu.memory_space<semaphore_mem>>
      %dma_start3A_137 = arith.constant 0 : i32
      %dma_start3A_138 = tpu.memref_slice %arg7[%add3A_23, %dma_start3A_137] : memref<10240x144xf32, #tpu.memory_space<vmem_shared>> -> memref<80x144xf32, #tpu.memory_space<vmem_shared>>
      %dma_start3A_139 = arith.constant 0 : i32
      %dma_start3A_140 = tpu.memref_slice %arg7[%add3A_23, %dma_start3A_139] : memref<10240x144xf32, #tpu.memory_space<vmem_shared>> -> memref<80x144xf32, #tpu.memory_space<vmem_shared>>
      tpu.enqueue_dma source(%arg12 : memref<80x144xf32, #tpu.memory_space<vmem>>) target(%dma_start3A_140 : memref<80x144xf32, #tpu.memory_space<vmem_shared>>) target_semaphore(%run_scoped3A_136 : memref<!tpu.dma_semaphore, #tpu.memory_space<semaphore_mem>>)
      %dma_wait3A_141 = arith.constant 0 : i32
      %dma_wait3A_142 = tpu.memref_slice %arg7[%add3A_23, %dma_wait3A_141] : memref<10240x144xf32, #tpu.memory_space<vmem_shared>> -> memref<80x144xf32, #tpu.memory_space<vmem_shared>>
      %dma_wait3A_143 = arith.constant 0 : i32
      %dma_wait3A_144 = tpu.memref_slice %arg7[%add3A_23, %dma_wait3A_143] : memref<10240x144xf32, #tpu.memory_space<vmem_shared>> -> memref<80x144xf32, #tpu.memory_space<vmem_shared>>
      tpu.wait_dma2 semaphore(%run_scoped3A_136 : memref<!tpu.dma_semaphore, #tpu.memory_space<semaphore_mem>>) src(%arg12 : memref<80x144xf32, #tpu.memory_space<vmem>>) dst(%dma_wait3A_144 : memref<80x144xf32, #tpu.memory_space<vmem_shared>>)
      tpu.yield
    }) : () -> ()
    %mul3A_24 = arith.constant 640 : i32
    %mul3A_25 = arith.muli %arg1, %mul3A_24 : i32
    %add3A_26 = arith.constant 320 : i32
    %add3A_27 = arith.addi %mul3A_25, %add3A_26 : i32
    "tpu.region"() ({
      %run_scoped3A_136 = tpu.sem_alloc : memref<!tpu.dma_semaphore, #tpu.memory_space<semaphore_mem>>
      %dma_start3A_137 = arith.constant 0 : i32
      %dma_start3A_138 = tpu.memref_slice %arg7[%add3A_27, %dma_start3A_137] : memref<10240x144xf32, #tpu.memory_space<vmem_shared>> -> memref<80x144xf32, #tpu.memory_space<vmem_shared>>
      %dma_start3A_139 = arith.constant 0 : i32
      %dma_start3A_140 = tpu.memref_slice %arg7[%add3A_27, %dma_start3A_139] : memref<10240x144xf32, #tpu.memory_space<vmem_shared>> -> memref<80x144xf32, #tpu.memory_space<vmem_shared>>
      tpu.enqueue_dma source(%arg12 : memref<80x144xf32, #tpu.memory_space<vmem>>) target(%dma_start3A_140 : memref<80x144xf32, #tpu.memory_space<vmem_shared>>) target_semaphore(%run_scoped3A_136 : memref<!tpu.dma_semaphore, #tpu.memory_space<semaphore_mem>>)
      %dma_wait3A_141 = arith.constant 0 : i32
      %dma_wait3A_142 = tpu.memref_slice %arg7[%add3A_27, %dma_wait3A_141] : memref<10240x144xf32, #tpu.memory_space<vmem_shared>> -> memref<80x144xf32, #tpu.memory_space<vmem_shared>>
      %dma_wait3A_143 = arith.constant 0 : i32
      %dma_wait3A_144 = tpu.memref_slice %arg7[%add3A_27, %dma_wait3A_143] : memref<10240x144xf32, #tpu.memory_space<vmem_shared>> -> memref<80x144xf32, #tpu.memory_space<vmem_shared>>
      tpu.wait_dma2 semaphore(%run_scoped3A_136 : memref<!tpu.dma_semaphore, #tpu.memory_space<semaphore_mem>>) src(%arg12 : memref<80x144xf32, #tpu.memory_space<vmem>>) dst(%dma_wait3A_144 : memref<80x144xf32, #tpu.memory_space<vmem_shared>>)
      tpu.yield
    }) : () -> ()
    %mul3A_28 = arith.constant 640 : i32
    %mul3A_29 = arith.muli %arg1, %mul3A_28 : i32
    %add3A_30 = arith.constant 400 : i32
    %add3A_31 = arith.addi %mul3A_29, %add3A_30 : i32
    "tpu.region"() ({
      %run_scoped3A_136 = tpu.sem_alloc : memref<!tpu.dma_semaphore, #tpu.memory_space<semaphore_mem>>
      %dma_start3A_137 = arith.constant 0 : i32
      %dma_start3A_138 = tpu.memref_slice %arg7[%add3A_31, %dma_start3A_137] : memref<10240x144xf32, #tpu.memory_space<vmem_shared>> -> memref<80x144xf32, #tpu.memory_space<vmem_shared>>
      %dma_start3A_139 = arith.constant 0 : i32
      %dma_start3A_140 = tpu.memref_slice %arg7[%add3A_31, %dma_start3A_139] : memref<10240x144xf32, #tpu.memory_space<vmem_shared>> -> memref<80x144xf32, #tpu.memory_space<vmem_shared>>
      tpu.enqueue_dma source(%arg12 : memref<80x144xf32, #tpu.memory_space<vmem>>) target(%dma_start3A_140 : memref<80x144xf32, #tpu.memory_space<vmem_shared>>) target_semaphore(%run_scoped3A_136 : memref<!tpu.dma_semaphore, #tpu.memory_space<semaphore_mem>>)
      %dma_wait3A_141 = arith.constant 0 : i32
      %dma_wait3A_142 = tpu.memref_slice %arg7[%add3A_31, %dma_wait3A_141] : memref<10240x144xf32, #tpu.memory_space<vmem_shared>> -> memref<80x144xf32, #tpu.memory_space<vmem_shared>>
      %dma_wait3A_143 = arith.constant 0 : i32
      %dma_wait3A_144 = tpu.memref_slice %arg7[%add3A_31, %dma_wait3A_143] : memref<10240x144xf32, #tpu.memory_space<vmem_shared>> -> memref<80x144xf32, #tpu.memory_space<vmem_shared>>
      tpu.wait_dma2 semaphore(%run_scoped3A_136 : memref<!tpu.dma_semaphore, #tpu.memory_space<semaphore_mem>>) src(%arg12 : memref<80x144xf32, #tpu.memory_space<vmem>>) dst(%dma_wait3A_144 : memref<80x144xf32, #tpu.memory_space<vmem_shared>>)
      tpu.yield
    }) : () -> ()
    %mul3A_32 = arith.constant 640 : i32
    %mul3A_33 = arith.muli %arg1, %mul3A_32 : i32
    %add3A_34 = arith.constant 480 : i32
    %add3A_35 = arith.addi %mul3A_33, %add3A_34 : i32
    "tpu.region"() ({
      %run_scoped3A_136 = tpu.sem_alloc : memref<!tpu.dma_semaphore, #tpu.memory_space<semaphore_mem>>
      %dma_start3A_137 = arith.constant 0 : i32
      %dma_start3A_138 = tpu.memref_slice %arg7[%add3A_35, %dma_start3A_137] : memref<10240x144xf32, #tpu.memory_space<vmem_shared>> -> memref<80x144xf32, #tpu.memory_space<vmem_shared>>
      %dma_start3A_139 = arith.constant 0 : i32
      %dma_start3A_140 = tpu.memref_slice %arg7[%add3A_35, %dma_start3A_139] : memref<10240x144xf32, #tpu.memory_space<vmem_shared>> -> memref<80x144xf32, #tpu.memory_space<vmem_shared>>
      tpu.enqueue_dma source(%arg12 : memref<80x144xf32, #tpu.memory_space<vmem>>) target(%dma_start3A_140 : memref<80x144xf32, #tpu.memory_space<vmem_shared>>) target_semaphore(%run_scoped3A_136 : memref<!tpu.dma_semaphore, #tpu.memory_space<semaphore_mem>>)
      %dma_wait3A_141 = arith.constant 0 : i32
      %dma_wait3A_142 = tpu.memref_slice %arg7[%add3A_35, %dma_wait3A_141] : memref<10240x144xf32, #tpu.memory_space<vmem_shared>> -> memref<80x144xf32, #tpu.memory_space<vmem_shared>>
      %dma_wait3A_143 = arith.constant 0 : i32
      %dma_wait3A_144 = tpu.memref_slice %arg7[%add3A_35, %dma_wait3A_143] : memref<10240x144xf32, #tpu.memory_space<vmem_shared>> -> memref<80x144xf32, #tpu.memory_space<vmem_shared>>
      tpu.wait_dma2 semaphore(%run_scoped3A_136 : memref<!tpu.dma_semaphore, #tpu.memory_space<semaphore_mem>>) src(%arg12 : memref<80x144xf32, #tpu.memory_space<vmem>>) dst(%dma_wait3A_144 : memref<80x144xf32, #tpu.memory_space<vmem_shared>>)
      tpu.yield
    }) : () -> ()
    %mul3A_36 = arith.constant 640 : i32
    %mul3A_37 = arith.muli %arg1, %mul3A_36 : i32
    %add3A_38 = arith.constant 560 : i32
    %add3A_39 = arith.addi %mul3A_37, %add3A_38 : i32
    "tpu.region"() ({
      %run_scoped3A_136 = tpu.sem_alloc : memref<!tpu.dma_semaphore, #tpu.memory_space<semaphore_mem>>
      %dma_start3A_137 = arith.constant 0 : i32
      %dma_start3A_138 = tpu.memref_slice %arg7[%add3A_39, %dma_start3A_137] : memref<10240x144xf32, #tpu.memory_space<vmem_shared>> -> memref<80x144xf32, #tpu.memory_space<vmem_shared>>
      %dma_start3A_139 = arith.constant 0 : i32
      %dma_start3A_140 = tpu.memref_slice %arg7[%add3A_39, %dma_start3A_139] : memref<10240x144xf32, #tpu.memory_space<vmem_shared>> -> memref<80x144xf32, #tpu.memory_space<vmem_shared>>
      tpu.enqueue_dma source(%arg12 : memref<80x144xf32, #tpu.memory_space<vmem>>) target(%dma_start3A_140 : memref<80x144xf32, #tpu.memory_space<vmem_shared>>) target_semaphore(%run_scoped3A_136 : memref<!tpu.dma_semaphore, #tpu.memory_space<semaphore_mem>>)
      %dma_wait3A_141 = arith.constant 0 : i32
      %dma_wait3A_142 = tpu.memref_slice %arg7[%add3A_39, %dma_wait3A_141] : memref<10240x144xf32, #tpu.memory_space<vmem_shared>> -> memref<80x144xf32, #tpu.memory_space<vmem_shared>>
      %dma_wait3A_143 = arith.constant 0 : i32
      %dma_wait3A_144 = tpu.memref_slice %arg7[%add3A_39, %dma_wait3A_143] : memref<10240x144xf32, #tpu.memory_space<vmem_shared>> -> memref<80x144xf32, #tpu.memory_space<vmem_shared>>
      tpu.wait_dma2 semaphore(%run_scoped3A_136 : memref<!tpu.dma_semaphore, #tpu.memory_space<semaphore_mem>>) src(%arg12 : memref<80x144xf32, #tpu.memory_space<vmem>>) dst(%dma_wait3A_144 : memref<80x144xf32, #tpu.memory_space<vmem_shared>>)
      tpu.yield
    }) : () -> ()
    %barrier3A = arith.constant 0 : index
    tpu.barrier barrier_id(%barrier3A)
    %iota3A = tpu.iota {dimensions = array<i32: 0>} : vector<16xi32>
    %lt3A = arith.constant 8 : i32
    %lt3A_40 = vector.broadcast %lt3A : i32 to vector<16xi32>
    %lt3A_41 = arith.cmpi slt, %iota3A, %lt3A_40 : vector<16xi32>
    %run_scoped3A = arith.constant 0 : i32
    "tpu.region"() ({
      %run_scoped3A_136 = tpu.sem_alloc : memref<!tpu.dma_semaphore, #tpu.memory_space<semaphore_mem>>
      %dma_start3A_137 = arith.constant 0 : i32
      %dma_start3A_138 = arith.constant 0 : i32
      %dma_start3A_139 = tpu.memref_slice %arg2[%add3A, %run_scoped3A, %dma_start3A_137, %dma_start3A_138] : memref<32x5x25x80xi32, #tpu.memory_space<hbm>> -> memref<1x1x25x80xi32, #tpu.memory_space<hbm>>
      %dma_start3A_140 = tpu.memref_squeeze %dma_start3A_139 : memref<1x1x25x80xi32, #tpu.memory_space<hbm>> -> memref<25x80xi32, #tpu.memory_space<hbm>>
      %dma_start3A_141 = arith.constant 0 : i32
      %dma_start3A_142 = arith.constant 0 : i32
      %dma_start3A_143 = tpu.memref_slice %arg2[%add3A, %run_scoped3A, %dma_start3A_141, %dma_start3A_142] : memref<32x5x25x80xi32, #tpu.memory_space<hbm>> -> memref<1x1x25x80xi32, #tpu.memory_space<hbm>>
      %dma_start3A_144 = tpu.memref_squeeze %dma_start3A_143 : memref<1x1x25x80xi32, #tpu.memory_space<hbm>> -> memref<25x80xi32, #tpu.memory_space<hbm>>
      tpu.enqueue_dma source(%dma_start3A_144 : memref<25x80xi32, #tpu.memory_space<hbm>>) target(%arg8 : memref<25x80xi32, #tpu.memory_space<vmem>>) target_semaphore(%run_scoped3A_136 : memref<!tpu.dma_semaphore, #tpu.memory_space<semaphore_mem>>)
      %dma_wait3A_145 = arith.constant 0 : i32
      %dma_wait3A_146 = arith.constant 0 : i32
      %dma_wait3A_147 = tpu.memref_slice %arg2[%add3A, %run_scoped3A, %dma_wait3A_145, %dma_wait3A_146] : memref<32x5x25x80xi32, #tpu.memory_space<hbm>> -> memref<1x1x25x80xi32, #tpu.memory_space<hbm>>
      %dma_wait3A_148 = tpu.memref_squeeze %dma_wait3A_147 : memref<1x1x25x80xi32, #tpu.memory_space<hbm>> -> memref<25x80xi32, #tpu.memory_space<hbm>>
      %dma_wait3A_149 = arith.constant 0 : i32
      %dma_wait3A_150 = arith.constant 0 : i32
      %dma_wait3A_151 = tpu.memref_slice %arg2[%add3A, %run_scoped3A, %dma_wait3A_149, %dma_wait3A_150] : memref<32x5x25x80xi32, #tpu.memory_space<hbm>> -> memref<1x1x25x80xi32, #tpu.memory_space<hbm>>
      %dma_wait3A_152 = tpu.memref_squeeze %dma_wait3A_151 : memref<1x1x25x80xi32, #tpu.memory_space<hbm>> -> memref<25x80xi32, #tpu.memory_space<hbm>>
      tpu.wait_dma2 semaphore(%run_scoped3A_136 : memref<!tpu.dma_semaphore, #tpu.memory_space<semaphore_mem>>) src(%dma_wait3A_152 : memref<25x80xi32, #tpu.memory_space<hbm>>) dst(%arg8 : memref<25x80xi32, #tpu.memory_space<vmem>>)
      tpu.yield
    }) : () -> ()
    %run_scoped3A_42 = arith.constant 0 : i32
    "tpu.region"() ({
      %run_scoped3A_136 = tpu.sem_alloc : memref<!tpu.dma_semaphore, #tpu.memory_space<semaphore_mem>>
      %dma_start3A_137 = arith.constant 0 : i32
      %dma_start3A_138 = arith.constant 0 : i32
      %dma_start3A_139 = tpu.memref_slice %arg3[%add3A, %run_scoped3A_42, %dma_start3A_137, %dma_start3A_138] : memref<32x5x25x80xi32, #tpu.memory_space<hbm>> -> memref<1x1x25x80xi32, #tpu.memory_space<hbm>>
      %dma_start3A_140 = tpu.memref_squeeze %dma_start3A_139 : memref<1x1x25x80xi32, #tpu.memory_space<hbm>> -> memref<25x80xi32, #tpu.memory_space<hbm>>
      %dma_start3A_141 = arith.constant 0 : i32
      %dma_start3A_142 = arith.constant 0 : i32
      %dma_start3A_143 = tpu.memref_slice %arg3[%add3A, %run_scoped3A_42, %dma_start3A_141, %dma_start3A_142] : memref<32x5x25x80xi32, #tpu.memory_space<hbm>> -> memref<1x1x25x80xi32, #tpu.memory_space<hbm>>
      %dma_start3A_144 = tpu.memref_squeeze %dma_start3A_143 : memref<1x1x25x80xi32, #tpu.memory_space<hbm>> -> memref<25x80xi32, #tpu.memory_space<hbm>>
      tpu.enqueue_dma source(%dma_start3A_144 : memref<25x80xi32, #tpu.memory_space<hbm>>) target(%arg9 : memref<25x80xi32, #tpu.memory_space<vmem>>) target_semaphore(%run_scoped3A_136 : memref<!tpu.dma_semaphore, #tpu.memory_space<semaphore_mem>>)
      %dma_wait3A_145 = arith.constant 0 : i32
      %dma_wait3A_146 = arith.constant 0 : i32
      %dma_wait3A_147 = tpu.memref_slice %arg3[%add3A, %run_scoped3A_42, %dma_wait3A_145, %dma_wait3A_146] : memref<32x5x25x80xi32, #tpu.memory_space<hbm>> -> memref<1x1x25x80xi32, #tpu.memory_space<hbm>>
      %dma_wait3A_148 = tpu.memref_squeeze %dma_wait3A_147 : memref<1x1x25x80xi32, #tpu.memory_space<hbm>> -> memref<25x80xi32, #tpu.memory_space<hbm>>
      %dma_wait3A_149 = arith.constant 0 : i32
      %dma_wait3A_150 = arith.constant 0 : i32
      %dma_wait3A_151 = tpu.memref_slice %arg3[%add3A, %run_scoped3A_42, %dma_wait3A_149, %dma_wait3A_150] : memref<32x5x25x80xi32, #tpu.memory_space<hbm>> -> memref<1x1x25x80xi32, #tpu.memory_space<hbm>>
      %dma_wait3A_152 = tpu.memref_squeeze %dma_wait3A_151 : memref<1x1x25x80xi32, #tpu.memory_space<hbm>> -> memref<25x80xi32, #tpu.memory_space<hbm>>
      tpu.wait_dma2 semaphore(%run_scoped3A_136 : memref<!tpu.dma_semaphore, #tpu.memory_space<semaphore_mem>>) src(%dma_wait3A_152 : memref<25x80xi32, #tpu.memory_space<hbm>>) dst(%arg9 : memref<25x80xi32, #tpu.memory_space<vmem>>)
      tpu.yield
    }) : () -> ()
    %rem3A = arith.constant 0 : i32
    %rem3A_43 = arith.constant 25 : i32
    %rem3A_44 = arith.remsi %rem3A, %rem3A_43 : i32
    %dma_start3A = arith.constant 0 : i32
    %dma_start3A_45 = tpu.memref_slice %arg9[%rem3A_44, %dma_start3A] : memref<25x80xi32, #tpu.memory_space<vmem>> -> memref<1x80xi32, #tpu.memory_space<vmem>>
    %dma_start3A_46 = tpu.memref_squeeze %dma_start3A_45 : memref<1x80xi32, #tpu.memory_space<vmem>> -> memref<80xi32, #tpu.memory_space<vmem>>
    %dma_start3A_47 = arith.constant 0 : i32
    %dma_start3A_48 = arith.constant 0 : i32
    %dma_start3A_49 = tpu.memref_slice %arg4[%dma_start3A_47, %dma_start3A_48] : memref<10240x16xf32, #tpu.memory_space<hbm>> -> memref<10240x16xf32, #tpu.memory_space<hbm>>
    tpu.enqueue_indirect_dma source(%dma_start3A_49 : memref<10240x16xf32, #tpu.memory_space<hbm>>) target(%arg10 : memref<80x16xf32, #tpu.memory_space<vmem>>) offsets(%dma_start3A_46 : memref<80xi32, #tpu.memory_space<vmem>>) semaphore(%arg16 : memref<!tpu.dma_semaphore, #tpu.memory_space<semaphore_mem>>)
    %dma_start3A_50 = arith.constant 0 : i32
    %dma_start3A_51 = tpu.memref_slice %arg8[%rem3A_44, %dma_start3A_50] : memref<25x80xi32, #tpu.memory_space<vmem>> -> memref<1x80xi32, #tpu.memory_space<vmem>>
    %dma_start3A_52 = tpu.memref_squeeze %dma_start3A_51 : memref<1x80xi32, #tpu.memory_space<vmem>> -> memref<80xi32, #tpu.memory_space<vmem>>
    %dma_start3A_53 = arith.constant 0 : i32
    %dma_start3A_54 = arith.constant 0 : i32
    %dma_start3A_55 = tpu.memref_slice %arg5[%dma_start3A_53, %dma_start3A_54] : memref<10240x144xf32, #tpu.memory_space<hbm>> -> memref<10240x144xf32, #tpu.memory_space<hbm>>
    tpu.enqueue_indirect_dma source(%dma_start3A_55 : memref<10240x144xf32, #tpu.memory_space<hbm>>) target(%arg12 : memref<80x144xf32, #tpu.memory_space<vmem>>) offsets(%dma_start3A_52 : memref<80xi32, #tpu.memory_space<vmem>>) semaphore(%arg16 : memref<!tpu.dma_semaphore, #tpu.memory_space<semaphore_mem>>)
    %scan3A_56 = arith.constant 0 : i32
    %scan3A_57 = arith.constant 0 : i32
    %scan3A_58 = arith.constant 62 : i32
    %scan3A_59 = arith.addi %scan3A_57, %scan3A_58 : i32
    %scan3A_60 = arith.constant 1 : i32
    %scan3A_61 = scf.for %scan3A_136 = %scan3A_57 to %scan3A_59 step %scan3A_60 iter_args(%scan3A_137 = %scan3A_56) -> (i32)  : i32 {
      %mul3A_138 = arith.constant 2 : i32
      %mul3A_139 = arith.muli %mul3A_138, %scan3A_136 : i32
      %add3A_140 = arith.constant 0 : i32
      %add3A_141 = arith.addi %mul3A_139, %add3A_140 : i32
      %dma_wait3A_142 = arith.constant 0 : i32
      %dma_wait3A_143 = arith.constant 0 : i32
      %dma_wait3A_144 = tpu.memref_slice %arg9[%dma_wait3A_142, %dma_wait3A_143] : memref<25x80xi32, #tpu.memory_space<vmem>> -> memref<1x80xi32, #tpu.memory_space<vmem>>
      %dma_wait3A_145 = tpu.memref_squeeze %dma_wait3A_144 : memref<1x80xi32, #tpu.memory_space<vmem>> -> memref<80xi32, #tpu.memory_space<vmem>>
      %dma_wait3A_146 = arith.constant 0 : i32
      %dma_wait3A_147 = arith.constant 0 : i32
      %dma_wait3A_148 = tpu.memref_slice %arg4[%dma_wait3A_146, %dma_wait3A_147] : memref<10240x16xf32, #tpu.memory_space<hbm>> -> memref<10240x16xf32, #tpu.memory_space<hbm>>
      tpu.wait_indirect_dma semaphore(%arg16 : memref<!tpu.dma_semaphore, #tpu.memory_space<semaphore_mem>>) src(%dma_wait3A_148 : memref<10240x16xf32, #tpu.memory_space<hbm>>) dst(%arg10 : memref<80x16xf32, #tpu.memory_space<vmem>>)
      %dma_wait3A_149 = arith.constant 0 : i32
      %dma_wait3A_150 = arith.constant 0 : i32
      %dma_wait3A_151 = tpu.memref_slice %arg8[%dma_wait3A_149, %dma_wait3A_150] : memref<25x80xi32, #tpu.memory_space<vmem>> -> memref<1x80xi32, #tpu.memory_space<vmem>>
      %dma_wait3A_152 = tpu.memref_squeeze %dma_wait3A_151 : memref<1x80xi32, #tpu.memory_space<vmem>> -> memref<80xi32, #tpu.memory_space<vmem>>
      %dma_wait3A_153 = arith.constant 0 : i32
      %dma_wait3A_154 = arith.constant 0 : i32
      %dma_wait3A_155 = tpu.memref_slice %arg5[%dma_wait3A_153, %dma_wait3A_154] : memref<10240x144xf32, #tpu.memory_space<hbm>> -> memref<10240x144xf32, #tpu.memory_space<hbm>>
      tpu.wait_indirect_dma semaphore(%arg16 : memref<!tpu.dma_semaphore, #tpu.memory_space<semaphore_mem>>) src(%dma_wait3A_155 : memref<10240x144xf32, #tpu.memory_space<hbm>>) dst(%arg12 : memref<80x144xf32, #tpu.memory_space<vmem>>)
      %rem3A_156 = arith.constant 25 : i32
      %rem3A_157 = arith.remsi %add3A_141, %rem3A_156 : i32
      %get3A_158 = arith.index_cast %rem3A_157 : i32 to index
      %get3A_159 = arith.constant 0 : index
      %get3A_160 = tpu.vector_load %arg9[%get3A_158, %get3A_159] {strides = array<i32>} : memref<25x80xi32, #tpu.memory_space<vmem>>, vector<1x16xi32>,
      %get3A_161 = vector.shape_cast %get3A_160 : vector<1x16xi32> to vector<16xi32>
      %swap3A_162 = arith.constant 0 : index
      %swap3A_163 = tpu.vector_load %arg14[%swap3A_162] {strides = array<i32>} : memref<80xi32, #tpu.memory_space<vmem>>, vector<16xi32>,
      %swap3A_164 = vector.shape_cast %swap3A_163 : vector<16xi32> to vector<16xi32>
      %swap3A_165 = vector.shape_cast %get3A_161 : vector<16xi32> to vector<16xi32>
      tpu.vector_store %arg14[%swap3A_162], %swap3A_165 {strides = array<i32>} : memref<80xi32, #tpu.memory_space<vmem>>, vector<16xi32>,
      %get3A_166 = arith.index_cast %rem3A_157 : i32 to index
      %get3A_167 = arith.constant 16 : index
      %get3A_168 = tpu.vector_load %arg9[%get3A_166, %get3A_167] {strides = array<i32>} : memref<25x80xi32, #tpu.memory_space<vmem>>, vector<1x16xi32>,
      %get3A_169 = vector.shape_cast %get3A_168 : vector<1x16xi32> to vector<16xi32>
      %swap3A_170 = arith.constant 16 : index
      %swap3A_171 = tpu.vector_load %arg14[%swap3A_170] {strides = array<i32>} : memref<80xi32, #tpu.memory_space<vmem>>, vector<16xi32>,
      %swap3A_172 = vector.shape_cast %swap3A_171 : vector<16xi32> to vector<16xi32>
      %swap3A_173 = vector.shape_cast %get3A_169 : vector<16xi32> to vector<16xi32>
      tpu.vector_store %arg14[%swap3A_170], %swap3A_173 {strides = array<i32>} : memref<80xi32, #tpu.memory_space<vmem>>, vector<16xi32>,
      %get3A_174 = arith.index_cast %rem3A_157 : i32 to index
      %get3A_175 = arith.constant 32 : index
      %get3A_176 = tpu.vector_load %arg9[%get3A_174, %get3A_175] {strides = array<i32>} : memref<25x80xi32, #tpu.memory_space<vmem>>, vector<1x16xi32>,
      %get3A_177 = vector.shape_cast %get3A_176 : vector<1x16xi32> to vector<16xi32>
      %swap3A_178 = arith.constant 32 : index
      %swap3A_179 = tpu.vector_load %arg14[%swap3A_178] {strides = array<i32>} : memref<80xi32, #tpu.memory_space<vmem>>, vector<16xi32>,
      %swap3A_180 = vector.shape_cast %swap3A_179 : vector<16xi32> to vector<16xi32>
      %swap3A_181 = vector.shape_cast %get3A_177 : vector<16xi32> to vector<16xi32>
      tpu.vector_store %arg14[%swap3A_178], %swap3A_181 {strides = array<i32>} : memref<80xi32, #tpu.memory_space<vmem>>, vector<16xi32>,
      %get3A_182 = arith.index_cast %rem3A_157 : i32 to index
      %get3A_183 = arith.constant 48 : index
      %get3A_184 = tpu.vector_load %arg9[%get3A_182, %get3A_183] {strides = array<i32>} : memref<25x80xi32, #tpu.memory_space<vmem>>, vector<1x16xi32>,
      %get3A_185 = vector.shape_cast %get3A_184 : vector<1x16xi32> to vector<16xi32>
      %swap3A_186 = arith.constant 48 : index
      %swap3A_187 = tpu.vector_load %arg14[%swap3A_186] {strides = array<i32>} : memref<80xi32, #tpu.memory_space<vmem>>, vector<16xi32>,
      %swap3A_188 = vector.shape_cast %swap3A_187 : vector<16xi32> to vector<16xi32>
      %swap3A_189 = vector.shape_cast %get3A_185 : vector<16xi32> to vector<16xi32>
      tpu.vector_store %arg14[%swap3A_186], %swap3A_189 {strides = array<i32>} : memref<80xi32, #tpu.memory_space<vmem>>, vector<16xi32>,
      %get3A_190 = arith.index_cast %rem3A_157 : i32 to index
      %get3A_191 = arith.constant 64 : index
      %get3A_192 = tpu.vector_load %arg9[%get3A_190, %get3A_191] {strides = array<i32>} : memref<25x80xi32, #tpu.memory_space<vmem>>, vector<1x16xi32>,
      %get3A_193 = vector.shape_cast %get3A_192 : vector<1x16xi32> to vector<16xi32>
      %swap3A_194 = arith.constant 64 : index
      %swap3A_195 = tpu.vector_load %arg14[%swap3A_194] {strides = array<i32>} : memref<80xi32, #tpu.memory_space<vmem>>, vector<16xi32>,
      %swap3A_196 = vector.shape_cast %swap3A_195 : vector<16xi32> to vector<16xi32>
      %swap3A_197 = vector.shape_cast %get3A_193 : vector<16xi32> to vector<16xi32>
      tpu.vector_store %arg14[%swap3A_194], %swap3A_197 {strides = array<i32>} : memref<80xi32, #tpu.memory_space<vmem>>, vector<16xi32>,
      %add3A_198 = arith.constant 1 : i32
      %add3A_199 = arith.addi %add3A_141, %add3A_198 : i32
      %rem3A_200 = arith.constant 25 : i32
      %rem3A_201 = arith.remsi %add3A_199, %rem3A_200 : i32
      %eq3A = arith.constant 0 : i32
      %eq3A_202 = arith.cmpi eq, %rem3A_201, %eq3A : i32
      %convert_element_type3A = arith.extui %eq3A_202 : i1 to i32
      %cond3A = arith.constant 0 : i32
      %cond3A_203 = arith.cmpi ne, %convert_element_type3A, %cond3A : i32
      scf.if %cond3A_203 {
        %jit3A = arith.constant 25 : i32
        %div3A = arith.divsi %add3A_199, %jit3A : i32
        %sign3A = arith.constant 0 : i32
        %sign3A_331 = arith.cmpi sgt, %add3A_199, %sign3A : i32
        %sign3A_332 = arith.extui %sign3A_331 : i1 to i32
        %sign3A_333 = arith.constant 0 : i32
        %sign3A_334 = arith.cmpi slt, %add3A_199, %sign3A_333 : i32
        %sign3A_335 = arith.extui %sign3A_334 : i1 to i32
        %sign3A_336 = arith.subi %sign3A_332, %sign3A_335 : i32
        %sign3A_337 = arith.constant 0 : i32
        %sign3A_338 = arith.cmpi sgt, %jit3A, %sign3A_337 : i32
        %sign3A_339 = arith.extui %sign3A_338 : i1 to i32
        %sign3A_340 = arith.constant 0 : i32
        %sign3A_341 = arith.cmpi slt, %jit3A, %sign3A_340 : i32
        %sign3A_342 = arith.extui %sign3A_341 : i1 to i32
        %sign3A_343 = arith.subi %sign3A_339, %sign3A_342 : i32
        %ne3A = arith.cmpi ne, %sign3A_336, %sign3A_343 : i32
        %rem3A_344 = arith.remsi %add3A_199, %jit3A : i32
        %ne3A_345 = arith.constant 0 : i32
        %ne3A_346 = arith.cmpi ne, %rem3A_344, %ne3A_345 : i32
        %and3A = arith.andi %ne3A, %ne3A_346 : i1
        %sub3A = arith.constant 1 : i32
        %sub3A_347 = arith.subi %div3A, %sub3A : i32
        %select_n3A = arith.select %and3A, %sub3A_347, %div3A : i32
        "tpu.region"() ({
          %run_scoped3A_348 = tpu.sem_alloc : memref<!tpu.dma_semaphore, #tpu.memory_space<semaphore_mem>>
          %dma_start3A_349 = arith.constant 0 : i32
          %dma_start3A_350 = arith.constant 0 : i32
          %dma_start3A_351 = tpu.memref_slice %arg2[%add3A, %select_n3A, %dma_start3A_349, %dma_start3A_350] : memref<32x5x25x80xi32, #tpu.memory_space<hbm>> -> memref<1x1x25x80xi32, #tpu.memory_space<hbm>>
          %dma_start3A_352 = tpu.memref_squeeze %dma_start3A_351 : memref<1x1x25x80xi32, #tpu.memory_space<hbm>> -> memref<25x80xi32, #tpu.memory_space<hbm>>
          %dma_start3A_353 = arith.constant 0 : i32
          %dma_start3A_354 = arith.constant 0 : i32
          %dma_start3A_355 = tpu.memref_slice %arg2[%add3A, %select_n3A, %dma_start3A_353, %dma_start3A_354] : memref<32x5x25x80xi32, #tpu.memory_space<hbm>> -> memref<1x1x25x80xi32, #tpu.memory_space<hbm>>
          %dma_start3A_356 = tpu.memref_squeeze %dma_start3A_355 : memref<1x1x25x80xi32, #tpu.memory_space<hbm>> -> memref<25x80xi32, #tpu.memory_space<hbm>>
          tpu.enqueue_dma source(%dma_start3A_356 : memref<25x80xi32, #tpu.memory_space<hbm>>) target(%arg8 : memref<25x80xi32, #tpu.memory_space<vmem>>) target_semaphore(%run_scoped3A_348 : memref<!tpu.dma_semaphore, #tpu.memory_space<semaphore_mem>>)
          %dma_wait3A_357 = arith.constant 0 : i32
          %dma_wait3A_358 = arith.constant 0 : i32
          %dma_wait3A_359 = tpu.memref_slice %arg2[%add3A, %select_n3A, %dma_wait3A_357, %dma_wait3A_358] : memref<32x5x25x80xi32, #tpu.memory_space<hbm>> -> memref<1x1x25x80xi32, #tpu.memory_space<hbm>>
          %dma_wait3A_360 = tpu.memref_squeeze %dma_wait3A_359 : memref<1x1x25x80xi32, #tpu.memory_space<hbm>> -> memref<25x80xi32, #tpu.memory_space<hbm>>
          %dma_wait3A_361 = arith.constant 0 : i32
          %dma_wait3A_362 = arith.constant 0 : i32
          %dma_wait3A_363 = tpu.memref_slice %arg2[%add3A, %select_n3A, %dma_wait3A_361, %dma_wait3A_362] : memref<32x5x25x80xi32, #tpu.memory_space<hbm>> -> memref<1x1x25x80xi32, #tpu.memory_space<hbm>>
          %dma_wait3A_364 = tpu.memref_squeeze %dma_wait3A_363 : memref<1x1x25x80xi32, #tpu.memory_space<hbm>> -> memref<25x80xi32, #tpu.memory_space<hbm>>
          tpu.wait_dma2 semaphore(%run_scoped3A_348 : memref<!tpu.dma_semaphore, #tpu.memory_space<semaphore_mem>>) src(%dma_wait3A_364 : memref<25x80xi32, #tpu.memory_space<hbm>>) dst(%arg8 : memref<25x80xi32, #tpu.memory_space<vmem>>)
          tpu.yield
        }) : () -> ()
        "tpu.region"() ({
          %run_scoped3A_348 = tpu.sem_alloc : memref<!tpu.dma_semaphore, #tpu.memory_space<semaphore_mem>>
          %dma_start3A_349 = arith.constant 0 : i32
          %dma_start3A_350 = arith.constant 0 : i32
          %dma_start3A_351 = tpu.memref_slice %arg3[%add3A, %select_n3A, %dma_start3A_349, %dma_start3A_350] : memref<32x5x25x80xi32, #tpu.memory_space<hbm>> -> memref<1x1x25x80xi32, #tpu.memory_space<hbm>>
          %dma_start3A_352 = tpu.memref_squeeze %dma_start3A_351 : memref<1x1x25x80xi32, #tpu.memory_space<hbm>> -> memref<25x80xi32, #tpu.memory_space<hbm>>
          %dma_start3A_353 = arith.constant 0 : i32
          %dma_start3A_354 = arith.constant 0 : i32
          %dma_start3A_355 = tpu.memref_slice %arg3[%add3A, %select_n3A, %dma_start3A_353, %dma_start3A_354] : memref<32x5x25x80xi32, #tpu.memory_space<hbm>> -> memref<1x1x25x80xi32, #tpu.memory_space<hbm>>
          %dma_start3A_356 = tpu.memref_squeeze %dma_start3A_355 : memref<1x1x25x80xi32, #tpu.memory_space<hbm>> -> memref<25x80xi32, #tpu.memory_space<hbm>>
          tpu.enqueue_dma source(%dma_start3A_356 : memref<25x80xi32, #tpu.memory_space<hbm>>) target(%arg9 : memref<25x80xi32, #tpu.memory_space<vmem>>) target_semaphore(%run_scoped3A_348 : memref<!tpu.dma_semaphore, #tpu.memory_space<semaphore_mem>>)
          %dma_wait3A_357 = arith.constant 0 : i32
          %dma_wait3A_358 = arith.constant 0 : i32
          %dma_wait3A_359 = tpu.memref_slice %arg3[%add3A, %select_n3A, %dma_wait3A_357, %dma_wait3A_358] : memref<32x5x25x80xi32, #tpu.memory_space<hbm>> -> memref<1x1x25x80xi32, #tpu.memory_space<hbm>>
          %dma_wait3A_360 = tpu.memref_squeeze %dma_wait3A_359 : memref<1x1x25x80xi32, #tpu.memory_space<hbm>> -> memref<25x80xi32, #tpu.memory_space<hbm>>
          %dma_wait3A_361 = arith.constant 0 : i32
          %dma_wait3A_362 = arith.constant 0 : i32
          %dma_wait3A_363 = tpu.memref_slice %arg3[%add3A, %select_n3A, %dma_wait3A_361, %dma_wait3A_362] : memref<32x5x25x80xi32, #tpu.memory_space<hbm>> -> memref<1x1x25x80xi32, #tpu.memory_space<hbm>>
          %dma_wait3A_364 = tpu.memref_squeeze %dma_wait3A_363 : memref<1x1x25x80xi32, #tpu.memory_space<hbm>> -> memref<25x80xi32, #tpu.memory_space<hbm>>
          tpu.wait_dma2 semaphore(%run_scoped3A_348 : memref<!tpu.dma_semaphore, #tpu.memory_space<semaphore_mem>>) src(%dma_wait3A_364 : memref<25x80xi32, #tpu.memory_space<hbm>>) dst(%arg9 : memref<25x80xi32, #tpu.memory_space<vmem>>)
          tpu.yield
        }) : () -> ()
      } else {
      }
      %ge3A = arith.constant 1 : i32
      %ge3A_204 = arith.cmpi sge, %add3A_141, %ge3A : i32
      %convert_element_type3A_205 = arith.extui %ge3A_204 : i1 to i32
      %cond3A_206 = arith.constant 0 : i32
      %cond3A_207 = arith.cmpi ne, %convert_element_type3A_205, %cond3A_206 : i32
      scf.if %cond3A_207 {
        %dma_wait3A_331 = arith.constant 0 : i32
        %dma_wait3A_332 = arith.constant 0 : i32
        %dma_wait3A_333 = tpu.memref_slice %arg7[%dma_wait3A_331, %dma_wait3A_332] : memref<10240x144xf32, #tpu.memory_space<vmem_shared>> -> memref<10240x144xf32, #tpu.memory_space<vmem_shared>>
        tpu.wait_indirect_dma semaphore(%arg19 : memref<!tpu.dma_semaphore, #tpu.memory_space<semaphore_mem>>) src(%arg13 : memref<80x144xf32, #tpu.memory_space<vmem>>) dst(%dma_wait3A_333 : memref<10240x144xf32, #tpu.memory_space<vmem_shared>>)
      } else {
      }
      %rem3A_208 = arith.constant 25 : i32
      %rem3A_209 = arith.remsi %add3A_199, %rem3A_208 : i32
      %dma_start3A_210 = arith.constant 0 : i32
      %dma_start3A_211 = tpu.memref_slice %arg9[%rem3A_209, %dma_start3A_210] : memref<25x80xi32, #tpu.memory_space<vmem>> -> memref<1x80xi32, #tpu.memory_space<vmem>>
      %dma_start3A_212 = tpu.memref_squeeze %dma_start3A_211 : memref<1x80xi32, #tpu.memory_space<vmem>> -> memref<80xi32, #tpu.memory_space<vmem>>
      %dma_start3A_213 = arith.constant 0 : i32
      %dma_start3A_214 = arith.constant 0 : i32
      %dma_start3A_215 = tpu.memref_slice %arg4[%dma_start3A_213, %dma_start3A_214] : memref<10240x16xf32, #tpu.memory_space<hbm>> -> memref<10240x16xf32, #tpu.memory_space<hbm>>
      tpu.enqueue_indirect_dma source(%dma_start3A_215 : memref<10240x16xf32, #tpu.memory_space<hbm>>) target(%arg11 : memref<80x16xf32, #tpu.memory_space<vmem>>) offsets(%dma_start3A_212 : memref<80xi32, #tpu.memory_space<vmem>>) semaphore(%arg17 : memref<!tpu.dma_semaphore, #tpu.memory_space<semaphore_mem>>)
      %dma_start3A_216 = arith.constant 0 : i32
      %dma_start3A_217 = tpu.memref_slice %arg8[%rem3A_209, %dma_start3A_216] : memref<25x80xi32, #tpu.memory_space<vmem>> -> memref<1x80xi32, #tpu.memory_space<vmem>>
      %dma_start3A_218 = tpu.memref_squeeze %dma_start3A_217 : memref<1x80xi32, #tpu.memory_space<vmem>> -> memref<80xi32, #tpu.memory_space<vmem>>
      %dma_start3A_219 = arith.constant 0 : i32
      %dma_start3A_220 = arith.constant 0 : i32
      %dma_start3A_221 = tpu.memref_slice %arg5[%dma_start3A_219, %dma_start3A_220] : memref<10240x144xf32, #tpu.memory_space<hbm>> -> memref<10240x144xf32, #tpu.memory_space<hbm>>
      tpu.enqueue_indirect_dma source(%dma_start3A_221 : memref<10240x144xf32, #tpu.memory_space<hbm>>) target(%arg13 : memref<80x144xf32, #tpu.memory_space<vmem>>) offsets(%dma_start3A_218 : memref<80xi32, #tpu.memory_space<vmem>>) semaphore(%arg17 : memref<!tpu.dma_semaphore, #tpu.memory_space<semaphore_mem>>)
      %scan3A_222 = arith.constant 0 : i32
      %scan3A_223 = arith.constant 0 : i32
      %scan3A_224 = arith.constant 80 : i32
      %scan3A_225 = arith.addi %scan3A_223, %scan3A_224 : i32
      %scan3A_226 = arith.constant 1 : i32
      %scan3A_227 = scf.for %scan3A_331 = %scan3A_223 to %scan3A_225 step %scan3A_226 iter_args(%scan3A_332 = %scan3A_222) -> (i32)  : i32 {
        %get3A_333 = arith.index_cast %scan3A_331 : i32 to index
        %get3A_334 = arith.constant 128 : index
        %get3A_335 = tpu.vector_load %arg12[%get3A_333, %get3A_334] {strides = array<i32>} : memref<80x144xf32, #tpu.memory_space<vmem>>, vector<1x16xf32>,
        %get3A_336 = vector.shape_cast %get3A_335 : vector<1x16xf32> to vector<16xf32>
        %get3A_337 = arith.index_cast %scan3A_331 : i32 to index
        %get3A_338 = arith.constant 0 : index
        %get3A_339 = tpu.vector_load %arg10[%get3A_337, %get3A_338] {strides = array<i32>} : memref<80x16xf32, #tpu.memory_space<vmem>>, vector<1x16xf32>,
        %get3A_340 = vector.shape_cast %get3A_339 : vector<1x16xf32> to vector<16xf32>
        %add3A_341 = arith.addf %get3A_336, %get3A_340 : vector<16xf32>
        %ge3A_342 = arith.constant 0.000000e+00 : f32
        %ge3A_343 = vector.broadcast %ge3A_342 : f32 to vector<16xf32>
        %ge3A_344 = arith.cmpf oge, %add3A_341, %ge3A_343 : vector<16xf32>
        %mul3A_345 = arith.constant 2.000000e-01 : f32
        %mul3A_346 = vector.broadcast %mul3A_345 : f32 to vector<16xf32>
        %mul3A_347 = arith.mulf %mul3A_346, %add3A_341 : vector<16xf32>
        %select_n3A = arith.select %ge3A_344, %add3A_341, %mul3A_347 : vector<16xi1>, vector<16xf32>
        %exp3A = math.exp %select_n3A : vector<16xf32>
        %jit3A = arith.constant 0.000000e+00 : f32
        %broadcast_in_dim3A_348 = vector.broadcast %jit3A : f32 to vector<16xf32>
        %select_n3A_349 = arith.select %lt3A_41, %exp3A, %broadcast_in_dim3A_348 : vector<16xi1>, vector<16xf32>
        %swap3A_350 = arith.index_cast %scan3A_331 : i32 to index
        %swap3A_351 = arith.constant 128 : index
        %swap3A_352 = tpu.vector_load %arg12[%swap3A_350, %swap3A_351] {strides = array<i32>} : memref<80x144xf32, #tpu.memory_space<vmem>>, vector<1x16xf32>,
        %swap3A_353 = vector.shape_cast %swap3A_352 : vector<1x16xf32> to vector<16xf32>
        %swap3A_354 = vector.shape_cast %select_n3A_349 : vector<16xf32> to vector<1x16xf32>
        tpu.vector_store %arg12[%swap3A_350, %swap3A_351], %swap3A_354 {strides = array<i32>} : memref<80x144xf32, #tpu.memory_space<vmem>>, vector<1x16xf32>,
        %slice3A = vector.extract_strided_slice %select_n3A_349 {offsets = [0], sizes = [1], strides = [1]} : vector<16xf32> to vector<1xf32>
        %squeeze3A = vector.extract %slice3A[0] : f32 from vector<1xf32>
        %get3A_355 = arith.index_cast %scan3A_331 : i32 to index
        %get3A_356 = arith.constant 0 : index
        %get3A_357 = tpu.vector_load %arg12[%get3A_355, %get3A_356] {strides = array<i32>} : memref<80x144xf32, #tpu.memory_space<vmem>>, vector<1x16xf32>,
        %get3A_358 = vector.shape_cast %get3A_357 : vector<1x16xf32> to vector<16xf32>
        %mul3A_359 = vector.broadcast %squeeze3A : f32 to vector<16xf32>
        %mul3A_360 = arith.mulf %get3A_358, %mul3A_359 : vector<16xf32>
        %swap3A_361 = arith.index_cast %scan3A_331 : i32 to index
        %swap3A_362 = arith.constant 0 : index
        %swap3A_363 = tpu.vector_load %arg12[%swap3A_361, %swap3A_362] {strides = array<i32>} : memref<80x144xf32, #tpu.memory_space<vmem>>, vector<1x16xf32>,
        %swap3A_364 = vector.shape_cast %swap3A_363 : vector<1x16xf32> to vector<16xf32>
        %swap3A_365 = vector.shape_cast %mul3A_360 : vector<16xf32> to vector<1x16xf32>
        tpu.vector_store %arg12[%swap3A_361, %swap3A_362], %swap3A_365 {strides = array<i32>} : memref<80x144xf32, #tpu.memory_space<vmem>>, vector<1x16xf32>,
        %slice3A_366 = vector.extract_strided_slice %select_n3A_349 {offsets = [1], sizes = [1], strides = [1]} : vector<16xf32> to vector<1xf32>
        %squeeze3A_367 = vector.extract %slice3A_366[0] : f32 from vector<1xf32>
        %get3A_368 = arith.index_cast %scan3A_331 : i32 to index
        %get3A_369 = arith.constant 16 : index
        %get3A_370 = tpu.vector_load %arg12[%get3A_368, %get3A_369] {strides = array<i32>} : memref<80x144xf32, #tpu.memory_space<vmem>>, vector<1x16xf32>,
        %get3A_371 = vector.shape_cast %get3A_370 : vector<1x16xf32> to vector<16xf32>
        %mul3A_372 = vector.broadcast %squeeze3A_367 : f32 to vector<16xf32>
        %mul3A_373 = arith.mulf %get3A_371, %mul3A_372 : vector<16xf32>
        %swap3A_374 = arith.index_cast %scan3A_331 : i32 to index
        %swap3A_375 = arith.constant 16 : index
        %swap3A_376 = tpu.vector_load %arg12[%swap3A_374, %swap3A_375] {strides = array<i32>} : memref<80x144xf32, #tpu.memory_space<vmem>>, vector<1x16xf32>,
        %swap3A_377 = vector.shape_cast %swap3A_376 : vector<1x16xf32> to vector<16xf32>
        %swap3A_378 = vector.shape_cast %mul3A_373 : vector<16xf32> to vector<1x16xf32>
        tpu.vector_store %arg12[%swap3A_374, %swap3A_375], %swap3A_378 {strides = array<i32>} : memref<80x144xf32, #tpu.memory_space<vmem>>, vector<1x16xf32>,
        %slice3A_379 = vector.extract_strided_slice %select_n3A_349 {offsets = [2], sizes = [1], strides = [1]} : vector<16xf32> to vector<1xf32>
        %squeeze3A_380 = vector.extract %slice3A_379[0] : f32 from vector<1xf32>
        %get3A_381 = arith.index_cast %scan3A_331 : i32 to index
        %get3A_382 = arith.constant 32 : index
        %get3A_383 = tpu.vector_load %arg12[%get3A_381, %get3A_382] {strides = array<i32>} : memref<80x144xf32, #tpu.memory_space<vmem>>, vector<1x16xf32>,
        %get3A_384 = vector.shape_cast %get3A_383 : vector<1x16xf32> to vector<16xf32>
        %mul3A_385 = vector.broadcast %squeeze3A_380 : f32 to vector<16xf32>
        %mul3A_386 = arith.mulf %get3A_384, %mul3A_385 : vector<16xf32>
        %swap3A_387 = arith.index_cast %scan3A_331 : i32 to index
        %swap3A_388 = arith.constant 32 : index
        %swap3A_389 = tpu.vector_load %arg12[%swap3A_387, %swap3A_388] {strides = array<i32>} : memref<80x144xf32, #tpu.memory_space<vmem>>, vector<1x16xf32>,
        %swap3A_390 = vector.shape_cast %swap3A_389 : vector<1x16xf32> to vector<16xf32>
        %swap3A_391 = vector.shape_cast %mul3A_386 : vector<16xf32> to vector<1x16xf32>
        tpu.vector_store %arg12[%swap3A_387, %swap3A_388], %swap3A_391 {strides = array<i32>} : memref<80x144xf32, #tpu.memory_space<vmem>>, vector<1x16xf32>,
        %slice3A_392 = vector.extract_strided_slice %select_n3A_349 {offsets = [3], sizes = [1], strides = [1]} : vector<16xf32> to vector<1xf32>
        %squeeze3A_393 = vector.extract %slice3A_392[0] : f32 from vector<1xf32>
        %get3A_394 = arith.index_cast %scan3A_331 : i32 to index
        %get3A_395 = arith.constant 48 : index
        %get3A_396 = tpu.vector_load %arg12[%get3A_394, %get3A_395] {strides = array<i32>} : memref<80x144xf32, #tpu.memory_space<vmem>>, vector<1x16xf32>,
        %get3A_397 = vector.shape_cast %get3A_396 : vector<1x16xf32> to vector<16xf32>
        %mul3A_398 = vector.broadcast %squeeze3A_393 : f32 to vector<16xf32>
        %mul3A_399 = arith.mulf %get3A_397, %mul3A_398 : vector<16xf32>
        %swap3A_400 = arith.index_cast %scan3A_331 : i32 to index
        %swap3A_401 = arith.constant 48 : index
        %swap3A_402 = tpu.vector_load %arg12[%swap3A_400, %swap3A_401] {strides = array<i32>} : memref<80x144xf32, #tpu.memory_space<vmem>>, vector<1x16xf32>,
        %swap3A_403 = vector.shape_cast %swap3A_402 : vector<1x16xf32> to vector<16xf32>
        %swap3A_404 = vector.shape_cast %mul3A_399 : vector<16xf32> to vector<1x16xf32>
        tpu.vector_store %arg12[%swap3A_400, %swap3A_401], %swap3A_404 {strides = array<i32>} : memref<80x144xf32, #tpu.memory_space<vmem>>, vector<1x16xf32>,
        %slice3A_405 = vector.extract_strided_slice %select_n3A_349 {offsets = [4], sizes = [1], strides = [1]} : vector<16xf32> to vector<1xf32>
        %squeeze3A_406 = vector.extract %slice3A_405[0] : f32 from vector<1xf32>
        %get3A_407 = arith.index_cast %scan3A_331 : i32 to index
        %get3A_408 = arith.constant 64 : index
        %get3A_409 = tpu.vector_load %arg12[%get3A_407, %get3A_408] {strides = array<i32>} : memref<80x144xf32, #tpu.memory_space<vmem>>, vector<1x16xf32>,
        %get3A_410 = vector.shape_cast %get3A_409 : vector<1x16xf32> to vector<16xf32>
        %mul3A_411 = vector.broadcast %squeeze3A_406 : f32 to vector<16xf32>
        %mul3A_412 = arith.mulf %get3A_410, %mul3A_411 : vector<16xf32>
        %swap3A_413 = arith.index_cast %scan3A_331 : i32 to index
        %swap3A_414 = arith.constant 64 : index
        %swap3A_415 = tpu.vector_load %arg12[%swap3A_413, %swap3A_414] {strides = array<i32>} : memref<80x144xf32, #tpu.memory_space<vmem>>, vector<1x16xf32>,
        %swap3A_416 = vector.shape_cast %swap3A_415 : vector<1x16xf32> to vector<16xf32>
        %swap3A_417 = vector.shape_cast %mul3A_412 : vector<16xf32> to vector<1x16xf32>
        tpu.vector_store %arg12[%swap3A_413, %swap3A_414], %swap3A_417 {strides = array<i32>} : memref<80x144xf32, #tpu.memory_space<vmem>>, vector<1x16xf32>,
        %slice3A_418 = vector.extract_strided_slice %select_n3A_349 {offsets = [5], sizes = [1], strides = [1]} : vector<16xf32> to vector<1xf32>
        %squeeze3A_419 = vector.extract %slice3A_418[0] : f32 from vector<1xf32>
        %get3A_420 = arith.index_cast %scan3A_331 : i32 to index
        %get3A_421 = arith.constant 80 : index
        %get3A_422 = tpu.vector_load %arg12[%get3A_420, %get3A_421] {strides = array<i32>} : memref<80x144xf32, #tpu.memory_space<vmem>>, vector<1x16xf32>,
        %get3A_423 = vector.shape_cast %get3A_422 : vector<1x16xf32> to vector<16xf32>
        %mul3A_424 = vector.broadcast %squeeze3A_419 : f32 to vector<16xf32>
        %mul3A_425 = arith.mulf %get3A_423, %mul3A_424 : vector<16xf32>
        %swap3A_426 = arith.index_cast %scan3A_331 : i32 to index
        %swap3A_427 = arith.constant 80 : index
        %swap3A_428 = tpu.vector_load %arg12[%swap3A_426, %swap3A_427] {strides = array<i32>} : memref<80x144xf32, #tpu.memory_space<vmem>>, vector<1x16xf32>,
        %swap3A_429 = vector.shape_cast %swap3A_428 : vector<1x16xf32> to vector<16xf32>
        %swap3A_430 = vector.shape_cast %mul3A_425 : vector<16xf32> to vector<1x16xf32>
        tpu.vector_store %arg12[%swap3A_426, %swap3A_427], %swap3A_430 {strides = array<i32>} : memref<80x144xf32, #tpu.memory_space<vmem>>, vector<1x16xf32>,
        %slice3A_431 = vector.extract_strided_slice %select_n3A_349 {offsets = [6], sizes = [1], strides = [1]} : vector<16xf32> to vector<1xf32>
        %squeeze3A_432 = vector.extract %slice3A_431[0] : f32 from vector<1xf32>
        %get3A_433 = arith.index_cast %scan3A_331 : i32 to index
        %get3A_434 = arith.constant 96 : index
        %get3A_435 = tpu.vector_load %arg12[%get3A_433, %get3A_434] {strides = array<i32>} : memref<80x144xf32, #tpu.memory_space<vmem>>, vector<1x16xf32>,
        %get3A_436 = vector.shape_cast %get3A_435 : vector<1x16xf32> to vector<16xf32>
        %mul3A_437 = vector.broadcast %squeeze3A_432 : f32 to vector<16xf32>
        %mul3A_438 = arith.mulf %get3A_436, %mul3A_437 : vector<16xf32>
        %swap3A_439 = arith.index_cast %scan3A_331 : i32 to index
        %swap3A_440 = arith.constant 96 : index
        %swap3A_441 = tpu.vector_load %arg12[%swap3A_439, %swap3A_440] {strides = array<i32>} : memref<80x144xf32, #tpu.memory_space<vmem>>, vector<1x16xf32>,
        %swap3A_442 = vector.shape_cast %swap3A_441 : vector<1x16xf32> to vector<16xf32>
        %swap3A_443 = vector.shape_cast %mul3A_438 : vector<16xf32> to vector<1x16xf32>
        tpu.vector_store %arg12[%swap3A_439, %swap3A_440], %swap3A_443 {strides = array<i32>} : memref<80x144xf32, #tpu.memory_space<vmem>>, vector<1x16xf32>,
        %slice3A_444 = vector.extract_strided_slice %select_n3A_349 {offsets = [7], sizes = [1], strides = [1]} : vector<16xf32> to vector<1xf32>
        %squeeze3A_445 = vector.extract %slice3A_444[0] : f32 from vector<1xf32>
        %get3A_446 = arith.index_cast %scan3A_331 : i32 to index
        %get3A_447 = arith.constant 112 : index
        %get3A_448 = tpu.vector_load %arg12[%get3A_446, %get3A_447] {strides = array<i32>} : memref<80x144xf32, #tpu.memory_space<vmem>>, vector<1x16xf32>,
        %get3A_449 = vector.shape_cast %get3A_448 : vector<1x16xf32> to vector<16xf32>
        %mul3A_450 = vector.broadcast %squeeze3A_445 : f32 to vector<16xf32>
        %mul3A_451 = arith.mulf %get3A_449, %mul3A_450 : vector<16xf32>
        %swap3A_452 = arith.index_cast %scan3A_331 : i32 to index
        %swap3A_453 = arith.constant 112 : index
        %swap3A_454 = tpu.vector_load %arg12[%swap3A_452, %swap3A_453] {strides = array<i32>} : memref<80x144xf32, #tpu.memory_space<vmem>>, vector<1x16xf32>,
        %swap3A_455 = vector.shape_cast %swap3A_454 : vector<1x16xf32> to vector<16xf32>
        %swap3A_456 = vector.shape_cast %mul3A_451 : vector<16xf32> to vector<1x16xf32>
        tpu.vector_store %arg12[%swap3A_452, %swap3A_453], %swap3A_456 {strides = array<i32>} : memref<80x144xf32, #tpu.memory_space<vmem>>, vector<1x16xf32>,
        %scan3A_457 = arith.constant 0 : i32
        scf.yield %scan3A_457 : i32
      }
      %scan3A_228 = arith.constant 80 : i32
      %dma_start3A_229 = arith.constant 0 : i32
      %dma_start3A_230 = arith.constant 0 : i32
      %dma_start3A_231 = tpu.memref_slice %arg7[%dma_start3A_229, %dma_start3A_230] : memref<10240x144xf32, #tpu.memory_space<vmem_shared>> -> memref<10240x144xf32, #tpu.memory_space<vmem_shared>>
      tpu.enqueue_indirect_dma source(%arg12 : memref<80x144xf32, #tpu.memory_space<vmem>>) target(%dma_start3A_231 : memref<10240x144xf32, #tpu.memory_space<vmem_shared>>) offsets(%arg14 : memref<80xi32, #tpu.memory_space<vmem>>) semaphore(%arg18 : memref<!tpu.dma_semaphore, #tpu.memory_space<semaphore_mem>>) {add = true}
      %mul3A_232 = arith.constant 2 : i32
      %mul3A_233 = arith.muli %mul3A_232, %scan3A_136 : i32
      %add3A_234 = arith.constant 1 : i32
      %add3A_235 = arith.addi %mul3A_233, %add3A_234 : i32
      %dma_wait3A_236 = arith.constant 0 : i32
      %dma_wait3A_237 = arith.constant 0 : i32
      %dma_wait3A_238 = tpu.memref_slice %arg9[%dma_wait3A_236, %dma_wait3A_237] : memref<25x80xi32, #tpu.memory_space<vmem>> -> memref<1x80xi32, #tpu.memory_space<vmem>>
      %dma_wait3A_239 = tpu.memref_squeeze %dma_wait3A_238 : memref<1x80xi32, #tpu.memory_space<vmem>> -> memref<80xi32, #tpu.memory_space<vmem>>
      %dma_wait3A_240 = arith.constant 0 : i32
      %dma_wait3A_241 = arith.constant 0 : i32
      %dma_wait3A_242 = tpu.memref_slice %arg4[%dma_wait3A_240, %dma_wait3A_241] : memref<10240x16xf32, #tpu.memory_space<hbm>> -> memref<10240x16xf32, #tpu.memory_space<hbm>>
      tpu.wait_indirect_dma semaphore(%arg17 : memref<!tpu.dma_semaphore, #tpu.memory_space<semaphore_mem>>) src(%dma_wait3A_242 : memref<10240x16xf32, #tpu.memory_space<hbm>>) dst(%arg11 : memref<80x16xf32, #tpu.memory_space<vmem>>)
      %dma_wait3A_243 = arith.constant 0 : i32
      %dma_wait3A_244 = arith.constant 0 : i32
      %dma_wait3A_245 = tpu.memref_slice %arg8[%dma_wait3A_243, %dma_wait3A_244] : memref<25x80xi32, #tpu.memory_space<vmem>> -> memref<1x80xi32, #tpu.memory_space<vmem>>
      %dma_wait3A_246 = tpu.memref_squeeze %dma_wait3A_245 : memref<1x80xi32, #tpu.memory_space<vmem>> -> memref<80xi32, #tpu.memory_space<vmem>>
      %dma_wait3A_247 = arith.constant 0 : i32
      %dma_wait3A_248 = arith.constant 0 : i32
      %dma_wait3A_249 = tpu.memref_slice %arg5[%dma_wait3A_247, %dma_wait3A_248] : memref<10240x144xf32, #tpu.memory_space<hbm>> -> memref<10240x144xf32, #tpu.memory_space<hbm>>
      tpu.wait_indirect_dma semaphore(%arg17 : memref<!tpu.dma_semaphore, #tpu.memory_space<semaphore_mem>>) src(%dma_wait3A_249 : memref<10240x144xf32, #tpu.memory_space<hbm>>) dst(%arg13 : memref<80x144xf32, #tpu.memory_space<vmem>>)
      %rem3A_250 = arith.constant 25 : i32
      %rem3A_251 = arith.remsi %add3A_235, %rem3A_250 : i32
      %get3A_252 = arith.index_cast %rem3A_251 : i32 to index
      %get3A_253 = arith.constant 0 : index
      %get3A_254 = tpu.vector_load %arg9[%get3A_252, %get3A_253] {strides = array<i32>} : memref<25x80xi32, #tpu.memory_space<vmem>>, vector<1x16xi32>,
      %get3A_255 = vector.shape_cast %get3A_254 : vector<1x16xi32> to vector<16xi32>
      %swap3A_256 = arith.constant 0 : index
      %swap3A_257 = tpu.vector_load %arg15[%swap3A_256] {strides = array<i32>} : memref<80xi32, #tpu.memory_space<vmem>>, vector<16xi32>,
      %swap3A_258 = vector.shape_cast %swap3A_257 : vector<16xi32> to vector<16xi32>
      %swap3A_259 = vector.shape_cast %get3A_255 : vector<16xi32> to vector<16xi32>
      tpu.vector_store %arg15[%swap3A_256], %swap3A_259 {strides = array<i32>} : memref<80xi32, #tpu.memory_space<vmem>>, vector<16xi32>,
      %get3A_260 = arith.index_cast %rem3A_251 : i32 to index
      %get3A_261 = arith.constant 16 : index
      %get3A_262 = tpu.vector_load %arg9[%get3A_260, %get3A_261] {strides = array<i32>} : memref<25x80xi32, #tpu.memory_space<vmem>>, vector<1x16xi32>,
      %get3A_263 = vector.shape_cast %get3A_262 : vector<1x16xi32> to vector<16xi32>
      %swap3A_264 = arith.constant 16 : index
      %swap3A_265 = tpu.vector_load %arg15[%swap3A_264] {strides = array<i32>} : memref<80xi32, #tpu.memory_space<vmem>>, vector<16xi32>,
      %swap3A_266 = vector.shape_cast %swap3A_265 : vector<16xi32> to vector<16xi32>
      %swap3A_267 = vector.shape_cast %get3A_263 : vector<16xi32> to vector<16xi32>
      tpu.vector_store %arg15[%swap3A_264], %swap3A_267 {strides = array<i32>} : memref<80xi32, #tpu.memory_space<vmem>>, vector<16xi32>,
      %get3A_268 = arith.index_cast %rem3A_251 : i32 to index
      %get3A_269 = arith.constant 32 : index
      %get3A_270 = tpu.vector_load %arg9[%get3A_268, %get3A_269] {strides = array<i32>} : memref<25x80xi32, #tpu.memory_space<vmem>>, vector<1x16xi32>,
      %get3A_271 = vector.shape_cast %get3A_270 : vector<1x16xi32> to vector<16xi32>
      %swap3A_272 = arith.constant 32 : index
      %swap3A_273 = tpu.vector_load %arg15[%swap3A_272] {strides = array<i32>} : memref<80xi32, #tpu.memory_space<vmem>>, vector<16xi32>,
      %swap3A_274 = vector.shape_cast %swap3A_273 : vector<16xi32> to vector<16xi32>
      %swap3A_275 = vector.shape_cast %get3A_271 : vector<16xi32> to vector<16xi32>
      tpu.vector_store %arg15[%swap3A_272], %swap3A_275 {strides = array<i32>} : memref<80xi32, #tpu.memory_space<vmem>>, vector<16xi32>,
      %get3A_276 = arith.index_cast %rem3A_251 : i32 to index
      %get3A_277 = arith.constant 48 : index
      %get3A_278 = tpu.vector_load %arg9[%get3A_276, %get3A_277] {strides = array<i32>} : memref<25x80xi32, #tpu.memory_space<vmem>>, vector<1x16xi32>,
      %get3A_279 = vector.shape_cast %get3A_278 : vector<1x16xi32> to vector<16xi32>
      %swap3A_280 = arith.constant 48 : index
      %swap3A_281 = tpu.vector_load %arg15[%swap3A_280] {strides = array<i32>} : memref<80xi32, #tpu.memory_space<vmem>>, vector<16xi32>,
      %swap3A_282 = vector.shape_cast %swap3A_281 : vector<16xi32> to vector<16xi32>
      %swap3A_283 = vector.shape_cast %get3A_279 : vector<16xi32> to vector<16xi32>
      tpu.vector_store %arg15[%swap3A_280], %swap3A_283 {strides = array<i32>} : memref<80xi32, #tpu.memory_space<vmem>>, vector<16xi32>,
      %get3A_284 = arith.index_cast %rem3A_251 : i32 to index
      %get3A_285 = arith.constant 64 : index
      %get3A_286 = tpu.vector_load %arg9[%get3A_284, %get3A_285] {strides = array<i32>} : memref<25x80xi32, #tpu.memory_space<vmem>>, vector<1x16xi32>,
      %get3A_287 = vector.shape_cast %get3A_286 : vector<1x16xi32> to vector<16xi32>
      %swap3A_288 = arith.constant 64 : index
      %swap3A_289 = tpu.vector_load %arg15[%swap3A_288] {strides = array<i32>} : memref<80xi32, #tpu.memory_space<vmem>>, vector<16xi32>,
      %swap3A_290 = vector.shape_cast %swap3A_289 : vector<16xi32> to vector<16xi32>
      %swap3A_291 = vector.shape_cast %get3A_287 : vector<16xi32> to vector<16xi32>
      tpu.vector_store %arg15[%swap3A_288], %swap3A_291 {strides = array<i32>} : memref<80xi32, #tpu.memory_space<vmem>>, vector<16xi32>,
      %add3A_292 = arith.constant 1 : i32
      %add3A_293 = arith.addi %add3A_235, %add3A_292 : i32
      %rem3A_294 = arith.constant 25 : i32
      %rem3A_295 = arith.remsi %add3A_293, %rem3A_294 : i32
      %eq3A_296 = arith.constant 0 : i32
      %eq3A_297 = arith.cmpi eq, %rem3A_295, %eq3A_296 : i32
      %convert_element_type3A_298 = arith.extui %eq3A_297 : i1 to i32
      %cond3A_299 = arith.constant 0 : i32
      %cond3A_300 = arith.cmpi ne, %convert_element_type3A_298, %cond3A_299 : i32
      scf.if %cond3A_300 {
        %jit3A = arith.constant 25 : i32
        %div3A = arith.divsi %add3A_293, %jit3A : i32
        %sign3A = arith.constant 0 : i32
        %sign3A_331 = arith.cmpi sgt, %add3A_293, %sign3A : i32
        %sign3A_332 = arith.extui %sign3A_331 : i1 to i32
        %sign3A_333 = arith.constant 0 : i32
        %sign3A_334 = arith.cmpi slt, %add3A_293, %sign3A_333 : i32
        %sign3A_335 = arith.extui %sign3A_334 : i1 to i32
        %sign3A_336 = arith.subi %sign3A_332, %sign3A_335 : i32
        %sign3A_337 = arith.constant 0 : i32
        %sign3A_338 = arith.cmpi sgt, %jit3A, %sign3A_337 : i32
        %sign3A_339 = arith.extui %sign3A_338 : i1 to i32
        %sign3A_340 = arith.constant 0 : i32
        %sign3A_341 = arith.cmpi slt, %jit3A, %sign3A_340 : i32
        %sign3A_342 = arith.extui %sign3A_341 : i1 to i32
        %sign3A_343 = arith.subi %sign3A_339, %sign3A_342 : i32
        %ne3A = arith.cmpi ne, %sign3A_336, %sign3A_343 : i32
        %rem3A_344 = arith.remsi %add3A_293, %jit3A : i32
        %ne3A_345 = arith.constant 0 : i32
        %ne3A_346 = arith.cmpi ne, %rem3A_344, %ne3A_345 : i32
        %and3A = arith.andi %ne3A, %ne3A_346 : i1
        %sub3A = arith.constant 1 : i32
        %sub3A_347 = arith.subi %div3A, %sub3A : i32
        %select_n3A = arith.select %and3A, %sub3A_347, %div3A : i32
        "tpu.region"() ({
          %run_scoped3A_348 = tpu.sem_alloc : memref<!tpu.dma_semaphore, #tpu.memory_space<semaphore_mem>>
          %dma_start3A_349 = arith.constant 0 : i32
          %dma_start3A_350 = arith.constant 0 : i32
          %dma_start3A_351 = tpu.memref_slice %arg2[%add3A, %select_n3A, %dma_start3A_349, %dma_start3A_350] : memref<32x5x25x80xi32, #tpu.memory_space<hbm>> -> memref<1x1x25x80xi32, #tpu.memory_space<hbm>>
          %dma_start3A_352 = tpu.memref_squeeze %dma_start3A_351 : memref<1x1x25x80xi32, #tpu.memory_space<hbm>> -> memref<25x80xi32, #tpu.memory_space<hbm>>
          %dma_start3A_353 = arith.constant 0 : i32
          %dma_start3A_354 = arith.constant 0 : i32
          %dma_start3A_355 = tpu.memref_slice %arg2[%add3A, %select_n3A, %dma_start3A_353, %dma_start3A_354] : memref<32x5x25x80xi32, #tpu.memory_space<hbm>> -> memref<1x1x25x80xi32, #tpu.memory_space<hbm>>
          %dma_start3A_356 = tpu.memref_squeeze %dma_start3A_355 : memref<1x1x25x80xi32, #tpu.memory_space<hbm>> -> memref<25x80xi32, #tpu.memory_space<hbm>>
          tpu.enqueue_dma source(%dma_start3A_356 : memref<25x80xi32, #tpu.memory_space<hbm>>) target(%arg8 : memref<25x80xi32, #tpu.memory_space<vmem>>) target_semaphore(%run_scoped3A_348 : memref<!tpu.dma_semaphore, #tpu.memory_space<semaphore_mem>>)
          %dma_wait3A_357 = arith.constant 0 : i32
          %dma_wait3A_358 = arith.constant 0 : i32
          %dma_wait3A_359 = tpu.memref_slice %arg2[%add3A, %select_n3A, %dma_wait3A_357, %dma_wait3A_358] : memref<32x5x25x80xi32, #tpu.memory_space<hbm>> -> memref<1x1x25x80xi32, #tpu.memory_space<hbm>>
          %dma_wait3A_360 = tpu.memref_squeeze %dma_wait3A_359 : memref<1x1x25x80xi32, #tpu.memory_space<hbm>> -> memref<25x80xi32, #tpu.memory_space<hbm>>
          %dma_wait3A_361 = arith.constant 0 : i32
          %dma_wait3A_362 = arith.constant 0 : i32
          %dma_wait3A_363 = tpu.memref_slice %arg2[%add3A, %select_n3A, %dma_wait3A_361, %dma_wait3A_362] : memref<32x5x25x80xi32, #tpu.memory_space<hbm>> -> memref<1x1x25x80xi32, #tpu.memory_space<hbm>>
          %dma_wait3A_364 = tpu.memref_squeeze %dma_wait3A_363 : memref<1x1x25x80xi32, #tpu.memory_space<hbm>> -> memref<25x80xi32, #tpu.memory_space<hbm>>
          tpu.wait_dma2 semaphore(%run_scoped3A_348 : memref<!tpu.dma_semaphore, #tpu.memory_space<semaphore_mem>>) src(%dma_wait3A_364 : memref<25x80xi32, #tpu.memory_space<hbm>>) dst(%arg8 : memref<25x80xi32, #tpu.memory_space<vmem>>)
          tpu.yield
        }) : () -> ()
        "tpu.region"() ({
          %run_scoped3A_348 = tpu.sem_alloc : memref<!tpu.dma_semaphore, #tpu.memory_space<semaphore_mem>>
          %dma_start3A_349 = arith.constant 0 : i32
          %dma_start3A_350 = arith.constant 0 : i32
          %dma_start3A_351 = tpu.memref_slice %arg3[%add3A, %select_n3A, %dma_start3A_349, %dma_start3A_350] : memref<32x5x25x80xi32, #tpu.memory_space<hbm>> -> memref<1x1x25x80xi32, #tpu.memory_space<hbm>>
          %dma_start3A_352 = tpu.memref_squeeze %dma_start3A_351 : memref<1x1x25x80xi32, #tpu.memory_space<hbm>> -> memref<25x80xi32, #tpu.memory_space<hbm>>
          %dma_start3A_353 = arith.constant 0 : i32
          %dma_start3A_354 = arith.constant 0 : i32
          %dma_start3A_355 = tpu.memref_slice %arg3[%add3A, %select_n3A, %dma_start3A_353, %dma_start3A_354] : memref<32x5x25x80xi32, #tpu.memory_space<hbm>> -> memref<1x1x25x80xi32, #tpu.memory_space<hbm>>
          %dma_start3A_356 = tpu.memref_squeeze %dma_start3A_355 : memref<1x1x25x80xi32, #tpu.memory_space<hbm>> -> memref<25x80xi32, #tpu.memory_space<hbm>>
          tpu.enqueue_dma source(%dma_start3A_356 : memref<25x80xi32, #tpu.memory_space<hbm>>) target(%arg9 : memref<25x80xi32, #tpu.memory_space<vmem>>) target_semaphore(%run_scoped3A_348 : memref<!tpu.dma_semaphore, #tpu.memory_space<semaphore_mem>>)
          %dma_wait3A_357 = arith.constant 0 : i32
          %dma_wait3A_358 = arith.constant 0 : i32
          %dma_wait3A_359 = tpu.memref_slice %arg3[%add3A, %select_n3A, %dma_wait3A_357, %dma_wait3A_358] : memref<32x5x25x80xi32, #tpu.memory_space<hbm>> -> memref<1x1x25x80xi32, #tpu.memory_space<hbm>>
          %dma_wait3A_360 = tpu.memref_squeeze %dma_wait3A_359 : memref<1x1x25x80xi32, #tpu.memory_space<hbm>> -> memref<25x80xi32, #tpu.memory_space<hbm>>
          %dma_wait3A_361 = arith.constant 0 : i32
          %dma_wait3A_362 = arith.constant 0 : i32
          %dma_wait3A_363 = tpu.memref_slice %arg3[%add3A, %select_n3A, %dma_wait3A_361, %dma_wait3A_362] : memref<32x5x25x80xi32, #tpu.memory_space<hbm>> -> memref<1x1x25x80xi32, #tpu.memory_space<hbm>>
          %dma_wait3A_364 = tpu.memref_squeeze %dma_wait3A_363 : memref<1x1x25x80xi32, #tpu.memory_space<hbm>> -> memref<25x80xi32, #tpu.memory_space<hbm>>
          tpu.wait_dma2 semaphore(%run_scoped3A_348 : memref<!tpu.dma_semaphore, #tpu.memory_space<semaphore_mem>>) src(%dma_wait3A_364 : memref<25x80xi32, #tpu.memory_space<hbm>>) dst(%arg9 : memref<25x80xi32, #tpu.memory_space<vmem>>)
          tpu.yield
        }) : () -> ()
      } else {
      }
      %ge3A_301 = arith.constant 1 : i32
      %ge3A_302 = arith.cmpi sge, %add3A_235, %ge3A_301 : i32
      %convert_element_type3A_303 = arith.extui %ge3A_302 : i1 to i32
      %cond3A_304 = arith.constant 0 : i32
      %cond3A_305 = arith.cmpi ne, %convert_element_type3A_303, %cond3A_304 : i32
      scf.if %cond3A_305 {
        %dma_wait3A_331 = arith.constant 0 : i32
        %dma_wait3A_332 = arith.constant 0 : i32
        %dma_wait3A_333 = tpu.memref_slice %arg7[%dma_wait3A_331, %dma_wait3A_332] : memref<10240x144xf32, #tpu.memory_space<vmem_shared>> -> memref<10240x144xf32, #tpu.memory_space<vmem_shared>>
        tpu.wait_indirect_dma semaphore(%arg18 : memref<!tpu.dma_semaphore, #tpu.memory_space<semaphore_mem>>) src(%arg12 : memref<80x144xf32, #tpu.memory_space<vmem>>) dst(%dma_wait3A_333 : memref<10240x144xf32, #tpu.memory_space<vmem_shared>>)
      } else {
      }
      %rem3A_306 = arith.constant 25 : i32
      %rem3A_307 = arith.remsi %add3A_293, %rem3A_306 : i32
      %dma_start3A_308 = arith.constant 0 : i32
      %dma_start3A_309 = tpu.memref_slice %arg9[%rem3A_307, %dma_start3A_308] : memref<25x80xi32, #tpu.memory_space<vmem>> -> memref<1x80xi32, #tpu.memory_space<vmem>>
      %dma_start3A_310 = tpu.memref_squeeze %dma_start3A_309 : memref<1x80xi32, #tpu.memory_space<vmem>> -> memref<80xi32, #tpu.memory_space<vmem>>
      %dma_start3A_311 = arith.constant 0 : i32
      %dma_start3A_312 = arith.constant 0 : i32
      %dma_start3A_313 = tpu.memref_slice %arg4[%dma_start3A_311, %dma_start3A_312] : memref<10240x16xf32, #tpu.memory_space<hbm>> -> memref<10240x16xf32, #tpu.memory_space<hbm>>
      tpu.enqueue_indirect_dma source(%dma_start3A_313 : memref<10240x16xf32, #tpu.memory_space<hbm>>) target(%arg10 : memref<80x16xf32, #tpu.memory_space<vmem>>) offsets(%dma_start3A_310 : memref<80xi32, #tpu.memory_space<vmem>>) semaphore(%arg16 : memref<!tpu.dma_semaphore, #tpu.memory_space<semaphore_mem>>)
      %dma_start3A_314 = arith.constant 0 : i32
      %dma_start3A_315 = tpu.memref_slice %arg8[%rem3A_307, %dma_start3A_314] : memref<25x80xi32, #tpu.memory_space<vmem>> -> memref<1x80xi32, #tpu.memory_space<vmem>>
      %dma_start3A_316 = tpu.memref_squeeze %dma_start3A_315 : memref<1x80xi32, #tpu.memory_space<vmem>> -> memref<80xi32, #tpu.memory_space<vmem>>
      %dma_start3A_317 = arith.constant 0 : i32
      %dma_start3A_318 = arith.constant 0 : i32
      %dma_start3A_319 = tpu.memref_slice %arg5[%dma_start3A_317, %dma_start3A_318] : memref<10240x144xf32, #tpu.memory_space<hbm>> -> memref<10240x144xf32, #tpu.memory_space<hbm>>
      tpu.enqueue_indirect_dma source(%dma_start3A_319 : memref<10240x144xf32, #tpu.memory_space<hbm>>) target(%arg12 : memref<80x144xf32, #tpu.memory_space<vmem>>) offsets(%dma_start3A_316 : memref<80xi32, #tpu.memory_space<vmem>>) semaphore(%arg16 : memref<!tpu.dma_semaphore, #tpu.memory_space<semaphore_mem>>)
      %scan3A_320 = arith.constant 0 : i32
      %scan3A_321 = arith.constant 0 : i32
      %scan3A_322 = arith.constant 80 : i32
      %scan3A_323 = arith.addi %scan3A_321, %scan3A_322 : i32
      %scan3A_324 = arith.constant 1 : i32
      %scan3A_325 = scf.for %scan3A_331 = %scan3A_321 to %scan3A_323 step %scan3A_324 iter_args(%scan3A_332 = %scan3A_320) -> (i32)  : i32 {
        %get3A_333 = arith.index_cast %scan3A_331 : i32 to index
        %get3A_334 = arith.constant 128 : index
        %get3A_335 = tpu.vector_load %arg13[%get3A_333, %get3A_334] {strides = array<i32>} : memref<80x144xf32, #tpu.memory_space<vmem>>, vector<1x16xf32>,
        %get3A_336 = vector.shape_cast %get3A_335 : vector<1x16xf32> to vector<16xf32>
        %get3A_337 = arith.index_cast %scan3A_331 : i32 to index
        %get3A_338 = arith.constant 0 : index
        %get3A_339 = tpu.vector_load %arg11[%get3A_337, %get3A_338] {strides = array<i32>} : memref<80x16xf32, #tpu.memory_space<vmem>>, vector<1x16xf32>,
        %get3A_340 = vector.shape_cast %get3A_339 : vector<1x16xf32> to vector<16xf32>
        %add3A_341 = arith.addf %get3A_336, %get3A_340 : vector<16xf32>
        %ge3A_342 = arith.constant 0.000000e+00 : f32
        %ge3A_343 = vector.broadcast %ge3A_342 : f32 to vector<16xf32>
        %ge3A_344 = arith.cmpf oge, %add3A_341, %ge3A_343 : vector<16xf32>
        %mul3A_345 = arith.constant 2.000000e-01 : f32
        %mul3A_346 = vector.broadcast %mul3A_345 : f32 to vector<16xf32>
        %mul3A_347 = arith.mulf %mul3A_346, %add3A_341 : vector<16xf32>
        %select_n3A = arith.select %ge3A_344, %add3A_341, %mul3A_347 : vector<16xi1>, vector<16xf32>
        %exp3A = math.exp %select_n3A : vector<16xf32>
        %jit3A = arith.constant 0.000000e+00 : f32
        %broadcast_in_dim3A_348 = vector.broadcast %jit3A : f32 to vector<16xf32>
        %select_n3A_349 = arith.select %lt3A_41, %exp3A, %broadcast_in_dim3A_348 : vector<16xi1>, vector<16xf32>
        %swap3A_350 = arith.index_cast %scan3A_331 : i32 to index
        %swap3A_351 = arith.constant 128 : index
        %swap3A_352 = tpu.vector_load %arg13[%swap3A_350, %swap3A_351] {strides = array<i32>} : memref<80x144xf32, #tpu.memory_space<vmem>>, vector<1x16xf32>,
        %swap3A_353 = vector.shape_cast %swap3A_352 : vector<1x16xf32> to vector<16xf32>
        %swap3A_354 = vector.shape_cast %select_n3A_349 : vector<16xf32> to vector<1x16xf32>
        tpu.vector_store %arg13[%swap3A_350, %swap3A_351], %swap3A_354 {strides = array<i32>} : memref<80x144xf32, #tpu.memory_space<vmem>>, vector<1x16xf32>,
        %slice3A = vector.extract_strided_slice %select_n3A_349 {offsets = [0], sizes = [1], strides = [1]} : vector<16xf32> to vector<1xf32>
        %squeeze3A = vector.extract %slice3A[0] : f32 from vector<1xf32>
        %get3A_355 = arith.index_cast %scan3A_331 : i32 to index
        %get3A_356 = arith.constant 0 : index
        %get3A_357 = tpu.vector_load %arg13[%get3A_355, %get3A_356] {strides = array<i32>} : memref<80x144xf32, #tpu.memory_space<vmem>>, vector<1x16xf32>,
        %get3A_358 = vector.shape_cast %get3A_357 : vector<1x16xf32> to vector<16xf32>
        %mul3A_359 = vector.broadcast %squeeze3A : f32 to vector<16xf32>
        %mul3A_360 = arith.mulf %get3A_358, %mul3A_359 : vector<16xf32>
        %swap3A_361 = arith.index_cast %scan3A_331 : i32 to index
        %swap3A_362 = arith.constant 0 : index
        %swap3A_363 = tpu.vector_load %arg13[%swap3A_361, %swap3A_362] {strides = array<i32>} : memref<80x144xf32, #tpu.memory_space<vmem>>, vector<1x16xf32>,
        %swap3A_364 = vector.shape_cast %swap3A_363 : vector<1x16xf32> to vector<16xf32>
        %swap3A_365 = vector.shape_cast %mul3A_360 : vector<16xf32> to vector<1x16xf32>
        tpu.vector_store %arg13[%swap3A_361, %swap3A_362], %swap3A_365 {strides = array<i32>} : memref<80x144xf32, #tpu.memory_space<vmem>>, vector<1x16xf32>,
        %slice3A_366 = vector.extract_strided_slice %select_n3A_349 {offsets = [1], sizes = [1], strides = [1]} : vector<16xf32> to vector<1xf32>
        %squeeze3A_367 = vector.extract %slice3A_366[0] : f32 from vector<1xf32>
        %get3A_368 = arith.index_cast %scan3A_331 : i32 to index
        %get3A_369 = arith.constant 16 : index
        %get3A_370 = tpu.vector_load %arg13[%get3A_368, %get3A_369] {strides = array<i32>} : memref<80x144xf32, #tpu.memory_space<vmem>>, vector<1x16xf32>,
        %get3A_371 = vector.shape_cast %get3A_370 : vector<1x16xf32> to vector<16xf32>
        %mul3A_372 = vector.broadcast %squeeze3A_367 : f32 to vector<16xf32>
        %mul3A_373 = arith.mulf %get3A_371, %mul3A_372 : vector<16xf32>
        %swap3A_374 = arith.index_cast %scan3A_331 : i32 to index
        %swap3A_375 = arith.constant 16 : index
        %swap3A_376 = tpu.vector_load %arg13[%swap3A_374, %swap3A_375] {strides = array<i32>} : memref<80x144xf32, #tpu.memory_space<vmem>>, vector<1x16xf32>,
        %swap3A_377 = vector.shape_cast %swap3A_376 : vector<1x16xf32> to vector<16xf32>
        %swap3A_378 = vector.shape_cast %mul3A_373 : vector<16xf32> to vector<1x16xf32>
        tpu.vector_store %arg13[%swap3A_374, %swap3A_375], %swap3A_378 {strides = array<i32>} : memref<80x144xf32, #tpu.memory_space<vmem>>, vector<1x16xf32>,
        %slice3A_379 = vector.extract_strided_slice %select_n3A_349 {offsets = [2], sizes = [1], strides = [1]} : vector<16xf32> to vector<1xf32>
        %squeeze3A_380 = vector.extract %slice3A_379[0] : f32 from vector<1xf32>
        %get3A_381 = arith.index_cast %scan3A_331 : i32 to index
        %get3A_382 = arith.constant 32 : index
        %get3A_383 = tpu.vector_load %arg13[%get3A_381, %get3A_382] {strides = array<i32>} : memref<80x144xf32, #tpu.memory_space<vmem>>, vector<1x16xf32>,
        %get3A_384 = vector.shape_cast %get3A_383 : vector<1x16xf32> to vector<16xf32>
        %mul3A_385 = vector.broadcast %squeeze3A_380 : f32 to vector<16xf32>
        %mul3A_386 = arith.mulf %get3A_384, %mul3A_385 : vector<16xf32>
        %swap3A_387 = arith.index_cast %scan3A_331 : i32 to index
        %swap3A_388 = arith.constant 32 : index
        %swap3A_389 = tpu.vector_load %arg13[%swap3A_387, %swap3A_388] {strides = array<i32>} : memref<80x144xf32, #tpu.memory_space<vmem>>, vector<1x16xf32>,
        %swap3A_390 = vector.shape_cast %swap3A_389 : vector<1x16xf32> to vector<16xf32>
        %swap3A_391 = vector.shape_cast %mul3A_386 : vector<16xf32> to vector<1x16xf32>
        tpu.vector_store %arg13[%swap3A_387, %swap3A_388], %swap3A_391 {strides = array<i32>} : memref<80x144xf32, #tpu.memory_space<vmem>>, vector<1x16xf32>,
        %slice3A_392 = vector.extract_strided_slice %select_n3A_349 {offsets = [3], sizes = [1], strides = [1]} : vector<16xf32> to vector<1xf32>
        %squeeze3A_393 = vector.extract %slice3A_392[0] : f32 from vector<1xf32>
        %get3A_394 = arith.index_cast %scan3A_331 : i32 to index
        %get3A_395 = arith.constant 48 : index
        %get3A_396 = tpu.vector_load %arg13[%get3A_394, %get3A_395] {strides = array<i32>} : memref<80x144xf32, #tpu.memory_space<vmem>>, vector<1x16xf32>,
        %get3A_397 = vector.shape_cast %get3A_396 : vector<1x16xf32> to vector<16xf32>
        %mul3A_398 = vector.broadcast %squeeze3A_393 : f32 to vector<16xf32>
        %mul3A_399 = arith.mulf %get3A_397, %mul3A_398 : vector<16xf32>
        %swap3A_400 = arith.index_cast %scan3A_331 : i32 to index
        %swap3A_401 = arith.constant 48 : index
        %swap3A_402 = tpu.vector_load %arg13[%swap3A_400, %swap3A_401] {strides = array<i32>} : memref<80x144xf32, #tpu.memory_space<vmem>>, vector<1x16xf32>,
        %swap3A_403 = vector.shape_cast %swap3A_402 : vector<1x16xf32> to vector<16xf32>
        %swap3A_404 = vector.shape_cast %mul3A_399 : vector<16xf32> to vector<1x16xf32>
        tpu.vector_store %arg13[%swap3A_400, %swap3A_401], %swap3A_404 {strides = array<i32>} : memref<80x144xf32, #tpu.memory_space<vmem>>, vector<1x16xf32>,
        %slice3A_405 = vector.extract_strided_slice %select_n3A_349 {offsets = [4], sizes = [1], strides = [1]} : vector<16xf32> to vector<1xf32>
        %squeeze3A_406 = vector.extract %slice3A_405[0] : f32 from vector<1xf32>
        %get3A_407 = arith.index_cast %scan3A_331 : i32 to index
        %get3A_408 = arith.constant 64 : index
        %get3A_409 = tpu.vector_load %arg13[%get3A_407, %get3A_408] {strides = array<i32>} : memref<80x144xf32, #tpu.memory_space<vmem>>, vector<1x16xf32>,
        %get3A_410 = vector.shape_cast %get3A_409 : vector<1x16xf32> to vector<16xf32>
        %mul3A_411 = vector.broadcast %squeeze3A_406 : f32 to vector<16xf32>
        %mul3A_412 = arith.mulf %get3A_410, %mul3A_411 : vector<16xf32>
        %swap3A_413 = arith.index_cast %scan3A_331 : i32 to index
        %swap3A_414 = arith.constant 64 : index
        %swap3A_415 = tpu.vector_load %arg13[%swap3A_413, %swap3A_414] {strides = array<i32>} : memref<80x144xf32, #tpu.memory_space<vmem>>, vector<1x16xf32>,
        %swap3A_416 = vector.shape_cast %swap3A_415 : vector<1x16xf32> to vector<16xf32>
        %swap3A_417 = vector.shape_cast %mul3A_412 : vector<16xf32> to vector<1x16xf32>
        tpu.vector_store %arg13[%swap3A_413, %swap3A_414], %swap3A_417 {strides = array<i32>} : memref<80x144xf32, #tpu.memory_space<vmem>>, vector<1x16xf32>,
        %slice3A_418 = vector.extract_strided_slice %select_n3A_349 {offsets = [5], sizes = [1], strides = [1]} : vector<16xf32> to vector<1xf32>
        %squeeze3A_419 = vector.extract %slice3A_418[0] : f32 from vector<1xf32>
        %get3A_420 = arith.index_cast %scan3A_331 : i32 to index
        %get3A_421 = arith.constant 80 : index
        %get3A_422 = tpu.vector_load %arg13[%get3A_420, %get3A_421] {strides = array<i32>} : memref<80x144xf32, #tpu.memory_space<vmem>>, vector<1x16xf32>,
        %get3A_423 = vector.shape_cast %get3A_422 : vector<1x16xf32> to vector<16xf32>
        %mul3A_424 = vector.broadcast %squeeze3A_419 : f32 to vector<16xf32>
        %mul3A_425 = arith.mulf %get3A_423, %mul3A_424 : vector<16xf32>
        %swap3A_426 = arith.index_cast %scan3A_331 : i32 to index
        %swap3A_427 = arith.constant 80 : index
        %swap3A_428 = tpu.vector_load %arg13[%swap3A_426, %swap3A_427] {strides = array<i32>} : memref<80x144xf32, #tpu.memory_space<vmem>>, vector<1x16xf32>,
        %swap3A_429 = vector.shape_cast %swap3A_428 : vector<1x16xf32> to vector<16xf32>
        %swap3A_430 = vector.shape_cast %mul3A_425 : vector<16xf32> to vector<1x16xf32>
        tpu.vector_store %arg13[%swap3A_426, %swap3A_427], %swap3A_430 {strides = array<i32>} : memref<80x144xf32, #tpu.memory_space<vmem>>, vector<1x16xf32>,
        %slice3A_431 = vector.extract_strided_slice %select_n3A_349 {offsets = [6], sizes = [1], strides = [1]} : vector<16xf32> to vector<1xf32>
        %squeeze3A_432 = vector.extract %slice3A_431[0] : f32 from vector<1xf32>
        %get3A_433 = arith.index_cast %scan3A_331 : i32 to index
        %get3A_434 = arith.constant 96 : index
        %get3A_435 = tpu.vector_load %arg13[%get3A_433, %get3A_434] {strides = array<i32>} : memref<80x144xf32, #tpu.memory_space<vmem>>, vector<1x16xf32>,
        %get3A_436 = vector.shape_cast %get3A_435 : vector<1x16xf32> to vector<16xf32>
        %mul3A_437 = vector.broadcast %squeeze3A_432 : f32 to vector<16xf32>
        %mul3A_438 = arith.mulf %get3A_436, %mul3A_437 : vector<16xf32>
        %swap3A_439 = arith.index_cast %scan3A_331 : i32 to index
        %swap3A_440 = arith.constant 96 : index
        %swap3A_441 = tpu.vector_load %arg13[%swap3A_439, %swap3A_440] {strides = array<i32>} : memref<80x144xf32, #tpu.memory_space<vmem>>, vector<1x16xf32>,
        %swap3A_442 = vector.shape_cast %swap3A_441 : vector<1x16xf32> to vector<16xf32>
        %swap3A_443 = vector.shape_cast %mul3A_438 : vector<16xf32> to vector<1x16xf32>
        tpu.vector_store %arg13[%swap3A_439, %swap3A_440], %swap3A_443 {strides = array<i32>} : memref<80x144xf32, #tpu.memory_space<vmem>>, vector<1x16xf32>,
        %slice3A_444 = vector.extract_strided_slice %select_n3A_349 {offsets = [7], sizes = [1], strides = [1]} : vector<16xf32> to vector<1xf32>
        %squeeze3A_445 = vector.extract %slice3A_444[0] : f32 from vector<1xf32>
        %get3A_446 = arith.index_cast %scan3A_331 : i32 to index
        %get3A_447 = arith.constant 112 : index
        %get3A_448 = tpu.vector_load %arg13[%get3A_446, %get3A_447] {strides = array<i32>} : memref<80x144xf32, #tpu.memory_space<vmem>>, vector<1x16xf32>,
        %get3A_449 = vector.shape_cast %get3A_448 : vector<1x16xf32> to vector<16xf32>
        %mul3A_450 = vector.broadcast %squeeze3A_445 : f32 to vector<16xf32>
        %mul3A_451 = arith.mulf %get3A_449, %mul3A_450 : vector<16xf32>
        %swap3A_452 = arith.index_cast %scan3A_331 : i32 to index
        %swap3A_453 = arith.constant 112 : index
        %swap3A_454 = tpu.vector_load %arg13[%swap3A_452, %swap3A_453] {strides = array<i32>} : memref<80x144xf32, #tpu.memory_space<vmem>>, vector<1x16xf32>,
        %swap3A_455 = vector.shape_cast %swap3A_454 : vector<1x16xf32> to vector<16xf32>
        %swap3A_456 = vector.shape_cast %mul3A_451 : vector<16xf32> to vector<1x16xf32>
        tpu.vector_store %arg13[%swap3A_452, %swap3A_453], %swap3A_456 {strides = array<i32>} : memref<80x144xf32, #tpu.memory_space<vmem>>, vector<1x16xf32>,
        %scan3A_457 = arith.constant 0 : i32
        scf.yield %scan3A_457 : i32
      }
      %scan3A_326 = arith.constant 80 : i32
      %dma_start3A_327 = arith.constant 0 : i32
      %dma_start3A_328 = arith.constant 0 : i32
      %dma_start3A_329 = tpu.memref_slice %arg7[%dma_start3A_327, %dma_start3A_328] : memref<10240x144xf32, #tpu.memory_space<vmem_shared>> -> memref<10240x144xf32, #tpu.memory_space<vmem_shared>>
      tpu.enqueue_indirect_dma source(%arg13 : memref<80x144xf32, #tpu.memory_space<vmem>>) target(%dma_start3A_329 : memref<10240x144xf32, #tpu.memory_space<vmem_shared>>) offsets(%arg15 : memref<80xi32, #tpu.memory_space<vmem>>) semaphore(%arg19 : memref<!tpu.dma_semaphore, #tpu.memory_space<semaphore_mem>>) {add = true}
      %scan3A_330 = arith.constant 0 : i32
      scf.yield %scan3A_330 : i32
    }
    %scan3A_62 = arith.constant 62 : i32
    %dma_wait3A = arith.constant 0 : i32
    %dma_wait3A_63 = arith.constant 0 : i32
    %dma_wait3A_64 = tpu.memref_slice %arg9[%dma_wait3A, %dma_wait3A_63] : memref<25x80xi32, #tpu.memory_space<vmem>> -> memref<1x80xi32, #tpu.memory_space<vmem>>
    %dma_wait3A_65 = tpu.memref_squeeze %dma_wait3A_64 : memref<1x80xi32, #tpu.memory_space<vmem>> -> memref<80xi32, #tpu.memory_space<vmem>>
    %dma_wait3A_66 = arith.constant 0 : i32
    %dma_wait3A_67 = arith.constant 0 : i32
    %dma_wait3A_68 = tpu.memref_slice %arg4[%dma_wait3A_66, %dma_wait3A_67] : memref<10240x16xf32, #tpu.memory_space<hbm>> -> memref<10240x16xf32, #tpu.memory_space<hbm>>
    tpu.wait_indirect_dma semaphore(%arg16 : memref<!tpu.dma_semaphore, #tpu.memory_space<semaphore_mem>>) src(%dma_wait3A_68 : memref<10240x16xf32, #tpu.memory_space<hbm>>) dst(%arg10 : memref<80x16xf32, #tpu.memory_space<vmem>>)
    %dma_wait3A_69 = arith.constant 0 : i32
    %dma_wait3A_70 = arith.constant 0 : i32
    %dma_wait3A_71 = tpu.memref_slice %arg8[%dma_wait3A_69, %dma_wait3A_70] : memref<25x80xi32, #tpu.memory_space<vmem>> -> memref<1x80xi32, #tpu.memory_space<vmem>>
    %dma_wait3A_72 = tpu.memref_squeeze %dma_wait3A_71 : memref<1x80xi32, #tpu.memory_space<vmem>> -> memref<80xi32, #tpu.memory_space<vmem>>
    %dma_wait3A_73 = arith.constant 0 : i32
    %dma_wait3A_74 = arith.constant 0 : i32
    %dma_wait3A_75 = tpu.memref_slice %arg5[%dma_wait3A_73, %dma_wait3A_74] : memref<10240x144xf32, #tpu.memory_space<hbm>> -> memref<10240x144xf32, #tpu.memory_space<hbm>>
    tpu.wait_indirect_dma semaphore(%arg16 : memref<!tpu.dma_semaphore, #tpu.memory_space<semaphore_mem>>) src(%dma_wait3A_75 : memref<10240x144xf32, #tpu.memory_space<hbm>>) dst(%arg12 : memref<80x144xf32, #tpu.memory_space<vmem>>)
    %rem3A_76 = arith.constant 124 : i32
    %rem3A_77 = arith.constant 25 : i32
    %rem3A_78 = arith.remsi %rem3A_76, %rem3A_77 : i32
    %get3A = arith.index_cast %rem3A_78 : i32 to index
    %get3A_79 = arith.constant 0 : index
    %get3A_80 = tpu.vector_load %arg9[%get3A, %get3A_79] {strides = array<i32>} : memref<25x80xi32, #tpu.memory_space<vmem>>, vector<1x16xi32>,
    %get3A_81 = vector.shape_cast %get3A_80 : vector<1x16xi32> to vector<16xi32>
    %swap3A = arith.constant 0 : index
    %swap3A_82 = tpu.vector_load %arg14[%swap3A] {strides = array<i32>} : memref<80xi32, #tpu.memory_space<vmem>>, vector<16xi32>,
    %swap3A_83 = vector.shape_cast %swap3A_82 : vector<16xi32> to vector<16xi32>
    %swap3A_84 = vector.shape_cast %get3A_81 : vector<16xi32> to vector<16xi32>
    tpu.vector_store %arg14[%swap3A], %swap3A_84 {strides = array<i32>} : memref<80xi32, #tpu.memory_space<vmem>>, vector<16xi32>,
    %get3A_85 = arith.index_cast %rem3A_78 : i32 to index
    %get3A_86 = arith.constant 16 : index
    %get3A_87 = tpu.vector_load %arg9[%get3A_85, %get3A_86] {strides = array<i32>} : memref<25x80xi32, #tpu.memory_space<vmem>>, vector<1x16xi32>,
    %get3A_88 = vector.shape_cast %get3A_87 : vector<1x16xi32> to vector<16xi32>
    %swap3A_89 = arith.constant 16 : index
    %swap3A_90 = tpu.vector_load %arg14[%swap3A_89] {strides = array<i32>} : memref<80xi32, #tpu.memory_space<vmem>>, vector<16xi32>,
    %swap3A_91 = vector.shape_cast %swap3A_90 : vector<16xi32> to vector<16xi32>
    %swap3A_92 = vector.shape_cast %get3A_88 : vector<16xi32> to vector<16xi32>
    tpu.vector_store %arg14[%swap3A_89], %swap3A_92 {strides = array<i32>} : memref<80xi32, #tpu.memory_space<vmem>>, vector<16xi32>,
    %get3A_93 = arith.index_cast %rem3A_78 : i32 to index
    %get3A_94 = arith.constant 32 : index
    %get3A_95 = tpu.vector_load %arg9[%get3A_93, %get3A_94] {strides = array<i32>} : memref<25x80xi32, #tpu.memory_space<vmem>>, vector<1x16xi32>,
    %get3A_96 = vector.shape_cast %get3A_95 : vector<1x16xi32> to vector<16xi32>
    %swap3A_97 = arith.constant 32 : index
    %swap3A_98 = tpu.vector_load %arg14[%swap3A_97] {strides = array<i32>} : memref<80xi32, #tpu.memory_space<vmem>>, vector<16xi32>,
    %swap3A_99 = vector.shape_cast %swap3A_98 : vector<16xi32> to vector<16xi32>
    %swap3A_100 = vector.shape_cast %get3A_96 : vector<16xi32> to vector<16xi32>
    tpu.vector_store %arg14[%swap3A_97], %swap3A_100 {strides = array<i32>} : memref<80xi32, #tpu.memory_space<vmem>>, vector<16xi32>,
    %get3A_101 = arith.index_cast %rem3A_78 : i32 to index
    %get3A_102 = arith.constant 48 : index
    %get3A_103 = tpu.vector_load %arg9[%get3A_101, %get3A_102] {strides = array<i32>} : memref<25x80xi32, #tpu.memory_space<vmem>>, vector<1x16xi32>,
    %get3A_104 = vector.shape_cast %get3A_103 : vector<1x16xi32> to vector<16xi32>
    %swap3A_105 = arith.constant 48 : index
    %swap3A_106 = tpu.vector_load %arg14[%swap3A_105] {strides = array<i32>} : memref<80xi32, #tpu.memory_space<vmem>>, vector<16xi32>,
    %swap3A_107 = vector.shape_cast %swap3A_106 : vector<16xi32> to vector<16xi32>
    %swap3A_108 = vector.shape_cast %get3A_104 : vector<16xi32> to vector<16xi32>
    tpu.vector_store %arg14[%swap3A_105], %swap3A_108 {strides = array<i32>} : memref<80xi32, #tpu.memory_space<vmem>>, vector<16xi32>,
    %get3A_109 = arith.index_cast %rem3A_78 : i32 to index
    %get3A_110 = arith.constant 64 : index
    %get3A_111 = tpu.vector_load %arg9[%get3A_109, %get3A_110] {strides = array<i32>} : memref<25x80xi32, #tpu.memory_space<vmem>>, vector<1x16xi32>,
    %get3A_112 = vector.shape_cast %get3A_111 : vector<1x16xi32> to vector<16xi32>
    %swap3A_113 = arith.constant 64 : index
    %swap3A_114 = tpu.vector_load %arg14[%swap3A_113] {strides = array<i32>} : memref<80xi32, #tpu.memory_space<vmem>>, vector<16xi32>,
    %swap3A_115 = vector.shape_cast %swap3A_114 : vector<16xi32> to vector<16xi32>
    %swap3A_116 = vector.shape_cast %get3A_112 : vector<16xi32> to vector<16xi32>
    tpu.vector_store %arg14[%swap3A_113], %swap3A_116 {strides = array<i32>} : memref<80xi32, #tpu.memory_space<vmem>>, vector<16xi32>,
    %scan3A_117 = arith.constant 0 : i32
    %scan3A_118 = arith.constant 0 : i32
    %scan3A_119 = arith.constant 80 : i32
    %scan3A_120 = arith.addi %scan3A_118, %scan3A_119 : i32
    %scan3A_121 = arith.constant 1 : i32
    %scan3A_122 = scf.for %scan3A_136 = %scan3A_118 to %scan3A_120 step %scan3A_121 iter_args(%scan3A_137 = %scan3A_117) -> (i32)  : i32 {
      %get3A_138 = arith.index_cast %scan3A_136 : i32 to index
      %get3A_139 = arith.constant 128 : index
      %get3A_140 = tpu.vector_load %arg12[%get3A_138, %get3A_139] {strides = array<i32>} : memref<80x144xf32, #tpu.memory_space<vmem>>, vector<1x16xf32>,
      %get3A_141 = vector.shape_cast %get3A_140 : vector<1x16xf32> to vector<16xf32>
      %get3A_142 = arith.index_cast %scan3A_136 : i32 to index
      %get3A_143 = arith.constant 0 : index
      %get3A_144 = tpu.vector_load %arg10[%get3A_142, %get3A_143] {strides = array<i32>} : memref<80x16xf32, #tpu.memory_space<vmem>>, vector<1x16xf32>,
      %get3A_145 = vector.shape_cast %get3A_144 : vector<1x16xf32> to vector<16xf32>
      %add3A_146 = arith.addf %get3A_141, %get3A_145 : vector<16xf32>
      %ge3A = arith.constant 0.000000e+00 : f32
      %ge3A_147 = vector.broadcast %ge3A : f32 to vector<16xf32>
      %ge3A_148 = arith.cmpf oge, %add3A_146, %ge3A_147 : vector<16xf32>
      %mul3A_149 = arith.constant 2.000000e-01 : f32
      %mul3A_150 = vector.broadcast %mul3A_149 : f32 to vector<16xf32>
      %mul3A_151 = arith.mulf %mul3A_150, %add3A_146 : vector<16xf32>
      %select_n3A = arith.select %ge3A_148, %add3A_146, %mul3A_151 : vector<16xi1>, vector<16xf32>
      %exp3A = math.exp %select_n3A : vector<16xf32>
      %jit3A = arith.constant 0.000000e+00 : f32
      %broadcast_in_dim3A_152 = vector.broadcast %jit3A : f32 to vector<16xf32>
      %select_n3A_153 = arith.select %lt3A_41, %exp3A, %broadcast_in_dim3A_152 : vector<16xi1>, vector<16xf32>
      %swap3A_154 = arith.index_cast %scan3A_136 : i32 to index
      %swap3A_155 = arith.constant 128 : index
      %swap3A_156 = tpu.vector_load %arg12[%swap3A_154, %swap3A_155] {strides = array<i32>} : memref<80x144xf32, #tpu.memory_space<vmem>>, vector<1x16xf32>,
      %swap3A_157 = vector.shape_cast %swap3A_156 : vector<1x16xf32> to vector<16xf32>
      %swap3A_158 = vector.shape_cast %select_n3A_153 : vector<16xf32> to vector<1x16xf32>
      tpu.vector_store %arg12[%swap3A_154, %swap3A_155], %swap3A_158 {strides = array<i32>} : memref<80x144xf32, #tpu.memory_space<vmem>>, vector<1x16xf32>,
      %slice3A = vector.extract_strided_slice %select_n3A_153 {offsets = [0], sizes = [1], strides = [1]} : vector<16xf32> to vector<1xf32>
      %squeeze3A = vector.extract %slice3A[0] : f32 from vector<1xf32>
      %get3A_159 = arith.index_cast %scan3A_136 : i32 to index
      %get3A_160 = arith.constant 0 : index
      %get3A_161 = tpu.vector_load %arg12[%get3A_159, %get3A_160] {strides = array<i32>} : memref<80x144xf32, #tpu.memory_space<vmem>>, vector<1x16xf32>,
      %get3A_162 = vector.shape_cast %get3A_161 : vector<1x16xf32> to vector<16xf32>
      %mul3A_163 = vector.broadcast %squeeze3A : f32 to vector<16xf32>
      %mul3A_164 = arith.mulf %get3A_162, %mul3A_163 : vector<16xf32>
      %swap3A_165 = arith.index_cast %scan3A_136 : i32 to index
      %swap3A_166 = arith.constant 0 : index
      %swap3A_167 = tpu.vector_load %arg12[%swap3A_165, %swap3A_166] {strides = array<i32>} : memref<80x144xf32, #tpu.memory_space<vmem>>, vector<1x16xf32>,
      %swap3A_168 = vector.shape_cast %swap3A_167 : vector<1x16xf32> to vector<16xf32>
      %swap3A_169 = vector.shape_cast %mul3A_164 : vector<16xf32> to vector<1x16xf32>
      tpu.vector_store %arg12[%swap3A_165, %swap3A_166], %swap3A_169 {strides = array<i32>} : memref<80x144xf32, #tpu.memory_space<vmem>>, vector<1x16xf32>,
      %slice3A_170 = vector.extract_strided_slice %select_n3A_153 {offsets = [1], sizes = [1], strides = [1]} : vector<16xf32> to vector<1xf32>
      %squeeze3A_171 = vector.extract %slice3A_170[0] : f32 from vector<1xf32>
      %get3A_172 = arith.index_cast %scan3A_136 : i32 to index
      %get3A_173 = arith.constant 16 : index
      %get3A_174 = tpu.vector_load %arg12[%get3A_172, %get3A_173] {strides = array<i32>} : memref<80x144xf32, #tpu.memory_space<vmem>>, vector<1x16xf32>,
      %get3A_175 = vector.shape_cast %get3A_174 : vector<1x16xf32> to vector<16xf32>
      %mul3A_176 = vector.broadcast %squeeze3A_171 : f32 to vector<16xf32>
      %mul3A_177 = arith.mulf %get3A_175, %mul3A_176 : vector<16xf32>
      %swap3A_178 = arith.index_cast %scan3A_136 : i32 to index
      %swap3A_179 = arith.constant 16 : index
      %swap3A_180 = tpu.vector_load %arg12[%swap3A_178, %swap3A_179] {strides = array<i32>} : memref<80x144xf32, #tpu.memory_space<vmem>>, vector<1x16xf32>,
      %swap3A_181 = vector.shape_cast %swap3A_180 : vector<1x16xf32> to vector<16xf32>
      %swap3A_182 = vector.shape_cast %mul3A_177 : vector<16xf32> to vector<1x16xf32>
      tpu.vector_store %arg12[%swap3A_178, %swap3A_179], %swap3A_182 {strides = array<i32>} : memref<80x144xf32, #tpu.memory_space<vmem>>, vector<1x16xf32>,
      %slice3A_183 = vector.extract_strided_slice %select_n3A_153 {offsets = [2], sizes = [1], strides = [1]} : vector<16xf32> to vector<1xf32>
      %squeeze3A_184 = vector.extract %slice3A_183[0] : f32 from vector<1xf32>
      %get3A_185 = arith.index_cast %scan3A_136 : i32 to index
      %get3A_186 = arith.constant 32 : index
      %get3A_187 = tpu.vector_load %arg12[%get3A_185, %get3A_186] {strides = array<i32>} : memref<80x144xf32, #tpu.memory_space<vmem>>, vector<1x16xf32>,
      %get3A_188 = vector.shape_cast %get3A_187 : vector<1x16xf32> to vector<16xf32>
      %mul3A_189 = vector.broadcast %squeeze3A_184 : f32 to vector<16xf32>
      %mul3A_190 = arith.mulf %get3A_188, %mul3A_189 : vector<16xf32>
      %swap3A_191 = arith.index_cast %scan3A_136 : i32 to index
      %swap3A_192 = arith.constant 32 : index
      %swap3A_193 = tpu.vector_load %arg12[%swap3A_191, %swap3A_192] {strides = array<i32>} : memref<80x144xf32, #tpu.memory_space<vmem>>, vector<1x16xf32>,
      %swap3A_194 = vector.shape_cast %swap3A_193 : vector<1x16xf32> to vector<16xf32>
      %swap3A_195 = vector.shape_cast %mul3A_190 : vector<16xf32> to vector<1x16xf32>
      tpu.vector_store %arg12[%swap3A_191, %swap3A_192], %swap3A_195 {strides = array<i32>} : memref<80x144xf32, #tpu.memory_space<vmem>>, vector<1x16xf32>,
      %slice3A_196 = vector.extract_strided_slice %select_n3A_153 {offsets = [3], sizes = [1], strides = [1]} : vector<16xf32> to vector<1xf32>
      %squeeze3A_197 = vector.extract %slice3A_196[0] : f32 from vector<1xf32>
      %get3A_198 = arith.index_cast %scan3A_136 : i32 to index
      %get3A_199 = arith.constant 48 : index
      %get3A_200 = tpu.vector_load %arg12[%get3A_198, %get3A_199] {strides = array<i32>} : memref<80x144xf32, #tpu.memory_space<vmem>>, vector<1x16xf32>,
      %get3A_201 = vector.shape_cast %get3A_200 : vector<1x16xf32> to vector<16xf32>
      %mul3A_202 = vector.broadcast %squeeze3A_197 : f32 to vector<16xf32>
      %mul3A_203 = arith.mulf %get3A_201, %mul3A_202 : vector<16xf32>
      %swap3A_204 = arith.index_cast %scan3A_136 : i32 to index
      %swap3A_205 = arith.constant 48 : index
      %swap3A_206 = tpu.vector_load %arg12[%swap3A_204, %swap3A_205] {strides = array<i32>} : memref<80x144xf32, #tpu.memory_space<vmem>>, vector<1x16xf32>,
      %swap3A_207 = vector.shape_cast %swap3A_206 : vector<1x16xf32> to vector<16xf32>
      %swap3A_208 = vector.shape_cast %mul3A_203 : vector<16xf32> to vector<1x16xf32>
      tpu.vector_store %arg12[%swap3A_204, %swap3A_205], %swap3A_208 {strides = array<i32>} : memref<80x144xf32, #tpu.memory_space<vmem>>, vector<1x16xf32>,
      %slice3A_209 = vector.extract_strided_slice %select_n3A_153 {offsets = [4], sizes = [1], strides = [1]} : vector<16xf32> to vector<1xf32>
      %squeeze3A_210 = vector.extract %slice3A_209[0] : f32 from vector<1xf32>
      %get3A_211 = arith.index_cast %scan3A_136 : i32 to index
      %get3A_212 = arith.constant 64 : index
      %get3A_213 = tpu.vector_load %arg12[%get3A_211, %get3A_212] {strides = array<i32>} : memref<80x144xf32, #tpu.memory_space<vmem>>, vector<1x16xf32>,
      %get3A_214 = vector.shape_cast %get3A_213 : vector<1x16xf32> to vector<16xf32>
      %mul3A_215 = vector.broadcast %squeeze3A_210 : f32 to vector<16xf32>
      %mul3A_216 = arith.mulf %get3A_214, %mul3A_215 : vector<16xf32>
      %swap3A_217 = arith.index_cast %scan3A_136 : i32 to index
      %swap3A_218 = arith.constant 64 : index
      %swap3A_219 = tpu.vector_load %arg12[%swap3A_217, %swap3A_218] {strides = array<i32>} : memref<80x144xf32, #tpu.memory_space<vmem>>, vector<1x16xf32>,
      %swap3A_220 = vector.shape_cast %swap3A_219 : vector<1x16xf32> to vector<16xf32>
      %swap3A_221 = vector.shape_cast %mul3A_216 : vector<16xf32> to vector<1x16xf32>
      tpu.vector_store %arg12[%swap3A_217, %swap3A_218], %swap3A_221 {strides = array<i32>} : memref<80x144xf32, #tpu.memory_space<vmem>>, vector<1x16xf32>,
      %slice3A_222 = vector.extract_strided_slice %select_n3A_153 {offsets = [5], sizes = [1], strides = [1]} : vector<16xf32> to vector<1xf32>
      %squeeze3A_223 = vector.extract %slice3A_222[0] : f32 from vector<1xf32>
      %get3A_224 = arith.index_cast %scan3A_136 : i32 to index
      %get3A_225 = arith.constant 80 : index
      %get3A_226 = tpu.vector_load %arg12[%get3A_224, %get3A_225] {strides = array<i32>} : memref<80x144xf32, #tpu.memory_space<vmem>>, vector<1x16xf32>,
      %get3A_227 = vector.shape_cast %get3A_226 : vector<1x16xf32> to vector<16xf32>
      %mul3A_228 = vector.broadcast %squeeze3A_223 : f32 to vector<16xf32>
      %mul3A_229 = arith.mulf %get3A_227, %mul3A_228 : vector<16xf32>
      %swap3A_230 = arith.index_cast %scan3A_136 : i32 to index
      %swap3A_231 = arith.constant 80 : index
      %swap3A_232 = tpu.vector_load %arg12[%swap3A_230, %swap3A_231] {strides = array<i32>} : memref<80x144xf32, #tpu.memory_space<vmem>>, vector<1x16xf32>,
      %swap3A_233 = vector.shape_cast %swap3A_232 : vector<1x16xf32> to vector<16xf32>
      %swap3A_234 = vector.shape_cast %mul3A_229 : vector<16xf32> to vector<1x16xf32>
      tpu.vector_store %arg12[%swap3A_230, %swap3A_231], %swap3A_234 {strides = array<i32>} : memref<80x144xf32, #tpu.memory_space<vmem>>, vector<1x16xf32>,
      %slice3A_235 = vector.extract_strided_slice %select_n3A_153 {offsets = [6], sizes = [1], strides = [1]} : vector<16xf32> to vector<1xf32>
      %squeeze3A_236 = vector.extract %slice3A_235[0] : f32 from vector<1xf32>
      %get3A_237 = arith.index_cast %scan3A_136 : i32 to index
      %get3A_238 = arith.constant 96 : index
      %get3A_239 = tpu.vector_load %arg12[%get3A_237, %get3A_238] {strides = array<i32>} : memref<80x144xf32, #tpu.memory_space<vmem>>, vector<1x16xf32>,
      %get3A_240 = vector.shape_cast %get3A_239 : vector<1x16xf32> to vector<16xf32>
      %mul3A_241 = vector.broadcast %squeeze3A_236 : f32 to vector<16xf32>
      %mul3A_242 = arith.mulf %get3A_240, %mul3A_241 : vector<16xf32>
      %swap3A_243 = arith.index_cast %scan3A_136 : i32 to index
      %swap3A_244 = arith.constant 96 : index
      %swap3A_245 = tpu.vector_load %arg12[%swap3A_243, %swap3A_244] {strides = array<i32>} : memref<80x144xf32, #tpu.memory_space<vmem>>, vector<1x16xf32>,
      %swap3A_246 = vector.shape_cast %swap3A_245 : vector<1x16xf32> to vector<16xf32>
      %swap3A_247 = vector.shape_cast %mul3A_242 : vector<16xf32> to vector<1x16xf32>
      tpu.vector_store %arg12[%swap3A_243, %swap3A_244], %swap3A_247 {strides = array<i32>} : memref<80x144xf32, #tpu.memory_space<vmem>>, vector<1x16xf32>,
      %slice3A_248 = vector.extract_strided_slice %select_n3A_153 {offsets = [7], sizes = [1], strides = [1]} : vector<16xf32> to vector<1xf32>
      %squeeze3A_249 = vector.extract %slice3A_248[0] : f32 from vector<1xf32>
      %get3A_250 = arith.index_cast %scan3A_136 : i32 to index
      %get3A_251 = arith.constant 112 : index
      %get3A_252 = tpu.vector_load %arg12[%get3A_250, %get3A_251] {strides = array<i32>} : memref<80x144xf32, #tpu.memory_space<vmem>>, vector<1x16xf32>,
      %get3A_253 = vector.shape_cast %get3A_252 : vector<1x16xf32> to vector<16xf32>
      %mul3A_254 = vector.broadcast %squeeze3A_249 : f32 to vector<16xf32>
      %mul3A_255 = arith.mulf %get3A_253, %mul3A_254 : vector<16xf32>
      %swap3A_256 = arith.index_cast %scan3A_136 : i32 to index
      %swap3A_257 = arith.constant 112 : index
      %swap3A_258 = tpu.vector_load %arg12[%swap3A_256, %swap3A_257] {strides = array<i32>} : memref<80x144xf32, #tpu.memory_space<vmem>>, vector<1x16xf32>,
      %swap3A_259 = vector.shape_cast %swap3A_258 : vector<1x16xf32> to vector<16xf32>
      %swap3A_260 = vector.shape_cast %mul3A_255 : vector<16xf32> to vector<1x16xf32>
      tpu.vector_store %arg12[%swap3A_256, %swap3A_257], %swap3A_260 {strides = array<i32>} : memref<80x144xf32, #tpu.memory_space<vmem>>, vector<1x16xf32>,
      %scan3A_261 = arith.constant 0 : i32
      scf.yield %scan3A_261 : i32
    }
    %scan3A_123 = arith.constant 80 : i32
    %dma_start3A_124 = arith.constant 0 : i32
    %dma_start3A_125 = arith.constant 0 : i32
    %dma_start3A_126 = tpu.memref_slice %arg7[%dma_start3A_124, %dma_start3A_125] : memref<10240x144xf32, #tpu.memory_space<vmem_shared>> -> memref<10240x144xf32, #tpu.memory_space<vmem_shared>>
    tpu.enqueue_indirect_dma source(%arg12 : memref<80x144xf32, #tpu.memory_space<vmem>>) target(%dma_start3A_126 : memref<10240x144xf32, #tpu.memory_space<vmem_shared>>) offsets(%arg14 : memref<80xi32, #tpu.memory_space<vmem>>) semaphore(%arg18 : memref<!tpu.dma_semaphore, #tpu.memory_space<semaphore_mem>>) {add = true}
    %dma_wait3A_127 = arith.constant 0 : i32
    %dma_wait3A_128 = arith.constant 0 : i32
    %dma_wait3A_129 = tpu.memref_slice %arg7[%dma_wait3A_127, %dma_wait3A_128] : memref<10240x144xf32, #tpu.memory_space<vmem_shared>> -> memref<10240x144xf32, #tpu.memory_space<vmem_shared>>
    tpu.wait_indirect_dma semaphore(%arg18 : memref<!tpu.dma_semaphore, #tpu.memory_space<semaphore_mem>>) src(%arg12 : memref<80x144xf32, #tpu.memory_space<vmem>>) dst(%dma_wait3A_129 : memref<10240x144xf32, #tpu.memory_space<vmem_shared>>)
    %dma_wait3A_130 = arith.constant 0 : i32
    %dma_wait3A_131 = arith.constant 0 : i32
    %dma_wait3A_132 = tpu.memref_slice %arg7[%dma_wait3A_130, %dma_wait3A_131] : memref<10240x144xf32, #tpu.memory_space<vmem_shared>> -> memref<10240x144xf32, #tpu.memory_space<vmem_shared>>
    tpu.wait_indirect_dma semaphore(%arg19 : memref<!tpu.dma_semaphore, #tpu.memory_space<semaphore_mem>>) src(%arg13 : memref<80x144xf32, #tpu.memory_space<vmem>>) dst(%dma_wait3A_132 : memref<10240x144xf32, #tpu.memory_space<vmem_shared>>)
    %barrier3A_133 = arith.constant 0 : index
    tpu.barrier barrier_id(%barrier3A_133)
    %mul3A_134 = arith.constant 640 : i32
    %mul3A_135 = arith.muli %arg1, %mul3A_134 : i32
    "tpu.region"() ({
      %run_scoped3A_136 = tpu.sem_alloc : memref<!tpu.dma_semaphore, #tpu.memory_space<semaphore_mem>>
      %dma_start3A_137 = arith.constant 0 : i32
      %dma_start3A_138 = tpu.memref_slice %arg6[%arg0, %mul3A_135, %dma_start3A_137] : memref<2x10240x144xf32, #tpu.memory_space<hbm>> -> memref<1x640x144xf32, #tpu.memory_space<hbm>>
      %dma_start3A_139 = tpu.memref_squeeze %dma_start3A_138 : memref<1x640x144xf32, #tpu.memory_space<hbm>> -> memref<640x144xf32, #tpu.memory_space<hbm>>
      %dma_start3A_140 = arith.constant 0 : i32
      %dma_start3A_141 = tpu.memref_slice %arg7[%mul3A_135, %dma_start3A_140] : memref<10240x144xf32, #tpu.memory_space<vmem_shared>> -> memref<640x144xf32, #tpu.memory_space<vmem_shared>>
      tpu.enqueue_dma source(%dma_start3A_141 : memref<640x144xf32, #tpu.memory_space<vmem_shared>>) target(%dma_start3A_139 : memref<640x144xf32, #tpu.memory_space<hbm>>) target_semaphore(%run_scoped3A_136 : memref<!tpu.dma_semaphore, #tpu.memory_space<semaphore_mem>>)
      %dma_wait3A_142 = arith.constant 0 : i32
      %dma_wait3A_143 = tpu.memref_slice %arg6[%arg0, %mul3A_135, %dma_wait3A_142] : memref<2x10240x144xf32, #tpu.memory_space<hbm>> -> memref<1x640x144xf32, #tpu.memory_space<hbm>>
      %dma_wait3A_144 = tpu.memref_squeeze %dma_wait3A_143 : memref<1x640x144xf32, #tpu.memory_space<hbm>> -> memref<640x144xf32, #tpu.memory_space<hbm>>
      %dma_wait3A_145 = arith.constant 0 : i32
      %dma_wait3A_146 = tpu.memref_slice %arg7[%mul3A_135, %dma_wait3A_145] : memref<10240x144xf32, #tpu.memory_space<vmem_shared>> -> memref<640x144xf32, #tpu.memory_space<vmem_shared>>
      tpu.wait_dma2 semaphore(%run_scoped3A_136 : memref<!tpu.dma_semaphore, #tpu.memory_space<semaphore_mem>>) src(%dma_wait3A_146 : memref<640x144xf32, #tpu.memory_space<vmem_shared>>) dst(%dma_wait3A_144 : memref<640x144xf32, #tpu.memory_space<hbm>>)
      tpu.yield
    }) : () -> ()
    return
  }
}

module attributes {stable_mosaic.version = 14 : i64} {
  func.func @body(%arg0: i32, %arg1: memref<1024x128xf32, #tpu.memory_space<vmem>>, %arg2: memref<128x128xf32, #tpu.memory_space<vmem>>, %arg3: memref<128x16xf32, #tpu.memory_space<vmem>>, %arg4: memref<128x16xf32, #tpu.memory_space<vmem>>, %arg5: memref<1024x144xf32, #tpu.memory_space<vmem>>, %arg6: memref<1024x16xf32, #tpu.memory_space<vmem>>) attributes {dimension_semantics = [#tpu.dimension_semantics<arbitrary>], iteration_bounds = array<i64: 10>, scalar_prefetch = 0 : i64, scratch_operands = 0 : i64, tpu.core_type = #tpu.core_type<tc>, window_params = [{transform_indices = @transform_0, window_bounds = array<i64: 1024, 128>}, {pipeline_mode = #tpu.pipeline_mode<synchronous>, transform_indices = @transform_1, window_bounds = array<i64: 128, 128>}, {pipeline_mode = #tpu.pipeline_mode<synchronous>, transform_indices = @transform_2, window_bounds = array<i64: 128, 16>}, {pipeline_mode = #tpu.pipeline_mode<synchronous>, transform_indices = @transform_3, window_bounds = array<i64: 128, 16>}, {transform_indices = @transform_4, window_bounds = array<i64: 1024, 144>}, {transform_indices = @transform_5, window_bounds = array<i64: 1024, 16>}]} {
    %get3A = arith.constant 0 : index
    %get3A_0 = arith.constant 0 : index
    %get3A_1 = vector.load %arg1[%get3A, %get3A_0] : memref<1024x128xf32, #tpu.memory_space<vmem>>, vector<1024x128xf32>
    %get3A_2 = arith.constant 0 : index
    %get3A_3 = arith.constant 0 : index
    %get3A_4 = vector.load %arg2[%get3A_2, %get3A_3] : memref<128x128xf32, #tpu.memory_space<vmem>>, vector<128x128xf32>
    %dot_general3A = arith.constant dense<0.000000e+00> : vector<1024x128xf32>
    %dot_general3A_5 = tpu.matmul %get3A_1, %get3A_4, %dot_general3A {dimension_numbers = #tpu.dot_dimension_numbers<[1], [0], [0], [1], [0, 0, 1, 1], [], []>, transpose_lhs_hint = false} : vector<1024x128xf32>, vector<128x128xf32>, vector<1024x128xf32> -> vector<1024x128xf32>
    %swap3A = arith.constant 0 : index
    %swap3A_6 = arith.constant 0 : index
    %swap3A_7 = vector.load %arg5[%swap3A, %swap3A_6] : memref<1024x144xf32, #tpu.memory_space<vmem>>, vector<1024x128xf32>
    tpu.vector_store %arg5[%swap3A, %swap3A_6], %dot_general3A_5 {strides = array<i32>} : memref<1024x144xf32, #tpu.memory_space<vmem>>, vector<1024x128xf32>,
    %get3A_8 = arith.constant 0 : index
    %get3A_9 = arith.constant 0 : index
    %get3A_10 = vector.load %arg3[%get3A_8, %get3A_9] : memref<128x16xf32, #tpu.memory_space<vmem>>, vector<128x16xf32>
    %dot_general3A_11 = arith.constant dense<0.000000e+00> : vector<1024x16xf32>
    %dot_general3A_12 = tpu.matmul %dot_general3A_5, %get3A_10, %dot_general3A_11 {dimension_numbers = #tpu.dot_dimension_numbers<[1], [0], [0], [1], [0, 0, 1, 1], [], []>, transpose_lhs_hint = false} : vector<1024x128xf32>, vector<128x16xf32>, vector<1024x16xf32> -> vector<1024x16xf32>
    %swap3A_13 = arith.constant 0 : index
    %swap3A_14 = arith.constant 128 : index
    %swap3A_15 = vector.load %arg5[%swap3A_13, %swap3A_14] : memref<1024x144xf32, #tpu.memory_space<vmem>>, vector<1024x16xf32>
    tpu.vector_store %arg5[%swap3A_13, %swap3A_14], %dot_general3A_12 {strides = array<i32>} : memref<1024x144xf32, #tpu.memory_space<vmem>>, vector<1024x16xf32>,
    %get3A_16 = arith.constant 0 : index
    %get3A_17 = arith.constant 0 : index
    %get3A_18 = vector.load %arg4[%get3A_16, %get3A_17] : memref<128x16xf32, #tpu.memory_space<vmem>>, vector<128x16xf32>
    %dot_general3A_19 = arith.constant dense<0.000000e+00> : vector<1024x16xf32>
    %dot_general3A_20 = tpu.matmul %dot_general3A_5, %get3A_18, %dot_general3A_19 {dimension_numbers = #tpu.dot_dimension_numbers<[1], [0], [0], [1], [0, 0, 1, 1], [], []>, transpose_lhs_hint = false} : vector<1024x128xf32>, vector<128x16xf32>, vector<1024x16xf32> -> vector<1024x16xf32>
    %swap3A_21 = arith.constant 0 : index
    %swap3A_22 = arith.constant 0 : index
    %swap3A_23 = vector.load %arg6[%swap3A_21, %swap3A_22] : memref<1024x16xf32, #tpu.memory_space<vmem>>, vector<1024x16xf32>
    tpu.vector_store %arg6[%swap3A_21, %swap3A_22], %dot_general3A_20 {strides = array<i32>} : memref<1024x16xf32, #tpu.memory_space<vmem>>, vector<1024x16xf32>,
    return
  }
  func.func @transform_0(%arg0: i32) -> (i32, i32) {
    %c0_i32 = arith.constant 0 : i32
    %c0_i32_0 = arith.constant 0 : i32
    return %arg0, %c0_i32 : i32, i32
  }
  func.func @transform_1(%arg0: i32) -> (i32, i32) {
    %c0_i32 = arith.constant 0 : i32
    %c0_i32_0 = arith.constant 0 : i32
    %c0_i32_1 = arith.constant 0 : i32
    return %c0_i32, %c0_i32_0 : i32, i32
  }
  func.func @transform_2(%arg0: i32) -> (i32, i32) {
    %c0_i32 = arith.constant 0 : i32
    %c0_i32_0 = arith.constant 0 : i32
    %c0_i32_1 = arith.constant 0 : i32
    return %c0_i32, %c0_i32_0 : i32, i32
  }
  func.func @transform_3(%arg0: i32) -> (i32, i32) {
    %c0_i32 = arith.constant 0 : i32
    %c0_i32_0 = arith.constant 0 : i32
    %c0_i32_1 = arith.constant 0 : i32
    return %c0_i32, %c0_i32_0 : i32, i32
  }
  func.func @transform_4(%arg0: i32) -> (i32, i32) {
    %c0_i32 = arith.constant 0 : i32
    %c0_i32_0 = arith.constant 0 : i32
    return %arg0, %c0_i32 : i32, i32
  }
  func.func @transform_5(%arg0: i32) -> (i32, i32) {
    %c0_i32 = arith.constant 0 : i32
    %c0_i32_0 = arith.constant 0 : i32
    return %arg0, %c0_i32 : i32, i32
  }
}

module attributes {stable_mosaic.version = 14 : i64} {
  func.func @body(%arg0: i32, %arg1: memref<2x1024x144xf32, #tpu.memory_space<vmem>>, %arg2: memref<1x128xf32, #tpu.memory_space<vmem>>, %arg3: memref<16x128xf32, #tpu.memory_space<vmem>>, %arg4: memref<128x128xf32, #tpu.memory_space<vmem>>, %arg5: memref<128x16xf32, #tpu.memory_space<vmem>>, %arg6: memref<128x16xf32, #tpu.memory_space<vmem>>, %arg7: memref<1024x144xf32, #tpu.memory_space<vmem>>, %arg8: memref<1024x16xf32, #tpu.memory_space<vmem>>) attributes {dimension_semantics = [#tpu.dimension_semantics<arbitrary>], iteration_bounds = array<i64: 10>, scalar_prefetch = 0 : i64, scratch_operands = 0 : i64, tpu.core_type = #tpu.core_type<tc>, window_params = [{transform_indices = @transform_0, window_bounds = array<i64: 2, 1024, 144>}, {pipeline_mode = #tpu.pipeline_mode<synchronous>, transform_indices = @transform_1, window_bounds = array<i64: 1, 128>}, {pipeline_mode = #tpu.pipeline_mode<synchronous>, transform_indices = @transform_2, window_bounds = array<i64: 16, 128>}, {pipeline_mode = #tpu.pipeline_mode<synchronous>, transform_indices = @transform_3, window_bounds = array<i64: 128, 128>}, {pipeline_mode = #tpu.pipeline_mode<synchronous>, transform_indices = @transform_4, window_bounds = array<i64: 128, 16>}, {pipeline_mode = #tpu.pipeline_mode<synchronous>, transform_indices = @transform_5, window_bounds = array<i64: 128, 16>}, {transform_indices = @transform_6, window_bounds = array<i64: 1024, 144>}, {transform_indices = @transform_7, window_bounds = array<i64: 1024, 16>}]} {
    %get3A = arith.constant 0 : index
    %get3A_0 = arith.constant 0 : index
    %get3A_1 = arith.constant 0 : index
    %get3A_2 = vector.load %arg1[%get3A, %get3A_0, %get3A_1] : memref<2x1024x144xf32, #tpu.memory_space<vmem>>, vector<1x1024x128xf32>
    %get3A_3 = vector.shape_cast %get3A_2 : vector<1x1024x128xf32> to vector<1024x128xf32>
    %get3A_4 = arith.constant 1 : index
    %get3A_5 = arith.constant 0 : index
    %get3A_6 = arith.constant 0 : index
    %get3A_7 = vector.load %arg1[%get3A_4, %get3A_5, %get3A_6] : memref<2x1024x144xf32, #tpu.memory_space<vmem>>, vector<1x1024x128xf32>
    %get3A_8 = vector.shape_cast %get3A_7 : vector<1x1024x128xf32> to vector<1024x128xf32>
    %add3A = arith.addf %get3A_3, %get3A_8 : vector<1024x128xf32>
    %get3A_9 = arith.constant 0 : index
    %get3A_10 = arith.constant 0 : index
    %get3A_11 = arith.constant 128 : index
    %get3A_12 = vector.load %arg1[%get3A_9, %get3A_10, %get3A_11] : memref<2x1024x144xf32, #tpu.memory_space<vmem>>, vector<1x1024x16xf32>
    %get3A_13 = vector.shape_cast %get3A_12 : vector<1x1024x16xf32> to vector<1024x16xf32>
    %get3A_14 = arith.constant 1 : index
    %get3A_15 = arith.constant 0 : index
    %get3A_16 = arith.constant 128 : index
    %get3A_17 = vector.load %arg1[%get3A_14, %get3A_15, %get3A_16] : memref<2x1024x144xf32, #tpu.memory_space<vmem>>, vector<1x1024x16xf32>
    %get3A_18 = vector.shape_cast %get3A_17 : vector<1x1024x16xf32> to vector<1024x16xf32>
    %add3A_19 = arith.addf %get3A_13, %get3A_18 : vector<1024x16xf32>
    %get3A_20 = arith.constant 0 : index
    %get3A_21 = arith.constant 0 : index
    %get3A_22 = vector.load %arg3[%get3A_20, %get3A_21] : memref<16x128xf32, #tpu.memory_space<vmem>>, vector<16x128xf32>
    %dot_general3A = arith.constant dense<0.000000e+00> : vector<1024x128xf32>
    %dot_general3A_23 = tpu.matmul %add3A_19, %get3A_22, %dot_general3A {dimension_numbers = #tpu.dot_dimension_numbers<[1], [0], [0], [1], [0, 0, 1, 1], [], []>, transpose_lhs_hint = false} : vector<1024x16xf32>, vector<16x128xf32>, vector<1024x128xf32> -> vector<1024x128xf32>
    %add3A_24 = arith.constant 1.000000e-16 : f32
    %add3A_25 = vector.broadcast %add3A_24 : f32 to vector<1024x128xf32>
    %add3A_26 = arith.addf %dot_general3A_23, %add3A_25 : vector<1024x128xf32>
    %div3A = arith.divf %add3A, %add3A_26 : vector<1024x128xf32>
    %get3A_27 = arith.constant 0 : index
    %get3A_28 = arith.constant 0 : index
    %get3A_29 = vector.load %arg2[%get3A_27, %get3A_28] : memref<1x128xf32, #tpu.memory_space<vmem>>, vector<1x128xf32>
    %add3A_30 = vector.broadcast %get3A_29 : vector<1x128xf32> to vector<1024x128xf32>
    %add3A_31 = arith.addf %div3A, %add3A_30 : vector<1024x128xf32>
    %max3A = arith.constant 0.000000e+00 : f32
    %max3A_32 = vector.broadcast %max3A : f32 to vector<1024x128xf32>
    %max3A_33 = arith.maximumf %add3A_31, %max3A_32 : vector<1024x128xf32>
    %get3A_34 = arith.constant 0 : index
    %get3A_35 = arith.constant 0 : index
    %get3A_36 = vector.load %arg4[%get3A_34, %get3A_35] : memref<128x128xf32, #tpu.memory_space<vmem>>, vector<128x128xf32>
    %dot_general3A_37 = arith.constant dense<0.000000e+00> : vector<1024x128xf32>
    %dot_general3A_38 = tpu.matmul %max3A_33, %get3A_36, %dot_general3A_37 {dimension_numbers = #tpu.dot_dimension_numbers<[1], [0], [0], [1], [0, 0, 1, 1], [], []>, transpose_lhs_hint = false} : vector<1024x128xf32>, vector<128x128xf32>, vector<1024x128xf32> -> vector<1024x128xf32>
    %swap3A = arith.constant 0 : index
    %swap3A_39 = arith.constant 0 : index
    %swap3A_40 = vector.load %arg7[%swap3A, %swap3A_39] : memref<1024x144xf32, #tpu.memory_space<vmem>>, vector<1024x128xf32>
    tpu.vector_store %arg7[%swap3A, %swap3A_39], %dot_general3A_38 {strides = array<i32>} : memref<1024x144xf32, #tpu.memory_space<vmem>>, vector<1024x128xf32>,
    %get3A_41 = arith.constant 0 : index
    %get3A_42 = arith.constant 0 : index
    %get3A_43 = vector.load %arg5[%get3A_41, %get3A_42] : memref<128x16xf32, #tpu.memory_space<vmem>>, vector<128x16xf32>
    %dot_general3A_44 = arith.constant dense<0.000000e+00> : vector<1024x16xf32>
    %dot_general3A_45 = tpu.matmul %dot_general3A_38, %get3A_43, %dot_general3A_44 {dimension_numbers = #tpu.dot_dimension_numbers<[1], [0], [0], [1], [0, 0, 1, 1], [], []>, transpose_lhs_hint = false} : vector<1024x128xf32>, vector<128x16xf32>, vector<1024x16xf32> -> vector<1024x16xf32>
    %swap3A_46 = arith.constant 0 : index
    %swap3A_47 = arith.constant 128 : index
    %swap3A_48 = vector.load %arg7[%swap3A_46, %swap3A_47] : memref<1024x144xf32, #tpu.memory_space<vmem>>, vector<1024x16xf32>
    tpu.vector_store %arg7[%swap3A_46, %swap3A_47], %dot_general3A_45 {strides = array<i32>} : memref<1024x144xf32, #tpu.memory_space<vmem>>, vector<1024x16xf32>,
    %get3A_49 = arith.constant 0 : index
    %get3A_50 = arith.constant 0 : index
    %get3A_51 = vector.load %arg6[%get3A_49, %get3A_50] : memref<128x16xf32, #tpu.memory_space<vmem>>, vector<128x16xf32>
    %dot_general3A_52 = arith.constant dense<0.000000e+00> : vector<1024x16xf32>
    %dot_general3A_53 = tpu.matmul %dot_general3A_38, %get3A_51, %dot_general3A_52 {dimension_numbers = #tpu.dot_dimension_numbers<[1], [0], [0], [1], [0, 0, 1, 1], [], []>, transpose_lhs_hint = false} : vector<1024x128xf32>, vector<128x16xf32>, vector<1024x16xf32> -> vector<1024x16xf32>
    %swap3A_54 = arith.constant 0 : index
    %swap3A_55 = arith.constant 0 : index
    %swap3A_56 = vector.load %arg8[%swap3A_54, %swap3A_55] : memref<1024x16xf32, #tpu.memory_space<vmem>>, vector<1024x16xf32>
    tpu.vector_store %arg8[%swap3A_54, %swap3A_55], %dot_general3A_53 {strides = array<i32>} : memref<1024x16xf32, #tpu.memory_space<vmem>>, vector<1024x16xf32>,
    return
  }
  func.func @transform_0(%arg0: i32) -> (i32, i32, i32) {
    %c0_i32 = arith.constant 0 : i32
    %c0_i32_0 = arith.constant 0 : i32
    %c0_i32_1 = arith.constant 0 : i32
    return %c0_i32, %arg0, %c0_i32_0 : i32, i32, i32
  }
  func.func @transform_1(%arg0: i32) -> (i32, i32) {
    %c0_i32 = arith.constant 0 : i32
    %c0_i32_0 = arith.constant 0 : i32
    %c0_i32_1 = arith.constant 0 : i32
    return %c0_i32, %c0_i32_0 : i32, i32
  }
  func.func @transform_2(%arg0: i32) -> (i32, i32) {
    %c0_i32 = arith.constant 0 : i32
    %c0_i32_0 = arith.constant 0 : i32
    %c0_i32_1 = arith.constant 0 : i32
    return %c0_i32, %c0_i32_0 : i32, i32
  }
  func.func @transform_3(%arg0: i32) -> (i32, i32) {
    %c0_i32 = arith.constant 0 : i32
    %c0_i32_0 = arith.constant 0 : i32
    %c0_i32_1 = arith.constant 0 : i32
    return %c0_i32, %c0_i32_0 : i32, i32
  }
  func.func @transform_4(%arg0: i32) -> (i32, i32) {
    %c0_i32 = arith.constant 0 : i32
    %c0_i32_0 = arith.constant 0 : i32
    %c0_i32_1 = arith.constant 0 : i32
    return %c0_i32, %c0_i32_0 : i32, i32
  }
  func.func @transform_5(%arg0: i32) -> (i32, i32) {
    %c0_i32 = arith.constant 0 : i32
    %c0_i32_0 = arith.constant 0 : i32
    %c0_i32_1 = arith.constant 0 : i32
    return %c0_i32, %c0_i32_0 : i32, i32
  }
  func.func @transform_6(%arg0: i32) -> (i32, i32) {
    %c0_i32 = arith.constant 0 : i32
    %c0_i32_0 = arith.constant 0 : i32
    return %arg0, %c0_i32 : i32, i32
  }
  func.func @transform_7(%arg0: i32) -> (i32, i32) {
    %c0_i32 = arith.constant 0 : i32
    %c0_i32_0 = arith.constant 0 : i32
    return %arg0, %c0_i32 : i32, i32
  }
}

module attributes {stable_mosaic.version = 14 : i64} {
  func.func @body(%arg0: i32, %arg1: memref<2x1024x144xf32, #tpu.memory_space<vmem>>, %arg2: memref<1x128xf32, #tpu.memory_space<vmem>>, %arg3: memref<16x128xf32, #tpu.memory_space<vmem>>, %arg4: memref<1024x128xf32, #tpu.memory_space<vmem>>) attributes {dimension_semantics = [#tpu.dimension_semantics<arbitrary>], iteration_bounds = array<i64: 10>, scalar_prefetch = 0 : i64, scratch_operands = 0 : i64, tpu.core_type = #tpu.core_type<tc>, window_params = [{transform_indices = @transform_0, window_bounds = array<i64: 2, 1024, 144>}, {pipeline_mode = #tpu.pipeline_mode<synchronous>, transform_indices = @transform_1, window_bounds = array<i64: 1, 128>}, {pipeline_mode = #tpu.pipeline_mode<synchronous>, transform_indices = @transform_2, window_bounds = array<i64: 16, 128>}, {transform_indices = @transform_3, window_bounds = array<i64: 1024, 128>}]} {
    %get3A = arith.constant 0 : index
    %get3A_0 = arith.constant 0 : index
    %get3A_1 = arith.constant 0 : index
    %get3A_2 = vector.load %arg1[%get3A, %get3A_0, %get3A_1] : memref<2x1024x144xf32, #tpu.memory_space<vmem>>, vector<1x1024x128xf32>
    %get3A_3 = vector.shape_cast %get3A_2 : vector<1x1024x128xf32> to vector<1024x128xf32>
    %get3A_4 = arith.constant 1 : index
    %get3A_5 = arith.constant 0 : index
    %get3A_6 = arith.constant 0 : index
    %get3A_7 = vector.load %arg1[%get3A_4, %get3A_5, %get3A_6] : memref<2x1024x144xf32, #tpu.memory_space<vmem>>, vector<1x1024x128xf32>
    %get3A_8 = vector.shape_cast %get3A_7 : vector<1x1024x128xf32> to vector<1024x128xf32>
    %add3A = arith.addf %get3A_3, %get3A_8 : vector<1024x128xf32>
    %get3A_9 = arith.constant 0 : index
    %get3A_10 = arith.constant 0 : index
    %get3A_11 = arith.constant 128 : index
    %get3A_12 = vector.load %arg1[%get3A_9, %get3A_10, %get3A_11] : memref<2x1024x144xf32, #tpu.memory_space<vmem>>, vector<1x1024x16xf32>
    %get3A_13 = vector.shape_cast %get3A_12 : vector<1x1024x16xf32> to vector<1024x16xf32>
    %get3A_14 = arith.constant 1 : index
    %get3A_15 = arith.constant 0 : index
    %get3A_16 = arith.constant 128 : index
    %get3A_17 = vector.load %arg1[%get3A_14, %get3A_15, %get3A_16] : memref<2x1024x144xf32, #tpu.memory_space<vmem>>, vector<1x1024x16xf32>
    %get3A_18 = vector.shape_cast %get3A_17 : vector<1x1024x16xf32> to vector<1024x16xf32>
    %add3A_19 = arith.addf %get3A_13, %get3A_18 : vector<1024x16xf32>
    %get3A_20 = arith.constant 0 : index
    %get3A_21 = arith.constant 0 : index
    %get3A_22 = vector.load %arg3[%get3A_20, %get3A_21] : memref<16x128xf32, #tpu.memory_space<vmem>>, vector<16x128xf32>
    %dot_general3A = arith.constant dense<0.000000e+00> : vector<1024x128xf32>
    %dot_general3A_23 = tpu.matmul %add3A_19, %get3A_22, %dot_general3A {dimension_numbers = #tpu.dot_dimension_numbers<[1], [0], [0], [1], [0, 0, 1, 1], [], []>, transpose_lhs_hint = false} : vector<1024x16xf32>, vector<16x128xf32>, vector<1024x128xf32> -> vector<1024x128xf32>
    %add3A_24 = arith.constant 1.000000e-16 : f32
    %add3A_25 = vector.broadcast %add3A_24 : f32 to vector<1024x128xf32>
    %add3A_26 = arith.addf %dot_general3A_23, %add3A_25 : vector<1024x128xf32>
    %div3A = arith.divf %add3A, %add3A_26 : vector<1024x128xf32>
    %get3A_27 = arith.constant 0 : index
    %get3A_28 = arith.constant 0 : index
    %get3A_29 = vector.load %arg2[%get3A_27, %get3A_28] : memref<1x128xf32, #tpu.memory_space<vmem>>, vector<1x128xf32>
    %add3A_30 = vector.broadcast %get3A_29 : vector<1x128xf32> to vector<1024x128xf32>
    %add3A_31 = arith.addf %div3A, %add3A_30 : vector<1024x128xf32>
    %swap3A = arith.constant 0 : index
    %swap3A_32 = arith.constant 0 : index
    %swap3A_33 = vector.load %arg4[%swap3A, %swap3A_32] : memref<1024x128xf32, #tpu.memory_space<vmem>>, vector<1024x128xf32>
    tpu.vector_store %arg4[%swap3A, %swap3A_32], %add3A_31 {strides = array<i32>} : memref<1024x128xf32, #tpu.memory_space<vmem>>, vector<1024x128xf32>,
    return
  }
  func.func @transform_0(%arg0: i32) -> (i32, i32, i32) {
    %c0_i32 = arith.constant 0 : i32
    %c0_i32_0 = arith.constant 0 : i32
    %c0_i32_1 = arith.constant 0 : i32
    return %c0_i32, %arg0, %c0_i32_0 : i32, i32, i32
  }
  func.func @transform_1(%arg0: i32) -> (i32, i32) {
    %c0_i32 = arith.constant 0 : i32
    %c0_i32_0 = arith.constant 0 : i32
    %c0_i32_1 = arith.constant 0 : i32
    return %c0_i32, %c0_i32_0 : i32, i32
  }
  func.func @transform_2(%arg0: i32) -> (i32, i32) {
    %c0_i32 = arith.constant 0 : i32
    %c0_i32_0 = arith.constant 0 : i32
    %c0_i32_1 = arith.constant 0 : i32
    return %c0_i32, %c0_i32_0 : i32, i32
  }
  func.func @transform_3(%arg0: i32) -> (i32, i32) {
    %c0_i32 = arith.constant 0 : i32
    %c0_i32_0 = arith.constant 0 : i32
    return %arg0, %c0_i32 : i32, i32
  }
}

</mosaic_0001>

<sc_bundles>
// kernel: kernel.10.cloned.1.call-start
scs
__scs_entry_jumppad:
0x0: {  	(pc) =	sbr.rel $0x88, $3  }
0x1: {  	(tag) =	ssettag $0x0;
	lr =	simm.s32 $0x1  }
0x2: {  	[smem:$0x3F97] =	sst lr;
	_ =	strace $0xD0000000  }
0x3: {  	_ = 	snop  }
0x4: {  	_ = 	snop  }
0x5: {  	_ = 	snop  }
0x6: {  	_ = 	snop  }
0x7: {  	_ = 	snop  }
__scs_overlays_trampoline_lowered:
0x8: {  	[smem:$0x3FA6] =	sst s0  }
0x9: {  	[smem:$0x3FA7] =	sst s1  }
0xa: {  	[smem:$0x3FA8] =	sst s2  }
0xb: {  	[smem:$0x3FA9] =	sst s3  }
0xc: {  	[smem:$0x3FAA] =	sst s4  }
0xd: {  	[smem:$0x3FAB] =	sst s5  }
0xe: {  	[smem:$0x3FAC] =	sst s6  }
0xf: {  	[smem:$0x3FAD] =	sst s7  }
0x10: {  	[smem:$0x3FAE] =	sst s8  }
0x11: {  	[smem:$0x3FAF] =	sst s9;
	s0 =	simm.s32 @!p0 $0x0  }
0x12: {  	s1 =	sld [smem:$0x3F95];
	s0 =	simm.s32 @p0 $0x1  }
0x13: {  	[smem:$0x3FB0] =	sst s0;
	s0 =	simm.s32 @!p1 $0x0  }
0x14: {  	s2 =	sld [smem:$0x3F94];
	s0 =	simm.s32 @p1 $0x1  }
0x15: {  	[smem:$0x3FB1] =	sst s0;
	s0 =	simm.s32 @!p2 $0x0  }
0x16: {  	s3 =	sld [smem:$0x3FDB];
	s0 =	simm.s32 @p2 $0x1  }
0x17: {  	s4 =	simm.s32 $0x1BF5;
	[smem:$0x3FB3] =	sst s0  }
0x18: {  	s0 =	sld [smem:$0x3F96];
	_ =	swait.ge [sflag:s4], $0x0  }
0x19: {  	s7 =	sld [smem:$0x3F97]  }
0x1a: {  	s8 =	sadd.s32 $0xFFFFE003, lr  }
0x1b: {  	s9 =	sadd.s32 $0xFFFFFEF7, lr;
	s5 =	simm.s32 $0xFFFFFFFF;
	p2 =	slt.u32 s8, $0xFFFFF086  }
0x1c: {  	p1 =	slt.u32 s9, $0xF7A;
	s5 =	simm.s32 @!p2 $0x0  }
0x1d: {  	s5 =	simm.s32 @p1 $0x1;
	p0 =	seq.s32 s7, s2  }
0x1e: {  	s7 =	smul.u32 @!p0 $0xF7A, s2;
	p2 =	seq.s32 @!p0 s5, $0x0  }
0x1f: {  	s9 =	smul.u32 $0xF7A, s1;
	s8 =	simm.s32 @!p0 $0x1BF5;
	p2 =	por !p2, p0  }
0x20: {  	[sflag:s8] =	ssyncset.s32 @!p0 $0xFFFFF086;
	s6 =	sadd.s32 @!p0 s3, s7;
	s7 =	simm.s32 @!p0 $0x108  }
0x21: {  	s3 =	sadd.s32 s3, s9;
	s6 =	sadd.s32 @!p0 $0x88, s6;
	s7 =	simm.s32 @p2 $0x1082  }
0x22: {  	[simem:s7], [sflag:s8] =	dma.local @!p0 [hbm:s6], $0xF7A  }
0x23: {  	s9 =	sor.u32 $0xD0000000, s2;
	s6 =	simm.s32 $0x108;
	_ =	swait.ge @!p0 [sflag:s8], $0x0  }
0x24: {  	s3 =	sadd.s32 $0x88, s3;
	s6 =	simm.s32 @!p1 $0x1082;
	[sflag:s4] =	ssyncset.s32 $0xFFFFF086  }
0x25: {  	[simem:s6], [sflag:s4] =	dma.local [hbm:s3], $0xF7A  }
0x26: {  	[smem:$0x3F97] =	sst s1;
	(tag) =	ssettag s2;
	_ =	strace s9  }
0x27: {  	s1 =	sld [smem:$0x3FA7]  }
0x28: {  	s2 =	sld [smem:$0x3FA8]  }
0x29: {  	s4 =	sld [smem:$0x3FAA]  }
0x2a: {  	p0 =	seq.s32 s5, $0x0;
	s5 =	sld [smem:$0x3FAB]  }
0x2b: {  	s6 =	sld [smem:$0x3FAC]  }
0x2c: {  	s7 =	sld [smem:$0x3FAD]  }
0x2d: {  	s3 =	simm.s32 $0x108;
	s8 =	sld [smem:$0x3FAE]  }
0x2e: {  	s3 =	simm.s32 @!p0 $0x1082;
	s9 =	sld [smem:$0x3FAF]  }
0x2f: {  	lr =	sadd.s32 s0, s3;
	s0 =	sld [smem:$0x3FA6]  }
0x30: {  	s3 =	sld [smem:$0x3FA9]  }
0x31: {  	[smem:$0x3FB2] =	sst s10  }
0x32: {  	s10 =	sld [smem:$0x3FB0];
	_ =	sdelay $0x3  }
0x33: {  	p0 =	seq.s32 s10, $0x1;
	s10 =	sld [smem:$0x3FB2];
	_ =	sdelay $0x3  }
0x34: {  	[smem:$0x3FB2] =	sst s10  }
0x35: {  	s10 =	sld [smem:$0x3FB1];
	_ =	sdelay $0x3  }
0x36: {  	p1 =	seq.s32 s10, $0x1;
	s10 =	sld [smem:$0x3FB2];
	_ =	sdelay $0x3  }
0x37: {  	[smem:$0x3FB2] =	sst s10  }
0x38: {  	s10 =	sld [smem:$0x3FB3]  }
0x39: {  	_ = 	snop;
	(pc) =	sbr.ind lr, $3  }
0x3a: {  	_ = 	snop  }
0x3b: {  	_ = 	snop  }
0x3c: {  	p2 =	seq.s32 s10, $0x1;
	s10 =	sld [smem:$0x3FB2]  }
0x3d: {  	_ =	shalt  }
0x3e: {  	_ =	shalt  }
0x3f: {  	_ =	shalt  }
0x40: {  	_ =	shalt  }
0x41: {  	_ =	shalt  }
0x42: {  	_ =	shalt  }
0x43: {  	_ =	shalt  }
0x44: {  	_ =	shalt  }
0x45: {  	_ =	shalt  }
0x46: {  	_ =	shalt  }
0x47: {  	_ =	shalt  }
0x48: {  	_ =	shalt  }
0x49: {  	_ =	shalt  }
0x4a: {  	_ =	shalt  }
0x4b: {  	_ =	shalt  }
0x4c: {  	_ =	shalt  }
0x4d: {  	_ =	shalt  }
0x4e: {  	_ =	shalt  }
0x4f: {  	_ =	shalt  }
0x50: {  	_ =	shalt  }
0x51: {  	_ =	shalt  }
0x52: {  	_ =	shalt  }
0x53: {  	_ =	shalt  }
0x54: {  	_ =	shalt  }
0x55: {  	_ =	shalt  }
0x56: {  	_ =	shalt  }
0x57: {  	_ =	shalt  }
0x58: {  	_ =	shalt  }
0x59: {  	_ =	shalt  }
0x5a: {  	_ =	shalt  }
0x5b: {  	_ =	shalt  }
0x5c: {  	_ =	shalt  }
0x5d: {  	_ =	shalt  }
0x5e: {  	_ =	shalt  }
0x5f: {  	_ =	shalt  }
0x60: {  	_ =	shalt  }
0x61: {  	_ =	shalt  }
0x62: {  	_ =	shalt  }
0x63: {  	_ =	shalt  }
0x64: {  	_ =	shalt  }
0x65: {  	_ =	shalt  }
0x66: {  	_ =	shalt  }
0x67: {  	_ =	shalt  }
0x68: {  	_ =	shalt  }
0x69: {  	_ =	shalt  }
0x6a: {  	_ =	shalt  }
0x6b: {  	_ =	shalt  }
0x6c: {  	_ =	shalt  }
0x6d: {  	_ =	shalt  }
0x6e: {  	_ =	shalt  }
0x6f: {  	_ =	shalt  }
0x70: {  	_ =	shalt  }
0x71: {  	_ =	shalt  }
0x72: {  	_ =	shalt  }
0x73: {  	_ =	shalt  }
0x74: {  	_ =	shalt  }
0x75: {  	_ =	shalt  }
0x76: {  	_ =	shalt  }
0x77: {  	_ =	shalt  }
0x78: {  	_ =	shalt  }
0x79: {  	_ =	shalt  }
0x7a: {  	_ =	shalt  }
0x7b: {  	_ =	shalt  }
0x7c: {  	_ =	shalt  }
0x7d: {  	_ =	shalt  }
0x7e: {  	_ =	shalt  }
0x7f: {  	_ =	shalt  }
0x80: {  	_ =	shalt  }
0x81: {  	_ =	shalt  }
0x82: {  	_ =	shalt  }
0x83: {  	_ =	shalt  }
0x84: {  	_ =	shalt  }
0x85: {  	_ =	shalt  }
0x86: {  	_ =	shalt  }
0x87: {  	_ =	shalt  }
.Lfunc_end0:
.L_simem_size_0:
called_computation.1_lowered:
.L_overlay_start_0:
0x88: {  	s2 =	sld [smem:$0x3FD9]  }
0x89: {  	s3 =	sld [smem:$0x3FFE];
	_ =	sdelay $0x1  }
0x8a: {  	s1 =	srdreg.scid  }
0x8b: {  	s0 =	sand.u32 $0x1, s1  }
0x8c: {  	s17 =	sshll.u32 s0, $0xA;
	s2 =	sadd.s32 s3, s2  }
0x8d: {  	s2 =	sadd.s32 s2, s17  }
0x8e: {  	[smem:$0x3FBE] =	sst s2  }
0x8f: {  	_ = 	snop  }
0x90: {  	s2 =	sld [smem:$0x3FD0];
	(tm) =	ssettm $0x1  }
0x91: {  	s18 =	sld [smem:$0x3FFB];
	_ =	sdelay $0x3  }
0x92: {  	_ =	strace s18  }
0x93: {  	s3 =	sld [smem:$0x3FFC];
	_ =	sdelay $0x3  }
0x94: {  	_ =	strace s3  }
0x95: {  	s3 =	sld [smem:$0x3FFD];
	_ =	sdelay $0x3  }
0x96: {  	_ =	strace s3  }
0x97: {  	_ =	strace $0x8FFFFFFF  }
0x98: {  	s19 =	sld [smem:$0x3FDB];
	_ =	sdelay $0x1  }
0x99: {  	s4 =	simm.s32 $_scs_section_size  }
0x9a: {  	s5 =	simm.s32 $_size__tile_overlayer_lowered;
	s6 =	simm.s32 $_tile_overlayer_lowered  }
0x9b: {  	s22 =	simm.s32 $0x1BFF;
	s21 =	sshll.u32 s6, $0x1;
	s3 =	sadd.s32 s4, s19  }
0x9c: {  	s7 =	simm.s32 $0x0;
	s20 =	sshll.u32 s5, $0x1;
	s5 =	sadd.s32 s21, s3  }
0x9d: {  	[timem:s7], [sflag:s22] =	dma.local [hbm:s5], s20  }
0x9e: {  	_ =	swait.ge [sflag:s22], s20  }
0x9f: {  	s4 =	ssub.s32 $0x0, s20;
	[sflag:s22] =	ssyncset.done $0x0  }
0xa0: {  	[sflag:s22] =	ssyncadd.s32 s4;
	_ =	sdelay $0x1  }
0xa1: {  	s23 =	simm.s32 $0x1B8B  }
0xa2: {  	_ =	swait.ge [sflag:s23], $0x1  }
0xa3: {  	[sflag:s23] =	ssyncset.done $0x0  }
0xa4: {  	s25 =	simm.s32 $0x1B8E;
	s24 =	sld [smem:$0x3FFE];
	[sflag:s23] =	ssyncadd.s32 $0xFFFFFFFF  }
0xa5: {  	s26 =	simm.s32 $execute0_lowered;
	[smem:$0x3FD2] =	sst s25  }
0xa6: {  	s5 =	sshll.u32 s26, $0x1;
	_ =	strace $0x80000049;
	[dreg:$0x1] =	wrdreg $0xFFFFFFFF  }
0xa7: {  	s28 =	simm.s32 $_size_execute0_lowered;
	s3 =	sadd.s32 s3, s5;
	[dreg:$0x0] =	wrdreg $0x0  }
0xa8: {  	s5 =	sshll.u32 s28, $0x1;
	[dreg:$0x2] =	wrdreg s3  }
0xa9: {  	[dreg:$0x3] =	wrdreg s5  }
0xaa: {  	[dreg:$0x4] =	wrdreg $0xC0  }
0xab: {  	_ =	task [dreg:s7], $0x5FFFF  }
0xac: {  	[dreg:$0x1] =	wrdreg $0xFFFFFFFF  }
0xad: {  	[dreg:$0x0] =	wrdreg $0x60  }
0xae: {  	[dreg:$0x2] =	wrdreg s24  }
0xaf: {  	[dreg:$0x3] =	wrdreg s2  }
0xb0: {  	[dreg:$0x4] =	wrdreg $0x0  }
0xb1: {  	[dreg:$0x5] =	wrdreg $0x9  }
0xb2: {  	_ =	task.clear_ibuf [dreg:s7], $0x6FFFF;
	_ =	strace $0x90000049  }
0xb3: {  	s29 =	simm.s32 $0x9;
	_ =	strace $0x8000004B  }
0xb4: {  	_ =	swait.ge [sflag:s29], $0x1  }
0xb5: {  	[sflag:s29] =	ssyncadd.s32 $0xFFFFFFFF  }
0xb6: {  	_ =	strace $0x9000004B  }
0xb7: {  	_ =	sfence  }
0xb8: {  	s30 =	sld [smem:$0x0];
	_ =	sdelay $0x2  }
0xb9: {  	s31 =	sshll.u32 s1, $0xD;
	s1 =	sshrl.u32 s1, $0x2  }
0xba: {  	s3 =	sand.u32 $0x4000, s31;
	s1 =	sadd.s32 s1, s30  }
0xbb: {  	s0 =	sor.u32 s3, s0;
	s1 =	sshll.u32 s1, $0x11  }
0xbc: {  	s0 =	sor.u32 s1, s0  }
0xbd: {  	s0 =	sadd.s32 $0x8F2B, s0  }
0xbe: {  	[sflag:s0] =	ssyncadd.remote.s32 $0x1  }
0xbf: {  	_ =	sfence.sel $0xFFFF  }
0xc0: {  	[dreg:$0x0] =	wrdreg $0xFFFFFFFF;
	(pc) =	sbr.abs _section_cstart, $3  }
0xc1: {  	[dreg:$0x1] =	wrdreg $0xFFFFFFFF  }
0xc2: {  	_ =	task.clear_ibuf [dreg:s7], $0x2FFFF;
	_ =	strace $0x9FFFFFFF  }
0xc3: {  	(tm) =	ssettm $0x7FFFFFFF  }
tec
execute0_lowered:
.L_overlay_start_1:
0x0: {  	(tag) =	ssettag $0x1  }
0x1: {  	s0 =	rddreg [dreg:$0x0]  }
0x2: {  	s2 =	rddreg [dreg:$0x1]  }
0x3: {  	s3 =	rddreg [dreg:$0x2];
	s1 =	srdreg.scid  }
0x4: {  	s12 =	stileid.u32;
	s4 =	simm.s32 $0x0;
	s28 =	simm.s32 $0x1  }
0x5: {  	s29 =	simm.s32 $0x17CA0;
	s30 =	simm.s32 $0x1AEA0;
	s8 =	smul.u32 $0x16800, s12  }
0x6: {  	s31 =	simm.s32 $0x1DBA0;
	s1 =	sand.u32 $0x1, s1;
	s11 =	smul.u32 $0x5A000, s12  }
0x7: {  	[smem:$0x7FF] =	sst s4;
	s5 =	sadd.s32 $0x1200, s0;
	s6 =	sadd.s32 $0xB000, s0  }
0x8: {  	s18 =	sshll.u32 s12, $0x1;
	s7 =	smul.u32 $0x168000, s1;
	s11 =	sshrl.u32 s11, $0x2  }
0x9: {  	_ =	strace $0x8000004A;
	s10 =	ssub.s32 $0x2, s1;
	s19 =	sadd.s32 s11, s3  }
0xa: {  	s1 =	sor.u32 s1, s18;
	s17 =	sshrl.u32 s10, $0x1;
	s11 =	sadd.s32 $0x2D00, s19  }
0xb: {  	s7 =	sadd.s32 s8, s7;
	s20 =	sadd.s32 $0x5A00, s19;
	[dreg:$0x4] =	wrdreg s11  }
0xc: {  	s8 =	sadd.s32 s8, s3;
	s21 =	sadd.s32 $0x8700, s19;
	[dreg:$0x5] =	wrdreg s20  }
0xd: {  	s9 =	sshrl.u32 s7, $0x3;
	s22 =	sadd.s32 $0xB400, s19;
	[dreg:$0x6] =	wrdreg s21  }
0xe: {  	s7 =	sadd.s32 $0x10000, s0;
	s23 =	sadd.s32 $0xE100, s19;
	[dreg:$0x7] =	wrdreg s22  }
0xf: {  	s24 =	sadd.s32 $0x10E00, s19;
	s25 =	sadd.s32 $0x13B00, s19;
	[dreg:$0x8] =	wrdreg s23  }
0x10: {  	s0 =	sadd.s32 s9, s0;
	s9 =	ssub.s32 s10, s17;
	[dreg:$0x9] =	wrdreg s24  }
0x11: {  	s11 =	smul.u32 $0x2710, s1;
	[dreg:$0xa] =	wrdreg s25;
	s21 =	simm.s32 $0x181A0  }
0x12: {  	s22 =	simm.s32 $0x5;
	s25 =	simm.s32 $0x50;
	s1 =	simm.s32 $0x3  }
0x13: {  	s10 =	simm.s32 $0x4;
	s19 =	sadd.s32 $0x3D000, s0;
	s20 =	smax.u32 s9, $0x1  }
0x14: {  	s0 =	simm.s32 $0x2;
	s9 =	simm.s32 $0x1DBF0;
	s26 =	sshrl.u32 s11, $0x3  }
0x15: {  	v0 =	vimm.f32 $0.0e+00;
	vm0 =	vmmov $0xff;
	s17 =	sadd.s32 s5, s26;
	s18 =	sadd.s32 s2, s26;
	s26 =	simm.s32 $0x177A0  }
.LBB2_1:
0x16: {  	s12 =	simm.s32 $0x0;
	s13 =	simm.s32 $0x240  }
.LBB2_2:
0x17: {  	p0 =	sne.s32 s13, $0xB1C0;
	[tilespmem:s12+$0x18220] =	vst v0  }
0x18: {  	[tilespmem:s12+$0x181A0] =	vst v0  }
0x19: {  	[tilespmem:s12+$0x181B0] =	vst v0  }
0x1a: {  	[tilespmem:s12+$0x181C0] =	vst v0  }
.Ltmp0:
0x1b: {  	[tilespmem:s12+$0x181D0] =	vst v0;
	(pc) =	sbr.rel @p0 .LBB2_2-.Ltmp0, $4  }
0x1c: {  	[tilespmem:s12+$0x181E0] =	vst v0  }
0x1d: {  	[tilespmem:s12+$0x181F0] =	vst v0  }
0x1e: {  	[tilespmem:s12+$0x18200] =	vst v0  }
0x1f: {  	[tilespmem:s12+$0x18210] =	vst v0;
	s12 =	sshra.s32 s13, $0x2;
	s13 =	sadd.s32 $0x240, s13  }
0x20: {  	[tilespmem:s12+$0x18220] =	vst v0  }
0x21: {  	[tilespmem:s12+$0x181A0] =	vst v0  }
0x22: {  	[tilespmem:s12+$0x181B0] =	vst v0  }
0x23: {  	[tilespmem:s12+$0x181C0] =	vst v0  }
0x24: {  	[tilespmem:s12+$0x181D0] =	vst v0  }
0x25: {  	[tilespmem:s12+$0x181E0] =	vst v0  }
0x26: {  	[tilespmem:s12+$0x181F0] =	vst v0  }
0x27: {  	[tilespmem:s12+$0x18200] =	vst v0  }
0x28: {  	[tilespmem:s12+$0x18210] =	vst v0  }
0x29: {  	[spmem:s8] =	stream.linear.scatter [tilespmem:s21], [sflag:$0x5], $0x2D00, $0x38;
	[tilespmem:$0x1DC40] =	vst v63  }
0x2a: {  	_ =	swait.ge [sflag:s22], $0x2D00  }
0x2b: {  	[sflag:s22] =	ssyncset.done $0x0  }
0x2c: {  	s24 =	rddreg [dreg:$0x4];
	[sflag:s22] =	ssyncadd.s32 $0xFFFFD300  }
0x2d: {  	[spmem:s24] =	stream.linear.scatter [tilespmem:s21], [sflag:$0x5], $0x2D00, $0x38;
	[tilespmem:$0x1DC40] =	vst v63  }
0x2e: {  	_ =	swait.ge [sflag:s22], $0x2D00  }
0x2f: {  	[sflag:s22] =	ssyncset.done $0x0  }
0x30: {  	s13 =	rddreg [dreg:$0x5];
	[sflag:s22] =	ssyncadd.s32 $0xFFFFD300  }
0x31: {  	[spmem:s13] =	stream.linear.scatter [tilespmem:s21], [sflag:$0x5], $0x2D00, $0x38;
	[tilespmem:$0x1DC40] =	vst v63  }
0x32: {  	_ =	swait.ge [sflag:s22], $0x2D00  }
0x33: {  	[sflag:s22] =	ssyncset.done $0x0  }
0x34: {  	s14 =	rddreg [dreg:$0x6];
	[sflag:s22] =	ssyncadd.s32 $0xFFFFD300  }
0x35: {  	[spmem:s14] =	stream.linear.scatter [tilespmem:s21], [sflag:$0x5], $0x2D00, $0x38;
	[tilespmem:$0x1DC40] =	vst v63  }
0x36: {  	_ =	swait.ge [sflag:s22], $0x2D00  }
0x37: {  	[sflag:s22] =	ssyncset.done $0x0  }
0x38: {  	s15 =	rddreg [dreg:$0x7];
	[sflag:s22] =	ssyncadd.s32 $0xFFFFD300  }
0x39: {  	[spmem:s15] =	stream.linear.scatter [tilespmem:s21], [sflag:$0x5], $0x2D00, $0x38;
	[tilespmem:$0x1DC40] =	vst v63  }
0x3a: {  	_ =	swait.ge [sflag:s22], $0x2D00  }
0x3b: {  	[sflag:s22] =	ssyncset.done $0x0  }
0x3c: {  	s16 =	rddreg [dreg:$0x8];
	[sflag:s22] =	ssyncadd.s32 $0xFFFFD300  }
0x3d: {  	[spmem:s16] =	stream.linear.scatter [tilespmem:s21], [sflag:$0x5], $0x2D00, $0x38;
	[tilespmem:$0x1DC40] =	vst v63  }
0x3e: {  	_ =	swait.ge [sflag:s22], $0x2D00  }
0x3f: {  	[sflag:s22] =	ssyncset.done $0x0  }
0x40: {  	s23 =	rddreg [dreg:$0x9];
	[sflag:s22] =	ssyncadd.s32 $0xFFFFD300  }
0x41: {  	[spmem:s23] =	stream.linear.scatter [tilespmem:s21], [sflag:$0x5], $0x2D00, $0x38;
	[tilespmem:$0x1DC40] =	vst v63  }
0x42: {  	_ =	swait.ge [sflag:s22], $0x2D00  }
0x43: {  	[sflag:s22] =	ssyncset.done $0x0  }
0x44: {  	s24 =	rddreg [dreg:$0xa];
	[sflag:s22] =	ssyncadd.s32 $0xFFFFD300  }
0x45: {  	[spmem:s24] =	stream.linear.scatter [tilespmem:s21], [sflag:$0x5], $0x2D00, $0x38;
	[tilespmem:$0x1DC40] =	vst v63  }
0x46: {  	_ =	swait.ge [sflag:s22], $0x2D00  }
0x47: {  	[sflag:s22] =	ssyncset.done $0x0  }
0x48: {  	[sflag:s22] =	ssyncadd.s32 $0xFFFFD300  }
0x49: {  	s12 =	simm.s32 $0x0;
	s13 =	simm.s32 $0x16800;
	[bflag:$0x0] =	sbarrier.arrive $0xFFFF  }
0x4a: {  	[tilespmem:s13], [sflag:$0x5] =	stream.linear.gather [hbm4b:s17+s12], $0x7D0, $0x38;
	[tilespmem:$0x1DC40] =	vst v63  }
0x4b: {  	_ =	swait.ge [sflag:s22], $0x7D0  }
0x4c: {  	[sflag:s22] =	ssyncset.done $0x0  }
0x4d: {  	s14 =	simm.s32 $0x16FD0;
	[sflag:s22] =	ssyncadd.s32 $0xFFFFF830  }
0x4e: {  	[tilespmem:s14], [sflag:$0x5] =	stream.linear.gather [hbm4b:s18+s12], $0x7D0, $0x38;
	[tilespmem:$0x1DC40] =	vst v63  }
0x4f: {  	_ =	swait.ge [sflag:s22], $0x7D0  }
0x50: {  	[sflag:s22] =	ssyncset.done $0x0  }
0x51: {  	[sflag:s22] =	ssyncadd.s32 $0xFFFFF830  }
0x52: {  	[tilespmem:s26], [sflag:$0x1] =	stream.indirect.gather [hbm4b:s6+s25], $0x10, s14, s25, $0xb8;
	[tilespmem:$0x1DC40] =	vst v63  }
0x53: {  	_ = 	snop  }
0x54: {  	[tilespmem:s21], [sflag:$0x1] =	stream.indirect.gather [hbm4b:s7+s25], $0x90, s13, s25, $0xb8;
	[tilespmem:$0x1DC40] =	vst v63  }
.LBB2_4:
0x55: {  	s13 =	smul.u32 $0x52, s12;
	_ =	sdelay $0x1  }
0x56: {  	s13 =	sshrl.u32 s13, $0xA  }
0x57: {  	s13 =	sand.u32 $0x3F, s13  }
0x58: {  	s14 =	smul.u32 $0x19, s13  }
0x59: {  	_ =	swait.ge [sflag:s28], $0x500;
	s13 =	sshll.u32 s12, $0x1  }
0x5a: {  	[sflag:s28] =	ssyncset.done $0x0;
	s14 =	ssub.s32 s13, s14  }
0x5b: {  	[sflag:s28] =	ssyncadd.s32 $0xFFFFFB00;
	s14 =	sand.u32 $0xFF, s14  }
0x5c: {  	_ =	swait.ge [sflag:s28], $0x2D00;
	s14 =	smul.u32 $0x140, s14  }
0x5d: {  	[sflag:s28] =	ssyncset.done $0x0  }
0x5e: {  	[sflag:s28] =	ssyncadd.s32 $0xFFFFD300;
	s14 =	sshrl.u32 s14, $0x2  }
0x5f: {  	v1 =	vld [tilespmem:s14+$0x16FD0];
	_ =	sdelay $0x4  }
0x60: {  	[tilespmem:$0x1DBA0] =	vst v1  }
0x61: {  	v1 =	vld [tilespmem:s14+$0x16FE0];
	_ =	sdelay $0x4  }
0x62: {  	s15 =	sshllo.u32 s12, $0x1;
	[tilespmem:$0x1DBB0] =	vst v1  }
0x63: {  	s16 =	sand.u32 $0xFF, s15;
	v1 =	vld [tilespmem:s14+$0x16FF0]  }
0x64: {  	s16 =	smul.u32 $0x29, s16;
	_ =	sdelay $0x1  }
0x65: {  	s16 =	sshrl.u32 s16, $0xA  }
0x66: {  	s16 =	smul.u32 $0x19, s16  }
0x67: {  	s23 =	sor.u32 $0x17000, s14;
	[tilespmem:$0x1DBC0] =	vst v1  }
0x68: {  	s16 =	ssub.s32 s15, s16;
	v1 =	vld [tilespmem:s23+$0x0]  }
0x69: {  	s16 =	sand.u32 $0xFF, s16  }
0x6a: {  	p0 =	sne.s32 s16, $0x0  }
0x6b: {  	s15 =	sand.u32 @!p0 $0xFF, s15  }
0x6c: {  	s15 =	smul.u32 @!p0 $0x29, s15  }
0x6d: {  	[tilespmem:$0x1DBD0] =	vst v1  }
0x6e: {  	v1 =	vld [tilespmem:s14+$0x17010];
	s14 =	sshrl.u32 @!p0 s15, $0xA  }
0x6f: {  	s14 =	smul.u32 @!p0 $0x7D0, s14;
	_ =	sdelay $0x1  }
0x70: {  	s14 =	sadd.s32 @!p0 s11, s14  }
0x71: {  	s14 =	sshrl.u32 @!p0 s14, $0x3  }
0x72: {  	s24 =	simm.s32 @!p0 $0x16800;
	s23 =	simm.s32 @!p0 $0x0;
	[tilespmem:$0x1DBE0] =	vst v1;
	s15 =	sadd.s32 @!p0 s5, s14  }
0x73: {  	[tilespmem:s24], [sflag:$0x5] =	stream.linear.gather @!p0 [hbm4b:s15+s23], $0x7D0, $0x38;
	[tilespmem:$0x1DC40] =	vst v63  }
0x74: {  	s15 =	simm.s32 @!p0 $0x5  }
0x75: {  	_ =	swait.ge @!p0 [sflag:s15], $0x7D0  }
0x76: {  	[sflag:s15] =	ssyncset.done @!p0 $0x0  }
0x77: {  	s14 =	sadd.s32 @!p0 s2, s14;
	s24 =	simm.s32 @!p0 $0x16FD0;
	[sflag:s15] =	ssyncadd.s32 @!p0 $0xFFFFF830  }
0x78: {  	[tilespmem:s24], [sflag:$0x5] =	stream.linear.gather @!p0 [hbm4b:s14+s23], $0x7D0, $0x38;
	[tilespmem:$0x1DC40] =	vst v63  }
0x79: {  	_ =	swait.ge @!p0 [sflag:s15], $0x7D0  }
0x7a: {  	p1 =	seq.s32 s12, $0x0;
	[sflag:s15] =	ssyncset.done @!p0 $0x0  }
0x7b: {  	s14 =	simm.s32 @!p1 $0x4;
	[sflag:s15] =	ssyncadd.s32 @!p0 $0xFFFFF830  }
0x7c: {  	s23 =	smul.u32 $0x50, s16;
	_ =	swait.ge @!p1 [sflag:s14], $0x2D00  }
0x7d: {  	[sflag:s14] =	ssyncset.done @!p1 $0x0  }
0x7e: {  	s16 =	sadd.s32 $0x16FD0, s23;
	[sflag:s14] =	ssyncadd.s32 @!p1 $0xFFFFD300  }
0x7f: {  	[tilespmem:s29], [sflag:$0x2] =	stream.indirect.gather [hbm4b:s6+s25], $0x10, s16, s25, $0xb8;
	[tilespmem:$0x1DC40] =	vst v63  }
0x80: {  	s24 =	sadd.s32 $0x16800, s23;
	s14 =	simm.s32 $0x181E0  }
0x81: {  	[tilespmem:s30], [sflag:$0x2] =	stream.indirect.gather [hbm4b:s7+s25], $0x90, s24, s25, $0xb8;
	[tilespmem:$0x1DC40] =	vst v63  }
0x82: {  	s15 =	simm.s32 $0x40;
	s16 =	simm.s32 $0x0;
	s24 =	simm.s32 $0x181E0;
	v1 =	vld [tilespmem:s14+$0x40]  }
.LBB2_5:
0x83: {  	p0 =	sne.s32 s15, $0x13C0;
	v2 =	vld [tilespmem:s16+$0x177A0];
	_ =	sdelay $0x4  }
0x84: {  	v1 =	vadd.f32 v2, v1;
	_ =	sdelay $0x1  }
0x85: {  	v2 =	vmul.f32 $2.000000030e-01, v1  }
0x86: {  	vm1 =	vge.f32 v1, $0.0e+00  }
0x87: {  	v1 =	vsel vm1, v1, v2  }
0x88: {  	v1 =	vmul.f32 $1.442695020e+00, v1;
	_ =	sdelay $0x1  }
0x89: {  	(erf) = vpow2.f32 v1;
	_ =	sdelay $0x4  }
0x8a: {  	v1 =	vld [tilespmem:s14+$0x30]  }
0x8b: {  	v2 =	vld [tilespmem:s14+$0x20]  }
0x8c: {  	v3 =	vld [tilespmem:s14+$0x10]  }
0x8d: {  	v4 =	vld [tilespmem:s14+$0x0]  }
0x8e: {  	v5 =	vld [tilespmem:s14+$0xFFFFFFF0];
	v6 =	vpop (erf)  }
0x8f: {  	v7 =	vnsel vm0, $0x0, v6;
	v8 =	vld [tilespmem:s14+$0xFFFFFFE0];
	v9 =	vbroadcast v6, $0x6;
	v10 =	vbroadcast v6, $0x7  }
0x90: {  	v11 =	vbroadcast v6, $0x4;
	v12 =	vbroadcast v6, $0x5;
	[tilespmem:s14+$0x40] =	vst v7;
	v7 =	vld [tilespmem:s14+$0xFFFFFFD0]  }
0x91: {  	v13 =	vld [tilespmem:s14+$0xFFFFFFC0];
	v2 =	vmul.f32 v2, v9;
	v1 =	vmul.f32 v1, v10  }
0x92: {  	v3 =	vmul.f32 v3, v12;
	v4 =	vmul.f32 v4, v11  }
0x93: {  	v9 =	vbroadcast v6, $0x2;
	v10 =	vbroadcast v6, $0x3;
	[tilespmem:s14+$0x30] =	vst v1  }
0x94: {  	v1 =	vbroadcast v6, $0x0;
	v6 =	vbroadcast v6, $0x1;
	[tilespmem:s14+$0x20] =	vst v2  }
0x95: {  	v5 =	vmul.f32 v5, v10;
	v2 =	vmul.f32 v9, v8;
	[tilespmem:s14+$0x10] =	vst v3  }
.Ltmp1:
0x96: {  	v3 =	vmul.f32 v1, v13;
	v1 =	vmul.f32 v6, v7;
	[tilespmem:s14+$0x0] =	vst v4;
	(pc) =	sbr.rel @p0 .LBB2_5-.Ltmp1, $4  }
0x97: {  	[tilespmem:s14+$0xFFFFFFF0] =	vst v5  }
0x98: {  	[tilespmem:s14+$0xFFFFFFE0] =	vst v2  }
0x99: {  	s14 =	sadd.s32 $0x90, s14;
	[tilespmem:s24+$0xFFFFFFD0] =	vst v1  }
0x9a: {  	s16 =	sshra.s32 s15, $0x2;
	s15 =	sadd.s32 $0x40, s15;
	v1 =	vld [tilespmem:s14+$0x40];
	[tilespmem:s24+$0xFFFFFFC0] =	vst v3;
	s24 =	smov.u32 s14  }
0x9b: {  	v2 =	vld [tilespmem:s16+$0x177A0];
	_ =	sdelay $0x4  }
0x9c: {  	v1 =	vadd.f32 v2, v1;
	_ =	sdelay $0x1  }
0x9d: {  	v2 =	vmul.f32 $2.000000030e-01, v1  }
0x9e: {  	vm1 =	vge.f32 v1, $0.0e+00  }
0x9f: {  	v1 =	vsel vm1, v1, v2  }
0xa0: {  	v1 =	vmul.f32 $1.442695020e+00, v1;
	_ =	sdelay $0x1  }
0xa1: {  	(erf) = vpow2.f32 v1;
	_ =	sdelay $0x6  }
0xa2: {  	v1 =	vld [tilespmem:s14+$0x30]  }
0xa3: {  	v2 =	vld [tilespmem:s14+$0x20]  }
0xa4: {  	v3 =	vld [tilespmem:s14+$0x10];
	v4 =	vpop (erf)  }
0xa5: {  	v7 =	vld [tilespmem:s14+$0xFFFFFFF0];
	v6 =	vbroadcast v4, $0x7  }
0xa6: {  	v5 =	vld [tilespmem:s14+$0x0];
	v8 =	vbroadcast v4, $0x6  }
0xa7: {  	v10 =	vld [tilespmem:s14+$0xFFFFFFE0];
	v9 =	vnsel vm0, $0x0, v4;
	v11 =	vbroadcast v4, $0x5;
	v1 =	vmul.f32 v1, v6  }
0xa8: {  	v58 =	vld [tilespmem:s14+$0xFFFFFFD0];
	v61 =	vbroadcast v4, $0x3;
	[tilespmem:s14+$0x40] =	vst v9;
	v2 =	vmul.f32 v2, v8  }
0xa9: {  	v60 =	vld [tilespmem:s14+$0xFFFFFFC0];
	v59 =	vbroadcast v4, $0x4;
	v3 =	vmul.f32 v3, v11;
	[tilespmem:s14+$0x30] =	vst v1  }
0xaa: {  	v62 =	vbroadcast v4, $0x2;
	v7 =	vmul.f32 v7, v61;
	[tilespmem:s14+$0x20] =	vst v2  }
0xab: {  	v1 =	vmul.f32 v5, v59;
	v2 =	vbroadcast v4, $0x1;
	[tilespmem:s14+$0x10] =	vst v3  }
0xac: {  	v63 =	vmul.f32 v62, v10;
	v3 =	vbroadcast v4, $0x0;
	[tilespmem:s14+$0xFFFFFFF0] =	vst v7  }
0xad: {  	[tilespmem:s14+$0x0] =	vst v1;
	v1 =	vmul.f32 v2, v58  }
0xae: {  	[tilespmem:s14+$0xFFFFFFE0] =	vst v63;
	v2 =	vmul.f32 v3, v60  }
0xaf: {  	[tilespmem:s24+$0xFFFFFFD0] =	vst v1  }
0xb0: {  	[tilespmem:s24+$0xFFFFFFC0] =	vst v2  }
0xb1: {  	[spmem:s3] =	stream.indirect.scatter.add.f32 [tilespmem:s21], [sflag:$0x3], $0x90, s31, s25, $0xb8;
	[tilespmem:$0x1DC40] =	vst v63  }
0xb2: {  	_ =	swait.ge [sflag:s0], $0x500  }
0xb3: {  	[sflag:s0] =	ssyncset.done $0x0  }
0xb4: {  	[sflag:s0] =	ssyncadd.s32 $0xFFFFFB00  }
0xb5: {  	_ =	swait.ge [sflag:s0], $0x2D00  }
0xb6: {  	[sflag:s0] =	ssyncset.done $0x0  }
0xb7: {  	[sflag:s0] =	ssyncadd.s32 $0xFFFFD300  }
0xb8: {  	v1 =	vld [tilespmem:s23+$0x16FD0];
	_ =	sdelay $0x4  }
0xb9: {  	[tilespmem:$0x1DBF0] =	vst v1  }
0xba: {  	v1 =	vld [tilespmem:s23+$0x16FE0];
	_ =	sdelay $0x4  }
0xbb: {  	[tilespmem:$0x1DC00] =	vst v1  }
0xbc: {  	v1 =	vld [tilespmem:s23+$0x16FF0];
	_ =	sdelay $0x1  }
0xbd: {  	s13 =	sadd.s32 $0x2, s13  }
0xbe: {  	s16 =	smulhi.u32 $0x51EB851F, s13;
	_ =	sdelay $0x1  }
0xbf: {  	s14 =	sshrl.u32 s16, $0x3;
	[tilespmem:$0x1DC10] =	vst v1  }
0xc0: {  	s14 =	smul.u32 $0x19, s14;
	v1 =	vld [tilespmem:s23+$0x17000];
	_ =	sdelay $0x1  }
0xc1: {  	s14 =	ssub.s32 s13, s14  }
0xc2: {  	p0 =	sne.s32 s14, $0x0  }
0xc3: {  	s13 =	smulhi.u32 @!p0 $0x51EB851F, s13  }
0xc4: {  	[tilespmem:$0x1DC20] =	vst v1  }
0xc5: {  	s13 =	sshrl.u32 @!p0 s13, $0x3;
	v1 =	vld [tilespmem:s23+$0x17010]  }
0xc6: {  	s13 =	smul.u32 @!p0 $0x7D0, s13;
	_ =	sdelay $0x1  }
0xc7: {  	s13 =	sadd.s32 @!p0 s11, s13  }
0xc8: {  	s13 =	sshrl.u32 @!p0 s13, $0x3  }
0xc9: {  	s16 =	simm.s32 @!p0 $0x0;
	s15 =	sadd.s32 @!p0 s5, s13;
	s23 =	simm.s32 @!p0 $0x16800;
	[tilespmem:$0x1DC30] =	vst v1  }
0xca: {  	[tilespmem:s23], [sflag:$0x5] =	stream.linear.gather @!p0 [hbm4b:s15+s16], $0x7D0, $0x38;
	[tilespmem:$0x1DC40] =	vst v63  }
0xcb: {  	s15 =	simm.s32 @!p0 $0x5  }
0xcc: {  	_ =	swait.ge @!p0 [sflag:s15], $0x7D0  }
0xcd: {  	[sflag:s15] =	ssyncset.done @!p0 $0x0  }
0xce: {  	s13 =	sadd.s32 @!p0 s2, s13;
	s23 =	simm.s32 @!p0 $0x16FD0;
	[sflag:s15] =	ssyncadd.s32 @!p0 $0xFFFFF830  }
0xcf: {  	[tilespmem:s23], [sflag:$0x5] =	stream.linear.gather @!p0 [hbm4b:s13+s16], $0x7D0, $0x38;
	[tilespmem:$0x1DC40] =	vst v63  }
0xd0: {  	_ =	swait.ge @!p0 [sflag:s15], $0x7D0  }
0xd1: {  	[sflag:s15] =	ssyncset.done @!p0 $0x0  }
0xd2: {  	[sflag:s15] =	ssyncadd.s32 @!p0 $0xFFFFF830  }
0xd3: {  	s24 =	smul.u32 $0x50, s14;
	_ =	swait.ge [sflag:s1], $0x2D00  }
0xd4: {  	[sflag:s1] =	ssyncset.done $0x0  }
0xd5: {  	s14 =	sadd.s32 $0x16FD0, s24;
	[sflag:s1] =	ssyncadd.s32 $0xFFFFD300  }
0xd6: {  	[tilespmem:s26], [sflag:$0x1] =	stream.indirect.gather [hbm4b:s6+s25], $0x10, s14, s25, $0xb8;
	[tilespmem:$0x1DC40] =	vst v63  }
0xd7: {  	s13 =	sadd.s32 $0x16800, s24  }
0xd8: {  	[tilespmem:s21], [sflag:$0x1] =	stream.indirect.gather [hbm4b:s7+s25], $0x90, s13, s25, $0xb8;
	[tilespmem:$0x1DC40] =	vst v63  }
0xd9: {  	s13 =	simm.s32 $0x1AEE0  }
0xda: {  	s16 =	simm.s32 $0x0;
	s15 =	simm.s32 $0x40;
	s14 =	simm.s32 $0x1AEE0;
	v1 =	vld [tilespmem:s13+$0x40]  }
.LBB2_7:
0xdb: {  	p0 =	sne.s32 s15, $0x13C0;
	v2 =	vld [tilespmem:s16+$0x17CA0];
	_ =	sdelay $0x4  }
0xdc: {  	v1 =	vadd.f32 v2, v1;
	_ =	sdelay $0x1  }
0xdd: {  	v2 =	vmul.f32 $2.000000030e-01, v1  }
0xde: {  	vm1 =	vge.f32 v1, $0.0e+00  }
0xdf: {  	v1 =	vsel vm1, v1, v2  }
0xe0: {  	v1 =	vmul.f32 $1.442695020e+00, v1;
	_ =	sdelay $0x1  }
0xe1: {  	(erf) = vpow2.f32 v1;
	_ =	sdelay $0x4  }
0xe2: {  	v1 =	vld [tilespmem:s13+$0x30]  }
0xe3: {  	v2 =	vld [tilespmem:s13+$0x20]  }
0xe4: {  	v3 =	vld [tilespmem:s13+$0x10]  }
0xe5: {  	v4 =	vld [tilespmem:s13+$0x0]  }
0xe6: {  	v5 =	vld [tilespmem:s13+$0xFFFFFFF0];
	v6 =	vpop (erf)  }
0xe7: {  	v7 =	vnsel vm0, $0x0, v6;
	v8 =	vld [tilespmem:s13+$0xFFFFFFE0];
	v9 =	vbroadcast v6, $0x6;
	v10 =	vbroadcast v6, $0x7  }
0xe8: {  	v11 =	vbroadcast v6, $0x4;
	v12 =	vbroadcast v6, $0x5;
	[tilespmem:s13+$0x40] =	vst v7;
	v7 =	vld [tilespmem:s13+$0xFFFFFFD0]  }
0xe9: {  	v13 =	vld [tilespmem:s13+$0xFFFFFFC0];
	v2 =	vmul.f32 v2, v9;
	v1 =	vmul.f32 v1, v10  }
0xea: {  	v3 =	vmul.f32 v3, v12;
	v4 =	vmul.f32 v4, v11  }
0xeb: {  	v9 =	vbroadcast v6, $0x2;
	v10 =	vbroadcast v6, $0x3;
	[tilespmem:s13+$0x30] =	vst v1  }
0xec: {  	v1 =	vbroadcast v6, $0x0;
	v6 =	vbroadcast v6, $0x1;
	[tilespmem:s13+$0x20] =	vst v2  }
0xed: {  	v5 =	vmul.f32 v5, v10;
	v2 =	vmul.f32 v9, v8;
	[tilespmem:s13+$0x10] =	vst v3  }
.Ltmp2:
0xee: {  	v3 =	vmul.f32 v1, v13;
	v1 =	vmul.f32 v6, v7;
	[tilespmem:s13+$0x0] =	vst v4;
	(pc) =	sbr.rel @p0 .LBB2_7-.Ltmp2, $4  }
0xef: {  	[tilespmem:s13+$0xFFFFFFF0] =	vst v5  }
0xf0: {  	[tilespmem:s13+$0xFFFFFFE0] =	vst v2  }
0xf1: {  	s13 =	sadd.s32 $0x90, s13;
	[tilespmem:s14+$0xFFFFFFD0] =	vst v1  }
0xf2: {  	s16 =	sshra.s32 s15, $0x2;
	s15 =	sadd.s32 $0x40, s15;
	v1 =	vld [tilespmem:s13+$0x40];
	[tilespmem:s14+$0xFFFFFFC0] =	vst v3;
	s14 =	smov.u32 s13  }
0xf3: {  	v2 =	vld [tilespmem:s16+$0x17CA0];
	_ =	sdelay $0x4  }
0xf4: {  	v1 =	vadd.f32 v2, v1;
	_ =	sdelay $0x1  }
0xf5: {  	v2 =	vmul.f32 $2.000000030e-01, v1  }
0xf6: {  	vm1 =	vge.f32 v1, $0.0e+00  }
0xf7: {  	v1 =	vsel vm1, v1, v2  }
0xf8: {  	v1 =	vmul.f32 $1.442695020e+00, v1;
	_ =	sdelay $0x1  }
0xf9: {  	(erf) = vpow2.f32 v1;
	_ =	sdelay $0x6  }
0xfa: {  	v1 =	vld [tilespmem:s13+$0x30]  }
0xfb: {  	v2 =	vld [tilespmem:s13+$0x20]  }
0xfc: {  	v3 =	vld [tilespmem:s13+$0x10];
	v4 =	vpop (erf)  }
0xfd: {  	v7 =	vld [tilespmem:s13+$0xFFFFFFF0];
	v6 =	vbroadcast v4, $0x7  }
0xfe: {  	v5 =	vld [tilespmem:s13+$0x0];
	v8 =	vbroadcast v4, $0x6  }
0xff: {  	v10 =	vld [tilespmem:s13+$0xFFFFFFE0];
	v9 =	vnsel vm0, $0x0, v4;
	v11 =	vbroadcast v4, $0x5;
	v1 =	vmul.f32 v1, v6  }
0x100: {  	v58 =	vld [tilespmem:s13+$0xFFFFFFD0];
	v61 =	vbroadcast v4, $0x3;
	[tilespmem:s13+$0x40] =	vst v9;
	v2 =	vmul.f32 v2, v8  }
0x101: {  	v60 =	vld [tilespmem:s13+$0xFFFFFFC0];
	v59 =	vbroadcast v4, $0x4;
	v3 =	vmul.f32 v3, v11;
	[tilespmem:s13+$0x30] =	vst v1  }
0x102: {  	v62 =	vbroadcast v4, $0x2;
	v7 =	vmul.f32 v7, v61;
	[tilespmem:s13+$0x20] =	vst v2  }
0x103: {  	s12 =	sadd.s32 $0x1, s12;
	v1 =	vmul.f32 v5, v59;
	v2 =	vbroadcast v4, $0x1;
	[tilespmem:s13+$0x10] =	vst v3  }
0x104: {  	p0 =	sne.s32 s12, $0x3E;
	v63 =	vmul.f32 v62, v10;
	v3 =	vbroadcast v4, $0x0;
	[tilespmem:s13+$0xFFFFFFF0] =	vst v7  }
.Ltmp3:
0x105: {  	[tilespmem:s13+$0x0] =	vst v1;
	v1 =	vmul.f32 v2, v58;
	(pc) =	sbr.rel @p0 .LBB2_4-.Ltmp3, $4  }
0x106: {  	[tilespmem:s13+$0xFFFFFFE0] =	vst v63;
	v2 =	vmul.f32 v3, v60  }
0x107: {  	[tilespmem:s14+$0xFFFFFFD0] =	vst v1  }
0x108: {  	[tilespmem:s14+$0xFFFFFFC0] =	vst v2  }
0x109: {  	[spmem:s3] =	stream.indirect.scatter.add.f32 [tilespmem:s30], [sflag:$0x4], $0x90, s9, s25, $0xb8;
	[tilespmem:$0x1DC40] =	vst v63  }
0x10a: {  	_ =	swait.ge [sflag:s28], $0x500  }
0x10b: {  	[sflag:s28] =	ssyncset.done $0x0  }
0x10c: {  	[sflag:s28] =	ssyncadd.s32 $0xFFFFFB00  }
0x10d: {  	_ =	swait.ge [sflag:s28], $0x2D00  }
0x10e: {  	[sflag:s28] =	ssyncset.done $0x0  }
0x10f: {  	[sflag:s28] =	ssyncadd.s32 $0xFFFFD300  }
0x110: {  	v1 =	vld [tilespmem:$0x17750]  }
0x111: {  	v2 =	vld [tilespmem:$0x17760]  }
0x112: {  	v3 =	vld [tilespmem:$0x17770]  }
0x113: {  	v4 =	vld [tilespmem:$0x17780]  }
0x114: {  	v5 =	vld [tilespmem:$0x17790]  }
0x115: {  	[tilespmem:$0x1DBA0] =	vst v1  }
0x116: {  	[tilespmem:$0x1DBB0] =	vst v2  }
0x117: {  	[tilespmem:$0x1DBC0] =	vst v3  }
0x118: {  	[tilespmem:$0x1DBD0] =	vst v4  }
0x119: {  	s12 =	simm.s32 $0x181E0;
	[tilespmem:$0x1DBE0] =	vst v5  }
0x11a: {  	s15 =	simm.s32 $0x0;
	s14 =	simm.s32 $0x40;
	s13 =	simm.s32 $0x181E0;
	v1 =	vld [tilespmem:s12+$0x40]  }
.LBB2_10:
0x11b: {  	p0 =	sne.s32 s14, $0x13C0;
	v2 =	vld [tilespmem:s15+$0x177A0];
	_ =	sdelay $0x4  }
0x11c: {  	v1 =	vadd.f32 v2, v1;
	_ =	sdelay $0x1  }
0x11d: {  	v2 =	vmul.f32 $2.000000030e-01, v1  }
0x11e: {  	vm1 =	vge.f32 v1, $0.0e+00  }
0x11f: {  	v1 =	vsel vm1, v1, v2  }
0x120: {  	v1 =	vmul.f32 $1.442695020e+00, v1;
	_ =	sdelay $0x1  }
0x121: {  	(erf) = vpow2.f32 v1;
	_ =	sdelay $0x4  }
0x122: {  	v1 =	vld [tilespmem:s12+$0x30]  }
0x123: {  	v2 =	vld [tilespmem:s12+$0x20]  }
0x124: {  	v3 =	vld [tilespmem:s12+$0x10]  }
0x125: {  	v4 =	vld [tilespmem:s12+$0x0]  }
0x126: {  	v5 =	vld [tilespmem:s12+$0xFFFFFFF0];
	v6 =	vpop (erf)  }
0x127: {  	v7 =	vnsel vm0, $0x0, v6;
	v8 =	vld [tilespmem:s12+$0xFFFFFFE0];
	v9 =	vbroadcast v6, $0x6;
	v10 =	vbroadcast v6, $0x7  }
0x128: {  	v11 =	vbroadcast v6, $0x4;
	v12 =	vbroadcast v6, $0x5;
	[tilespmem:s12+$0x40] =	vst v7;
	v7 =	vld [tilespmem:s12+$0xFFFFFFD0]  }
0x129: {  	v13 =	vld [tilespmem:s12+$0xFFFFFFC0];
	v2 =	vmul.f32 v2, v9;
	v1 =	vmul.f32 v1, v10  }
0x12a: {  	v3 =	vmul.f32 v3, v12;
	v4 =	vmul.f32 v4, v11  }
0x12b: {  	v9 =	vbroadcast v6, $0x2;
	v10 =	vbroadcast v6, $0x3;
	[tilespmem:s12+$0x30] =	vst v1  }
0x12c: {  	v1 =	vbroadcast v6, $0x0;
	v6 =	vbroadcast v6, $0x1;
	[tilespmem:s12+$0x20] =	vst v2  }
0x12d: {  	v5 =	vmul.f32 v5, v10;
	v2 =	vmul.f32 v9, v8;
	[tilespmem:s12+$0x10] =	vst v3  }
.Ltmp4:
0x12e: {  	v3 =	vmul.f32 v1, v13;
	v1 =	vmul.f32 v6, v7;
	[tilespmem:s12+$0x0] =	vst v4;
	(pc) =	sbr.rel @p0 .LBB2_10-.Ltmp4, $4  }
0x12f: {  	[tilespmem:s12+$0xFFFFFFF0] =	vst v5  }
0x130: {  	[tilespmem:s12+$0xFFFFFFE0] =	vst v2  }
0x131: {  	s12 =	sadd.s32 $0x90, s12;
	[tilespmem:s13+$0xFFFFFFD0] =	vst v1  }
0x132: {  	s15 =	sshra.s32 s14, $0x2;
	s14 =	sadd.s32 $0x40, s14;
	v1 =	vld [tilespmem:s12+$0x40];
	[tilespmem:s13+$0xFFFFFFC0] =	vst v3;
	s13 =	smov.u32 s12  }
0x133: {  	v2 =	vld [tilespmem:s15+$0x177A0];
	_ =	sdelay $0x4  }
0x134: {  	v1 =	vadd.f32 v2, v1;
	_ =	sdelay $0x1  }
0x135: {  	v2 =	vmul.f32 $2.000000030e-01, v1  }
0x136: {  	vm1 =	vge.f32 v1, $0.0e+00  }
0x137: {  	v1 =	vsel vm1, v1, v2  }
0x138: {  	v1 =	vmul.f32 $1.442695020e+00, v1;
	_ =	sdelay $0x1  }
0x139: {  	(erf) = vpow2.f32 v1;
	_ =	sdelay $0x6  }
0x13a: {  	v1 =	vld [tilespmem:s12+$0x30]  }
0x13b: {  	v2 =	vld [tilespmem:s12+$0x20]  }
0x13c: {  	v3 =	vld [tilespmem:s12+$0x10];
	v4 =	vpop (erf)  }
0x13d: {  	v7 =	vld [tilespmem:s12+$0xFFFFFFF0];
	v6 =	vbroadcast v4, $0x7  }
0x13e: {  	v5 =	vld [tilespmem:s12+$0x0];
	v8 =	vbroadcast v4, $0x6  }
0x13f: {  	v10 =	vld [tilespmem:s12+$0xFFFFFFE0];
	v9 =	vnsel vm0, $0x0, v4;
	v11 =	vbroadcast v4, $0x5;
	v1 =	vmul.f32 v1, v6  }
0x140: {  	v58 =	vld [tilespmem:s12+$0xFFFFFFD0];
	v61 =	vbroadcast v4, $0x3;
	[tilespmem:s12+$0x40] =	vst v9;
	v2 =	vmul.f32 v2, v8  }
0x141: {  	v60 =	vld [tilespmem:s12+$0xFFFFFFC0];
	v59 =	vbroadcast v4, $0x4;
	v3 =	vmul.f32 v3, v11;
	[tilespmem:s12+$0x30] =	vst v1  }
0x142: {  	v62 =	vbroadcast v4, $0x2;
	v7 =	vmul.f32 v7, v61;
	[tilespmem:s12+$0x20] =	vst v2  }
0x143: {  	v1 =	vmul.f32 v5, v59;
	v2 =	vbroadcast v4, $0x1;
	[tilespmem:s12+$0x10] =	vst v3  }
0x144: {  	v63 =	vmul.f32 v62, v10;
	v3 =	vbroadcast v4, $0x0;
	[tilespmem:s12+$0xFFFFFFF0] =	vst v7  }
0x145: {  	[tilespmem:s12+$0x0] =	vst v1;
	v1 =	vmul.f32 v2, v58  }
0x146: {  	[tilespmem:s12+$0xFFFFFFE0] =	vst v63;
	v2 =	vmul.f32 v3, v60  }
0x147: {  	[tilespmem:s13+$0xFFFFFFD0] =	vst v1  }
0x148: {  	[tilespmem:s13+$0xFFFFFFC0] =	vst v2  }
0x149: {  	[spmem:s3] =	stream.indirect.scatter.add.f32 [tilespmem:s21], [sflag:$0x3], $0x90, s31, s25, $0xb8;
	[tilespmem:$0x1DC40] =	vst v63  }
0x14a: {  	_ =	swait.ge [sflag:s1], $0x2D00  }
0x14b: {  	[sflag:s1] =	ssyncset.done $0x0  }
0x14c: {  	[sflag:s1] =	ssyncadd.s32 $0xFFFFD300  }
0x14d: {  	s23 =	stileid.u32;
	_ =	swait.ge [sflag:s10], $0x2D00  }
0x14e: {  	s24 =	sshrl.u32 s8, $0x3;
	s4 =	sadd.s32 $0x1, s4;
	[sflag:s10] =	ssyncset.done $0x0  }
0x14f: {  	p0 =	sne.s32 s4, s20;
	s12 =	sshll.u32 s23, $0x6;
	[sflag:s10] =	ssyncadd.s32 $0xFFFFD300  }
.Ltmp5:
0x150: {  	s12 =	sor.u32 $0x1C05, s12;
	[bflag:$0x0] =	sbarrier.arrive $0xFFFF;
	(pc) =	sbr.rel @p0 .LBB2_1-.Ltmp5, $4  }
0x151: {  	[hbm:s19], [sflag:s12] =	dma.local [spmem:s24], $0x2D00  }
0x152: {  	_ =	swait.ge [sflag:s22], $0x2D00  }
0x153: {  	[sflag:s22] =	ssyncset.done $0x0  }
0x154: {  	[sflag:s22] =	ssyncadd.s32 $0xFFFFD300  }
0x155: {  	_ =	sfence.sel $0x180000  }
0x156: {  	[bflag:$0x0] =	sbarrier.arrive $0xFFFF  }
0x157: {  	_ =	strace $0x9000004A  }
0x158: {  	s0 =	stileid.u32;
	[bflag:$0x2] =	sbarrier.arrive $0xFFFF  }
0x159: {  	p0 =	sne.s32 s0, $0x0;
	s0 =	rddreg [dreg:$0x3]  }
0x15a: {  	s0 =	sadd.s32 @!p0 $0x100000, s0  }
0x15b: {  	[sflag:s0] =	ssyncadd.tile.s32 @!p0 $0x1;
	_ =	shalt  }
.Lfunc_end2:
_tile_overlayer_lowered:
.L_overlay_start_2:
0x15c: {  	(tag) =	ssettag $0x2  }
0x15d: {  	s0 =	rddreg [dreg:$0x0];
	s2 =	stileid.u32  }
0x15e: {  	s1 =	rddreg [dreg:$0x1];
	p0 =	sne.s32 s2, $0x0  }
0x15f: {  	s3 =	rddreg [dreg:$0x2];
	[bflag:$0x3] =	sbarrier.arrive $0xFFFF;
	s2 =	simm.s32 @!p0 $0x1C05  }
0x160: {  	[timem:s3], [sflag:s2] =	dma.local @!p0 [hbm:s0], s1  }
0x161: {  	s0 =	simm.s32 @!p0 $0x5  }
0x162: {  	_ =	swait.ge @!p0 [sflag:s0], s1  }
0x163: {  	s1 =	ssub.s32 @!p0 $0x0, s1;
	[sflag:s0] =	ssyncset.done @!p0 $0x0  }
0x164: {  	[sflag:s0] =	ssyncadd.s32 @!p0 s1  }
0x165: {  	[bflag:$0x3] =	sbarrier.arrive $0xFFFF  }
0x166: {  	_ =	shalt  }

// kernel: kernel.7.cloned.1.call-start
scs
__scs_entry_jumppad:
0x0: {  	(pc) =	sbr.rel $0x88, $3  }
0x1: {  	(tag) =	ssettag $0x0;
	lr =	simm.s32 $0x1  }
0x2: {  	[smem:$0x3F97] =	sst lr;
	_ =	strace $0xD0000000  }
0x3: {  	_ = 	snop  }
0x4: {  	_ = 	snop  }
0x5: {  	_ = 	snop  }
0x6: {  	_ = 	snop  }
0x7: {  	_ = 	snop  }
__scs_overlays_trampoline_lowered:
0x8: {  	[smem:$0x3FA6] =	sst s0  }
0x9: {  	[smem:$0x3FA7] =	sst s1  }
0xa: {  	[smem:$0x3FA8] =	sst s2  }
0xb: {  	[smem:$0x3FA9] =	sst s3  }
0xc: {  	[smem:$0x3FAA] =	sst s4  }
0xd: {  	[smem:$0x3FAB] =	sst s5  }
0xe: {  	[smem:$0x3FAC] =	sst s6  }
0xf: {  	[smem:$0x3FAD] =	sst s7  }
0x10: {  	[smem:$0x3FAE] =	sst s8  }
0x11: {  	[smem:$0x3FAF] =	sst s9;
	s0 =	simm.s32 @!p0 $0x0  }
0x12: {  	s1 =	sld [smem:$0x3F95];
	s0 =	simm.s32 @p0 $0x1  }
0x13: {  	[smem:$0x3FB0] =	sst s0;
	s0 =	simm.s32 @!p1 $0x0  }
0x14: {  	s2 =	sld [smem:$0x3F94];
	s0 =	simm.s32 @p1 $0x1  }
0x15: {  	[smem:$0x3FB1] =	sst s0;
	s0 =	simm.s32 @!p2 $0x0  }
0x16: {  	s3 =	sld [smem:$0x3FDB];
	s0 =	simm.s32 @p2 $0x1  }
0x17: {  	s4 =	simm.s32 $0x1BF5;
	[smem:$0x3FB3] =	sst s0  }
0x18: {  	s0 =	sld [smem:$0x3F96];
	_ =	swait.ge [sflag:s4], $0x0  }
0x19: {  	s7 =	sld [smem:$0x3F97]  }
0x1a: {  	s8 =	sadd.s32 $0xFFFFE003, lr  }
0x1b: {  	s9 =	sadd.s32 $0xFFFFFEF7, lr;
	s5 =	simm.s32 $0xFFFFFFFF;
	p2 =	slt.u32 s8, $0xFFFFF086  }
0x1c: {  	p1 =	slt.u32 s9, $0xF7A;
	s5 =	simm.s32 @!p2 $0x0  }
0x1d: {  	s5 =	simm.s32 @p1 $0x1;
	p0 =	seq.s32 s7, s2  }
0x1e: {  	s7 =	smul.u32 @!p0 $0xF7A, s2;
	p2 =	seq.s32 @!p0 s5, $0x0  }
0x1f: {  	s9 =	smul.u32 $0xF7A, s1;
	s8 =	simm.s32 @!p0 $0x1BF5;
	p2 =	por !p2, p0  }
0x20: {  	[sflag:s8] =	ssyncset.s32 @!p0 $0xFFFFF086;
	s6 =	sadd.s32 @!p0 s3, s7;
	s7 =	simm.s32 @!p0 $0x108  }
0x21: {  	s3 =	sadd.s32 s3, s9;
	s6 =	sadd.s32 @!p0 $0x88, s6;
	s7 =	simm.s32 @p2 $0x1082  }
0x22: {  	[simem:s7], [sflag:s8] =	dma.local @!p0 [hbm:s6], $0xF7A  }
0x23: {  	s9 =	sor.u32 $0xD0000000, s2;
	s6 =	simm.s32 $0x108;
	_ =	swait.ge @!p0 [sflag:s8], $0x0  }
0x24: {  	s3 =	sadd.s32 $0x88, s3;
	s6 =	simm.s32 @!p1 $0x1082;
	[sflag:s4] =	ssyncset.s32 $0xFFFFF086  }
0x25: {  	[simem:s6], [sflag:s4] =	dma.local [hbm:s3], $0xF7A  }
0x26: {  	[smem:$0x3F97] =	sst s1;
	(tag) =	ssettag s2;
	_ =	strace s9  }
0x27: {  	s1 =	sld [smem:$0x3FA7]  }
0x28: {  	s2 =	sld [smem:$0x3FA8]  }
0x29: {  	s4 =	sld [smem:$0x3FAA]  }
0x2a: {  	p0 =	seq.s32 s5, $0x0;
	s5 =	sld [smem:$0x3FAB]  }
0x2b: {  	s6 =	sld [smem:$0x3FAC]  }
0x2c: {  	s7 =	sld [smem:$0x3FAD]  }
0x2d: {  	s3 =	simm.s32 $0x108;
	s8 =	sld [smem:$0x3FAE]  }
0x2e: {  	s3 =	simm.s32 @!p0 $0x1082;
	s9 =	sld [smem:$0x3FAF]  }
0x2f: {  	lr =	sadd.s32 s0, s3;
	s0 =	sld [smem:$0x3FA6]  }
0x30: {  	s3 =	sld [smem:$0x3FA9]  }
0x31: {  	[smem:$0x3FB2] =	sst s10  }
0x32: {  	s10 =	sld [smem:$0x3FB0];
	_ =	sdelay $0x3  }
0x33: {  	p0 =	seq.s32 s10, $0x1;
	s10 =	sld [smem:$0x3FB2];
	_ =	sdelay $0x3  }
0x34: {  	[smem:$0x3FB2] =	sst s10  }
0x35: {  	s10 =	sld [smem:$0x3FB1];
	_ =	sdelay $0x3  }
0x36: {  	p1 =	seq.s32 s10, $0x1;
	s10 =	sld [smem:$0x3FB2];
	_ =	sdelay $0x3  }
0x37: {  	[smem:$0x3FB2] =	sst s10  }
0x38: {  	s10 =	sld [smem:$0x3FB3]  }
0x39: {  	_ = 	snop;
	(pc) =	sbr.ind lr, $3  }
0x3a: {  	_ = 	snop  }
0x3b: {  	_ = 	snop  }
0x3c: {  	p2 =	seq.s32 s10, $0x1;
	s10 =	sld [smem:$0x3FB2]  }
0x3d: {  	_ =	shalt  }
0x3e: {  	_ =	shalt  }
0x3f: {  	_ =	shalt  }
0x40: {  	_ =	shalt  }
0x41: {  	_ =	shalt  }
0x42: {  	_ =	shalt  }
0x43: {  	_ =	shalt  }
0x44: {  	_ =	shalt  }
0x45: {  	_ =	shalt  }
0x46: {  	_ =	shalt  }
0x47: {  	_ =	shalt  }
0x48: {  	_ =	shalt  }
0x49: {  	_ =	shalt  }
0x4a: {  	_ =	shalt  }
0x4b: {  	_ =	shalt  }
0x4c: {  	_ =	shalt  }
0x4d: {  	_ =	shalt  }
0x4e: {  	_ =	shalt  }
0x4f: {  	_ =	shalt  }
0x50: {  	_ =	shalt  }
0x51: {  	_ =	shalt  }
0x52: {  	_ =	shalt  }
0x53: {  	_ =	shalt  }
0x54: {  	_ =	shalt  }
0x55: {  	_ =	shalt  }
0x56: {  	_ =	shalt  }
0x57: {  	_ =	shalt  }
0x58: {  	_ =	shalt  }
0x59: {  	_ =	shalt  }
0x5a: {  	_ =	shalt  }
0x5b: {  	_ =	shalt  }
0x5c: {  	_ =	shalt  }
0x5d: {  	_ =	shalt  }
0x5e: {  	_ =	shalt  }
0x5f: {  	_ =	shalt  }
0x60: {  	_ =	shalt  }
0x61: {  	_ =	shalt  }
0x62: {  	_ =	shalt  }
0x63: {  	_ =	shalt  }
0x64: {  	_ =	shalt  }
0x65: {  	_ =	shalt  }
0x66: {  	_ =	shalt  }
0x67: {  	_ =	shalt  }
0x68: {  	_ =	shalt  }
0x69: {  	_ =	shalt  }
0x6a: {  	_ =	shalt  }
0x6b: {  	_ =	shalt  }
0x6c: {  	_ =	shalt  }
0x6d: {  	_ =	shalt  }
0x6e: {  	_ =	shalt  }
0x6f: {  	_ =	shalt  }
0x70: {  	_ =	shalt  }
0x71: {  	_ =	shalt  }
0x72: {  	_ =	shalt  }
0x73: {  	_ =	shalt  }
0x74: {  	_ =	shalt  }
0x75: {  	_ =	shalt  }
0x76: {  	_ =	shalt  }
0x77: {  	_ =	shalt  }
0x78: {  	_ =	shalt  }
0x79: {  	_ =	shalt  }
0x7a: {  	_ =	shalt  }
0x7b: {  	_ =	shalt  }
0x7c: {  	_ =	shalt  }
0x7d: {  	_ =	shalt  }
0x7e: {  	_ =	shalt  }
0x7f: {  	_ =	shalt  }
0x80: {  	_ =	shalt  }
0x81: {  	_ =	shalt  }
0x82: {  	_ =	shalt  }
0x83: {  	_ =	shalt  }
0x84: {  	_ =	shalt  }
0x85: {  	_ =	shalt  }
0x86: {  	_ =	shalt  }
0x87: {  	_ =	shalt  }
.Lfunc_end0:
.L_simem_size_0:
called_computation_lowered:
.L_overlay_start_0:
0x88: {  	s2 =	sld [smem:$0x3FD9]  }
0x89: {  	s3 =	sld [smem:$0x3FFE];
	_ =	sdelay $0x1  }
0x8a: {  	s1 =	srdreg.scid  }
0x8b: {  	s0 =	sand.u32 $0x1, s1  }
0x8c: {  	s17 =	sshll.u32 s0, $0xA;
	s2 =	sadd.s32 s3, s2  }
0x8d: {  	s2 =	sadd.s32 s2, s17  }
0x8e: {  	[smem:$0x3FBE] =	sst s2  }
0x8f: {  	_ = 	snop  }
0x90: {  	s2 =	sld [smem:$0x3FD0];
	(tm) =	ssettm $0x1  }
0x91: {  	s18 =	sld [smem:$0x3FFB];
	_ =	sdelay $0x3  }
0x92: {  	_ =	strace s18  }
0x93: {  	s3 =	sld [smem:$0x3FFC];
	_ =	sdelay $0x3  }
0x94: {  	_ =	strace s3  }
0x95: {  	s3 =	sld [smem:$0x3FFD];
	_ =	sdelay $0x3  }
0x96: {  	_ =	strace s3  }
0x97: {  	_ =	strace $0x8FFFFFFF  }
0x98: {  	s19 =	sld [smem:$0x3FDB];
	_ =	sdelay $0x1  }
0x99: {  	s4 =	simm.s32 $_scs_section_size  }
0x9a: {  	s5 =	simm.s32 $_size__tile_overlayer_lowered;
	s6 =	simm.s32 $_tile_overlayer_lowered  }
0x9b: {  	s22 =	simm.s32 $0x1BFF;
	s21 =	sshll.u32 s6, $0x1;
	s3 =	sadd.s32 s4, s19  }
0x9c: {  	s7 =	simm.s32 $0x0;
	s20 =	sshll.u32 s5, $0x1;
	s5 =	sadd.s32 s21, s3  }
0x9d: {  	[timem:s7], [sflag:s22] =	dma.local [hbm:s5], s20  }
0x9e: {  	_ =	swait.ge [sflag:s22], s20  }
0x9f: {  	s4 =	ssub.s32 $0x0, s20;
	[sflag:s22] =	ssyncset.done $0x0  }
0xa0: {  	[sflag:s22] =	ssyncadd.s32 s4;
	_ =	sdelay $0x1  }
0xa1: {  	s23 =	simm.s32 $0x1B8B  }
0xa2: {  	_ =	swait.ge [sflag:s23], $0x1  }
0xa3: {  	[sflag:s23] =	ssyncset.done $0x0  }
0xa4: {  	s25 =	simm.s32 $0x1B8E;
	s24 =	sld [smem:$0x3FFE];
	[sflag:s23] =	ssyncadd.s32 $0xFFFFFFFF  }
0xa5: {  	s26 =	simm.s32 $execute0_lowered;
	[smem:$0x3FD2] =	sst s25  }
0xa6: {  	s5 =	sshll.u32 s26, $0x1;
	_ =	strace $0x80000046;
	[dreg:$0x1] =	wrdreg $0xFFFFFFFF  }
0xa7: {  	s28 =	simm.s32 $_size_execute0_lowered;
	s3 =	sadd.s32 s3, s5;
	[dreg:$0x0] =	wrdreg $0x0  }
0xa8: {  	s5 =	sshll.u32 s28, $0x1;
	[dreg:$0x2] =	wrdreg s3  }
0xa9: {  	[dreg:$0x3] =	wrdreg s5  }
0xaa: {  	[dreg:$0x4] =	wrdreg $0xC0  }
0xab: {  	_ =	task [dreg:s7], $0x5FFFF  }
0xac: {  	[dreg:$0x1] =	wrdreg $0xFFFFFFFF  }
0xad: {  	[dreg:$0x0] =	wrdreg $0x60  }
0xae: {  	[dreg:$0x2] =	wrdreg s24  }
0xaf: {  	[dreg:$0x3] =	wrdreg s2  }
0xb0: {  	[dreg:$0x4] =	wrdreg $0x0  }
0xb1: {  	[dreg:$0x5] =	wrdreg $0x9  }
0xb2: {  	_ =	task.clear_ibuf [dreg:s7], $0x6FFFF;
	_ =	strace $0x90000046  }
0xb3: {  	s29 =	simm.s32 $0x9;
	_ =	strace $0x80000048  }
0xb4: {  	_ =	swait.ge [sflag:s29], $0x1  }
0xb5: {  	[sflag:s29] =	ssyncadd.s32 $0xFFFFFFFF  }
0xb6: {  	_ =	strace $0x90000048  }
0xb7: {  	_ =	sfence  }
0xb8: {  	s30 =	sld [smem:$0x0];
	_ =	sdelay $0x2  }
0xb9: {  	s31 =	sshll.u32 s1, $0xD;
	s1 =	sshrl.u32 s1, $0x2  }
0xba: {  	s3 =	sand.u32 $0x4000, s31;
	s1 =	sadd.s32 s1, s30  }
0xbb: {  	s0 =	sor.u32 s3, s0;
	s1 =	sshll.u32 s1, $0x11  }
0xbc: {  	s0 =	sor.u32 s1, s0  }
0xbd: {  	s0 =	sadd.s32 $0x8F2B, s0  }
0xbe: {  	[sflag:s0] =	ssyncadd.remote.s32 $0x1  }
0xbf: {  	_ =	sfence.sel $0xFFFF  }
0xc0: {  	[dreg:$0x0] =	wrdreg $0xFFFFFFFF;
	(pc) =	sbr.abs _section_cstart, $3  }
0xc1: {  	[dreg:$0x1] =	wrdreg $0xFFFFFFFF  }
0xc2: {  	_ =	task.clear_ibuf [dreg:s7], $0x2FFFF;
	_ =	strace $0x9FFFFFFF  }
0xc3: {  	(tm) =	ssettm $0x7FFFFFFF  }
tec
execute0_lowered:
.L_overlay_start_1:
0x0: {  	(tag) =	ssettag $0x1  }
0x1: {  	s0 =	rddreg [dreg:$0x0]  }
0x2: {  	s2 =	rddreg [dreg:$0x1]  }
0x3: {  	s3 =	rddreg [dreg:$0x2];
	s1 =	srdreg.scid  }
0x4: {  	s12 =	stileid.u32;
	s4 =	simm.s32 $0x0;
	s28 =	simm.s32 $0x1  }
0x5: {  	s29 =	simm.s32 $0x17CA0;
	s30 =	simm.s32 $0x1AEA0;
	s8 =	smul.u32 $0x16800, s12  }
0x6: {  	s31 =	simm.s32 $0x1DBA0;
	s1 =	sand.u32 $0x1, s1;
	s11 =	smul.u32 $0x5A000, s12  }
0x7: {  	[smem:$0x7FF] =	sst s4;
	s5 =	sadd.s32 $0x1200, s0;
	s6 =	sadd.s32 $0xB000, s0  }
0x8: {  	s18 =	sshll.u32 s12, $0x1;
	s7 =	smul.u32 $0x168000, s1;
	s11 =	sshrl.u32 s11, $0x2  }
0x9: {  	_ =	strace $0x80000047;
	s10 =	ssub.s32 $0x2, s1;
	s19 =	sadd.s32 s11, s3  }
0xa: {  	s1 =	sor.u32 s1, s18;
	s17 =	sshrl.u32 s10, $0x1;
	s11 =	sadd.s32 $0x2D00, s19  }
0xb: {  	s7 =	sadd.s32 s8, s7;
	s20 =	sadd.s32 $0x5A00, s19;
	[dreg:$0x4] =	wrdreg s11  }
0xc: {  	s8 =	sadd.s32 s8, s3;
	s21 =	sadd.s32 $0x8700, s19;
	[dreg:$0x5] =	wrdreg s20  }
0xd: {  	s9 =	sshrl.u32 s7, $0x3;
	s22 =	sadd.s32 $0xB400, s19;
	[dreg:$0x6] =	wrdreg s21  }
0xe: {  	s7 =	sadd.s32 $0x10000, s0;
	s23 =	sadd.s32 $0xE100, s19;
	[dreg:$0x7] =	wrdreg s22  }
0xf: {  	s24 =	sadd.s32 $0x10E00, s19;
	s25 =	sadd.s32 $0x13B00, s19;
	[dreg:$0x8] =	wrdreg s23  }
0x10: {  	s0 =	sadd.s32 s9, s0;
	s9 =	ssub.s32 s10, s17;
	[dreg:$0x9] =	wrdreg s24  }
0x11: {  	s11 =	smul.u32 $0x2710, s1;
	[dreg:$0xa] =	wrdreg s25;
	s21 =	simm.s32 $0x181A0  }
0x12: {  	s22 =	simm.s32 $0x5;
	s25 =	simm.s32 $0x50;
	s1 =	simm.s32 $0x3  }
0x13: {  	s10 =	simm.s32 $0x4;
	s19 =	sadd.s32 $0x3D000, s0;
	s20 =	smax.u32 s9, $0x1  }
0x14: {  	s0 =	simm.s32 $0x2;
	s9 =	simm.s32 $0x1DBF0;
	s26 =	sshrl.u32 s11, $0x3  }
0x15: {  	v0 =	vimm.f32 $0.0e+00;
	vm0 =	vmmov $0xff;
	s17 =	sadd.s32 s5, s26;
	s18 =	sadd.s32 s2, s26;
	s26 =	simm.s32 $0x177A0  }
.LBB2_1:
0x16: {  	s12 =	simm.s32 $0x0;
	s13 =	simm.s32 $0x240  }
.LBB2_2:
0x17: {  	p0 =	sne.s32 s13, $0xB1C0;
	[tilespmem:s12+$0x18220] =	vst v0  }
0x18: {  	[tilespmem:s12+$0x181A0] =	vst v0  }
0x19: {  	[tilespmem:s12+$0x181B0] =	vst v0  }
0x1a: {  	[tilespmem:s12+$0x181C0] =	vst v0  }
.Ltmp0:
0x1b: {  	[tilespmem:s12+$0x181D0] =	vst v0;
	(pc) =	sbr.rel @p0 .LBB2_2-.Ltmp0, $4  }
0x1c: {  	[tilespmem:s12+$0x181E0] =	vst v0  }
0x1d: {  	[tilespmem:s12+$0x181F0] =	vst v0  }
0x1e: {  	[tilespmem:s12+$0x18200] =	vst v0  }
0x1f: {  	[tilespmem:s12+$0x18210] =	vst v0;
	s12 =	sshra.s32 s13, $0x2;
	s13 =	sadd.s32 $0x240, s13  }
0x20: {  	[tilespmem:s12+$0x18220] =	vst v0  }
0x21: {  	[tilespmem:s12+$0x181A0] =	vst v0  }
0x22: {  	[tilespmem:s12+$0x181B0] =	vst v0  }
0x23: {  	[tilespmem:s12+$0x181C0] =	vst v0  }
0x24: {  	[tilespmem:s12+$0x181D0] =	vst v0  }
0x25: {  	[tilespmem:s12+$0x181E0] =	vst v0  }
0x26: {  	[tilespmem:s12+$0x181F0] =	vst v0  }
0x27: {  	[tilespmem:s12+$0x18200] =	vst v0  }
0x28: {  	[tilespmem:s12+$0x18210] =	vst v0  }
0x29: {  	[spmem:s8] =	stream.linear.scatter [tilespmem:s21], [sflag:$0x5], $0x2D00, $0x38;
	[tilespmem:$0x1DC40] =	vst v63  }
0x2a: {  	_ =	swait.ge [sflag:s22], $0x2D00  }
0x2b: {  	[sflag:s22] =	ssyncset.done $0x0  }
0x2c: {  	s24 =	rddreg [dreg:$0x4];
	[sflag:s22] =	ssyncadd.s32 $0xFFFFD300  }
0x2d: {  	[spmem:s24] =	stream.linear.scatter [tilespmem:s21], [sflag:$0x5], $0x2D00, $0x38;
	[tilespmem:$0x1DC40] =	vst v63  }
0x2e: {  	_ =	swait.ge [sflag:s22], $0x2D00  }
0x2f: {  	[sflag:s22] =	ssyncset.done $0x0  }
0x30: {  	s13 =	rddreg [dreg:$0x5];
	[sflag:s22] =	ssyncadd.s32 $0xFFFFD300  }
0x31: {  	[spmem:s13] =	stream.linear.scatter [tilespmem:s21], [sflag:$0x5], $0x2D00, $0x38;
	[tilespmem:$0x1DC40] =	vst v63  }
0x32: {  	_ =	swait.ge [sflag:s22], $0x2D00  }
0x33: {  	[sflag:s22] =	ssyncset.done $0x0  }
0x34: {  	s14 =	rddreg [dreg:$0x6];
	[sflag:s22] =	ssyncadd.s32 $0xFFFFD300  }
0x35: {  	[spmem:s14] =	stream.linear.scatter [tilespmem:s21], [sflag:$0x5], $0x2D00, $0x38;
	[tilespmem:$0x1DC40] =	vst v63  }
0x36: {  	_ =	swait.ge [sflag:s22], $0x2D00  }
0x37: {  	[sflag:s22] =	ssyncset.done $0x0  }
0x38: {  	s15 =	rddreg [dreg:$0x7];
	[sflag:s22] =	ssyncadd.s32 $0xFFFFD300  }
0x39: {  	[spmem:s15] =	stream.linear.scatter [tilespmem:s21], [sflag:$0x5], $0x2D00, $0x38;
	[tilespmem:$0x1DC40] =	vst v63  }
0x3a: {  	_ =	swait.ge [sflag:s22], $0x2D00  }
0x3b: {  	[sflag:s22] =	ssyncset.done $0x0  }
0x3c: {  	s16 =	rddreg [dreg:$0x8];
	[sflag:s22] =	ssyncadd.s32 $0xFFFFD300  }
0x3d: {  	[spmem:s16] =	stream.linear.scatter [tilespmem:s21], [sflag:$0x5], $0x2D00, $0x38;
	[tilespmem:$0x1DC40] =	vst v63  }
0x3e: {  	_ =	swait.ge [sflag:s22], $0x2D00  }
0x3f: {  	[sflag:s22] =	ssyncset.done $0x0  }
0x40: {  	s23 =	rddreg [dreg:$0x9];
	[sflag:s22] =	ssyncadd.s32 $0xFFFFD300  }
0x41: {  	[spmem:s23] =	stream.linear.scatter [tilespmem:s21], [sflag:$0x5], $0x2D00, $0x38;
	[tilespmem:$0x1DC40] =	vst v63  }
0x42: {  	_ =	swait.ge [sflag:s22], $0x2D00  }
0x43: {  	[sflag:s22] =	ssyncset.done $0x0  }
0x44: {  	s24 =	rddreg [dreg:$0xa];
	[sflag:s22] =	ssyncadd.s32 $0xFFFFD300  }
0x45: {  	[spmem:s24] =	stream.linear.scatter [tilespmem:s21], [sflag:$0x5], $0x2D00, $0x38;
	[tilespmem:$0x1DC40] =	vst v63  }
0x46: {  	_ =	swait.ge [sflag:s22], $0x2D00  }
0x47: {  	[sflag:s22] =	ssyncset.done $0x0  }
0x48: {  	[sflag:s22] =	ssyncadd.s32 $0xFFFFD300  }
0x49: {  	s12 =	simm.s32 $0x0;
	s13 =	simm.s32 $0x16800;
	[bflag:$0x0] =	sbarrier.arrive $0xFFFF  }
0x4a: {  	[tilespmem:s13], [sflag:$0x5] =	stream.linear.gather [hbm4b:s17+s12], $0x7D0, $0x38;
	[tilespmem:$0x1DC40] =	vst v63  }
0x4b: {  	_ =	swait.ge [sflag:s22], $0x7D0  }
0x4c: {  	[sflag:s22] =	ssyncset.done $0x0  }
0x4d: {  	s14 =	simm.s32 $0x16FD0;
	[sflag:s22] =	ssyncadd.s32 $0xFFFFF830  }
0x4e: {  	[tilespmem:s14], [sflag:$0x5] =	stream.linear.gather [hbm4b:s18+s12], $0x7D0, $0x38;
	[tilespmem:$0x1DC40] =	vst v63  }
0x4f: {  	_ =	swait.ge [sflag:s22], $0x7D0  }
0x50: {  	[sflag:s22] =	ssyncset.done $0x0  }
0x51: {  	[sflag:s22] =	ssyncadd.s32 $0xFFFFF830  }
0x52: {  	[tilespmem:s26], [sflag:$0x1] =	stream.indirect.gather [hbm4b:s6+s25], $0x10, s14, s25, $0xb8;
	[tilespmem:$0x1DC40] =	vst v63  }
0x53: {  	_ = 	snop  }
0x54: {  	[tilespmem:s21], [sflag:$0x1] =	stream.indirect.gather [hbm4b:s7+s25], $0x90, s13, s25, $0xb8;
	[tilespmem:$0x1DC40] =	vst v63  }
.LBB2_4:
0x55: {  	s13 =	smul.u32 $0x52, s12;
	_ =	sdelay $0x1  }
0x56: {  	s13 =	sshrl.u32 s13, $0xA  }
0x57: {  	s13 =	sand.u32 $0x3F, s13  }
0x58: {  	s14 =	smul.u32 $0x19, s13  }
0x59: {  	_ =	swait.ge [sflag:s28], $0x500;
	s13 =	sshll.u32 s12, $0x1  }
0x5a: {  	[sflag:s28] =	ssyncset.done $0x0;
	s14 =	ssub.s32 s13, s14  }
0x5b: {  	[sflag:s28] =	ssyncadd.s32 $0xFFFFFB00;
	s14 =	sand.u32 $0xFF, s14  }
0x5c: {  	_ =	swait.ge [sflag:s28], $0x2D00;
	s14 =	smul.u32 $0x140, s14  }
0x5d: {  	[sflag:s28] =	ssyncset.done $0x0  }
0x5e: {  	[sflag:s28] =	ssyncadd.s32 $0xFFFFD300;
	s14 =	sshrl.u32 s14, $0x2  }
0x5f: {  	v1 =	vld [tilespmem:s14+$0x16FD0];
	_ =	sdelay $0x4  }
0x60: {  	[tilespmem:$0x1DBA0] =	vst v1  }
0x61: {  	v1 =	vld [tilespmem:s14+$0x16FE0];
	_ =	sdelay $0x4  }
0x62: {  	s15 =	sshllo.u32 s12, $0x1;
	[tilespmem:$0x1DBB0] =	vst v1  }
0x63: {  	s16 =	sand.u32 $0xFF, s15;
	v1 =	vld [tilespmem:s14+$0x16FF0]  }
0x64: {  	s16 =	smul.u32 $0x29, s16;
	_ =	sdelay $0x1  }
0x65: {  	s16 =	sshrl.u32 s16, $0xA  }
0x66: {  	s16 =	smul.u32 $0x19, s16  }
0x67: {  	s23 =	sor.u32 $0x17000, s14;
	[tilespmem:$0x1DBC0] =	vst v1  }
0x68: {  	s16 =	ssub.s32 s15, s16;
	v1 =	vld [tilespmem:s23+$0x0]  }
0x69: {  	s16 =	sand.u32 $0xFF, s16  }
0x6a: {  	p0 =	sne.s32 s16, $0x0  }
0x6b: {  	s15 =	sand.u32 @!p0 $0xFF, s15  }
0x6c: {  	s15 =	smul.u32 @!p0 $0x29, s15  }
0x6d: {  	[tilespmem:$0x1DBD0] =	vst v1  }
0x6e: {  	v1 =	vld [tilespmem:s14+$0x17010];
	s14 =	sshrl.u32 @!p0 s15, $0xA  }
0x6f: {  	s14 =	smul.u32 @!p0 $0x7D0, s14;
	_ =	sdelay $0x1  }
0x70: {  	s14 =	sadd.s32 @!p0 s11, s14  }
0x71: {  	s14 =	sshrl.u32 @!p0 s14, $0x3  }
0x72: {  	s24 =	simm.s32 @!p0 $0x16800;
	s23 =	simm.s32 @!p0 $0x0;
	[tilespmem:$0x1DBE0] =	vst v1;
	s15 =	sadd.s32 @!p0 s5, s14  }
0x73: {  	[tilespmem:s24], [sflag:$0x5] =	stream.linear.gather @!p0 [hbm4b:s15+s23], $0x7D0, $0x38;
	[tilespmem:$0x1DC40] =	vst v63  }
0x74: {  	s15 =	simm.s32 @!p0 $0x5  }
0x75: {  	_ =	swait.ge @!p0 [sflag:s15], $0x7D0  }
0x76: {  	[sflag:s15] =	ssyncset.done @!p0 $0x0  }
0x77: {  	s14 =	sadd.s32 @!p0 s2, s14;
	s24 =	simm.s32 @!p0 $0x16FD0;
	[sflag:s15] =	ssyncadd.s32 @!p0 $0xFFFFF830  }
0x78: {  	[tilespmem:s24], [sflag:$0x5] =	stream.linear.gather @!p0 [hbm4b:s14+s23], $0x7D0, $0x38;
	[tilespmem:$0x1DC40] =	vst v63  }
0x79: {  	_ =	swait.ge @!p0 [sflag:s15], $0x7D0  }
0x7a: {  	p1 =	seq.s32 s12, $0x0;
	[sflag:s15] =	ssyncset.done @!p0 $0x0  }
0x7b: {  	s14 =	simm.s32 @!p1 $0x4;
	[sflag:s15] =	ssyncadd.s32 @!p0 $0xFFFFF830  }
0x7c: {  	s23 =	smul.u32 $0x50, s16;
	_ =	swait.ge @!p1 [sflag:s14], $0x2D00  }
0x7d: {  	[sflag:s14] =	ssyncset.done @!p1 $0x0  }
0x7e: {  	s16 =	sadd.s32 $0x16FD0, s23;
	[sflag:s14] =	ssyncadd.s32 @!p1 $0xFFFFD300  }
0x7f: {  	[tilespmem:s29], [sflag:$0x2] =	stream.indirect.gather [hbm4b:s6+s25], $0x10, s16, s25, $0xb8;
	[tilespmem:$0x1DC40] =	vst v63  }
0x80: {  	s24 =	sadd.s32 $0x16800, s23;
	s14 =	simm.s32 $0x181E0  }
0x81: {  	[tilespmem:s30], [sflag:$0x2] =	stream.indirect.gather [hbm4b:s7+s25], $0x90, s24, s25, $0xb8;
	[tilespmem:$0x1DC40] =	vst v63  }
0x82: {  	s15 =	simm.s32 $0x40;
	s16 =	simm.s32 $0x0;
	s24 =	simm.s32 $0x181E0;
	v1 =	vld [tilespmem:s14+$0x40]  }
.LBB2_5:
0x83: {  	p0 =	sne.s32 s15, $0x13C0;
	v2 =	vld [tilespmem:s16+$0x177A0];
	_ =	sdelay $0x4  }
0x84: {  	v1 =	vadd.f32 v2, v1;
	_ =	sdelay $0x1  }
0x85: {  	v2 =	vmul.f32 $2.000000030e-01, v1  }
0x86: {  	vm1 =	vge.f32 v1, $0.0e+00  }
0x87: {  	v1 =	vsel vm1, v1, v2  }
0x88: {  	v1 =	vmul.f32 $1.442695020e+00, v1;
	_ =	sdelay $0x1  }
0x89: {  	(erf) = vpow2.f32 v1;
	_ =	sdelay $0x4  }
0x8a: {  	v1 =	vld [tilespmem:s14+$0x30]  }
0x8b: {  	v2 =	vld [tilespmem:s14+$0x20]  }
0x8c: {  	v3 =	vld [tilespmem:s14+$0x10]  }
0x8d: {  	v4 =	vld [tilespmem:s14+$0x0]  }
0x8e: {  	v5 =	vld [tilespmem:s14+$0xFFFFFFF0];
	v6 =	vpop (erf)  }
0x8f: {  	v7 =	vnsel vm0, $0x0, v6;
	v8 =	vld [tilespmem:s14+$0xFFFFFFE0];
	v9 =	vbroadcast v6, $0x6;
	v10 =	vbroadcast v6, $0x7  }
0x90: {  	v11 =	vbroadcast v6, $0x4;
	v12 =	vbroadcast v6, $0x5;
	[tilespmem:s14+$0x40] =	vst v7;
	v7 =	vld [tilespmem:s14+$0xFFFFFFD0]  }
0x91: {  	v13 =	vld [tilespmem:s14+$0xFFFFFFC0];
	v2 =	vmul.f32 v2, v9;
	v1 =	vmul.f32 v1, v10  }
0x92: {  	v3 =	vmul.f32 v3, v12;
	v4 =	vmul.f32 v4, v11  }
0x93: {  	v9 =	vbroadcast v6, $0x2;
	v10 =	vbroadcast v6, $0x3;
	[tilespmem:s14+$0x30] =	vst v1  }
0x94: {  	v1 =	vbroadcast v6, $0x0;
	v6 =	vbroadcast v6, $0x1;
	[tilespmem:s14+$0x20] =	vst v2  }
0x95: {  	v5 =	vmul.f32 v5, v10;
	v2 =	vmul.f32 v9, v8;
	[tilespmem:s14+$0x10] =	vst v3  }
.Ltmp1:
0x96: {  	v3 =	vmul.f32 v1, v13;
	v1 =	vmul.f32 v6, v7;
	[tilespmem:s14+$0x0] =	vst v4;
	(pc) =	sbr.rel @p0 .LBB2_5-.Ltmp1, $4  }
0x97: {  	[tilespmem:s14+$0xFFFFFFF0] =	vst v5  }
0x98: {  	[tilespmem:s14+$0xFFFFFFE0] =	vst v2  }
0x99: {  	s14 =	sadd.s32 $0x90, s14;
	[tilespmem:s24+$0xFFFFFFD0] =	vst v1  }
0x9a: {  	s16 =	sshra.s32 s15, $0x2;
	s15 =	sadd.s32 $0x40, s15;
	v1 =	vld [tilespmem:s14+$0x40];
	[tilespmem:s24+$0xFFFFFFC0] =	vst v3;
	s24 =	smov.u32 s14  }
0x9b: {  	v2 =	vld [tilespmem:s16+$0x177A0];
	_ =	sdelay $0x4  }
0x9c: {  	v1 =	vadd.f32 v2, v1;
	_ =	sdelay $0x1  }
0x9d: {  	v2 =	vmul.f32 $2.000000030e-01, v1  }
0x9e: {  	vm1 =	vge.f32 v1, $0.0e+00  }
0x9f: {  	v1 =	vsel vm1, v1, v2  }
0xa0: {  	v1 =	vmul.f32 $1.442695020e+00, v1;
	_ =	sdelay $0x1  }
0xa1: {  	(erf) = vpow2.f32 v1;
	_ =	sdelay $0x6  }
0xa2: {  	v1 =	vld [tilespmem:s14+$0x30]  }
0xa3: {  	v2 =	vld [tilespmem:s14+$0x20]  }
0xa4: {  	v3 =	vld [tilespmem:s14+$0x10];
	v4 =	vpop (erf)  }
0xa5: {  	v7 =	vld [tilespmem:s14+$0xFFFFFFF0];
	v6 =	vbroadcast v4, $0x7  }
0xa6: {  	v5 =	vld [tilespmem:s14+$0x0];
	v8 =	vbroadcast v4, $0x6  }
0xa7: {  	v10 =	vld [tilespmem:s14+$0xFFFFFFE0];
	v9 =	vnsel vm0, $0x0, v4;
	v11 =	vbroadcast v4, $0x5;
	v1 =	vmul.f32 v1, v6  }
0xa8: {  	v58 =	vld [tilespmem:s14+$0xFFFFFFD0];
	v61 =	vbroadcast v4, $0x3;
	[tilespmem:s14+$0x40] =	vst v9;
	v2 =	vmul.f32 v2, v8  }
0xa9: {  	v60 =	vld [tilespmem:s14+$0xFFFFFFC0];
	v59 =	vbroadcast v4, $0x4;
	v3 =	vmul.f32 v3, v11;
	[tilespmem:s14+$0x30] =	vst v1  }
0xaa: {  	v62 =	vbroadcast v4, $0x2;
	v7 =	vmul.f32 v7, v61;
	[tilespmem:s14+$0x20] =	vst v2  }
0xab: {  	v1 =	vmul.f32 v5, v59;
	v2 =	vbroadcast v4, $0x1;
	[tilespmem:s14+$0x10] =	vst v3  }
0xac: {  	v63 =	vmul.f32 v62, v10;
	v3 =	vbroadcast v4, $0x0;
	[tilespmem:s14+$0xFFFFFFF0] =	vst v7  }
0xad: {  	[tilespmem:s14+$0x0] =	vst v1;
	v1 =	vmul.f32 v2, v58  }
0xae: {  	[tilespmem:s14+$0xFFFFFFE0] =	vst v63;
	v2 =	vmul.f32 v3, v60  }
0xaf: {  	[tilespmem:s24+$0xFFFFFFD0] =	vst v1  }
0xb0: {  	[tilespmem:s24+$0xFFFFFFC0] =	vst v2  }
0xb1: {  	[spmem:s3] =	stream.indirect.scatter.add.f32 [tilespmem:s21], [sflag:$0x3], $0x90, s31, s25, $0xb8;
	[tilespmem:$0x1DC40] =	vst v63  }
0xb2: {  	_ =	swait.ge [sflag:s0], $0x500  }
0xb3: {  	[sflag:s0] =	ssyncset.done $0x0  }
0xb4: {  	[sflag:s0] =	ssyncadd.s32 $0xFFFFFB00  }
0xb5: {  	_ =	swait.ge [sflag:s0], $0x2D00  }
0xb6: {  	[sflag:s0] =	ssyncset.done $0x0  }
0xb7: {  	[sflag:s0] =	ssyncadd.s32 $0xFFFFD300  }
0xb8: {  	v1 =	vld [tilespmem:s23+$0x16FD0];
	_ =	sdelay $0x4  }
0xb9: {  	[tilespmem:$0x1DBF0] =	vst v1  }
0xba: {  	v1 =	vld [tilespmem:s23+$0x16FE0];
	_ =	sdelay $0x4  }
0xbb: {  	[tilespmem:$0x1DC00] =	vst v1  }
0xbc: {  	v1 =	vld [tilespmem:s23+$0x16FF0];
	_ =	sdelay $0x1  }
0xbd: {  	s13 =	sadd.s32 $0x2, s13  }
0xbe: {  	s16 =	smulhi.u32 $0x51EB851F, s13;
	_ =	sdelay $0x1  }
0xbf: {  	s14 =	sshrl.u32 s16, $0x3;
	[tilespmem:$0x1DC10] =	vst v1  }
0xc0: {  	s14 =	smul.u32 $0x19, s14;
	v1 =	vld [tilespmem:s23+$0x17000];
	_ =	sdelay $0x1  }
0xc1: {  	s14 =	ssub.s32 s13, s14  }
0xc2: {  	p0 =	sne.s32 s14, $0x0  }
0xc3: {  	s13 =	smulhi.u32 @!p0 $0x51EB851F, s13  }
0xc4: {  	[tilespmem:$0x1DC20] =	vst v1  }
0xc5: {  	s13 =	sshrl.u32 @!p0 s13, $0x3;
	v1 =	vld [tilespmem:s23+$0x17010]  }
0xc6: {  	s13 =	smul.u32 @!p0 $0x7D0, s13;
	_ =	sdelay $0x1  }
0xc7: {  	s13 =	sadd.s32 @!p0 s11, s13  }
0xc8: {  	s13 =	sshrl.u32 @!p0 s13, $0x3  }
0xc9: {  	s16 =	simm.s32 @!p0 $0x0;
	s15 =	sadd.s32 @!p0 s5, s13;
	s23 =	simm.s32 @!p0 $0x16800;
	[tilespmem:$0x1DC30] =	vst v1  }
0xca: {  	[tilespmem:s23], [sflag:$0x5] =	stream.linear.gather @!p0 [hbm4b:s15+s16], $0x7D0, $0x38;
	[tilespmem:$0x1DC40] =	vst v63  }
0xcb: {  	s15 =	simm.s32 @!p0 $0x5  }
0xcc: {  	_ =	swait.ge @!p0 [sflag:s15], $0x7D0  }
0xcd: {  	[sflag:s15] =	ssyncset.done @!p0 $0x0  }
0xce: {  	s13 =	sadd.s32 @!p0 s2, s13;
	s23 =	simm.s32 @!p0 $0x16FD0;
	[sflag:s15] =	ssyncadd.s32 @!p0 $0xFFFFF830  }
0xcf: {  	[tilespmem:s23], [sflag:$0x5] =	stream.linear.gather @!p0 [hbm4b:s13+s16], $0x7D0, $0x38;
	[tilespmem:$0x1DC40] =	vst v63  }
0xd0: {  	_ =	swait.ge @!p0 [sflag:s15], $0x7D0  }
0xd1: {  	[sflag:s15] =	ssyncset.done @!p0 $0x0  }
0xd2: {  	[sflag:s15] =	ssyncadd.s32 @!p0 $0xFFFFF830  }
0xd3: {  	s24 =	smul.u32 $0x50, s14;
	_ =	swait.ge [sflag:s1], $0x2D00  }
0xd4: {  	[sflag:s1] =	ssyncset.done $0x0  }
0xd5: {  	s14 =	sadd.s32 $0x16FD0, s24;
	[sflag:s1] =	ssyncadd.s32 $0xFFFFD300  }
0xd6: {  	[tilespmem:s26], [sflag:$0x1] =	stream.indirect.gather [hbm4b:s6+s25], $0x10, s14, s25, $0xb8;
	[tilespmem:$0x1DC40] =	vst v63  }
0xd7: {  	s13 =	sadd.s32 $0x16800, s24  }
0xd8: {  	[tilespmem:s21], [sflag:$0x1] =	stream.indirect.gather [hbm4b:s7+s25], $0x90, s13, s25, $0xb8;
	[tilespmem:$0x1DC40] =	vst v63  }
0xd9: {  	s13 =	simm.s32 $0x1AEE0  }
0xda: {  	s16 =	simm.s32 $0x0;
	s15 =	simm.s32 $0x40;
	s14 =	simm.s32 $0x1AEE0;
	v1 =	vld [tilespmem:s13+$0x40]  }
.LBB2_7:
0xdb: {  	p0 =	sne.s32 s15, $0x13C0;
	v2 =	vld [tilespmem:s16+$0x17CA0];
	_ =	sdelay $0x4  }
0xdc: {  	v1 =	vadd.f32 v2, v1;
	_ =	sdelay $0x1  }
0xdd: {  	v2 =	vmul.f32 $2.000000030e-01, v1  }
0xde: {  	vm1 =	vge.f32 v1, $0.0e+00  }
0xdf: {  	v1 =	vsel vm1, v1, v2  }
0xe0: {  	v1 =	vmul.f32 $1.442695020e+00, v1;
	_ =	sdelay $0x1  }
0xe1: {  	(erf) = vpow2.f32 v1;
	_ =	sdelay $0x4  }
0xe2: {  	v1 =	vld [tilespmem:s13+$0x30]  }
0xe3: {  	v2 =	vld [tilespmem:s13+$0x20]  }
0xe4: {  	v3 =	vld [tilespmem:s13+$0x10]  }
0xe5: {  	v4 =	vld [tilespmem:s13+$0x0]  }
0xe6: {  	v5 =	vld [tilespmem:s13+$0xFFFFFFF0];
	v6 =	vpop (erf)  }
0xe7: {  	v7 =	vnsel vm0, $0x0, v6;
	v8 =	vld [tilespmem:s13+$0xFFFFFFE0];
	v9 =	vbroadcast v6, $0x6;
	v10 =	vbroadcast v6, $0x7  }
0xe8: {  	v11 =	vbroadcast v6, $0x4;
	v12 =	vbroadcast v6, $0x5;
	[tilespmem:s13+$0x40] =	vst v7;
	v7 =	vld [tilespmem:s13+$0xFFFFFFD0]  }
0xe9: {  	v13 =	vld [tilespmem:s13+$0xFFFFFFC0];
	v2 =	vmul.f32 v2, v9;
	v1 =	vmul.f32 v1, v10  }
0xea: {  	v3 =	vmul.f32 v3, v12;
	v4 =	vmul.f32 v4, v11  }
0xeb: {  	v9 =	vbroadcast v6, $0x2;
	v10 =	vbroadcast v6, $0x3;
	[tilespmem:s13+$0x30] =	vst v1  }
0xec: {  	v1 =	vbroadcast v6, $0x0;
	v6 =	vbroadcast v6, $0x1;
	[tilespmem:s13+$0x20] =	vst v2  }
0xed: {  	v5 =	vmul.f32 v5, v10;
	v2 =	vmul.f32 v9, v8;
	[tilespmem:s13+$0x10] =	vst v3  }
.Ltmp2:
0xee: {  	v3 =	vmul.f32 v1, v13;
	v1 =	vmul.f32 v6, v7;
	[tilespmem:s13+$0x0] =	vst v4;
	(pc) =	sbr.rel @p0 .LBB2_7-.Ltmp2, $4  }
0xef: {  	[tilespmem:s13+$0xFFFFFFF0] =	vst v5  }
0xf0: {  	[tilespmem:s13+$0xFFFFFFE0] =	vst v2  }
0xf1: {  	s13 =	sadd.s32 $0x90, s13;
	[tilespmem:s14+$0xFFFFFFD0] =	vst v1  }
0xf2: {  	s16 =	sshra.s32 s15, $0x2;
	s15 =	sadd.s32 $0x40, s15;
	v1 =	vld [tilespmem:s13+$0x40];
	[tilespmem:s14+$0xFFFFFFC0] =	vst v3;
	s14 =	smov.u32 s13  }
0xf3: {  	v2 =	vld [tilespmem:s16+$0x17CA0];
	_ =	sdelay $0x4  }
0xf4: {  	v1 =	vadd.f32 v2, v1;
	_ =	sdelay $0x1  }
0xf5: {  	v2 =	vmul.f32 $2.000000030e-01, v1  }
0xf6: {  	vm1 =	vge.f32 v1, $0.0e+00  }
0xf7: {  	v1 =	vsel vm1, v1, v2  }
0xf8: {  	v1 =	vmul.f32 $1.442695020e+00, v1;
	_ =	sdelay $0x1  }
0xf9: {  	(erf) = vpow2.f32 v1;
	_ =	sdelay $0x6  }
0xfa: {  	v1 =	vld [tilespmem:s13+$0x30]  }
0xfb: {  	v2 =	vld [tilespmem:s13+$0x20]  }
0xfc: {  	v3 =	vld [tilespmem:s13+$0x10];
	v4 =	vpop (erf)  }
0xfd: {  	v7 =	vld [tilespmem:s13+$0xFFFFFFF0];
	v6 =	vbroadcast v4, $0x7  }
0xfe: {  	v5 =	vld [tilespmem:s13+$0x0];
	v8 =	vbroadcast v4, $0x6  }
0xff: {  	v10 =	vld [tilespmem:s13+$0xFFFFFFE0];
	v9 =	vnsel vm0, $0x0, v4;
	v11 =	vbroadcast v4, $0x5;
	v1 =	vmul.f32 v1, v6  }
0x100: {  	v58 =	vld [tilespmem:s13+$0xFFFFFFD0];
	v61 =	vbroadcast v4, $0x3;
	[tilespmem:s13+$0x40] =	vst v9;
	v2 =	vmul.f32 v2, v8  }
0x101: {  	v60 =	vld [tilespmem:s13+$0xFFFFFFC0];
	v59 =	vbroadcast v4, $0x4;
	v3 =	vmul.f32 v3, v11;
	[tilespmem:s13+$0x30] =	vst v1  }
0x102: {  	v62 =	vbroadcast v4, $0x2;
	v7 =	vmul.f32 v7, v61;
	[tilespmem:s13+$0x20] =	vst v2  }
0x103: {  	s12 =	sadd.s32 $0x1, s12;
	v1 =	vmul.f32 v5, v59;
	v2 =	vbroadcast v4, $0x1;
	[tilespmem:s13+$0x10] =	vst v3  }
0x104: {  	p0 =	sne.s32 s12, $0x3E;
	v63 =	vmul.f32 v62, v10;
	v3 =	vbroadcast v4, $0x0;
	[tilespmem:s13+$0xFFFFFFF0] =	vst v7  }
.Ltmp3:
0x105: {  	[tilespmem:s13+$0x0] =	vst v1;
	v1 =	vmul.f32 v2, v58;
	(pc) =	sbr.rel @p0 .LBB2_4-.Ltmp3, $4  }
0x106: {  	[tilespmem:s13+$0xFFFFFFE0] =	vst v63;
	v2 =	vmul.f32 v3, v60  }
0x107: {  	[tilespmem:s14+$0xFFFFFFD0] =	vst v1  }
0x108: {  	[tilespmem:s14+$0xFFFFFFC0] =	vst v2  }
0x109: {  	[spmem:s3] =	stream.indirect.scatter.add.f32 [tilespmem:s30], [sflag:$0x4], $0x90, s9, s25, $0xb8;
	[tilespmem:$0x1DC40] =	vst v63  }
0x10a: {  	_ =	swait.ge [sflag:s28], $0x500  }
0x10b: {  	[sflag:s28] =	ssyncset.done $0x0  }
0x10c: {  	[sflag:s28] =	ssyncadd.s32 $0xFFFFFB00  }
0x10d: {  	_ =	swait.ge [sflag:s28], $0x2D00  }
0x10e: {  	[sflag:s28] =	ssyncset.done $0x0  }
0x10f: {  	[sflag:s28] =	ssyncadd.s32 $0xFFFFD300  }
0x110: {  	v1 =	vld [tilespmem:$0x17750]  }
0x111: {  	v2 =	vld [tilespmem:$0x17760]  }
0x112: {  	v3 =	vld [tilespmem:$0x17770]  }
0x113: {  	v4 =	vld [tilespmem:$0x17780]  }
0x114: {  	v5 =	vld [tilespmem:$0x17790]  }
0x115: {  	[tilespmem:$0x1DBA0] =	vst v1  }
0x116: {  	[tilespmem:$0x1DBB0] =	vst v2  }
0x117: {  	[tilespmem:$0x1DBC0] =	vst v3  }
0x118: {  	[tilespmem:$0x1DBD0] =	vst v4  }
0x119: {  	s12 =	simm.s32 $0x181E0;
	[tilespmem:$0x1DBE0] =	vst v5  }
0x11a: {  	s15 =	simm.s32 $0x0;
	s14 =	simm.s32 $0x40;
	s13 =	simm.s32 $0x181E0;
	v1 =	vld [tilespmem:s12+$0x40]  }
.LBB2_10:
0x11b: {  	p0 =	sne.s32 s14, $0x13C0;
	v2 =	vld [tilespmem:s15+$0x177A0];
	_ =	sdelay $0x4  }
0x11c: {  	v1 =	vadd.f32 v2, v1;
	_ =	sdelay $0x1  }
0x11d: {  	v2 =	vmul.f32 $2.000000030e-01, v1  }
0x11e: {  	vm1 =	vge.f32 v1, $0.0e+00  }
0x11f: {  	v1 =	vsel vm1, v1, v2  }
0x120: {  	v1 =	vmul.f32 $1.442695020e+00, v1;
	_ =	sdelay $0x1  }
0x121: {  	(erf) = vpow2.f32 v1;
	_ =	sdelay $0x4  }
0x122: {  	v1 =	vld [tilespmem:s12+$0x30]  }
0x123: {  	v2 =	vld [tilespmem:s12+$0x20]  }
0x124: {  	v3 =	vld [tilespmem:s12+$0x10]  }
0x125: {  	v4 =	vld [tilespmem:s12+$0x0]  }
0x126: {  	v5 =	vld [tilespmem:s12+$0xFFFFFFF0];
	v6 =	vpop (erf)  }
0x127: {  	v7 =	vnsel vm0, $0x0, v6;
	v8 =	vld [tilespmem:s12+$0xFFFFFFE0];
	v9 =	vbroadcast v6, $0x6;
	v10 =	vbroadcast v6, $0x7  }
0x128: {  	v11 =	vbroadcast v6, $0x4;
	v12 =	vbroadcast v6, $0x5;
	[tilespmem:s12+$0x40] =	vst v7;
	v7 =	vld [tilespmem:s12+$0xFFFFFFD0]  }
0x129: {  	v13 =	vld [tilespmem:s12+$0xFFFFFFC0];
	v2 =	vmul.f32 v2, v9;
	v1 =	vmul.f32 v1, v10  }
0x12a: {  	v3 =	vmul.f32 v3, v12;
	v4 =	vmul.f32 v4, v11  }
0x12b: {  	v9 =	vbroadcast v6, $0x2;
	v10 =	vbroadcast v6, $0x3;
	[tilespmem:s12+$0x30] =	vst v1  }
0x12c: {  	v1 =	vbroadcast v6, $0x0;
	v6 =	vbroadcast v6, $0x1;
	[tilespmem:s12+$0x20] =	vst v2  }
0x12d: {  	v5 =	vmul.f32 v5, v10;
	v2 =	vmul.f32 v9, v8;
	[tilespmem:s12+$0x10] =	vst v3  }
.Ltmp4:
0x12e: {  	v3 =	vmul.f32 v1, v13;
	v1 =	vmul.f32 v6, v7;
	[tilespmem:s12+$0x0] =	vst v4;
	(pc) =	sbr.rel @p0 .LBB2_10-.Ltmp4, $4  }
0x12f: {  	[tilespmem:s12+$0xFFFFFFF0] =	vst v5  }
0x130: {  	[tilespmem:s12+$0xFFFFFFE0] =	vst v2  }
0x131: {  	s12 =	sadd.s32 $0x90, s12;
	[tilespmem:s13+$0xFFFFFFD0] =	vst v1  }
0x132: {  	s15 =	sshra.s32 s14, $0x2;
	s14 =	sadd.s32 $0x40, s14;
	v1 =	vld [tilespmem:s12+$0x40];
	[tilespmem:s13+$0xFFFFFFC0] =	vst v3;
	s13 =	smov.u32 s12  }
0x133: {  	v2 =	vld [tilespmem:s15+$0x177A0];
	_ =	sdelay $0x4  }
0x134: {  	v1 =	vadd.f32 v2, v1;
	_ =	sdelay $0x1  }
0x135: {  	v2 =	vmul.f32 $2.000000030e-01, v1  }
0x136: {  	vm1 =	vge.f32 v1, $0.0e+00  }
0x137: {  	v1 =	vsel vm1, v1, v2  }
0x138: {  	v1 =	vmul.f32 $1.442695020e+00, v1;
	_ =	sdelay $0x1  }
0x139: {  	(erf) = vpow2.f32 v1;
	_ =	sdelay $0x6  }
0x13a: {  	v1 =	vld [tilespmem:s12+$0x30]  }
0x13b: {  	v2 =	vld [tilespmem:s12+$0x20]  }
0x13c: {  	v3 =	vld [tilespmem:s12+$0x10];
	v4 =	vpop (erf)  }
0x13d: {  	v7 =	vld [tilespmem:s12+$0xFFFFFFF0];
	v6 =	vbroadcast v4, $0x7  }
0x13e: {  	v5 =	vld [tilespmem:s12+$0x0];
	v8 =	vbroadcast v4, $0x6  }
0x13f: {  	v10 =	vld [tilespmem:s12+$0xFFFFFFE0];
	v9 =	vnsel vm0, $0x0, v4;
	v11 =	vbroadcast v4, $0x5;
	v1 =	vmul.f32 v1, v6  }
0x140: {  	v58 =	vld [tilespmem:s12+$0xFFFFFFD0];
	v61 =	vbroadcast v4, $0x3;
	[tilespmem:s12+$0x40] =	vst v9;
	v2 =	vmul.f32 v2, v8  }
0x141: {  	v60 =	vld [tilespmem:s12+$0xFFFFFFC0];
	v59 =	vbroadcast v4, $0x4;
	v3 =	vmul.f32 v3, v11;
	[tilespmem:s12+$0x30] =	vst v1  }
0x142: {  	v62 =	vbroadcast v4, $0x2;
	v7 =	vmul.f32 v7, v61;
	[tilespmem:s12+$0x20] =	vst v2  }
0x143: {  	v1 =	vmul.f32 v5, v59;
	v2 =	vbroadcast v4, $0x1;
	[tilespmem:s12+$0x10] =	vst v3  }
0x144: {  	v63 =	vmul.f32 v62, v10;
	v3 =	vbroadcast v4, $0x0;
	[tilespmem:s12+$0xFFFFFFF0] =	vst v7  }
0x145: {  	[tilespmem:s12+$0x0] =	vst v1;
	v1 =	vmul.f32 v2, v58  }
0x146: {  	[tilespmem:s12+$0xFFFFFFE0] =	vst v63;
	v2 =	vmul.f32 v3, v60  }
0x147: {  	[tilespmem:s13+$0xFFFFFFD0] =	vst v1  }
0x148: {  	[tilespmem:s13+$0xFFFFFFC0] =	vst v2  }
0x149: {  	[spmem:s3] =	stream.indirect.scatter.add.f32 [tilespmem:s21], [sflag:$0x3], $0x90, s31, s25, $0xb8;
	[tilespmem:$0x1DC40] =	vst v63  }
0x14a: {  	_ =	swait.ge [sflag:s1], $0x2D00  }
0x14b: {  	[sflag:s1] =	ssyncset.done $0x0  }
0x14c: {  	[sflag:s1] =	ssyncadd.s32 $0xFFFFD300  }
0x14d: {  	s23 =	stileid.u32;
	_ =	swait.ge [sflag:s10], $0x2D00  }
0x14e: {  	s24 =	sshrl.u32 s8, $0x3;
	s4 =	sadd.s32 $0x1, s4;
	[sflag:s10] =	ssyncset.done $0x0  }
0x14f: {  	p0 =	sne.s32 s4, s20;
	s12 =	sshll.u32 s23, $0x6;
	[sflag:s10] =	ssyncadd.s32 $0xFFFFD300  }
.Ltmp5:
0x150: {  	s12 =	sor.u32 $0x1C05, s12;
	[bflag:$0x0] =	sbarrier.arrive $0xFFFF;
	(pc) =	sbr.rel @p0 .LBB2_1-.Ltmp5, $4  }
0x151: {  	[hbm:s19], [sflag:s12] =	dma.local [spmem:s24], $0x2D00  }
0x152: {  	_ =	swait.ge [sflag:s22], $0x2D00  }
0x153: {  	[sflag:s22] =	ssyncset.done $0x0  }
0x154: {  	[sflag:s22] =	ssyncadd.s32 $0xFFFFD300  }
0x155: {  	_ =	sfence.sel $0x180000  }
0x156: {  	[bflag:$0x0] =	sbarrier.arrive $0xFFFF  }
0x157: {  	_ =	strace $0x90000047  }
0x158: {  	s0 =	stileid.u32;
	[bflag:$0x2] =	sbarrier.arrive $0xFFFF  }
0x159: {  	p0 =	sne.s32 s0, $0x0;
	s0 =	rddreg [dreg:$0x3]  }
0x15a: {  	s0 =	sadd.s32 @!p0 $0x100000, s0  }
0x15b: {  	[sflag:s0] =	ssyncadd.tile.s32 @!p0 $0x1;
	_ =	shalt  }
.Lfunc_end2:
_tile_overlayer_lowered:
.L_overlay_start_2:
0x15c: {  	(tag) =	ssettag $0x2  }
0x15d: {  	s0 =	rddreg [dreg:$0x0];
	s2 =	stileid.u32  }
0x15e: {  	s1 =	rddreg [dreg:$0x1];
	p0 =	sne.s32 s2, $0x0  }
0x15f: {  	s3 =	rddreg [dreg:$0x2];
	[bflag:$0x3] =	sbarrier.arrive $0xFFFF;
	s2 =	simm.s32 @!p0 $0x1C05  }
0x160: {  	[timem:s3], [sflag:s2] =	dma.local @!p0 [hbm:s0], s1  }
0x161: {  	s0 =	simm.s32 @!p0 $0x5  }
0x162: {  	_ =	swait.ge @!p0 [sflag:s0], s1  }
0x163: {  	s1 =	ssub.s32 @!p0 $0x0, s1;
	[sflag:s0] =	ssyncset.done @!p0 $0x0  }
0x164: {  	[sflag:s0] =	ssyncadd.s32 @!p0 s1  }
0x165: {  	[bflag:$0x3] =	sbarrier.arrive $0xFFFF  }
0x166: {  	_ =	shalt  }

</sc_bundles>
